<compile_context>
chip_gen: v7x
topology: tpu7x:2x2x1
jax: 0.10.2.dev20260603
libtpu: 0.0.44.dev20260713+nightly
codegen_flags: <defaults>
</compile_context>

<pallas_src>
import functools

import jax
import jax.numpy as jnp
from jax import lax
from jax.experimental import pallas as pl
from jax.experimental.pallas import tpu as pltpu
from jax.experimental.pallas import tpu_sc as plsc

N = 10000
E = 160000
H = 256
HH = 128
NB = 10
NC = 10
R = 1000
GRID = N // R

NTILES = 16
NCORES = 2
CH = 128
NCH = 160
E2 = 2 * E
E2P = NTILES * NCH * CH
ACC_ROWS = 10240
PAD_ROW = N + 64
G = 32
NGROUPS = NCH // G
ZROWS = 16
OUT_PER_TILE = N // NTILES



def _gs_body(y1s_hbm, src2_hbm, dst_hbm, out_hbm, acc,
             src_g, dst_g, rows0, rows1, zbuf, sem0, sem1, ssem0, ssem1):
    c = lax.axis_index("c")
    s = lax.axis_index("s")

    pltpu.sync_copy(src2_hbm.at[(c * NTILES + s) * NGROUPS], src_g)
    pltpu.sync_copy(dst_hbm.at[s * NGROUPS], dst_g)
    pltpu.async_copy(y1s_hbm.at[src_g.at[0]], rows0, sem0)
    pltpu.async_copy(y1s_hbm.at[src_g.at[1]], rows1, sem1)

    def _zb(i, _):
        r = i // (HH // 16)
        l = i % (HH // 16)
        zbuf[r, pl.ds(l * 16, 16)] = jnp.zeros((16,), jnp.float32)
        return _
    lax.fori_loop(0, ZROWS * (HH // 16), _zb, 0)

    rows_per_tile = ACC_ROWS // NTILES

    def _zero(i, _):
        pltpu.sync_copy(zbuf, acc.at[pl.ds(s * rows_per_tile + i * ZROWS, ZROWS)])
        return _
    lax.fori_loop(0, rows_per_tile // ZROWS, _zero, 0)

    plsc.subcore_barrier()

    def _drain_start(k, rows, gsem, ssem):
        pltpu.make_async_copy(y1s_hbm.at[src_g.at[0]], rows, gsem).wait()
        pltpu.async_copy(rows, acc.at[dst_g.at[k]], ssem, add=True)

        @pl.when(k + 2 < G)
        def _():
            pltpu.make_async_copy(rows, acc.at[dst_g.at[0]], ssem).wait()
            pltpu.async_copy(y1s_hbm.at[src_g.at[k + 2]], rows, gsem)

    def _pair(i, carry):
        k0 = 2 * i
        _drain_start(k0, rows0, sem0, ssem0)
        _drain_start(k0 + 1, rows1, sem1, ssem1)
        return carry

    for g in range(NGROUPS):
        if g > 0:
            pltpu.sync_copy(src2_hbm.at[(c * NTILES + s) * NGROUPS + g], src_g)
            pltpu.sync_copy(dst_hbm.at[s * NGROUPS + g], dst_g)
            pltpu.async_copy(y1s_hbm.at[src_g.at[0]], rows0, sem0)
            pltpu.async_copy(y1s_hbm.at[src_g.at[1]], rows1, sem1)
        lax.fori_loop(0, G // 2, _pair, 0)
        pltpu.make_async_copy(rows0, acc.at[dst_g.at[0]], ssem0).wait()
        pltpu.make_async_copy(rows1, acc.at[dst_g.at[1]], ssem1).wait()

    plsc.subcore_barrier()

    @pl.when(s < NTILES - 1)
    def _():
        pltpu.sync_copy(acc.at[pl.ds(s * 640, 640)],
                        out_hbm.at[pl.ds(c * N + s * 640, 640)])

    @pl.when(s == NTILES - 1)
    def _():
        pltpu.sync_copy(acc.at[pl.ds((NTILES - 1) * 640, 400)],
                        out_hbm.at[pl.ds(c * N + (NTILES - 1) * 640, 400)])


_gs_call = functools.partial(
    pl.kernel,
    out_type=jax.ShapeDtypeStruct((NCORES * N, HH), jnp.float32),
    mesh=plsc.VectorSubcoreMesh(core_axis_name="c", subcore_axis_name="s"),
    scratch_types=[
        pltpu.VMEM_SHARED((ACC_ROWS, HH), jnp.float32),
        pltpu.VMEM((G, CH), jnp.int32),
        pltpu.VMEM((G, CH), jnp.int32),
        pltpu.VMEM((CH, HH), jnp.float32),
        pltpu.VMEM((CH, HH), jnp.float32),
        pltpu.VMEM((ZROWS, HH), jnp.float32),
        pltpu.SemaphoreType.DMA,
        pltpu.SemaphoreType.DMA,
        pltpu.SemaphoreType.DMA,
        pltpu.SemaphoreType.DMA,
    ],
)(_gs_body)



def _layer1_body(x_ref, w_ref, b_ref, y0_ref, y1s_ref):
    y = jnp.dot(x_ref[...], w_ref[...], preferred_element_type=jnp.float32)
    y = y + b_ref[...]
    y0_ref[...] = y[:, :H]
    y1s_ref[0] = y[:, H:H + HH]
    y1s_ref[1] = y[:, H + HH:]


def _layerB_body(y0p_ref, gsp_ref, w_ref, b_ref, y0_ref, y1s_ref):
    gs = jnp.concatenate([gsp_ref[0], gsp_ref[1]], axis=1)
    x = jnp.maximum(y0p_ref[...] + gs, 0.0)
    y = jnp.dot(x, w_ref[...], preferred_element_type=jnp.float32)
    y = y + b_ref[...]
    y0_ref[...] = y[:, :H]
    y1s_ref[0] = y[:, H:H + HH]
    y1s_ref[1] = y[:, H + HH:]


def _layer1(x, w, b):
    return pl.pallas_call(
        _layer1_body,
        grid=(GRID,),
        in_specs=[
            pl.BlockSpec((R, x.shape[1]), lambda i: (i, 0)),
            pl.BlockSpec((x.shape[1], 2 * H), lambda i: (0, 0)),
            pl.BlockSpec((1, 2 * H), lambda i: (0, 0)),
        ],
        out_specs=[
            pl.BlockSpec((R, H), lambda i: (i, 0)),
            pl.BlockSpec((2, R, HH), lambda i: (0, i, 0)),
        ],
        out_shape=[
            jax.ShapeDtypeStruct((N, H), jnp.float32),
            jax.ShapeDtypeStruct((2, N, HH), jnp.float32),
        ],
    )(x, w, b)


def _layerB(y0p, gsp, w, b):
    return pl.pallas_call(
        _layerB_body,
        grid=(GRID,),
        in_specs=[
            pl.BlockSpec((R, H), lambda i: (i, 0)),
            pl.BlockSpec((2, R, HH), lambda i: (0, i, 0)),
            pl.BlockSpec((H, 2 * H), lambda i: (0, 0)),
            pl.BlockSpec((1, 2 * H), lambda i: (0, 0)),
        ],
        out_specs=[
            pl.BlockSpec((R, H), lambda i: (i, 0)),
            pl.BlockSpec((2, R, HH), lambda i: (0, i, 0)),
        ],
        out_shape=[
            jax.ShapeDtypeStruct((N, H), jnp.float32),
            jax.ShapeDtypeStruct((2, N, HH), jnp.float32),
        ],
    )(y0p, gsp, w, b)



def _pool_body(y0p_ref, gsp_ref, seg_ref, fw1_ref, fb1_ref, fw2_ref, fb2_ref,
               out_ref, acc, cnt):
    i = pl.program_id(0)

    @pl.when(i == 0)
    def _():
        acc[...] = jnp.zeros_like(acc)
        cnt[...] = jnp.zeros_like(cnt)

    gs = jnp.concatenate([gsp_ref[0], gsp_ref[1]], axis=1)
    x = jnp.maximum(y0p_ref[...] + gs, 0.0)
    seg = seg_ref[...].reshape(1, R)
    sel = jnp.broadcast_to(seg, (16, R)) == lax.broadcasted_iota(
        jnp.int32, (16, R), 0)
    onehot = sel.astype(jnp.float32)
    acc[...] += jnp.dot(onehot, x, preferred_element_type=jnp.float32)
    csum = jnp.sum(onehot, axis=1, keepdims=True)
    cnt[...] += jnp.broadcast_to(csum, cnt.shape)

    @pl.when(i == GRID - 1)
    def _():
        counts = jnp.maximum(cnt[:, :1], 1.0)
        mesh_feats = acc[...] / counts
        h = jnp.dot(mesh_feats, fw1_ref[...], preferred_element_type=jnp.float32)
        h = jnp.maximum(h + fb1_ref[...], 0.0)
        o = jnp.dot(h, fw2_ref[...], preferred_element_type=jnp.float32)
        o = o + fb2_ref[...]
        out_ref[...] = o[:NB, :]


def _pool(y0p, gsp, seg3, fw1, fb1, fw2, fb2):
    return pl.pallas_call(
        _pool_body,
        grid=(GRID,),
        in_specs=[
            pl.BlockSpec((R, H), lambda i: (i, 0)),
            pl.BlockSpec((2, R, HH), lambda i: (0, i, 0)),
            pl.BlockSpec((1, 1, R), lambda i: (i, 0, 0)),
            pl.BlockSpec((H, H), lambda i: (0, 0)),
            pl.BlockSpec((1, H), lambda i: (0, 0)),
            pl.BlockSpec((H, NC), lambda i: (0, 0)),
            pl.BlockSpec((1, NC), lambda i: (0, 0)),
        ],
        out_specs=pl.BlockSpec((NB, NC), lambda i: (0, 0)),
        out_shape=jax.ShapeDtypeStruct((NB, NC), jnp.float32),
        scratch_shapes=[
            pltpu.VMEM((16, H), jnp.float32),
            pltpu.VMEM((16, 128), jnp.float32),
        ],
    )(y0p, gsp, seg3, fw1, fb1, fw2, fb2)



def kernel(verts, edges, segment_ids,
           w0_1, b0_1, w1_1, b1_1,
           w0_2, b0_2, w1_2, b1_2,
           w0_3, b0_3, w1_3, b1_3,
           fc1_w, fc1_b, fc2_w, fc2_b):
    src = jnp.concatenate([edges[:, 1], edges[:, 0]])
    dst = jnp.concatenate([edges[:, 0], edges[:, 1]])
    pad = E2P - E2
    srcp = jnp.concatenate([src, jnp.zeros((pad,), jnp.int32)])
    dstp = jnp.concatenate([dst, jnp.full((pad,), PAD_ROW, jnp.int32)])
    src2 = jnp.concatenate([srcp, srcp + N]).reshape(
        NCORES * NTILES * NGROUPS, G, CH)
    dstp = dstp.reshape(NTILES * NGROUPS, G, CH)

    w1c = jnp.concatenate([w0_1.T, w1_1.T], axis=1)
    b1c = jnp.concatenate([b0_1, b1_1]).reshape(1, 2 * H)
    w2c = jnp.concatenate([w0_2.T, w1_2.T], axis=1)
    b2c = jnp.concatenate([b0_2, b1_2]).reshape(1, 2 * H)
    w3c = jnp.concatenate([w0_3.T, w1_3.T], axis=1)
    b3c = jnp.concatenate([b0_3, b1_3]).reshape(1, 2 * H)
    seg3 = segment_ids.reshape(GRID, 1, R)

    y0, y1s = _layer1(verts, w1c, b1c)
    gs = _gs_call(y1s.reshape(2 * N, HH), src2, dstp)
    y0, y1s = _layerB(y0, gs.reshape(2, N, HH), w2c, b2c)
    gs = _gs_call(y1s.reshape(2 * N, HH), src2, dstp)
    y0, y1s = _layerB(y0, gs.reshape(2, N, HH), w3c, b3c)
    gs = _gs_call(y1s.reshape(2 * N, HH), src2, dstp)

    return _pool(y0, gs.reshape(2, N, HH), seg3,
                 fc1_w.T, fc1_b.reshape(1, H),
                 fc2_w.T, fc2_b.reshape(1, NC))

# --- scband reference (transcript-rebuilt; emitter-appended) ---
"""Pipeline reference for scband-mesh-classifier-12214886990290 (READ-ONLY COPY).

The authoritative reference and input builder live on the scoring server;
editing this copy changes nothing except your own understanding.
"""

import jax, jax.numpy as jnp
import numpy as np

N = 10000
E = 160000
D_IN = 3
H = 256
C = 10
B = 10


def _lin_params(key, out_dim, in_dim):
    kw, kb = jax.random.split(key)
    bound = 1.0 / np.sqrt(in_dim)
    w = jax.random.uniform(kw, (out_dim, in_dim), jnp.float32, -bound, bound)
    b = jax.random.uniform(kb, (out_dim,), jnp.float32, -bound, bound)
    return w, b


def setup_inputs(seed: int = 0) -> dict:
    key = jax.random.key(seed)
    ks = jax.random.split(key, 12)
    verts = jax.random.normal(ks[0], (N, D_IN), jnp.float32)
    edges = jax.random.randint(ks[1], (E, 2), 0, N, dtype=jnp.int32)
    segment_ids = jnp.sort(jax.random.randint(ks[2], (N,), 0, B, dtype=jnp.int32))
    w0_1, b0_1 = _lin_params(ks[3], H, D_IN)
    w1_1, b1_1 = _lin_params(ks[4], H, D_IN)
    w0_2, b0_2 = _lin_params(ks[5], H, H)
    w1_2, b1_2 = _lin_params(ks[6], H, H)
    w0_3, b0_3 = _lin_params(ks[7], H, H)
    w1_3, b1_3 = _lin_params(ks[8], H, H)
    fc1_w, fc1_b = _lin_params(ks[9], H, H)
    fc2_w, fc2_b = _lin_params(ks[10], C, H)
    return {
        'verts': verts, 'edges': edges, 'segment_ids': segment_ids,
        'w0_1': w0_1, 'b0_1': b0_1, 'w1_1': w1_1, 'b1_1': b1_1,
        'w0_2': w0_2, 'b0_2': b0_2, 'w1_2': w1_2, 'b1_2': b1_2,
        'w0_3': w0_3, 'b0_3': b0_3, 'w1_3': w1_3, 'b1_3': b1_3,
        'fc1_w': fc1_w, 'fc1_b': fc1_b, 'fc2_w': fc2_w, 'fc2_b': fc2_b,
    }


def _gather_scatter(x, edges, n):
    # pytorch3d undirected gather_scatter: for edge (i,j), out[i] += x[j], out[j] += x[i]
    i = edges[:, 0]
    j = edges[:, 1]
    out = jnp.zeros((n, x.shape[1]), dtype=x.dtype)
    out = out.at[i].add(jnp.take(x, j, axis=0))
    out = out.at[j].add(jnp.take(x, i, axis=0))
    return out


def _graph_conv(x, edges, w0, b0, w1, b1):
    y0 = x @ w0.T + b0
    y1 = x @ w1.T + b1
    return y0 + _gather_scatter(y1, edges, x.shape[0])


def reference(verts, edges, segment_ids, w0_1, b0_1, w1_1, b1_1, w0_2, b0_2, w1_2, b1_2, w0_3, b0_3, w1_3, b1_3, fc1_w, fc1_b, fc2_w, fc2_b):
    x = jax.nn.relu(_graph_conv(verts, edges, w0_1, b0_1, w1_1, b1_1))
    x = jax.nn.relu(_graph_conv(x, edges, w0_2, b0_2, w1_2, b1_2))
    x = jax.nn.relu(_graph_conv(x, edges, w0_3, b0_3, w1_3, b1_3))
    # per-mesh mean pooling (packed verts -> per-mesh features)
    seg_sum = jax.ops.segment_sum(x, segment_ids, num_segments=B)
    counts = jax.ops.segment_sum(jnp.ones((x.shape[0], 1), x.dtype), segment_ids, num_segments=B)
    mesh_feats = seg_sum / jnp.maximum(counts, 1.0)
    h = jax.nn.relu(mesh_feats @ fc1_w.T + fc1_b)
    return h @ fc2_w.T + fc2_b

if __name__ == "__main__":
    import jax
    _d = setup_inputs()
    print(jax.jit(kernel)(*tuple(_d.values())))

</pallas_src>

<mosaic_0001>
#map = affine_map<(d0, d1) -> (0, 0)>
#map1 = affine_map<(d0, d1) -> (0, 0, 0)>
module attributes {stable_mosaic.version = 14 : i64} {
  func.func @_gs_body(%arg0: i32, %arg1: i32, %arg2: memref<20000x128xf32, #tpu.memory_space<hbm>>, %arg3: memref<160x32x128xi32, #tpu.memory_space<hbm>>, %arg4: memref<80x32x128xi32, #tpu.memory_space<hbm>>, %arg5: memref<20000x128xf32, #tpu.memory_space<hbm>>, %arg6: memref<10240x128xf32, #tpu.memory_space<vmem_shared>>, %arg7: memref<32x128xi32, #tpu.memory_space<vmem>>, %arg8: memref<32x128xi32, #tpu.memory_space<vmem>>, %arg9: memref<128x128xf32, #tpu.memory_space<vmem>>, %arg10: memref<128x128xf32, #tpu.memory_space<vmem>>, %arg11: memref<16x128xf32, #tpu.memory_space<vmem>>, %arg12: memref<!tpu.dma_semaphore, #tpu.memory_space<semaphore_mem>>, %arg13: memref<!tpu.dma_semaphore, #tpu.memory_space<semaphore_mem>>, %arg14: memref<!tpu.dma_semaphore, #tpu.memory_space<semaphore_mem>>, %arg15: memref<!tpu.dma_semaphore, #tpu.memory_space<semaphore_mem>>) attributes {dimension_semantics = [#tpu.dimension_semantics<core_parallel>, #tpu.dimension_semantics<subcore_parallel>], iteration_bounds = array<i64: 2, 16>, scalar_prefetch = 0 : i64, scratch_operands = 10 : i64, tpu.core_type = #tpu.core_type<sc_vector_subcore>, window_params = [{transform_indices = #map}, {transform_indices = #map1}, {transform_indices = #map1}, {transform_indices = #map}]} {
    %mul3A = arith.constant 16 : i32
    %mul3A_0 = arith.muli %arg0, %mul3A : i32
    %add3A = arith.addi %mul3A_0, %arg1 : i32
    %mul3A_1 = arith.constant 5 : i32
    %mul3A_2 = arith.muli %add3A, %mul3A_1 : i32
    "tpu.region"() ({
      %run_scoped3A = tpu.sem_alloc : memref<!tpu.dma_semaphore, #tpu.memory_space<semaphore_mem>>
      %dma_start3A_235 = arith.constant 0 : i32
      %dma_start3A_236 = arith.constant 0 : i32
      %dma_start3A_237 = tpu.memref_slice %arg3[%mul3A_2, %dma_start3A_235, %dma_start3A_236] : memref<160x32x128xi32, #tpu.memory_space<hbm>> -> memref<1x32x128xi32, #tpu.memory_space<hbm>>
      %dma_start3A_238 = tpu.memref_squeeze %dma_start3A_237 : memref<1x32x128xi32, #tpu.memory_space<hbm>> -> memref<32x128xi32, #tpu.memory_space<hbm>>
      %dma_start3A_239 = arith.constant 0 : i32
      %dma_start3A_240 = arith.constant 0 : i32
      %dma_start3A_241 = tpu.memref_slice %arg3[%mul3A_2, %dma_start3A_239, %dma_start3A_240] : memref<160x32x128xi32, #tpu.memory_space<hbm>> -> memref<1x32x128xi32, #tpu.memory_space<hbm>>
      %dma_start3A_242 = tpu.memref_squeeze %dma_start3A_241 : memref<1x32x128xi32, #tpu.memory_space<hbm>> -> memref<32x128xi32, #tpu.memory_space<hbm>>
      tpu.enqueue_dma source(%dma_start3A_242 : memref<32x128xi32, #tpu.memory_space<hbm>>) target(%arg7 : memref<32x128xi32, #tpu.memory_space<vmem>>) target_semaphore(%run_scoped3A : memref<!tpu.dma_semaphore, #tpu.memory_space<semaphore_mem>>)
      %dma_wait3A_243 = arith.constant 0 : i32
      %dma_wait3A_244 = arith.constant 0 : i32
      %dma_wait3A_245 = tpu.memref_slice %arg3[%mul3A_2, %dma_wait3A_243, %dma_wait3A_244] : memref<160x32x128xi32, #tpu.memory_space<hbm>> -> memref<1x32x128xi32, #tpu.memory_space<hbm>>
      %dma_wait3A_246 = tpu.memref_squeeze %dma_wait3A_245 : memref<1x32x128xi32, #tpu.memory_space<hbm>> -> memref<32x128xi32, #tpu.memory_space<hbm>>
      %dma_wait3A_247 = arith.constant 0 : i32
      %dma_wait3A_248 = arith.constant 0 : i32
      %dma_wait3A_249 = tpu.memref_slice %arg3[%mul3A_2, %dma_wait3A_247, %dma_wait3A_248] : memref<160x32x128xi32, #tpu.memory_space<hbm>> -> memref<1x32x128xi32, #tpu.memory_space<hbm>>
      %dma_wait3A_250 = tpu.memref_squeeze %dma_wait3A_249 : memref<1x32x128xi32, #tpu.memory_space<hbm>> -> memref<32x128xi32, #tpu.memory_space<hbm>>
      tpu.wait_dma2 semaphore(%run_scoped3A : memref<!tpu.dma_semaphore, #tpu.memory_space<semaphore_mem>>) src(%dma_wait3A_250 : memref<32x128xi32, #tpu.memory_space<hbm>>) dst(%arg7 : memref<32x128xi32, #tpu.memory_space<vmem>>)
      tpu.yield
    }) : () -> ()
    %mul3A_3 = arith.constant 5 : i32
    %mul3A_4 = arith.muli %arg1, %mul3A_3 : i32
    "tpu.region"() ({
      %run_scoped3A = tpu.sem_alloc : memref<!tpu.dma_semaphore, #tpu.memory_space<semaphore_mem>>
      %dma_start3A_235 = arith.constant 0 : i32
      %dma_start3A_236 = arith.constant 0 : i32
      %dma_start3A_237 = tpu.memref_slice %arg4[%mul3A_4, %dma_start3A_235, %dma_start3A_236] : memref<80x32x128xi32, #tpu.memory_space<hbm>> -> memref<1x32x128xi32, #tpu.memory_space<hbm>>
      %dma_start3A_238 = tpu.memref_squeeze %dma_start3A_237 : memref<1x32x128xi32, #tpu.memory_space<hbm>> -> memref<32x128xi32, #tpu.memory_space<hbm>>
      %dma_start3A_239 = arith.constant 0 : i32
      %dma_start3A_240 = arith.constant 0 : i32
      %dma_start3A_241 = tpu.memref_slice %arg4[%mul3A_4, %dma_start3A_239, %dma_start3A_240] : memref<80x32x128xi32, #tpu.memory_space<hbm>> -> memref<1x32x128xi32, #tpu.memory_space<hbm>>
      %dma_start3A_242 = tpu.memref_squeeze %dma_start3A_241 : memref<1x32x128xi32, #tpu.memory_space<hbm>> -> memref<32x128xi32, #tpu.memory_space<hbm>>
      tpu.enqueue_dma source(%dma_start3A_242 : memref<32x128xi32, #tpu.memory_space<hbm>>) target(%arg8 : memref<32x128xi32, #tpu.memory_space<vmem>>) target_semaphore(%run_scoped3A : memref<!tpu.dma_semaphore, #tpu.memory_space<semaphore_mem>>)
      %dma_wait3A_243 = arith.constant 0 : i32
      %dma_wait3A_244 = arith.constant 0 : i32
      %dma_wait3A_245 = tpu.memref_slice %arg4[%mul3A_4, %dma_wait3A_243, %dma_wait3A_244] : memref<80x32x128xi32, #tpu.memory_space<hbm>> -> memref<1x32x128xi32, #tpu.memory_space<hbm>>
      %dma_wait3A_246 = tpu.memref_squeeze %dma_wait3A_245 : memref<1x32x128xi32, #tpu.memory_space<hbm>> -> memref<32x128xi32, #tpu.memory_space<hbm>>
      %dma_wait3A_247 = arith.constant 0 : i32
      %dma_wait3A_248 = arith.constant 0 : i32
      %dma_wait3A_249 = tpu.memref_slice %arg4[%mul3A_4, %dma_wait3A_247, %dma_wait3A_248] : memref<80x32x128xi32, #tpu.memory_space<hbm>> -> memref<1x32x128xi32, #tpu.memory_space<hbm>>
      %dma_wait3A_250 = tpu.memref_squeeze %dma_wait3A_249 : memref<1x32x128xi32, #tpu.memory_space<hbm>> -> memref<32x128xi32, #tpu.memory_space<hbm>>
      tpu.wait_dma2 semaphore(%run_scoped3A : memref<!tpu.dma_semaphore, #tpu.memory_space<semaphore_mem>>) src(%dma_wait3A_250 : memref<32x128xi32, #tpu.memory_space<hbm>>) dst(%arg8 : memref<32x128xi32, #tpu.memory_space<vmem>>)
      tpu.yield
    }) : () -> ()
    %dma_start3A = arith.constant 0 : i32
    %dma_start3A_5 = arith.constant 0 : i32
    %dma_start3A_6 = tpu.memref_slice %arg7[%dma_start3A, %dma_start3A_5] : memref<32x128xi32, #tpu.memory_space<vmem>> -> memref<1x128xi32, #tpu.memory_space<vmem>>
    %dma_start3A_7 = tpu.memref_squeeze %dma_start3A_6 : memref<1x128xi32, #tpu.memory_space<vmem>> -> memref<128xi32, #tpu.memory_space<vmem>>
    %dma_start3A_8 = arith.constant 0 : i32
    %dma_start3A_9 = arith.constant 0 : i32
    %dma_start3A_10 = tpu.memref_slice %arg2[%dma_start3A_8, %dma_start3A_9] : memref<20000x128xf32, #tpu.memory_space<hbm>> -> memref<20000x128xf32, #tpu.memory_space<hbm>>
    tpu.enqueue_indirect_dma source(%dma_start3A_10 : memref<20000x128xf32, #tpu.memory_space<hbm>>) target(%arg9 : memref<128x128xf32, #tpu.memory_space<vmem>>) offsets(%dma_start3A_7 : memref<128xi32, #tpu.memory_space<vmem>>) semaphore(%arg12 : memref<!tpu.dma_semaphore, #tpu.memory_space<semaphore_mem>>)
    %dma_start3A_11 = arith.constant 1 : i32
    %dma_start3A_12 = arith.constant 0 : i32
    %dma_start3A_13 = tpu.memref_slice %arg7[%dma_start3A_11, %dma_start3A_12] : memref<32x128xi32, #tpu.memory_space<vmem>> -> memref<1x128xi32, #tpu.memory_space<vmem>>
    %dma_start3A_14 = tpu.memref_squeeze %dma_start3A_13 : memref<1x128xi32, #tpu.memory_space<vmem>> -> memref<128xi32, #tpu.memory_space<vmem>>
    %dma_start3A_15 = arith.constant 0 : i32
    %dma_start3A_16 = arith.constant 0 : i32
    %dma_start3A_17 = tpu.memref_slice %arg2[%dma_start3A_15, %dma_start3A_16] : memref<20000x128xf32, #tpu.memory_space<hbm>> -> memref<20000x128xf32, #tpu.memory_space<hbm>>
    tpu.enqueue_indirect_dma source(%dma_start3A_17 : memref<20000x128xf32, #tpu.memory_space<hbm>>) target(%arg10 : memref<128x128xf32, #tpu.memory_space<vmem>>) offsets(%dma_start3A_14 : memref<128xi32, #tpu.memory_space<vmem>>) semaphore(%arg13 : memref<!tpu.dma_semaphore, #tpu.memory_space<semaphore_mem>>)
    %scan3A = arith.constant 0 : i32
    %scan3A_18 = arith.constant 0 : i32
    %scan3A_19 = arith.constant 128 : i32
    %scan3A_20 = arith.addi %scan3A_18, %scan3A_19 : i32
    %scan3A_21 = arith.constant 1 : i32
    scf.for %scan3A_235 = %scan3A_18 to %scan3A_20 step %scan3A_21  : i32 {
      %jit3A = arith.constant 8 : i32
      %div3A = arith.divsi %scan3A_235, %jit3A : i32
      %sign3A = arith.constant 0 : i32
      %sign3A_236 = arith.cmpi sgt, %scan3A_235, %sign3A : i32
      %sign3A_237 = arith.extui %sign3A_236 : i1 to i32
      %sign3A_238 = arith.constant 0 : i32
      %sign3A_239 = arith.cmpi slt, %scan3A_235, %sign3A_238 : i32
      %sign3A_240 = arith.extui %sign3A_239 : i1 to i32
      %sign3A_241 = arith.subi %sign3A_237, %sign3A_240 : i32
      %sign3A_242 = arith.constant 0 : i32
      %sign3A_243 = arith.cmpi sgt, %jit3A, %sign3A_242 : i32
      %sign3A_244 = arith.extui %sign3A_243 : i1 to i32
      %sign3A_245 = arith.constant 0 : i32
      %sign3A_246 = arith.cmpi slt, %jit3A, %sign3A_245 : i32
      %sign3A_247 = arith.extui %sign3A_246 : i1 to i32
      %sign3A_248 = arith.subi %sign3A_244, %sign3A_247 : i32
      %ne3A = arith.cmpi ne, %sign3A_241, %sign3A_248 : i32
      %rem3A = arith.remsi %scan3A_235, %jit3A : i32
      %ne3A_249 = arith.constant 0 : i32
      %ne3A_250 = arith.cmpi ne, %rem3A, %ne3A_249 : i32
      %and3A = arith.andi %ne3A, %ne3A_250 : i1
      %sub3A = arith.constant 1 : i32
      %sub3A_251 = arith.subi %div3A, %sub3A : i32
      %select_n3A = arith.select %and3A, %sub3A_251, %div3A : i32
      %jit3A_252 = arith.constant 8 : i32
      %eq3A_253 = arith.constant 0 : i32
      %eq3A_254 = arith.cmpi eq, %jit3A_252, %eq3A_253 : i32
      %jit3A_255 = arith.constant 1 : i32
      %select_n3A_256 = arith.select %eq3A_254, %jit3A_255, %jit3A_252 : i32
      %rem3A_257 = arith.remsi %scan3A_235, %select_n3A_256 : i32
      %ne3A_258 = arith.constant 0 : i32
      %ne3A_259 = arith.cmpi ne, %rem3A_257, %ne3A_258 : i32
      %lt3A_260 = arith.constant 0 : i32
      %lt3A_261 = arith.cmpi slt, %rem3A_257, %lt3A_260 : i32
      %lt3A_262 = arith.constant 0 : i32
      %lt3A_263 = arith.cmpi slt, %select_n3A_256, %lt3A_262 : i32
      %ne3A_264 = arith.xori %lt3A_261, %lt3A_263 : i1
      %and3A_265 = arith.andi %ne3A_264, %ne3A_259 : i1
      %add3A_266 = arith.addi %rem3A_257, %select_n3A_256 : i32
      %select_n3A_267 = arith.select %and3A_265, %add3A_266, %rem3A_257 : i32
      %broadcast_in_dim3A = arith.constant 0.000000e+00 : f32
      %broadcast_in_dim3A_268 = vector.broadcast %broadcast_in_dim3A : f32 to vector<16xf32>
      %mul3A_269 = arith.constant 16 : i32
      %mul3A_270 = arith.muli %select_n3A_267, %mul3A_269 : i32
      %swap3A = arith.index_cast %select_n3A : i32 to index
      %swap3A_271 = arith.index_cast %mul3A_270 : i32 to index
      %swap3A_272 = tpu.vector_load %arg11[%swap3A, %swap3A_271] {strides = array<i32>} : memref<16x128xf32, #tpu.memory_space<vmem>>, vector<1x16xf32>,
      %swap3A_273 = vector.shape_cast %swap3A_272 : vector<1x16xf32> to vector<16xf32>
      %swap3A_274 = vector.shape_cast %broadcast_in_dim3A_268 : vector<16xf32> to vector<1x16xf32>
      tpu.vector_store %arg11[%swap3A, %swap3A_271], %swap3A_274 {strides = array<i32>} : memref<16x128xf32, #tpu.memory_space<vmem>>, vector<1x16xf32>,
    }
    %scan3A_22 = arith.constant 128 : i32
    %scan3A_23 = arith.constant 0 : i32
    %scan3A_24 = arith.constant 0 : i32
    %scan3A_25 = arith.constant 40 : i32
    %scan3A_26 = arith.addi %scan3A_24, %scan3A_25 : i32
    %scan3A_27 = arith.constant 1 : i32
    scf.for %scan3A_235 = %scan3A_24 to %scan3A_26 step %scan3A_27  : i32 {
      %mul3A_236 = arith.constant 640 : i32
      %mul3A_237 = arith.muli %arg1, %mul3A_236 : i32
      %mul3A_238 = arith.constant 16 : i32
      %mul3A_239 = arith.muli %scan3A_235, %mul3A_238 : i32
      %add3A_240 = arith.addi %mul3A_237, %mul3A_239 : i32
      "tpu.region"() ({
        %run_scoped3A = tpu.sem_alloc : memref<!tpu.dma_semaphore, #tpu.memory_space<semaphore_mem>>
        %dma_start3A_241 = arith.constant 0 : i32
        %dma_start3A_242 = tpu.memref_slice %arg6[%add3A_240, %dma_start3A_241] : memref<10240x128xf32, #tpu.memory_space<vmem_shared>> -> memref<16x128xf32, #tpu.memory_space<vmem_shared>>
        %dma_start3A_243 = arith.constant 0 : i32
        %dma_start3A_244 = tpu.memref_slice %arg6[%add3A_240, %dma_start3A_243] : memref<10240x128xf32, #tpu.memory_space<vmem_shared>> -> memref<16x128xf32, #tpu.memory_space<vmem_shared>>
        tpu.enqueue_dma source(%arg11 : memref<16x128xf32, #tpu.memory_space<vmem>>) target(%dma_start3A_244 : memref<16x128xf32, #tpu.memory_space<vmem_shared>>) target_semaphore(%run_scoped3A : memref<!tpu.dma_semaphore, #tpu.memory_space<semaphore_mem>>)
        %dma_wait3A_245 = arith.constant 0 : i32
        %dma_wait3A_246 = tpu.memref_slice %arg6[%add3A_240, %dma_wait3A_245] : memref<10240x128xf32, #tpu.memory_space<vmem_shared>> -> memref<16x128xf32, #tpu.memory_space<vmem_shared>>
        %dma_wait3A_247 = arith.constant 0 : i32
        %dma_wait3A_248 = tpu.memref_slice %arg6[%add3A_240, %dma_wait3A_247] : memref<10240x128xf32, #tpu.memory_space<vmem_shared>> -> memref<16x128xf32, #tpu.memory_space<vmem_shared>>
        tpu.wait_dma2 semaphore(%run_scoped3A : memref<!tpu.dma_semaphore, #tpu.memory_space<semaphore_mem>>) src(%arg11 : memref<16x128xf32, #tpu.memory_space<vmem>>) dst(%dma_wait3A_248 : memref<16x128xf32, #tpu.memory_space<vmem_shared>>)
        tpu.yield
      }) : () -> ()
    }
    %scan3A_28 = arith.constant 40 : i32
    %barrier3A = arith.constant 0 : index
    tpu.barrier barrier_id(%barrier3A)
    %scan3A_29 = arith.constant 0 : i32
    %scan3A_30 = arith.constant 0 : i32
    %scan3A_31 = arith.constant 16 : i32
    %scan3A_32 = arith.addi %scan3A_30, %scan3A_31 : i32
    %scan3A_33 = arith.constant 1 : i32
    scf.for %scan3A_235 = %scan3A_30 to %scan3A_32 step %scan3A_33  : i32 {
      %mul3A_236 = arith.constant 2 : i32
      %mul3A_237 = arith.muli %mul3A_236, %scan3A_235 : i32
      %dma_wait3A_238 = arith.constant 0 : i32
      %dma_wait3A_239 = arith.constant 0 : i32
      %dma_wait3A_240 = tpu.memref_slice %arg7[%dma_wait3A_238, %dma_wait3A_239] : memref<32x128xi32, #tpu.memory_space<vmem>> -> memref<1x128xi32, #tpu.memory_space<vmem>>
      %dma_wait3A_241 = tpu.memref_squeeze %dma_wait3A_240 : memref<1x128xi32, #tpu.memory_space<vmem>> -> memref<128xi32, #tpu.memory_space<vmem>>
      %dma_wait3A_242 = arith.constant 0 : i32
      %dma_wait3A_243 = arith.constant 0 : i32
      %dma_wait3A_244 = tpu.memref_slice %arg2[%dma_wait3A_242, %dma_wait3A_243] : memref<20000x128xf32, #tpu.memory_space<hbm>> -> memref<20000x128xf32, #tpu.memory_space<hbm>>
      tpu.wait_indirect_dma semaphore(%arg12 : memref<!tpu.dma_semaphore, #tpu.memory_space<semaphore_mem>>) src(%dma_wait3A_244 : memref<20000x128xf32, #tpu.memory_space<hbm>>) dst(%arg9 : memref<128x128xf32, #tpu.memory_space<vmem>>)
      %dma_start3A_245 = arith.constant 0 : i32
      %dma_start3A_246 = tpu.memref_slice %arg8[%mul3A_237, %dma_start3A_245] : memref<32x128xi32, #tpu.memory_space<vmem>> -> memref<1x128xi32, #tpu.memory_space<vmem>>
      %dma_start3A_247 = tpu.memref_squeeze %dma_start3A_246 : memref<1x128xi32, #tpu.memory_space<vmem>> -> memref<128xi32, #tpu.memory_space<vmem>>
      %dma_start3A_248 = arith.constant 0 : i32
      %dma_start3A_249 = arith.constant 0 : i32
      %dma_start3A_250 = tpu.memref_slice %arg6[%dma_start3A_248, %dma_start3A_249] : memref<10240x128xf32, #tpu.memory_space<vmem_shared>> -> memref<10240x128xf32, #tpu.memory_space<vmem_shared>>
      tpu.enqueue_indirect_dma source(%arg9 : memref<128x128xf32, #tpu.memory_space<vmem>>) target(%dma_start3A_250 : memref<10240x128xf32, #tpu.memory_space<vmem_shared>>) offsets(%dma_start3A_247 : memref<128xi32, #tpu.memory_space<vmem>>) semaphore(%arg14 : memref<!tpu.dma_semaphore, #tpu.memory_space<semaphore_mem>>) {add = true}
      %add3A_251 = arith.constant 2 : i32
      %add3A_252 = arith.addi %mul3A_237, %add3A_251 : i32
      %lt3A_253 = arith.constant 32 : i32
      %lt3A_254 = arith.cmpi slt, %add3A_252, %lt3A_253 : i32
      %convert_element_type3A_255 = arith.extui %lt3A_254 : i1 to i32
      %cond3A_256 = arith.constant 0 : i32
      %cond3A_257 = arith.cmpi ne, %convert_element_type3A_255, %cond3A_256 : i32
      scf.if %cond3A_257 {
        %dma_wait3A_280 = arith.constant 0 : i32
        %dma_wait3A_281 = arith.constant 0 : i32
        %dma_wait3A_282 = tpu.memref_slice %arg8[%dma_wait3A_280, %dma_wait3A_281] : memref<32x128xi32, #tpu.memory_space<vmem>> -> memref<1x128xi32, #tpu.memory_space<vmem>>
        %dma_wait3A_283 = tpu.memref_squeeze %dma_wait3A_282 : memref<1x128xi32, #tpu.memory_space<vmem>> -> memref<128xi32, #tpu.memory_space<vmem>>
        %dma_wait3A_284 = arith.constant 0 : i32
        %dma_wait3A_285 = arith.constant 0 : i32
        %dma_wait3A_286 = tpu.memref_slice %arg6[%dma_wait3A_284, %dma_wait3A_285] : memref<10240x128xf32, #tpu.memory_space<vmem_shared>> -> memref<10240x128xf32, #tpu.memory_space<vmem_shared>>
        tpu.wait_indirect_dma semaphore(%arg14 : memref<!tpu.dma_semaphore, #tpu.memory_space<semaphore_mem>>) src(%arg9 : memref<128x128xf32, #tpu.memory_space<vmem>>) dst(%dma_wait3A_286 : memref<10240x128xf32, #tpu.memory_space<vmem_shared>>)
        %add3A_287 = arith.constant 2 : i32
        %add3A_288 = arith.addi %mul3A_237, %add3A_287 : i32
        %dma_start3A_289 = arith.constant 0 : i32
        %dma_start3A_290 = tpu.memref_slice %arg7[%add3A_288, %dma_start3A_289] : memref<32x128xi32, #tpu.memory_space<vmem>> -> memref<1x128xi32, #tpu.memory_space<vmem>>
        %dma_start3A_291 = tpu.memref_squeeze %dma_start3A_290 : memref<1x128xi32, #tpu.memory_space<vmem>> -> memref<128xi32, #tpu.memory_space<vmem>>
        %dma_start3A_292 = arith.constant 0 : i32
        %dma_start3A_293 = arith.constant 0 : i32
        %dma_start3A_294 = tpu.memref_slice %arg2[%dma_start3A_292, %dma_start3A_293] : memref<20000x128xf32, #tpu.memory_space<hbm>> -> memref<20000x128xf32, #tpu.memory_space<hbm>>
        tpu.enqueue_indirect_dma source(%dma_start3A_294 : memref<20000x128xf32, #tpu.memory_space<hbm>>) target(%arg9 : memref<128x128xf32, #tpu.memory_space<vmem>>) offsets(%dma_start3A_291 : memref<128xi32, #tpu.memory_space<vmem>>) semaphore(%arg12 : memref<!tpu.dma_semaphore, #tpu.memory_space<semaphore_mem>>)
      } else {
      }
      %add3A_258 = arith.constant 1 : i32
      %add3A_259 = arith.addi %mul3A_237, %add3A_258 : i32
      %dma_wait3A_260 = arith.constant 0 : i32
      %dma_wait3A_261 = arith.constant 0 : i32
      %dma_wait3A_262 = tpu.memref_slice %arg7[%dma_wait3A_260, %dma_wait3A_261] : memref<32x128xi32, #tpu.memory_space<vmem>> -> memref<1x128xi32, #tpu.memory_space<vmem>>
      %dma_wait3A_263 = tpu.memref_squeeze %dma_wait3A_262 : memref<1x128xi32, #tpu.memory_space<vmem>> -> memref<128xi32, #tpu.memory_space<vmem>>
      %dma_wait3A_264 = arith.constant 0 : i32
      %dma_wait3A_265 = arith.constant 0 : i32
      %dma_wait3A_266 = tpu.memref_slice %arg2[%dma_wait3A_264, %dma_wait3A_265] : memref<20000x128xf32, #tpu.memory_space<hbm>> -> memref<20000x128xf32, #tpu.memory_space<hbm>>
      tpu.wait_indirect_dma semaphore(%arg13 : memref<!tpu.dma_semaphore, #tpu.memory_space<semaphore_mem>>) src(%dma_wait3A_266 : memref<20000x128xf32, #tpu.memory_space<hbm>>) dst(%arg10 : memref<128x128xf32, #tpu.memory_space<vmem>>)
      %dma_start3A_267 = arith.constant 0 : i32
      %dma_start3A_268 = tpu.memref_slice %arg8[%add3A_259, %dma_start3A_267] : memref<32x128xi32, #tpu.memory_space<vmem>> -> memref<1x128xi32, #tpu.memory_space<vmem>>
      %dma_start3A_269 = tpu.memref_squeeze %dma_start3A_268 : memref<1x128xi32, #tpu.memory_space<vmem>> -> memref<128xi32, #tpu.memory_space<vmem>>
      %dma_start3A_270 = arith.constant 0 : i32
      %dma_start3A_271 = arith.constant 0 : i32
      %dma_start3A_272 = tpu.memref_slice %arg6[%dma_start3A_270, %dma_start3A_271] : memref<10240x128xf32, #tpu.memory_space<vmem_shared>> -> memref<10240x128xf32, #tpu.memory_space<vmem_shared>>
      tpu.enqueue_indirect_dma source(%arg10 : memref<128x128xf32, #tpu.memory_space<vmem>>) target(%dma_start3A_272 : memref<10240x128xf32, #tpu.memory_space<vmem_shared>>) offsets(%dma_start3A_269 : memref<128xi32, #tpu.memory_space<vmem>>) semaphore(%arg15 : memref<!tpu.dma_semaphore, #tpu.memory_space<semaphore_mem>>) {add = true}
      %add3A_273 = arith.constant 2 : i32
      %add3A_274 = arith.addi %add3A_259, %add3A_273 : i32
      %lt3A_275 = arith.constant 32 : i32
      %lt3A_276 = arith.cmpi slt, %add3A_274, %lt3A_275 : i32
      %convert_element_type3A_277 = arith.extui %lt3A_276 : i1 to i32
      %cond3A_278 = arith.constant 0 : i32
      %cond3A_279 = arith.cmpi ne, %convert_element_type3A_277, %cond3A_278 : i32
      scf.if %cond3A_279 {
        %dma_wait3A_280 = arith.constant 0 : i32
        %dma_wait3A_281 = arith.constant 0 : i32
        %dma_wait3A_282 = tpu.memref_slice %arg8[%dma_wait3A_280, %dma_wait3A_281] : memref<32x128xi32, #tpu.memory_space<vmem>> -> memref<1x128xi32, #tpu.memory_space<vmem>>
        %dma_wait3A_283 = tpu.memref_squeeze %dma_wait3A_282 : memref<1x128xi32, #tpu.memory_space<vmem>> -> memref<128xi32, #tpu.memory_space<vmem>>
        %dma_wait3A_284 = arith.constant 0 : i32
        %dma_wait3A_285 = arith.constant 0 : i32
        %dma_wait3A_286 = tpu.memref_slice %arg6[%dma_wait3A_284, %dma_wait3A_285] : memref<10240x128xf32, #tpu.memory_space<vmem_shared>> -> memref<10240x128xf32, #tpu.memory_space<vmem_shared>>
        tpu.wait_indirect_dma semaphore(%arg15 : memref<!tpu.dma_semaphore, #tpu.memory_space<semaphore_mem>>) src(%arg10 : memref<128x128xf32, #tpu.memory_space<vmem>>) dst(%dma_wait3A_286 : memref<10240x128xf32, #tpu.memory_space<vmem_shared>>)
        %add3A_287 = arith.constant 2 : i32
        %add3A_288 = arith.addi %add3A_259, %add3A_287 : i32
        %dma_start3A_289 = arith.constant 0 : i32
        %dma_start3A_290 = tpu.memref_slice %arg7[%add3A_288, %dma_start3A_289] : memref<32x128xi32, #tpu.memory_space<vmem>> -> memref<1x128xi32, #tpu.memory_space<vmem>>
        %dma_start3A_291 = tpu.memref_squeeze %dma_start3A_290 : memref<1x128xi32, #tpu.memory_space<vmem>> -> memref<128xi32, #tpu.memory_space<vmem>>
        %dma_start3A_292 = arith.constant 0 : i32
        %dma_start3A_293 = arith.constant 0 : i32
        %dma_start3A_294 = tpu.memref_slice %arg2[%dma_start3A_292, %dma_start3A_293] : memref<20000x128xf32, #tpu.memory_space<hbm>> -> memref<20000x128xf32, #tpu.memory_space<hbm>>
        tpu.enqueue_indirect_dma source(%dma_start3A_294 : memref<20000x128xf32, #tpu.memory_space<hbm>>) target(%arg10 : memref<128x128xf32, #tpu.memory_space<vmem>>) offsets(%dma_start3A_291 : memref<128xi32, #tpu.memory_space<vmem>>) semaphore(%arg13 : memref<!tpu.dma_semaphore, #tpu.memory_space<semaphore_mem>>)
      } else {
      }
    }
    %scan3A_34 = arith.constant 16 : i32
    %dma_wait3A = arith.constant 0 : i32
    %dma_wait3A_35 = arith.constant 0 : i32
    %dma_wait3A_36 = tpu.memref_slice %arg8[%dma_wait3A, %dma_wait3A_35] : memref<32x128xi32, #tpu.memory_space<vmem>> -> memref<1x128xi32, #tpu.memory_space<vmem>>
    %dma_wait3A_37 = tpu.memref_squeeze %dma_wait3A_36 : memref<1x128xi32, #tpu.memory_space<vmem>> -> memref<128xi32, #tpu.memory_space<vmem>>
    %dma_wait3A_38 = arith.constant 0 : i32
    %dma_wait3A_39 = arith.constant 0 : i32
    %dma_wait3A_40 = tpu.memref_slice %arg6[%dma_wait3A_38, %dma_wait3A_39] : memref<10240x128xf32, #tpu.memory_space<vmem_shared>> -> memref<10240x128xf32, #tpu.memory_space<vmem_shared>>
    tpu.wait_indirect_dma semaphore(%arg14 : memref<!tpu.dma_semaphore, #tpu.memory_space<semaphore_mem>>) src(%arg9 : memref<128x128xf32, #tpu.memory_space<vmem>>) dst(%dma_wait3A_40 : memref<10240x128xf32, #tpu.memory_space<vmem_shared>>)
    %dma_wait3A_41 = arith.constant 1 : i32
    %dma_wait3A_42 = arith.constant 0 : i32
    %dma_wait3A_43 = tpu.memref_slice %arg8[%dma_wait3A_41, %dma_wait3A_42] : memref<32x128xi32, #tpu.memory_space<vmem>> -> memref<1x128xi32, #tpu.memory_space<vmem>>
    %dma_wait3A_44 = tpu.memref_squeeze %dma_wait3A_43 : memref<1x128xi32, #tpu.memory_space<vmem>> -> memref<128xi32, #tpu.memory_space<vmem>>
    %dma_wait3A_45 = arith.constant 0 : i32
    %dma_wait3A_46 = arith.constant 0 : i32
    %dma_wait3A_47 = tpu.memref_slice %arg6[%dma_wait3A_45, %dma_wait3A_46] : memref<10240x128xf32, #tpu.memory_space<vmem_shared>> -> memref<10240x128xf32, #tpu.memory_space<vmem_shared>>
    tpu.wait_indirect_dma semaphore(%arg15 : memref<!tpu.dma_semaphore, #tpu.memory_space<semaphore_mem>>) src(%arg10 : memref<128x128xf32, #tpu.memory_space<vmem>>) dst(%dma_wait3A_47 : memref<10240x128xf32, #tpu.memory_space<vmem_shared>>)
    %mul3A_48 = arith.constant 16 : i32
    %mul3A_49 = arith.muli %arg0, %mul3A_48 : i32
    %add3A_50 = arith.addi %mul3A_49, %arg1 : i32
    %mul3A_51 = arith.constant 5 : i32
    %mul3A_52 = arith.muli %add3A_50, %mul3A_51 : i32
    %add3A_53 = arith.constant 1 : i32
    %add3A_54 = arith.addi %mul3A_52, %add3A_53 : i32
    "tpu.region"() ({
      %run_scoped3A = tpu.sem_alloc : memref<!tpu.dma_semaphore, #tpu.memory_space<semaphore_mem>>
      %dma_start3A_235 = arith.constant 0 : i32
      %dma_start3A_236 = arith.constant 0 : i32
      %dma_start3A_237 = tpu.memref_slice %arg3[%add3A_54, %dma_start3A_235, %dma_start3A_236] : memref<160x32x128xi32, #tpu.memory_space<hbm>> -> memref<1x32x128xi32, #tpu.memory_space<hbm>>
      %dma_start3A_238 = tpu.memref_squeeze %dma_start3A_237 : memref<1x32x128xi32, #tpu.memory_space<hbm>> -> memref<32x128xi32, #tpu.memory_space<hbm>>
      %dma_start3A_239 = arith.constant 0 : i32
      %dma_start3A_240 = arith.constant 0 : i32
      %dma_start3A_241 = tpu.memref_slice %arg3[%add3A_54, %dma_start3A_239, %dma_start3A_240] : memref<160x32x128xi32, #tpu.memory_space<hbm>> -> memref<1x32x128xi32, #tpu.memory_space<hbm>>
      %dma_start3A_242 = tpu.memref_squeeze %dma_start3A_241 : memref<1x32x128xi32, #tpu.memory_space<hbm>> -> memref<32x128xi32, #tpu.memory_space<hbm>>
      tpu.enqueue_dma source(%dma_start3A_242 : memref<32x128xi32, #tpu.memory_space<hbm>>) target(%arg7 : memref<32x128xi32, #tpu.memory_space<vmem>>) target_semaphore(%run_scoped3A : memref<!tpu.dma_semaphore, #tpu.memory_space<semaphore_mem>>)
      %dma_wait3A_243 = arith.constant 0 : i32
      %dma_wait3A_244 = arith.constant 0 : i32
      %dma_wait3A_245 = tpu.memref_slice %arg3[%add3A_54, %dma_wait3A_243, %dma_wait3A_244] : memref<160x32x128xi32, #tpu.memory_space<hbm>> -> memref<1x32x128xi32, #tpu.memory_space<hbm>>
      %dma_wait3A_246 = tpu.memref_squeeze %dma_wait3A_245 : memref<1x32x128xi32, #tpu.memory_space<hbm>> -> memref<32x128xi32, #tpu.memory_space<hbm>>
      %dma_wait3A_247 = arith.constant 0 : i32
      %dma_wait3A_248 = arith.constant 0 : i32
      %dma_wait3A_249 = tpu.memref_slice %arg3[%add3A_54, %dma_wait3A_247, %dma_wait3A_248] : memref<160x32x128xi32, #tpu.memory_space<hbm>> -> memref<1x32x128xi32, #tpu.memory_space<hbm>>
      %dma_wait3A_250 = tpu.memref_squeeze %dma_wait3A_249 : memref<1x32x128xi32, #tpu.memory_space<hbm>> -> memref<32x128xi32, #tpu.memory_space<hbm>>
      tpu.wait_dma2 semaphore(%run_scoped3A : memref<!tpu.dma_semaphore, #tpu.memory_space<semaphore_mem>>) src(%dma_wait3A_250 : memref<32x128xi32, #tpu.memory_space<hbm>>) dst(%arg7 : memref<32x128xi32, #tpu.memory_space<vmem>>)
      tpu.yield
    }) : () -> ()
    %mul3A_55 = arith.constant 5 : i32
    %mul3A_56 = arith.muli %arg1, %mul3A_55 : i32
    %add3A_57 = arith.constant 1 : i32
    %add3A_58 = arith.addi %mul3A_56, %add3A_57 : i32
    "tpu.region"() ({
      %run_scoped3A = tpu.sem_alloc : memref<!tpu.dma_semaphore, #tpu.memory_space<semaphore_mem>>
      %dma_start3A_235 = arith.constant 0 : i32
      %dma_start3A_236 = arith.constant 0 : i32
      %dma_start3A_237 = tpu.memref_slice %arg4[%add3A_58, %dma_start3A_235, %dma_start3A_236] : memref<80x32x128xi32, #tpu.memory_space<hbm>> -> memref<1x32x128xi32, #tpu.memory_space<hbm>>
      %dma_start3A_238 = tpu.memref_squeeze %dma_start3A_237 : memref<1x32x128xi32, #tpu.memory_space<hbm>> -> memref<32x128xi32, #tpu.memory_space<hbm>>
      %dma_start3A_239 = arith.constant 0 : i32
      %dma_start3A_240 = arith.constant 0 : i32
      %dma_start3A_241 = tpu.memref_slice %arg4[%add3A_58, %dma_start3A_239, %dma_start3A_240] : memref<80x32x128xi32, #tpu.memory_space<hbm>> -> memref<1x32x128xi32, #tpu.memory_space<hbm>>
      %dma_start3A_242 = tpu.memref_squeeze %dma_start3A_241 : memref<1x32x128xi32, #tpu.memory_space<hbm>> -> memref<32x128xi32, #tpu.memory_space<hbm>>
      tpu.enqueue_dma source(%dma_start3A_242 : memref<32x128xi32, #tpu.memory_space<hbm>>) target(%arg8 : memref<32x128xi32, #tpu.memory_space<vmem>>) target_semaphore(%run_scoped3A : memref<!tpu.dma_semaphore, #tpu.memory_space<semaphore_mem>>)
      %dma_wait3A_243 = arith.constant 0 : i32
      %dma_wait3A_244 = arith.constant 0 : i32
      %dma_wait3A_245 = tpu.memref_slice %arg4[%add3A_58, %dma_wait3A_243, %dma_wait3A_244] : memref<80x32x128xi32, #tpu.memory_space<hbm>> -> memref<1x32x128xi32, #tpu.memory_space<hbm>>
      %dma_wait3A_246 = tpu.memref_squeeze %dma_wait3A_245 : memref<1x32x128xi32, #tpu.memory_space<hbm>> -> memref<32x128xi32, #tpu.memory_space<hbm>>
      %dma_wait3A_247 = arith.constant 0 : i32
      %dma_wait3A_248 = arith.constant 0 : i32
      %dma_wait3A_249 = tpu.memref_slice %arg4[%add3A_58, %dma_wait3A_247, %dma_wait3A_248] : memref<80x32x128xi32, #tpu.memory_space<hbm>> -> memref<1x32x128xi32, #tpu.memory_space<hbm>>
      %dma_wait3A_250 = tpu.memref_squeeze %dma_wait3A_249 : memref<1x32x128xi32, #tpu.memory_space<hbm>> -> memref<32x128xi32, #tpu.memory_space<hbm>>
      tpu.wait_dma2 semaphore(%run_scoped3A : memref<!tpu.dma_semaphore, #tpu.memory_space<semaphore_mem>>) src(%dma_wait3A_250 : memref<32x128xi32, #tpu.memory_space<hbm>>) dst(%arg8 : memref<32x128xi32, #tpu.memory_space<vmem>>)
      tpu.yield
    }) : () -> ()
    %dma_start3A_59 = arith.constant 0 : i32
    %dma_start3A_60 = arith.constant 0 : i32
    %dma_start3A_61 = tpu.memref_slice %arg7[%dma_start3A_59, %dma_start3A_60] : memref<32x128xi32, #tpu.memory_space<vmem>> -> memref<1x128xi32, #tpu.memory_space<vmem>>
    %dma_start3A_62 = tpu.memref_squeeze %dma_start3A_61 : memref<1x128xi32, #tpu.memory_space<vmem>> -> memref<128xi32, #tpu.memory_space<vmem>>
    %dma_start3A_63 = arith.constant 0 : i32
    %dma_start3A_64 = arith.constant 0 : i32
    %dma_start3A_65 = tpu.memref_slice %arg2[%dma_start3A_63, %dma_start3A_64] : memref<20000x128xf32, #tpu.memory_space<hbm>> -> memref<20000x128xf32, #tpu.memory_space<hbm>>
    tpu.enqueue_indirect_dma source(%dma_start3A_65 : memref<20000x128xf32, #tpu.memory_space<hbm>>) target(%arg9 : memref<128x128xf32, #tpu.memory_space<vmem>>) offsets(%dma_start3A_62 : memref<128xi32, #tpu.memory_space<vmem>>) semaphore(%arg12 : memref<!tpu.dma_semaphore, #tpu.memory_space<semaphore_mem>>)
    %dma_start3A_66 = arith.constant 1 : i32
    %dma_start3A_67 = arith.constant 0 : i32
    %dma_start3A_68 = tpu.memref_slice %arg7[%dma_start3A_66, %dma_start3A_67] : memref<32x128xi32, #tpu.memory_space<vmem>> -> memref<1x128xi32, #tpu.memory_space<vmem>>
    %dma_start3A_69 = tpu.memref_squeeze %dma_start3A_68 : memref<1x128xi32, #tpu.memory_space<vmem>> -> memref<128xi32, #tpu.memory_space<vmem>>
    %dma_start3A_70 = arith.constant 0 : i32
    %dma_start3A_71 = arith.constant 0 : i32
    %dma_start3A_72 = tpu.memref_slice %arg2[%dma_start3A_70, %dma_start3A_71] : memref<20000x128xf32, #tpu.memory_space<hbm>> -> memref<20000x128xf32, #tpu.memory_space<hbm>>
    tpu.enqueue_indirect_dma source(%dma_start3A_72 : memref<20000x128xf32, #tpu.memory_space<hbm>>) target(%arg10 : memref<128x128xf32, #tpu.memory_space<vmem>>) offsets(%dma_start3A_69 : memref<128xi32, #tpu.memory_space<vmem>>) semaphore(%arg13 : memref<!tpu.dma_semaphore, #tpu.memory_space<semaphore_mem>>)
    %scan3A_73 = arith.constant 0 : i32
    %scan3A_74 = arith.constant 0 : i32
    %scan3A_75 = arith.constant 16 : i32
    %scan3A_76 = arith.addi %scan3A_74, %scan3A_75 : i32
    %scan3A_77 = arith.constant 1 : i32
    scf.for %scan3A_235 = %scan3A_74 to %scan3A_76 step %scan3A_77  : i32 {
      %mul3A_236 = arith.constant 2 : i32
      %mul3A_237 = arith.muli %mul3A_236, %scan3A_235 : i32
      %dma_wait3A_238 = arith.constant 0 : i32
      %dma_wait3A_239 = arith.constant 0 : i32
      %dma_wait3A_240 = tpu.memref_slice %arg7[%dma_wait3A_238, %dma_wait3A_239] : memref<32x128xi32, #tpu.memory_space<vmem>> -> memref<1x128xi32, #tpu.memory_space<vmem>>
      %dma_wait3A_241 = tpu.memref_squeeze %dma_wait3A_240 : memref<1x128xi32, #tpu.memory_space<vmem>> -> memref<128xi32, #tpu.memory_space<vmem>>
      %dma_wait3A_242 = arith.constant 0 : i32
      %dma_wait3A_243 = arith.constant 0 : i32
      %dma_wait3A_244 = tpu.memref_slice %arg2[%dma_wait3A_242, %dma_wait3A_243] : memref<20000x128xf32, #tpu.memory_space<hbm>> -> memref<20000x128xf32, #tpu.memory_space<hbm>>
      tpu.wait_indirect_dma semaphore(%arg12 : memref<!tpu.dma_semaphore, #tpu.memory_space<semaphore_mem>>) src(%dma_wait3A_244 : memref<20000x128xf32, #tpu.memory_space<hbm>>) dst(%arg9 : memref<128x128xf32, #tpu.memory_space<vmem>>)
      %dma_start3A_245 = arith.constant 0 : i32
      %dma_start3A_246 = tpu.memref_slice %arg8[%mul3A_237, %dma_start3A_245] : memref<32x128xi32, #tpu.memory_space<vmem>> -> memref<1x128xi32, #tpu.memory_space<vmem>>
      %dma_start3A_247 = tpu.memref_squeeze %dma_start3A_246 : memref<1x128xi32, #tpu.memory_space<vmem>> -> memref<128xi32, #tpu.memory_space<vmem>>
      %dma_start3A_248 = arith.constant 0 : i32
      %dma_start3A_249 = arith.constant 0 : i32
      %dma_start3A_250 = tpu.memref_slice %arg6[%dma_start3A_248, %dma_start3A_249] : memref<10240x128xf32, #tpu.memory_space<vmem_shared>> -> memref<10240x128xf32, #tpu.memory_space<vmem_shared>>
      tpu.enqueue_indirect_dma source(%arg9 : memref<128x128xf32, #tpu.memory_space<vmem>>) target(%dma_start3A_250 : memref<10240x128xf32, #tpu.memory_space<vmem_shared>>) offsets(%dma_start3A_247 : memref<128xi32, #tpu.memory_space<vmem>>) semaphore(%arg14 : memref<!tpu.dma_semaphore, #tpu.memory_space<semaphore_mem>>) {add = true}
      %add3A_251 = arith.constant 2 : i32
      %add3A_252 = arith.addi %mul3A_237, %add3A_251 : i32
      %lt3A_253 = arith.constant 32 : i32
      %lt3A_254 = arith.cmpi slt, %add3A_252, %lt3A_253 : i32
      %convert_element_type3A_255 = arith.extui %lt3A_254 : i1 to i32
      %cond3A_256 = arith.constant 0 : i32
      %cond3A_257 = arith.cmpi ne, %convert_element_type3A_255, %cond3A_256 : i32
      scf.if %cond3A_257 {
        %dma_wait3A_280 = arith.constant 0 : i32
        %dma_wait3A_281 = arith.constant 0 : i32
        %dma_wait3A_282 = tpu.memref_slice %arg8[%dma_wait3A_280, %dma_wait3A_281] : memref<32x128xi32, #tpu.memory_space<vmem>> -> memref<1x128xi32, #tpu.memory_space<vmem>>
        %dma_wait3A_283 = tpu.memref_squeeze %dma_wait3A_282 : memref<1x128xi32, #tpu.memory_space<vmem>> -> memref<128xi32, #tpu.memory_space<vmem>>
        %dma_wait3A_284 = arith.constant 0 : i32
        %dma_wait3A_285 = arith.constant 0 : i32
        %dma_wait3A_286 = tpu.memref_slice %arg6[%dma_wait3A_284, %dma_wait3A_285] : memref<10240x128xf32, #tpu.memory_space<vmem_shared>> -> memref<10240x128xf32, #tpu.memory_space<vmem_shared>>
        tpu.wait_indirect_dma semaphore(%arg14 : memref<!tpu.dma_semaphore, #tpu.memory_space<semaphore_mem>>) src(%arg9 : memref<128x128xf32, #tpu.memory_space<vmem>>) dst(%dma_wait3A_286 : memref<10240x128xf32, #tpu.memory_space<vmem_shared>>)
        %add3A_287 = arith.constant 2 : i32
        %add3A_288 = arith.addi %mul3A_237, %add3A_287 : i32
        %dma_start3A_289 = arith.constant 0 : i32
        %dma_start3A_290 = tpu.memref_slice %arg7[%add3A_288, %dma_start3A_289] : memref<32x128xi32, #tpu.memory_space<vmem>> -> memref<1x128xi32, #tpu.memory_space<vmem>>
        %dma_start3A_291 = tpu.memref_squeeze %dma_start3A_290 : memref<1x128xi32, #tpu.memory_space<vmem>> -> memref<128xi32, #tpu.memory_space<vmem>>
        %dma_start3A_292 = arith.constant 0 : i32
        %dma_start3A_293 = arith.constant 0 : i32
        %dma_start3A_294 = tpu.memref_slice %arg2[%dma_start3A_292, %dma_start3A_293] : memref<20000x128xf32, #tpu.memory_space<hbm>> -> memref<20000x128xf32, #tpu.memory_space<hbm>>
        tpu.enqueue_indirect_dma source(%dma_start3A_294 : memref<20000x128xf32, #tpu.memory_space<hbm>>) target(%arg9 : memref<128x128xf32, #tpu.memory_space<vmem>>) offsets(%dma_start3A_291 : memref<128xi32, #tpu.memory_space<vmem>>) semaphore(%arg12 : memref<!tpu.dma_semaphore, #tpu.memory_space<semaphore_mem>>)
      } else {
      }
      %add3A_258 = arith.constant 1 : i32
      %add3A_259 = arith.addi %mul3A_237, %add3A_258 : i32
      %dma_wait3A_260 = arith.constant 0 : i32
      %dma_wait3A_261 = arith.constant 0 : i32
      %dma_wait3A_262 = tpu.memref_slice %arg7[%dma_wait3A_260, %dma_wait3A_261] : memref<32x128xi32, #tpu.memory_space<vmem>> -> memref<1x128xi32, #tpu.memory_space<vmem>>
      %dma_wait3A_263 = tpu.memref_squeeze %dma_wait3A_262 : memref<1x128xi32, #tpu.memory_space<vmem>> -> memref<128xi32, #tpu.memory_space<vmem>>
      %dma_wait3A_264 = arith.constant 0 : i32
      %dma_wait3A_265 = arith.constant 0 : i32
      %dma_wait3A_266 = tpu.memref_slice %arg2[%dma_wait3A_264, %dma_wait3A_265] : memref<20000x128xf32, #tpu.memory_space<hbm>> -> memref<20000x128xf32, #tpu.memory_space<hbm>>
      tpu.wait_indirect_dma semaphore(%arg13 : memref<!tpu.dma_semaphore, #tpu.memory_space<semaphore_mem>>) src(%dma_wait3A_266 : memref<20000x128xf32, #tpu.memory_space<hbm>>) dst(%arg10 : memref<128x128xf32, #tpu.memory_space<vmem>>)
      %dma_start3A_267 = arith.constant 0 : i32
      %dma_start3A_268 = tpu.memref_slice %arg8[%add3A_259, %dma_start3A_267] : memref<32x128xi32, #tpu.memory_space<vmem>> -> memref<1x128xi32, #tpu.memory_space<vmem>>
      %dma_start3A_269 = tpu.memref_squeeze %dma_start3A_268 : memref<1x128xi32, #tpu.memory_space<vmem>> -> memref<128xi32, #tpu.memory_space<vmem>>
      %dma_start3A_270 = arith.constant 0 : i32
      %dma_start3A_271 = arith.constant 0 : i32
      %dma_start3A_272 = tpu.memref_slice %arg6[%dma_start3A_270, %dma_start3A_271] : memref<10240x128xf32, #tpu.memory_space<vmem_shared>> -> memref<10240x128xf32, #tpu.memory_space<vmem_shared>>
      tpu.enqueue_indirect_dma source(%arg10 : memref<128x128xf32, #tpu.memory_space<vmem>>) target(%dma_start3A_272 : memref<10240x128xf32, #tpu.memory_space<vmem_shared>>) offsets(%dma_start3A_269 : memref<128xi32, #tpu.memory_space<vmem>>) semaphore(%arg15 : memref<!tpu.dma_semaphore, #tpu.memory_space<semaphore_mem>>) {add = true}
      %add3A_273 = arith.constant 2 : i32
      %add3A_274 = arith.addi %add3A_259, %add3A_273 : i32
      %lt3A_275 = arith.constant 32 : i32
      %lt3A_276 = arith.cmpi slt, %add3A_274, %lt3A_275 : i32
      %convert_element_type3A_277 = arith.extui %lt3A_276 : i1 to i32
      %cond3A_278 = arith.constant 0 : i32
      %cond3A_279 = arith.cmpi ne, %convert_element_type3A_277, %cond3A_278 : i32
      scf.if %cond3A_279 {
        %dma_wait3A_280 = arith.constant 0 : i32
        %dma_wait3A_281 = arith.constant 0 : i32
        %dma_wait3A_282 = tpu.memref_slice %arg8[%dma_wait3A_280, %dma_wait3A_281] : memref<32x128xi32, #tpu.memory_space<vmem>> -> memref<1x128xi32, #tpu.memory_space<vmem>>
        %dma_wait3A_283 = tpu.memref_squeeze %dma_wait3A_282 : memref<1x128xi32, #tpu.memory_space<vmem>> -> memref<128xi32, #tpu.memory_space<vmem>>
        %dma_wait3A_284 = arith.constant 0 : i32
        %dma_wait3A_285 = arith.constant 0 : i32
        %dma_wait3A_286 = tpu.memref_slice %arg6[%dma_wait3A_284, %dma_wait3A_285] : memref<10240x128xf32, #tpu.memory_space<vmem_shared>> -> memref<10240x128xf32, #tpu.memory_space<vmem_shared>>
        tpu.wait_indirect_dma semaphore(%arg15 : memref<!tpu.dma_semaphore, #tpu.memory_space<semaphore_mem>>) src(%arg10 : memref<128x128xf32, #tpu.memory_space<vmem>>) dst(%dma_wait3A_286 : memref<10240x128xf32, #tpu.memory_space<vmem_shared>>)
        %add3A_287 = arith.constant 2 : i32
        %add3A_288 = arith.addi %add3A_259, %add3A_287 : i32
        %dma_start3A_289 = arith.constant 0 : i32
        %dma_start3A_290 = tpu.memref_slice %arg7[%add3A_288, %dma_start3A_289] : memref<32x128xi32, #tpu.memory_space<vmem>> -> memref<1x128xi32, #tpu.memory_space<vmem>>
        %dma_start3A_291 = tpu.memref_squeeze %dma_start3A_290 : memref<1x128xi32, #tpu.memory_space<vmem>> -> memref<128xi32, #tpu.memory_space<vmem>>
        %dma_start3A_292 = arith.constant 0 : i32
        %dma_start3A_293 = arith.constant 0 : i32
        %dma_start3A_294 = tpu.memref_slice %arg2[%dma_start3A_292, %dma_start3A_293] : memref<20000x128xf32, #tpu.memory_space<hbm>> -> memref<20000x128xf32, #tpu.memory_space<hbm>>
        tpu.enqueue_indirect_dma source(%dma_start3A_294 : memref<20000x128xf32, #tpu.memory_space<hbm>>) target(%arg10 : memref<128x128xf32, #tpu.memory_space<vmem>>) offsets(%dma_start3A_291 : memref<128xi32, #tpu.memory_space<vmem>>) semaphore(%arg13 : memref<!tpu.dma_semaphore, #tpu.memory_space<semaphore_mem>>)
      } else {
      }
    }
    %scan3A_78 = arith.constant 16 : i32
    %dma_wait3A_79 = arith.constant 0 : i32
    %dma_wait3A_80 = arith.constant 0 : i32
    %dma_wait3A_81 = tpu.memref_slice %arg8[%dma_wait3A_79, %dma_wait3A_80] : memref<32x128xi32, #tpu.memory_space<vmem>> -> memref<1x128xi32, #tpu.memory_space<vmem>>
    %dma_wait3A_82 = tpu.memref_squeeze %dma_wait3A_81 : memref<1x128xi32, #tpu.memory_space<vmem>> -> memref<128xi32, #tpu.memory_space<vmem>>
    %dma_wait3A_83 = arith.constant 0 : i32
    %dma_wait3A_84 = arith.constant 0 : i32
    %dma_wait3A_85 = tpu.memref_slice %arg6[%dma_wait3A_83, %dma_wait3A_84] : memref<10240x128xf32, #tpu.memory_space<vmem_shared>> -> memref<10240x128xf32, #tpu.memory_space<vmem_shared>>
    tpu.wait_indirect_dma semaphore(%arg14 : memref<!tpu.dma_semaphore, #tpu.memory_space<semaphore_mem>>) src(%arg9 : memref<128x128xf32, #tpu.memory_space<vmem>>) dst(%dma_wait3A_85 : memref<10240x128xf32, #tpu.memory_space<vmem_shared>>)
    %dma_wait3A_86 = arith.constant 1 : i32
    %dma_wait3A_87 = arith.constant 0 : i32
    %dma_wait3A_88 = tpu.memref_slice %arg8[%dma_wait3A_86, %dma_wait3A_87] : memref<32x128xi32, #tpu.memory_space<vmem>> -> memref<1x128xi32, #tpu.memory_space<vmem>>
    %dma_wait3A_89 = tpu.memref_squeeze %dma_wait3A_88 : memref<1x128xi32, #tpu.memory_space<vmem>> -> memref<128xi32, #tpu.memory_space<vmem>>
    %dma_wait3A_90 = arith.constant 0 : i32
    %dma_wait3A_91 = arith.constant 0 : i32
    %dma_wait3A_92 = tpu.memref_slice %arg6[%dma_wait3A_90, %dma_wait3A_91] : memref<10240x128xf32, #tpu.memory_space<vmem_shared>> -> memref<10240x128xf32, #tpu.memory_space<vmem_shared>>
    tpu.wait_indirect_dma semaphore(%arg15 : memref<!tpu.dma_semaphore, #tpu.memory_space<semaphore_mem>>) src(%arg10 : memref<128x128xf32, #tpu.memory_space<vmem>>) dst(%dma_wait3A_92 : memref<10240x128xf32, #tpu.memory_space<vmem_shared>>)
    %mul3A_93 = arith.constant 16 : i32
    %mul3A_94 = arith.muli %arg0, %mul3A_93 : i32
    %add3A_95 = arith.addi %mul3A_94, %arg1 : i32
    %mul3A_96 = arith.constant 5 : i32
    %mul3A_97 = arith.muli %add3A_95, %mul3A_96 : i32
    %add3A_98 = arith.constant 2 : i32
    %add3A_99 = arith.addi %mul3A_97, %add3A_98 : i32
    "tpu.region"() ({
      %run_scoped3A = tpu.sem_alloc : memref<!tpu.dma_semaphore, #tpu.memory_space<semaphore_mem>>
      %dma_start3A_235 = arith.constant 0 : i32
      %dma_start3A_236 = arith.constant 0 : i32
      %dma_start3A_237 = tpu.memref_slice %arg3[%add3A_99, %dma_start3A_235, %dma_start3A_236] : memref<160x32x128xi32, #tpu.memory_space<hbm>> -> memref<1x32x128xi32, #tpu.memory_space<hbm>>
      %dma_start3A_238 = tpu.memref_squeeze %dma_start3A_237 : memref<1x32x128xi32, #tpu.memory_space<hbm>> -> memref<32x128xi32, #tpu.memory_space<hbm>>
      %dma_start3A_239 = arith.constant 0 : i32
      %dma_start3A_240 = arith.constant 0 : i32
      %dma_start3A_241 = tpu.memref_slice %arg3[%add3A_99, %dma_start3A_239, %dma_start3A_240] : memref<160x32x128xi32, #tpu.memory_space<hbm>> -> memref<1x32x128xi32, #tpu.memory_space<hbm>>
      %dma_start3A_242 = tpu.memref_squeeze %dma_start3A_241 : memref<1x32x128xi32, #tpu.memory_space<hbm>> -> memref<32x128xi32, #tpu.memory_space<hbm>>
      tpu.enqueue_dma source(%dma_start3A_242 : memref<32x128xi32, #tpu.memory_space<hbm>>) target(%arg7 : memref<32x128xi32, #tpu.memory_space<vmem>>) target_semaphore(%run_scoped3A : memref<!tpu.dma_semaphore, #tpu.memory_space<semaphore_mem>>)
      %dma_wait3A_243 = arith.constant 0 : i32
      %dma_wait3A_244 = arith.constant 0 : i32
      %dma_wait3A_245 = tpu.memref_slice %arg3[%add3A_99, %dma_wait3A_243, %dma_wait3A_244] : memref<160x32x128xi32, #tpu.memory_space<hbm>> -> memref<1x32x128xi32, #tpu.memory_space<hbm>>
      %dma_wait3A_246 = tpu.memref_squeeze %dma_wait3A_245 : memref<1x32x128xi32, #tpu.memory_space<hbm>> -> memref<32x128xi32, #tpu.memory_space<hbm>>
      %dma_wait3A_247 = arith.constant 0 : i32
      %dma_wait3A_248 = arith.constant 0 : i32
      %dma_wait3A_249 = tpu.memref_slice %arg3[%add3A_99, %dma_wait3A_247, %dma_wait3A_248] : memref<160x32x128xi32, #tpu.memory_space<hbm>> -> memref<1x32x128xi32, #tpu.memory_space<hbm>>
      %dma_wait3A_250 = tpu.memref_squeeze %dma_wait3A_249 : memref<1x32x128xi32, #tpu.memory_space<hbm>> -> memref<32x128xi32, #tpu.memory_space<hbm>>
      tpu.wait_dma2 semaphore(%run_scoped3A : memref<!tpu.dma_semaphore, #tpu.memory_space<semaphore_mem>>) src(%dma_wait3A_250 : memref<32x128xi32, #tpu.memory_space<hbm>>) dst(%arg7 : memref<32x128xi32, #tpu.memory_space<vmem>>)
      tpu.yield
    }) : () -> ()
    %mul3A_100 = arith.constant 5 : i32
    %mul3A_101 = arith.muli %arg1, %mul3A_100 : i32
    %add3A_102 = arith.constant 2 : i32
    %add3A_103 = arith.addi %mul3A_101, %add3A_102 : i32
    "tpu.region"() ({
      %run_scoped3A = tpu.sem_alloc : memref<!tpu.dma_semaphore, #tpu.memory_space<semaphore_mem>>
      %dma_start3A_235 = arith.constant 0 : i32
      %dma_start3A_236 = arith.constant 0 : i32
      %dma_start3A_237 = tpu.memref_slice %arg4[%add3A_103, %dma_start3A_235, %dma_start3A_236] : memref<80x32x128xi32, #tpu.memory_space<hbm>> -> memref<1x32x128xi32, #tpu.memory_space<hbm>>
      %dma_start3A_238 = tpu.memref_squeeze %dma_start3A_237 : memref<1x32x128xi32, #tpu.memory_space<hbm>> -> memref<32x128xi32, #tpu.memory_space<hbm>>
      %dma_start3A_239 = arith.constant 0 : i32
      %dma_start3A_240 = arith.constant 0 : i32
      %dma_start3A_241 = tpu.memref_slice %arg4[%add3A_103, %dma_start3A_239, %dma_start3A_240] : memref<80x32x128xi32, #tpu.memory_space<hbm>> -> memref<1x32x128xi32, #tpu.memory_space<hbm>>
      %dma_start3A_242 = tpu.memref_squeeze %dma_start3A_241 : memref<1x32x128xi32, #tpu.memory_space<hbm>> -> memref<32x128xi32, #tpu.memory_space<hbm>>
      tpu.enqueue_dma source(%dma_start3A_242 : memref<32x128xi32, #tpu.memory_space<hbm>>) target(%arg8 : memref<32x128xi32, #tpu.memory_space<vmem>>) target_semaphore(%run_scoped3A : memref<!tpu.dma_semaphore, #tpu.memory_space<semaphore_mem>>)
      %dma_wait3A_243 = arith.constant 0 : i32
      %dma_wait3A_244 = arith.constant 0 : i32
      %dma_wait3A_245 = tpu.memref_slice %arg4[%add3A_103, %dma_wait3A_243, %dma_wait3A_244] : memref<80x32x128xi32, #tpu.memory_space<hbm>> -> memref<1x32x128xi32, #tpu.memory_space<hbm>>
      %dma_wait3A_246 = tpu.memref_squeeze %dma_wait3A_245 : memref<1x32x128xi32, #tpu.memory_space<hbm>> -> memref<32x128xi32, #tpu.memory_space<hbm>>
      %dma_wait3A_247 = arith.constant 0 : i32
      %dma_wait3A_248 = arith.constant 0 : i32
      %dma_wait3A_249 = tpu.memref_slice %arg4[%add3A_103, %dma_wait3A_247, %dma_wait3A_248] : memref<80x32x128xi32, #tpu.memory_space<hbm>> -> memref<1x32x128xi32, #tpu.memory_space<hbm>>
      %dma_wait3A_250 = tpu.memref_squeeze %dma_wait3A_249 : memref<1x32x128xi32, #tpu.memory_space<hbm>> -> memref<32x128xi32, #tpu.memory_space<hbm>>
      tpu.wait_dma2 semaphore(%run_scoped3A : memref<!tpu.dma_semaphore, #tpu.memory_space<semaphore_mem>>) src(%dma_wait3A_250 : memref<32x128xi32, #tpu.memory_space<hbm>>) dst(%arg8 : memref<32x128xi32, #tpu.memory_space<vmem>>)
      tpu.yield
    }) : () -> ()
    %dma_start3A_104 = arith.constant 0 : i32
    %dma_start3A_105 = arith.constant 0 : i32
    %dma_start3A_106 = tpu.memref_slice %arg7[%dma_start3A_104, %dma_start3A_105] : memref<32x128xi32, #tpu.memory_space<vmem>> -> memref<1x128xi32, #tpu.memory_space<vmem>>
    %dma_start3A_107 = tpu.memref_squeeze %dma_start3A_106 : memref<1x128xi32, #tpu.memory_space<vmem>> -> memref<128xi32, #tpu.memory_space<vmem>>
    %dma_start3A_108 = arith.constant 0 : i32
    %dma_start3A_109 = arith.constant 0 : i32
    %dma_start3A_110 = tpu.memref_slice %arg2[%dma_start3A_108, %dma_start3A_109] : memref<20000x128xf32, #tpu.memory_space<hbm>> -> memref<20000x128xf32, #tpu.memory_space<hbm>>
    tpu.enqueue_indirect_dma source(%dma_start3A_110 : memref<20000x128xf32, #tpu.memory_space<hbm>>) target(%arg9 : memref<128x128xf32, #tpu.memory_space<vmem>>) offsets(%dma_start3A_107 : memref<128xi32, #tpu.memory_space<vmem>>) semaphore(%arg12 : memref<!tpu.dma_semaphore, #tpu.memory_space<semaphore_mem>>)
    %dma_start3A_111 = arith.constant 1 : i32
    %dma_start3A_112 = arith.constant 0 : i32
    %dma_start3A_113 = tpu.memref_slice %arg7[%dma_start3A_111, %dma_start3A_112] : memref<32x128xi32, #tpu.memory_space<vmem>> -> memref<1x128xi32, #tpu.memory_space<vmem>>
    %dma_start3A_114 = tpu.memref_squeeze %dma_start3A_113 : memref<1x128xi32, #tpu.memory_space<vmem>> -> memref<128xi32, #tpu.memory_space<vmem>>
    %dma_start3A_115 = arith.constant 0 : i32
    %dma_start3A_116 = arith.constant 0 : i32
    %dma_start3A_117 = tpu.memref_slice %arg2[%dma_start3A_115, %dma_start3A_116] : memref<20000x128xf32, #tpu.memory_space<hbm>> -> memref<20000x128xf32, #tpu.memory_space<hbm>>
    tpu.enqueue_indirect_dma source(%dma_start3A_117 : memref<20000x128xf32, #tpu.memory_space<hbm>>) target(%arg10 : memref<128x128xf32, #tpu.memory_space<vmem>>) offsets(%dma_start3A_114 : memref<128xi32, #tpu.memory_space<vmem>>) semaphore(%arg13 : memref<!tpu.dma_semaphore, #tpu.memory_space<semaphore_mem>>)
    %scan3A_118 = arith.constant 0 : i32
    %scan3A_119 = arith.constant 0 : i32
    %scan3A_120 = arith.constant 16 : i32
    %scan3A_121 = arith.addi %scan3A_119, %scan3A_120 : i32
    %scan3A_122 = arith.constant 1 : i32
    scf.for %scan3A_235 = %scan3A_119 to %scan3A_121 step %scan3A_122  : i32 {
      %mul3A_236 = arith.constant 2 : i32
      %mul3A_237 = arith.muli %mul3A_236, %scan3A_235 : i32
      %dma_wait3A_238 = arith.constant 0 : i32
      %dma_wait3A_239 = arith.constant 0 : i32
      %dma_wait3A_240 = tpu.memref_slice %arg7[%dma_wait3A_238, %dma_wait3A_239] : memref<32x128xi32, #tpu.memory_space<vmem>> -> memref<1x128xi32, #tpu.memory_space<vmem>>
      %dma_wait3A_241 = tpu.memref_squeeze %dma_wait3A_240 : memref<1x128xi32, #tpu.memory_space<vmem>> -> memref<128xi32, #tpu.memory_space<vmem>>
      %dma_wait3A_242 = arith.constant 0 : i32
      %dma_wait3A_243 = arith.constant 0 : i32
      %dma_wait3A_244 = tpu.memref_slice %arg2[%dma_wait3A_242, %dma_wait3A_243] : memref<20000x128xf32, #tpu.memory_space<hbm>> -> memref<20000x128xf32, #tpu.memory_space<hbm>>
      tpu.wait_indirect_dma semaphore(%arg12 : memref<!tpu.dma_semaphore, #tpu.memory_space<semaphore_mem>>) src(%dma_wait3A_244 : memref<20000x128xf32, #tpu.memory_space<hbm>>) dst(%arg9 : memref<128x128xf32, #tpu.memory_space<vmem>>)
      %dma_start3A_245 = arith.constant 0 : i32
      %dma_start3A_246 = tpu.memref_slice %arg8[%mul3A_237, %dma_start3A_245] : memref<32x128xi32, #tpu.memory_space<vmem>> -> memref<1x128xi32, #tpu.memory_space<vmem>>
      %dma_start3A_247 = tpu.memref_squeeze %dma_start3A_246 : memref<1x128xi32, #tpu.memory_space<vmem>> -> memref<128xi32, #tpu.memory_space<vmem>>
      %dma_start3A_248 = arith.constant 0 : i32
      %dma_start3A_249 = arith.constant 0 : i32
      %dma_start3A_250 = tpu.memref_slice %arg6[%dma_start3A_248, %dma_start3A_249] : memref<10240x128xf32, #tpu.memory_space<vmem_shared>> -> memref<10240x128xf32, #tpu.memory_space<vmem_shared>>
      tpu.enqueue_indirect_dma source(%arg9 : memref<128x128xf32, #tpu.memory_space<vmem>>) target(%dma_start3A_250 : memref<10240x128xf32, #tpu.memory_space<vmem_shared>>) offsets(%dma_start3A_247 : memref<128xi32, #tpu.memory_space<vmem>>) semaphore(%arg14 : memref<!tpu.dma_semaphore, #tpu.memory_space<semaphore_mem>>) {add = true}
      %add3A_251 = arith.constant 2 : i32
      %add3A_252 = arith.addi %mul3A_237, %add3A_251 : i32
      %lt3A_253 = arith.constant 32 : i32
      %lt3A_254 = arith.cmpi slt, %add3A_252, %lt3A_253 : i32
      %convert_element_type3A_255 = arith.extui %lt3A_254 : i1 to i32
      %cond3A_256 = arith.constant 0 : i32
      %cond3A_257 = arith.cmpi ne, %convert_element_type3A_255, %cond3A_256 : i32
      scf.if %cond3A_257 {
        %dma_wait3A_280 = arith.constant 0 : i32
        %dma_wait3A_281 = arith.constant 0 : i32
        %dma_wait3A_282 = tpu.memref_slice %arg8[%dma_wait3A_280, %dma_wait3A_281] : memref<32x128xi32, #tpu.memory_space<vmem>> -> memref<1x128xi32, #tpu.memory_space<vmem>>
        %dma_wait3A_283 = tpu.memref_squeeze %dma_wait3A_282 : memref<1x128xi32, #tpu.memory_space<vmem>> -> memref<128xi32, #tpu.memory_space<vmem>>
        %dma_wait3A_284 = arith.constant 0 : i32
        %dma_wait3A_285 = arith.constant 0 : i32
        %dma_wait3A_286 = tpu.memref_slice %arg6[%dma_wait3A_284, %dma_wait3A_285] : memref<10240x128xf32, #tpu.memory_space<vmem_shared>> -> memref<10240x128xf32, #tpu.memory_space<vmem_shared>>
        tpu.wait_indirect_dma semaphore(%arg14 : memref<!tpu.dma_semaphore, #tpu.memory_space<semaphore_mem>>) src(%arg9 : memref<128x128xf32, #tpu.memory_space<vmem>>) dst(%dma_wait3A_286 : memref<10240x128xf32, #tpu.memory_space<vmem_shared>>)
        %add3A_287 = arith.constant 2 : i32
        %add3A_288 = arith.addi %mul3A_237, %add3A_287 : i32
        %dma_start3A_289 = arith.constant 0 : i32
        %dma_start3A_290 = tpu.memref_slice %arg7[%add3A_288, %dma_start3A_289] : memref<32x128xi32, #tpu.memory_space<vmem>> -> memref<1x128xi32, #tpu.memory_space<vmem>>
        %dma_start3A_291 = tpu.memref_squeeze %dma_start3A_290 : memref<1x128xi32, #tpu.memory_space<vmem>> -> memref<128xi32, #tpu.memory_space<vmem>>
        %dma_start3A_292 = arith.constant 0 : i32
        %dma_start3A_293 = arith.constant 0 : i32
        %dma_start3A_294 = tpu.memref_slice %arg2[%dma_start3A_292, %dma_start3A_293] : memref<20000x128xf32, #tpu.memory_space<hbm>> -> memref<20000x128xf32, #tpu.memory_space<hbm>>
        tpu.enqueue_indirect_dma source(%dma_start3A_294 : memref<20000x128xf32, #tpu.memory_space<hbm>>) target(%arg9 : memref<128x128xf32, #tpu.memory_space<vmem>>) offsets(%dma_start3A_291 : memref<128xi32, #tpu.memory_space<vmem>>) semaphore(%arg12 : memref<!tpu.dma_semaphore, #tpu.memory_space<semaphore_mem>>)
      } else {
      }
      %add3A_258 = arith.constant 1 : i32
      %add3A_259 = arith.addi %mul3A_237, %add3A_258 : i32
      %dma_wait3A_260 = arith.constant 0 : i32
      %dma_wait3A_261 = arith.constant 0 : i32
      %dma_wait3A_262 = tpu.memref_slice %arg7[%dma_wait3A_260, %dma_wait3A_261] : memref<32x128xi32, #tpu.memory_space<vmem>> -> memref<1x128xi32, #tpu.memory_space<vmem>>
      %dma_wait3A_263 = tpu.memref_squeeze %dma_wait3A_262 : memref<1x128xi32, #tpu.memory_space<vmem>> -> memref<128xi32, #tpu.memory_space<vmem>>
      %dma_wait3A_264 = arith.constant 0 : i32
      %dma_wait3A_265 = arith.constant 0 : i32
      %dma_wait3A_266 = tpu.memref_slice %arg2[%dma_wait3A_264, %dma_wait3A_265] : memref<20000x128xf32, #tpu.memory_space<hbm>> -> memref<20000x128xf32, #tpu.memory_space<hbm>>
      tpu.wait_indirect_dma semaphore(%arg13 : memref<!tpu.dma_semaphore, #tpu.memory_space<semaphore_mem>>) src(%dma_wait3A_266 : memref<20000x128xf32, #tpu.memory_space<hbm>>) dst(%arg10 : memref<128x128xf32, #tpu.memory_space<vmem>>)
      %dma_start3A_267 = arith.constant 0 : i32
      %dma_start3A_268 = tpu.memref_slice %arg8[%add3A_259, %dma_start3A_267] : memref<32x128xi32, #tpu.memory_space<vmem>> -> memref<1x128xi32, #tpu.memory_space<vmem>>
      %dma_start3A_269 = tpu.memref_squeeze %dma_start3A_268 : memref<1x128xi32, #tpu.memory_space<vmem>> -> memref<128xi32, #tpu.memory_space<vmem>>
      %dma_start3A_270 = arith.constant 0 : i32
      %dma_start3A_271 = arith.constant 0 : i32
      %dma_start3A_272 = tpu.memref_slice %arg6[%dma_start3A_270, %dma_start3A_271] : memref<10240x128xf32, #tpu.memory_space<vmem_shared>> -> memref<10240x128xf32, #tpu.memory_space<vmem_shared>>
      tpu.enqueue_indirect_dma source(%arg10 : memref<128x128xf32, #tpu.memory_space<vmem>>) target(%dma_start3A_272 : memref<10240x128xf32, #tpu.memory_space<vmem_shared>>) offsets(%dma_start3A_269 : memref<128xi32, #tpu.memory_space<vmem>>) semaphore(%arg15 : memref<!tpu.dma_semaphore, #tpu.memory_space<semaphore_mem>>) {add = true}
      %add3A_273 = arith.constant 2 : i32
      %add3A_274 = arith.addi %add3A_259, %add3A_273 : i32
      %lt3A_275 = arith.constant 32 : i32
      %lt3A_276 = arith.cmpi slt, %add3A_274, %lt3A_275 : i32
      %convert_element_type3A_277 = arith.extui %lt3A_276 : i1 to i32
      %cond3A_278 = arith.constant 0 : i32
      %cond3A_279 = arith.cmpi ne, %convert_element_type3A_277, %cond3A_278 : i32
      scf.if %cond3A_279 {
        %dma_wait3A_280 = arith.constant 0 : i32
        %dma_wait3A_281 = arith.constant 0 : i32
        %dma_wait3A_282 = tpu.memref_slice %arg8[%dma_wait3A_280, %dma_wait3A_281] : memref<32x128xi32, #tpu.memory_space<vmem>> -> memref<1x128xi32, #tpu.memory_space<vmem>>
        %dma_wait3A_283 = tpu.memref_squeeze %dma_wait3A_282 : memref<1x128xi32, #tpu.memory_space<vmem>> -> memref<128xi32, #tpu.memory_space<vmem>>
        %dma_wait3A_284 = arith.constant 0 : i32
        %dma_wait3A_285 = arith.constant 0 : i32
        %dma_wait3A_286 = tpu.memref_slice %arg6[%dma_wait3A_284, %dma_wait3A_285] : memref<10240x128xf32, #tpu.memory_space<vmem_shared>> -> memref<10240x128xf32, #tpu.memory_space<vmem_shared>>
        tpu.wait_indirect_dma semaphore(%arg15 : memref<!tpu.dma_semaphore, #tpu.memory_space<semaphore_mem>>) src(%arg10 : memref<128x128xf32, #tpu.memory_space<vmem>>) dst(%dma_wait3A_286 : memref<10240x128xf32, #tpu.memory_space<vmem_shared>>)
        %add3A_287 = arith.constant 2 : i32
        %add3A_288 = arith.addi %add3A_259, %add3A_287 : i32
        %dma_start3A_289 = arith.constant 0 : i32
        %dma_start3A_290 = tpu.memref_slice %arg7[%add3A_288, %dma_start3A_289] : memref<32x128xi32, #tpu.memory_space<vmem>> -> memref<1x128xi32, #tpu.memory_space<vmem>>
        %dma_start3A_291 = tpu.memref_squeeze %dma_start3A_290 : memref<1x128xi32, #tpu.memory_space<vmem>> -> memref<128xi32, #tpu.memory_space<vmem>>
        %dma_start3A_292 = arith.constant 0 : i32
        %dma_start3A_293 = arith.constant 0 : i32
        %dma_start3A_294 = tpu.memref_slice %arg2[%dma_start3A_292, %dma_start3A_293] : memref<20000x128xf32, #tpu.memory_space<hbm>> -> memref<20000x128xf32, #tpu.memory_space<hbm>>
        tpu.enqueue_indirect_dma source(%dma_start3A_294 : memref<20000x128xf32, #tpu.memory_space<hbm>>) target(%arg10 : memref<128x128xf32, #tpu.memory_space<vmem>>) offsets(%dma_start3A_291 : memref<128xi32, #tpu.memory_space<vmem>>) semaphore(%arg13 : memref<!tpu.dma_semaphore, #tpu.memory_space<semaphore_mem>>)
      } else {
      }
    }
    %scan3A_123 = arith.constant 16 : i32
    %dma_wait3A_124 = arith.constant 0 : i32
    %dma_wait3A_125 = arith.constant 0 : i32
    %dma_wait3A_126 = tpu.memref_slice %arg8[%dma_wait3A_124, %dma_wait3A_125] : memref<32x128xi32, #tpu.memory_space<vmem>> -> memref<1x128xi32, #tpu.memory_space<vmem>>
    %dma_wait3A_127 = tpu.memref_squeeze %dma_wait3A_126 : memref<1x128xi32, #tpu.memory_space<vmem>> -> memref<128xi32, #tpu.memory_space<vmem>>
    %dma_wait3A_128 = arith.constant 0 : i32
    %dma_wait3A_129 = arith.constant 0 : i32
    %dma_wait3A_130 = tpu.memref_slice %arg6[%dma_wait3A_128, %dma_wait3A_129] : memref<10240x128xf32, #tpu.memory_space<vmem_shared>> -> memref<10240x128xf32, #tpu.memory_space<vmem_shared>>
    tpu.wait_indirect_dma semaphore(%arg14 : memref<!tpu.dma_semaphore, #tpu.memory_space<semaphore_mem>>) src(%arg9 : memref<128x128xf32, #tpu.memory_space<vmem>>) dst(%dma_wait3A_130 : memref<10240x128xf32, #tpu.memory_space<vmem_shared>>)
    %dma_wait3A_131 = arith.constant 1 : i32
    %dma_wait3A_132 = arith.constant 0 : i32
    %dma_wait3A_133 = tpu.memref_slice %arg8[%dma_wait3A_131, %dma_wait3A_132] : memref<32x128xi32, #tpu.memory_space<vmem>> -> memref<1x128xi32, #tpu.memory_space<vmem>>
    %dma_wait3A_134 = tpu.memref_squeeze %dma_wait3A_133 : memref<1x128xi32, #tpu.memory_space<vmem>> -> memref<128xi32, #tpu.memory_space<vmem>>
    %dma_wait3A_135 = arith.constant 0 : i32
    %dma_wait3A_136 = arith.constant 0 : i32
    %dma_wait3A_137 = tpu.memref_slice %arg6[%dma_wait3A_135, %dma_wait3A_136] : memref<10240x128xf32, #tpu.memory_space<vmem_shared>> -> memref<10240x128xf32, #tpu.memory_space<vmem_shared>>
    tpu.wait_indirect_dma semaphore(%arg15 : memref<!tpu.dma_semaphore, #tpu.memory_space<semaphore_mem>>) src(%arg10 : memref<128x128xf32, #tpu.memory_space<vmem>>) dst(%dma_wait3A_137 : memref<10240x128xf32, #tpu.memory_space<vmem_shared>>)
    %mul3A_138 = arith.constant 16 : i32
    %mul3A_139 = arith.muli %arg0, %mul3A_138 : i32
    %add3A_140 = arith.addi %mul3A_139, %arg1 : i32
    %mul3A_141 = arith.constant 5 : i32
    %mul3A_142 = arith.muli %add3A_140, %mul3A_141 : i32
    %add3A_143 = arith.constant 3 : i32
    %add3A_144 = arith.addi %mul3A_142, %add3A_143 : i32
    "tpu.region"() ({
      %run_scoped3A = tpu.sem_alloc : memref<!tpu.dma_semaphore, #tpu.memory_space<semaphore_mem>>
      %dma_start3A_235 = arith.constant 0 : i32
      %dma_start3A_236 = arith.constant 0 : i32
      %dma_start3A_237 = tpu.memref_slice %arg3[%add3A_144, %dma_start3A_235, %dma_start3A_236] : memref<160x32x128xi32, #tpu.memory_space<hbm>> -> memref<1x32x128xi32, #tpu.memory_space<hbm>>
      %dma_start3A_238 = tpu.memref_squeeze %dma_start3A_237 : memref<1x32x128xi32, #tpu.memory_space<hbm>> -> memref<32x128xi32, #tpu.memory_space<hbm>>
      %dma_start3A_239 = arith.constant 0 : i32
      %dma_start3A_240 = arith.constant 0 : i32
      %dma_start3A_241 = tpu.memref_slice %arg3[%add3A_144, %dma_start3A_239, %dma_start3A_240] : memref<160x32x128xi32, #tpu.memory_space<hbm>> -> memref<1x32x128xi32, #tpu.memory_space<hbm>>
      %dma_start3A_242 = tpu.memref_squeeze %dma_start3A_241 : memref<1x32x128xi32, #tpu.memory_space<hbm>> -> memref<32x128xi32, #tpu.memory_space<hbm>>
      tpu.enqueue_dma source(%dma_start3A_242 : memref<32x128xi32, #tpu.memory_space<hbm>>) target(%arg7 : memref<32x128xi32, #tpu.memory_space<vmem>>) target_semaphore(%run_scoped3A : memref<!tpu.dma_semaphore, #tpu.memory_space<semaphore_mem>>)
      %dma_wait3A_243 = arith.constant 0 : i32
      %dma_wait3A_244 = arith.constant 0 : i32
      %dma_wait3A_245 = tpu.memref_slice %arg3[%add3A_144, %dma_wait3A_243, %dma_wait3A_244] : memref<160x32x128xi32, #tpu.memory_space<hbm>> -> memref<1x32x128xi32, #tpu.memory_space<hbm>>
      %dma_wait3A_246 = tpu.memref_squeeze %dma_wait3A_245 : memref<1x32x128xi32, #tpu.memory_space<hbm>> -> memref<32x128xi32, #tpu.memory_space<hbm>>
      %dma_wait3A_247 = arith.constant 0 : i32
      %dma_wait3A_248 = arith.constant 0 : i32
      %dma_wait3A_249 = tpu.memref_slice %arg3[%add3A_144, %dma_wait3A_247, %dma_wait3A_248] : memref<160x32x128xi32, #tpu.memory_space<hbm>> -> memref<1x32x128xi32, #tpu.memory_space<hbm>>
      %dma_wait3A_250 = tpu.memref_squeeze %dma_wait3A_249 : memref<1x32x128xi32, #tpu.memory_space<hbm>> -> memref<32x128xi32, #tpu.memory_space<hbm>>
      tpu.wait_dma2 semaphore(%run_scoped3A : memref<!tpu.dma_semaphore, #tpu.memory_space<semaphore_mem>>) src(%dma_wait3A_250 : memref<32x128xi32, #tpu.memory_space<hbm>>) dst(%arg7 : memref<32x128xi32, #tpu.memory_space<vmem>>)
      tpu.yield
    }) : () -> ()
    %mul3A_145 = arith.constant 5 : i32
    %mul3A_146 = arith.muli %arg1, %mul3A_145 : i32
    %add3A_147 = arith.constant 3 : i32
    %add3A_148 = arith.addi %mul3A_146, %add3A_147 : i32
    "tpu.region"() ({
      %run_scoped3A = tpu.sem_alloc : memref<!tpu.dma_semaphore, #tpu.memory_space<semaphore_mem>>
      %dma_start3A_235 = arith.constant 0 : i32
      %dma_start3A_236 = arith.constant 0 : i32
      %dma_start3A_237 = tpu.memref_slice %arg4[%add3A_148, %dma_start3A_235, %dma_start3A_236] : memref<80x32x128xi32, #tpu.memory_space<hbm>> -> memref<1x32x128xi32, #tpu.memory_space<hbm>>
      %dma_start3A_238 = tpu.memref_squeeze %dma_start3A_237 : memref<1x32x128xi32, #tpu.memory_space<hbm>> -> memref<32x128xi32, #tpu.memory_space<hbm>>
      %dma_start3A_239 = arith.constant 0 : i32
      %dma_start3A_240 = arith.constant 0 : i32
      %dma_start3A_241 = tpu.memref_slice %arg4[%add3A_148, %dma_start3A_239, %dma_start3A_240] : memref<80x32x128xi32, #tpu.memory_space<hbm>> -> memref<1x32x128xi32, #tpu.memory_space<hbm>>
      %dma_start3A_242 = tpu.memref_squeeze %dma_start3A_241 : memref<1x32x128xi32, #tpu.memory_space<hbm>> -> memref<32x128xi32, #tpu.memory_space<hbm>>
      tpu.enqueue_dma source(%dma_start3A_242 : memref<32x128xi32, #tpu.memory_space<hbm>>) target(%arg8 : memref<32x128xi32, #tpu.memory_space<vmem>>) target_semaphore(%run_scoped3A : memref<!tpu.dma_semaphore, #tpu.memory_space<semaphore_mem>>)
      %dma_wait3A_243 = arith.constant 0 : i32
      %dma_wait3A_244 = arith.constant 0 : i32
      %dma_wait3A_245 = tpu.memref_slice %arg4[%add3A_148, %dma_wait3A_243, %dma_wait3A_244] : memref<80x32x128xi32, #tpu.memory_space<hbm>> -> memref<1x32x128xi32, #tpu.memory_space<hbm>>
      %dma_wait3A_246 = tpu.memref_squeeze %dma_wait3A_245 : memref<1x32x128xi32, #tpu.memory_space<hbm>> -> memref<32x128xi32, #tpu.memory_space<hbm>>
      %dma_wait3A_247 = arith.constant 0 : i32
      %dma_wait3A_248 = arith.constant 0 : i32
      %dma_wait3A_249 = tpu.memref_slice %arg4[%add3A_148, %dma_wait3A_247, %dma_wait3A_248] : memref<80x32x128xi32, #tpu.memory_space<hbm>> -> memref<1x32x128xi32, #tpu.memory_space<hbm>>
      %dma_wait3A_250 = tpu.memref_squeeze %dma_wait3A_249 : memref<1x32x128xi32, #tpu.memory_space<hbm>> -> memref<32x128xi32, #tpu.memory_space<hbm>>
      tpu.wait_dma2 semaphore(%run_scoped3A : memref<!tpu.dma_semaphore, #tpu.memory_space<semaphore_mem>>) src(%dma_wait3A_250 : memref<32x128xi32, #tpu.memory_space<hbm>>) dst(%arg8 : memref<32x128xi32, #tpu.memory_space<vmem>>)
      tpu.yield
    }) : () -> ()
    %dma_start3A_149 = arith.constant 0 : i32
    %dma_start3A_150 = arith.constant 0 : i32
    %dma_start3A_151 = tpu.memref_slice %arg7[%dma_start3A_149, %dma_start3A_150] : memref<32x128xi32, #tpu.memory_space<vmem>> -> memref<1x128xi32, #tpu.memory_space<vmem>>
    %dma_start3A_152 = tpu.memref_squeeze %dma_start3A_151 : memref<1x128xi32, #tpu.memory_space<vmem>> -> memref<128xi32, #tpu.memory_space<vmem>>
    %dma_start3A_153 = arith.constant 0 : i32
    %dma_start3A_154 = arith.constant 0 : i32
    %dma_start3A_155 = tpu.memref_slice %arg2[%dma_start3A_153, %dma_start3A_154] : memref<20000x128xf32, #tpu.memory_space<hbm>> -> memref<20000x128xf32, #tpu.memory_space<hbm>>
    tpu.enqueue_indirect_dma source(%dma_start3A_155 : memref<20000x128xf32, #tpu.memory_space<hbm>>) target(%arg9 : memref<128x128xf32, #tpu.memory_space<vmem>>) offsets(%dma_start3A_152 : memref<128xi32, #tpu.memory_space<vmem>>) semaphore(%arg12 : memref<!tpu.dma_semaphore, #tpu.memory_space<semaphore_mem>>)
    %dma_start3A_156 = arith.constant 1 : i32
    %dma_start3A_157 = arith.constant 0 : i32
    %dma_start3A_158 = tpu.memref_slice %arg7[%dma_start3A_156, %dma_start3A_157] : memref<32x128xi32, #tpu.memory_space<vmem>> -> memref<1x128xi32, #tpu.memory_space<vmem>>
    %dma_start3A_159 = tpu.memref_squeeze %dma_start3A_158 : memref<1x128xi32, #tpu.memory_space<vmem>> -> memref<128xi32, #tpu.memory_space<vmem>>
    %dma_start3A_160 = arith.constant 0 : i32
    %dma_start3A_161 = arith.constant 0 : i32
    %dma_start3A_162 = tpu.memref_slice %arg2[%dma_start3A_160, %dma_start3A_161] : memref<20000x128xf32, #tpu.memory_space<hbm>> -> memref<20000x128xf32, #tpu.memory_space<hbm>>
    tpu.enqueue_indirect_dma source(%dma_start3A_162 : memref<20000x128xf32, #tpu.memory_space<hbm>>) target(%arg10 : memref<128x128xf32, #tpu.memory_space<vmem>>) offsets(%dma_start3A_159 : memref<128xi32, #tpu.memory_space<vmem>>) semaphore(%arg13 : memref<!tpu.dma_semaphore, #tpu.memory_space<semaphore_mem>>)
    %scan3A_163 = arith.constant 0 : i32
    %scan3A_164 = arith.constant 0 : i32
    %scan3A_165 = arith.constant 16 : i32
    %scan3A_166 = arith.addi %scan3A_164, %scan3A_165 : i32
    %scan3A_167 = arith.constant 1 : i32
    scf.for %scan3A_235 = %scan3A_164 to %scan3A_166 step %scan3A_167  : i32 {
      %mul3A_236 = arith.constant 2 : i32
      %mul3A_237 = arith.muli %mul3A_236, %scan3A_235 : i32
      %dma_wait3A_238 = arith.constant 0 : i32
      %dma_wait3A_239 = arith.constant 0 : i32
      %dma_wait3A_240 = tpu.memref_slice %arg7[%dma_wait3A_238, %dma_wait3A_239] : memref<32x128xi32, #tpu.memory_space<vmem>> -> memref<1x128xi32, #tpu.memory_space<vmem>>
      %dma_wait3A_241 = tpu.memref_squeeze %dma_wait3A_240 : memref<1x128xi32, #tpu.memory_space<vmem>> -> memref<128xi32, #tpu.memory_space<vmem>>
      %dma_wait3A_242 = arith.constant 0 : i32
      %dma_wait3A_243 = arith.constant 0 : i32
      %dma_wait3A_244 = tpu.memref_slice %arg2[%dma_wait3A_242, %dma_wait3A_243] : memref<20000x128xf32, #tpu.memory_space<hbm>> -> memref<20000x128xf32, #tpu.memory_space<hbm>>
      tpu.wait_indirect_dma semaphore(%arg12 : memref<!tpu.dma_semaphore, #tpu.memory_space<semaphore_mem>>) src(%dma_wait3A_244 : memref<20000x128xf32, #tpu.memory_space<hbm>>) dst(%arg9 : memref<128x128xf32, #tpu.memory_space<vmem>>)
      %dma_start3A_245 = arith.constant 0 : i32
      %dma_start3A_246 = tpu.memref_slice %arg8[%mul3A_237, %dma_start3A_245] : memref<32x128xi32, #tpu.memory_space<vmem>> -> memref<1x128xi32, #tpu.memory_space<vmem>>
      %dma_start3A_247 = tpu.memref_squeeze %dma_start3A_246 : memref<1x128xi32, #tpu.memory_space<vmem>> -> memref<128xi32, #tpu.memory_space<vmem>>
      %dma_start3A_248 = arith.constant 0 : i32
      %dma_start3A_249 = arith.constant 0 : i32
      %dma_start3A_250 = tpu.memref_slice %arg6[%dma_start3A_248, %dma_start3A_249] : memref<10240x128xf32, #tpu.memory_space<vmem_shared>> -> memref<10240x128xf32, #tpu.memory_space<vmem_shared>>
      tpu.enqueue_indirect_dma source(%arg9 : memref<128x128xf32, #tpu.memory_space<vmem>>) target(%dma_start3A_250 : memref<10240x128xf32, #tpu.memory_space<vmem_shared>>) offsets(%dma_start3A_247 : memref<128xi32, #tpu.memory_space<vmem>>) semaphore(%arg14 : memref<!tpu.dma_semaphore, #tpu.memory_space<semaphore_mem>>) {add = true}
      %add3A_251 = arith.constant 2 : i32
      %add3A_252 = arith.addi %mul3A_237, %add3A_251 : i32
      %lt3A_253 = arith.constant 32 : i32
      %lt3A_254 = arith.cmpi slt, %add3A_252, %lt3A_253 : i32
      %convert_element_type3A_255 = arith.extui %lt3A_254 : i1 to i32
      %cond3A_256 = arith.constant 0 : i32
      %cond3A_257 = arith.cmpi ne, %convert_element_type3A_255, %cond3A_256 : i32
      scf.if %cond3A_257 {
        %dma_wait3A_280 = arith.constant 0 : i32
        %dma_wait3A_281 = arith.constant 0 : i32
        %dma_wait3A_282 = tpu.memref_slice %arg8[%dma_wait3A_280, %dma_wait3A_281] : memref<32x128xi32, #tpu.memory_space<vmem>> -> memref<1x128xi32, #tpu.memory_space<vmem>>
        %dma_wait3A_283 = tpu.memref_squeeze %dma_wait3A_282 : memref<1x128xi32, #tpu.memory_space<vmem>> -> memref<128xi32, #tpu.memory_space<vmem>>
        %dma_wait3A_284 = arith.constant 0 : i32
        %dma_wait3A_285 = arith.constant 0 : i32
        %dma_wait3A_286 = tpu.memref_slice %arg6[%dma_wait3A_284, %dma_wait3A_285] : memref<10240x128xf32, #tpu.memory_space<vmem_shared>> -> memref<10240x128xf32, #tpu.memory_space<vmem_shared>>
        tpu.wait_indirect_dma semaphore(%arg14 : memref<!tpu.dma_semaphore, #tpu.memory_space<semaphore_mem>>) src(%arg9 : memref<128x128xf32, #tpu.memory_space<vmem>>) dst(%dma_wait3A_286 : memref<10240x128xf32, #tpu.memory_space<vmem_shared>>)
        %add3A_287 = arith.constant 2 : i32
        %add3A_288 = arith.addi %mul3A_237, %add3A_287 : i32
        %dma_start3A_289 = arith.constant 0 : i32
        %dma_start3A_290 = tpu.memref_slice %arg7[%add3A_288, %dma_start3A_289] : memref<32x128xi32, #tpu.memory_space<vmem>> -> memref<1x128xi32, #tpu.memory_space<vmem>>
        %dma_start3A_291 = tpu.memref_squeeze %dma_start3A_290 : memref<1x128xi32, #tpu.memory_space<vmem>> -> memref<128xi32, #tpu.memory_space<vmem>>
        %dma_start3A_292 = arith.constant 0 : i32
        %dma_start3A_293 = arith.constant 0 : i32
        %dma_start3A_294 = tpu.memref_slice %arg2[%dma_start3A_292, %dma_start3A_293] : memref<20000x128xf32, #tpu.memory_space<hbm>> -> memref<20000x128xf32, #tpu.memory_space<hbm>>
        tpu.enqueue_indirect_dma source(%dma_start3A_294 : memref<20000x128xf32, #tpu.memory_space<hbm>>) target(%arg9 : memref<128x128xf32, #tpu.memory_space<vmem>>) offsets(%dma_start3A_291 : memref<128xi32, #tpu.memory_space<vmem>>) semaphore(%arg12 : memref<!tpu.dma_semaphore, #tpu.memory_space<semaphore_mem>>)
      } else {
      }
      %add3A_258 = arith.constant 1 : i32
      %add3A_259 = arith.addi %mul3A_237, %add3A_258 : i32
      %dma_wait3A_260 = arith.constant 0 : i32
      %dma_wait3A_261 = arith.constant 0 : i32
      %dma_wait3A_262 = tpu.memref_slice %arg7[%dma_wait3A_260, %dma_wait3A_261] : memref<32x128xi32, #tpu.memory_space<vmem>> -> memref<1x128xi32, #tpu.memory_space<vmem>>
      %dma_wait3A_263 = tpu.memref_squeeze %dma_wait3A_262 : memref<1x128xi32, #tpu.memory_space<vmem>> -> memref<128xi32, #tpu.memory_space<vmem>>
      %dma_wait3A_264 = arith.constant 0 : i32
      %dma_wait3A_265 = arith.constant 0 : i32
      %dma_wait3A_266 = tpu.memref_slice %arg2[%dma_wait3A_264, %dma_wait3A_265] : memref<20000x128xf32, #tpu.memory_space<hbm>> -> memref<20000x128xf32, #tpu.memory_space<hbm>>
      tpu.wait_indirect_dma semaphore(%arg13 : memref<!tpu.dma_semaphore, #tpu.memory_space<semaphore_mem>>) src(%dma_wait3A_266 : memref<20000x128xf32, #tpu.memory_space<hbm>>) dst(%arg10 : memref<128x128xf32, #tpu.memory_space<vmem>>)
      %dma_start3A_267 = arith.constant 0 : i32
      %dma_start3A_268 = tpu.memref_slice %arg8[%add3A_259, %dma_start3A_267] : memref<32x128xi32, #tpu.memory_space<vmem>> -> memref<1x128xi32, #tpu.memory_space<vmem>>
      %dma_start3A_269 = tpu.memref_squeeze %dma_start3A_268 : memref<1x128xi32, #tpu.memory_space<vmem>> -> memref<128xi32, #tpu.memory_space<vmem>>
      %dma_start3A_270 = arith.constant 0 : i32
      %dma_start3A_271 = arith.constant 0 : i32
      %dma_start3A_272 = tpu.memref_slice %arg6[%dma_start3A_270, %dma_start3A_271] : memref<10240x128xf32, #tpu.memory_space<vmem_shared>> -> memref<10240x128xf32, #tpu.memory_space<vmem_shared>>
      tpu.enqueue_indirect_dma source(%arg10 : memref<128x128xf32, #tpu.memory_space<vmem>>) target(%dma_start3A_272 : memref<10240x128xf32, #tpu.memory_space<vmem_shared>>) offsets(%dma_start3A_269 : memref<128xi32, #tpu.memory_space<vmem>>) semaphore(%arg15 : memref<!tpu.dma_semaphore, #tpu.memory_space<semaphore_mem>>) {add = true}
      %add3A_273 = arith.constant 2 : i32
      %add3A_274 = arith.addi %add3A_259, %add3A_273 : i32
      %lt3A_275 = arith.constant 32 : i32
      %lt3A_276 = arith.cmpi slt, %add3A_274, %lt3A_275 : i32
      %convert_element_type3A_277 = arith.extui %lt3A_276 : i1 to i32
      %cond3A_278 = arith.constant 0 : i32
      %cond3A_279 = arith.cmpi ne, %convert_element_type3A_277, %cond3A_278 : i32
      scf.if %cond3A_279 {
        %dma_wait3A_280 = arith.constant 0 : i32
        %dma_wait3A_281 = arith.constant 0 : i32
        %dma_wait3A_282 = tpu.memref_slice %arg8[%dma_wait3A_280, %dma_wait3A_281] : memref<32x128xi32, #tpu.memory_space<vmem>> -> memref<1x128xi32, #tpu.memory_space<vmem>>
        %dma_wait3A_283 = tpu.memref_squeeze %dma_wait3A_282 : memref<1x128xi32, #tpu.memory_space<vmem>> -> memref<128xi32, #tpu.memory_space<vmem>>
        %dma_wait3A_284 = arith.constant 0 : i32
        %dma_wait3A_285 = arith.constant 0 : i32
        %dma_wait3A_286 = tpu.memref_slice %arg6[%dma_wait3A_284, %dma_wait3A_285] : memref<10240x128xf32, #tpu.memory_space<vmem_shared>> -> memref<10240x128xf32, #tpu.memory_space<vmem_shared>>
        tpu.wait_indirect_dma semaphore(%arg15 : memref<!tpu.dma_semaphore, #tpu.memory_space<semaphore_mem>>) src(%arg10 : memref<128x128xf32, #tpu.memory_space<vmem>>) dst(%dma_wait3A_286 : memref<10240x128xf32, #tpu.memory_space<vmem_shared>>)
        %add3A_287 = arith.constant 2 : i32
        %add3A_288 = arith.addi %add3A_259, %add3A_287 : i32
        %dma_start3A_289 = arith.constant 0 : i32
        %dma_start3A_290 = tpu.memref_slice %arg7[%add3A_288, %dma_start3A_289] : memref<32x128xi32, #tpu.memory_space<vmem>> -> memref<1x128xi32, #tpu.memory_space<vmem>>
        %dma_start3A_291 = tpu.memref_squeeze %dma_start3A_290 : memref<1x128xi32, #tpu.memory_space<vmem>> -> memref<128xi32, #tpu.memory_space<vmem>>
        %dma_start3A_292 = arith.constant 0 : i32
        %dma_start3A_293 = arith.constant 0 : i32
        %dma_start3A_294 = tpu.memref_slice %arg2[%dma_start3A_292, %dma_start3A_293] : memref<20000x128xf32, #tpu.memory_space<hbm>> -> memref<20000x128xf32, #tpu.memory_space<hbm>>
        tpu.enqueue_indirect_dma source(%dma_start3A_294 : memref<20000x128xf32, #tpu.memory_space<hbm>>) target(%arg10 : memref<128x128xf32, #tpu.memory_space<vmem>>) offsets(%dma_start3A_291 : memref<128xi32, #tpu.memory_space<vmem>>) semaphore(%arg13 : memref<!tpu.dma_semaphore, #tpu.memory_space<semaphore_mem>>)
      } else {
      }
    }
    %scan3A_168 = arith.constant 16 : i32
    %dma_wait3A_169 = arith.constant 0 : i32
    %dma_wait3A_170 = arith.constant 0 : i32
    %dma_wait3A_171 = tpu.memref_slice %arg8[%dma_wait3A_169, %dma_wait3A_170] : memref<32x128xi32, #tpu.memory_space<vmem>> -> memref<1x128xi32, #tpu.memory_space<vmem>>
    %dma_wait3A_172 = tpu.memref_squeeze %dma_wait3A_171 : memref<1x128xi32, #tpu.memory_space<vmem>> -> memref<128xi32, #tpu.memory_space<vmem>>
    %dma_wait3A_173 = arith.constant 0 : i32
    %dma_wait3A_174 = arith.constant 0 : i32
    %dma_wait3A_175 = tpu.memref_slice %arg6[%dma_wait3A_173, %dma_wait3A_174] : memref<10240x128xf32, #tpu.memory_space<vmem_shared>> -> memref<10240x128xf32, #tpu.memory_space<vmem_shared>>
    tpu.wait_indirect_dma semaphore(%arg14 : memref<!tpu.dma_semaphore, #tpu.memory_space<semaphore_mem>>) src(%arg9 : memref<128x128xf32, #tpu.memory_space<vmem>>) dst(%dma_wait3A_175 : memref<10240x128xf32, #tpu.memory_space<vmem_shared>>)
    %dma_wait3A_176 = arith.constant 1 : i32
    %dma_wait3A_177 = arith.constant 0 : i32
    %dma_wait3A_178 = tpu.memref_slice %arg8[%dma_wait3A_176, %dma_wait3A_177] : memref<32x128xi32, #tpu.memory_space<vmem>> -> memref<1x128xi32, #tpu.memory_space<vmem>>
    %dma_wait3A_179 = tpu.memref_squeeze %dma_wait3A_178 : memref<1x128xi32, #tpu.memory_space<vmem>> -> memref<128xi32, #tpu.memory_space<vmem>>
    %dma_wait3A_180 = arith.constant 0 : i32
    %dma_wait3A_181 = arith.constant 0 : i32
    %dma_wait3A_182 = tpu.memref_slice %arg6[%dma_wait3A_180, %dma_wait3A_181] : memref<10240x128xf32, #tpu.memory_space<vmem_shared>> -> memref<10240x128xf32, #tpu.memory_space<vmem_shared>>
    tpu.wait_indirect_dma semaphore(%arg15 : memref<!tpu.dma_semaphore, #tpu.memory_space<semaphore_mem>>) src(%arg10 : memref<128x128xf32, #tpu.memory_space<vmem>>) dst(%dma_wait3A_182 : memref<10240x128xf32, #tpu.memory_space<vmem_shared>>)
    %mul3A_183 = arith.constant 16 : i32
    %mul3A_184 = arith.muli %arg0, %mul3A_183 : i32
    %add3A_185 = arith.addi %mul3A_184, %arg1 : i32
    %mul3A_186 = arith.constant 5 : i32
    %mul3A_187 = arith.muli %add3A_185, %mul3A_186 : i32
    %add3A_188 = arith.constant 4 : i32
    %add3A_189 = arith.addi %mul3A_187, %add3A_188 : i32
    "tpu.region"() ({
      %run_scoped3A = tpu.sem_alloc : memref<!tpu.dma_semaphore, #tpu.memory_space<semaphore_mem>>
      %dma_start3A_235 = arith.constant 0 : i32
      %dma_start3A_236 = arith.constant 0 : i32
      %dma_start3A_237 = tpu.memref_slice %arg3[%add3A_189, %dma_start3A_235, %dma_start3A_236] : memref<160x32x128xi32, #tpu.memory_space<hbm>> -> memref<1x32x128xi32, #tpu.memory_space<hbm>>
      %dma_start3A_238 = tpu.memref_squeeze %dma_start3A_237 : memref<1x32x128xi32, #tpu.memory_space<hbm>> -> memref<32x128xi32, #tpu.memory_space<hbm>>
      %dma_start3A_239 = arith.constant 0 : i32
      %dma_start3A_240 = arith.constant 0 : i32
      %dma_start3A_241 = tpu.memref_slice %arg3[%add3A_189, %dma_start3A_239, %dma_start3A_240] : memref<160x32x128xi32, #tpu.memory_space<hbm>> -> memref<1x32x128xi32, #tpu.memory_space<hbm>>
      %dma_start3A_242 = tpu.memref_squeeze %dma_start3A_241 : memref<1x32x128xi32, #tpu.memory_space<hbm>> -> memref<32x128xi32, #tpu.memory_space<hbm>>
      tpu.enqueue_dma source(%dma_start3A_242 : memref<32x128xi32, #tpu.memory_space<hbm>>) target(%arg7 : memref<32x128xi32, #tpu.memory_space<vmem>>) target_semaphore(%run_scoped3A : memref<!tpu.dma_semaphore, #tpu.memory_space<semaphore_mem>>)
      %dma_wait3A_243 = arith.constant 0 : i32
      %dma_wait3A_244 = arith.constant 0 : i32
      %dma_wait3A_245 = tpu.memref_slice %arg3[%add3A_189, %dma_wait3A_243, %dma_wait3A_244] : memref<160x32x128xi32, #tpu.memory_space<hbm>> -> memref<1x32x128xi32, #tpu.memory_space<hbm>>
      %dma_wait3A_246 = tpu.memref_squeeze %dma_wait3A_245 : memref<1x32x128xi32, #tpu.memory_space<hbm>> -> memref<32x128xi32, #tpu.memory_space<hbm>>
      %dma_wait3A_247 = arith.constant 0 : i32
      %dma_wait3A_248 = arith.constant 0 : i32
      %dma_wait3A_249 = tpu.memref_slice %arg3[%add3A_189, %dma_wait3A_247, %dma_wait3A_248] : memref<160x32x128xi32, #tpu.memory_space<hbm>> -> memref<1x32x128xi32, #tpu.memory_space<hbm>>
      %dma_wait3A_250 = tpu.memref_squeeze %dma_wait3A_249 : memref<1x32x128xi32, #tpu.memory_space<hbm>> -> memref<32x128xi32, #tpu.memory_space<hbm>>
      tpu.wait_dma2 semaphore(%run_scoped3A : memref<!tpu.dma_semaphore, #tpu.memory_space<semaphore_mem>>) src(%dma_wait3A_250 : memref<32x128xi32, #tpu.memory_space<hbm>>) dst(%arg7 : memref<32x128xi32, #tpu.memory_space<vmem>>)
      tpu.yield
    }) : () -> ()
    %mul3A_190 = arith.constant 5 : i32
    %mul3A_191 = arith.muli %arg1, %mul3A_190 : i32
    %add3A_192 = arith.constant 4 : i32
    %add3A_193 = arith.addi %mul3A_191, %add3A_192 : i32
    "tpu.region"() ({
      %run_scoped3A = tpu.sem_alloc : memref<!tpu.dma_semaphore, #tpu.memory_space<semaphore_mem>>
      %dma_start3A_235 = arith.constant 0 : i32
      %dma_start3A_236 = arith.constant 0 : i32
      %dma_start3A_237 = tpu.memref_slice %arg4[%add3A_193, %dma_start3A_235, %dma_start3A_236] : memref<80x32x128xi32, #tpu.memory_space<hbm>> -> memref<1x32x128xi32, #tpu.memory_space<hbm>>
      %dma_start3A_238 = tpu.memref_squeeze %dma_start3A_237 : memref<1x32x128xi32, #tpu.memory_space<hbm>> -> memref<32x128xi32, #tpu.memory_space<hbm>>
      %dma_start3A_239 = arith.constant 0 : i32
      %dma_start3A_240 = arith.constant 0 : i32
      %dma_start3A_241 = tpu.memref_slice %arg4[%add3A_193, %dma_start3A_239, %dma_start3A_240] : memref<80x32x128xi32, #tpu.memory_space<hbm>> -> memref<1x32x128xi32, #tpu.memory_space<hbm>>
      %dma_start3A_242 = tpu.memref_squeeze %dma_start3A_241 : memref<1x32x128xi32, #tpu.memory_space<hbm>> -> memref<32x128xi32, #tpu.memory_space<hbm>>
      tpu.enqueue_dma source(%dma_start3A_242 : memref<32x128xi32, #tpu.memory_space<hbm>>) target(%arg8 : memref<32x128xi32, #tpu.memory_space<vmem>>) target_semaphore(%run_scoped3A : memref<!tpu.dma_semaphore, #tpu.memory_space<semaphore_mem>>)
      %dma_wait3A_243 = arith.constant 0 : i32
      %dma_wait3A_244 = arith.constant 0 : i32
      %dma_wait3A_245 = tpu.memref_slice %arg4[%add3A_193, %dma_wait3A_243, %dma_wait3A_244] : memref<80x32x128xi32, #tpu.memory_space<hbm>> -> memref<1x32x128xi32, #tpu.memory_space<hbm>>
      %dma_wait3A_246 = tpu.memref_squeeze %dma_wait3A_245 : memref<1x32x128xi32, #tpu.memory_space<hbm>> -> memref<32x128xi32, #tpu.memory_space<hbm>>
      %dma_wait3A_247 = arith.constant 0 : i32
      %dma_wait3A_248 = arith.constant 0 : i32
      %dma_wait3A_249 = tpu.memref_slice %arg4[%add3A_193, %dma_wait3A_247, %dma_wait3A_248] : memref<80x32x128xi32, #tpu.memory_space<hbm>> -> memref<1x32x128xi32, #tpu.memory_space<hbm>>
      %dma_wait3A_250 = tpu.memref_squeeze %dma_wait3A_249 : memref<1x32x128xi32, #tpu.memory_space<hbm>> -> memref<32x128xi32, #tpu.memory_space<hbm>>
      tpu.wait_dma2 semaphore(%run_scoped3A : memref<!tpu.dma_semaphore, #tpu.memory_space<semaphore_mem>>) src(%dma_wait3A_250 : memref<32x128xi32, #tpu.memory_space<hbm>>) dst(%arg8 : memref<32x128xi32, #tpu.memory_space<vmem>>)
      tpu.yield
    }) : () -> ()
    %dma_start3A_194 = arith.constant 0 : i32
    %dma_start3A_195 = arith.constant 0 : i32
    %dma_start3A_196 = tpu.memref_slice %arg7[%dma_start3A_194, %dma_start3A_195] : memref<32x128xi32, #tpu.memory_space<vmem>> -> memref<1x128xi32, #tpu.memory_space<vmem>>
    %dma_start3A_197 = tpu.memref_squeeze %dma_start3A_196 : memref<1x128xi32, #tpu.memory_space<vmem>> -> memref<128xi32, #tpu.memory_space<vmem>>
    %dma_start3A_198 = arith.constant 0 : i32
    %dma_start3A_199 = arith.constant 0 : i32
    %dma_start3A_200 = tpu.memref_slice %arg2[%dma_start3A_198, %dma_start3A_199] : memref<20000x128xf32, #tpu.memory_space<hbm>> -> memref<20000x128xf32, #tpu.memory_space<hbm>>
    tpu.enqueue_indirect_dma source(%dma_start3A_200 : memref<20000x128xf32, #tpu.memory_space<hbm>>) target(%arg9 : memref<128x128xf32, #tpu.memory_space<vmem>>) offsets(%dma_start3A_197 : memref<128xi32, #tpu.memory_space<vmem>>) semaphore(%arg12 : memref<!tpu.dma_semaphore, #tpu.memory_space<semaphore_mem>>)
    %dma_start3A_201 = arith.constant 1 : i32
    %dma_start3A_202 = arith.constant 0 : i32
    %dma_start3A_203 = tpu.memref_slice %arg7[%dma_start3A_201, %dma_start3A_202] : memref<32x128xi32, #tpu.memory_space<vmem>> -> memref<1x128xi32, #tpu.memory_space<vmem>>
    %dma_start3A_204 = tpu.memref_squeeze %dma_start3A_203 : memref<1x128xi32, #tpu.memory_space<vmem>> -> memref<128xi32, #tpu.memory_space<vmem>>
    %dma_start3A_205 = arith.constant 0 : i32
    %dma_start3A_206 = arith.constant 0 : i32
    %dma_start3A_207 = tpu.memref_slice %arg2[%dma_start3A_205, %dma_start3A_206] : memref<20000x128xf32, #tpu.memory_space<hbm>> -> memref<20000x128xf32, #tpu.memory_space<hbm>>
    tpu.enqueue_indirect_dma source(%dma_start3A_207 : memref<20000x128xf32, #tpu.memory_space<hbm>>) target(%arg10 : memref<128x128xf32, #tpu.memory_space<vmem>>) offsets(%dma_start3A_204 : memref<128xi32, #tpu.memory_space<vmem>>) semaphore(%arg13 : memref<!tpu.dma_semaphore, #tpu.memory_space<semaphore_mem>>)
    %scan3A_208 = arith.constant 0 : i32
    %scan3A_209 = arith.constant 0 : i32
    %scan3A_210 = arith.constant 16 : i32
    %scan3A_211 = arith.addi %scan3A_209, %scan3A_210 : i32
    %scan3A_212 = arith.constant 1 : i32
    scf.for %scan3A_235 = %scan3A_209 to %scan3A_211 step %scan3A_212  : i32 {
      %mul3A_236 = arith.constant 2 : i32
      %mul3A_237 = arith.muli %mul3A_236, %scan3A_235 : i32
      %dma_wait3A_238 = arith.constant 0 : i32
      %dma_wait3A_239 = arith.constant 0 : i32
      %dma_wait3A_240 = tpu.memref_slice %arg7[%dma_wait3A_238, %dma_wait3A_239] : memref<32x128xi32, #tpu.memory_space<vmem>> -> memref<1x128xi32, #tpu.memory_space<vmem>>
      %dma_wait3A_241 = tpu.memref_squeeze %dma_wait3A_240 : memref<1x128xi32, #tpu.memory_space<vmem>> -> memref<128xi32, #tpu.memory_space<vmem>>
      %dma_wait3A_242 = arith.constant 0 : i32
      %dma_wait3A_243 = arith.constant 0 : i32
      %dma_wait3A_244 = tpu.memref_slice %arg2[%dma_wait3A_242, %dma_wait3A_243] : memref<20000x128xf32, #tpu.memory_space<hbm>> -> memref<20000x128xf32, #tpu.memory_space<hbm>>
      tpu.wait_indirect_dma semaphore(%arg12 : memref<!tpu.dma_semaphore, #tpu.memory_space<semaphore_mem>>) src(%dma_wait3A_244 : memref<20000x128xf32, #tpu.memory_space<hbm>>) dst(%arg9 : memref<128x128xf32, #tpu.memory_space<vmem>>)
      %dma_start3A_245 = arith.constant 0 : i32
      %dma_start3A_246 = tpu.memref_slice %arg8[%mul3A_237, %dma_start3A_245] : memref<32x128xi32, #tpu.memory_space<vmem>> -> memref<1x128xi32, #tpu.memory_space<vmem>>
      %dma_start3A_247 = tpu.memref_squeeze %dma_start3A_246 : memref<1x128xi32, #tpu.memory_space<vmem>> -> memref<128xi32, #tpu.memory_space<vmem>>
      %dma_start3A_248 = arith.constant 0 : i32
      %dma_start3A_249 = arith.constant 0 : i32
      %dma_start3A_250 = tpu.memref_slice %arg6[%dma_start3A_248, %dma_start3A_249] : memref<10240x128xf32, #tpu.memory_space<vmem_shared>> -> memref<10240x128xf32, #tpu.memory_space<vmem_shared>>
      tpu.enqueue_indirect_dma source(%arg9 : memref<128x128xf32, #tpu.memory_space<vmem>>) target(%dma_start3A_250 : memref<10240x128xf32, #tpu.memory_space<vmem_shared>>) offsets(%dma_start3A_247 : memref<128xi32, #tpu.memory_space<vmem>>) semaphore(%arg14 : memref<!tpu.dma_semaphore, #tpu.memory_space<semaphore_mem>>) {add = true}
      %add3A_251 = arith.constant 2 : i32
      %add3A_252 = arith.addi %mul3A_237, %add3A_251 : i32
      %lt3A_253 = arith.constant 32 : i32
      %lt3A_254 = arith.cmpi slt, %add3A_252, %lt3A_253 : i32
      %convert_element_type3A_255 = arith.extui %lt3A_254 : i1 to i32
      %cond3A_256 = arith.constant 0 : i32
      %cond3A_257 = arith.cmpi ne, %convert_element_type3A_255, %cond3A_256 : i32
      scf.if %cond3A_257 {
        %dma_wait3A_280 = arith.constant 0 : i32
        %dma_wait3A_281 = arith.constant 0 : i32
        %dma_wait3A_282 = tpu.memref_slice %arg8[%dma_wait3A_280, %dma_wait3A_281] : memref<32x128xi32, #tpu.memory_space<vmem>> -> memref<1x128xi32, #tpu.memory_space<vmem>>
        %dma_wait3A_283 = tpu.memref_squeeze %dma_wait3A_282 : memref<1x128xi32, #tpu.memory_space<vmem>> -> memref<128xi32, #tpu.memory_space<vmem>>
        %dma_wait3A_284 = arith.constant 0 : i32
        %dma_wait3A_285 = arith.constant 0 : i32
        %dma_wait3A_286 = tpu.memref_slice %arg6[%dma_wait3A_284, %dma_wait3A_285] : memref<10240x128xf32, #tpu.memory_space<vmem_shared>> -> memref<10240x128xf32, #tpu.memory_space<vmem_shared>>
        tpu.wait_indirect_dma semaphore(%arg14 : memref<!tpu.dma_semaphore, #tpu.memory_space<semaphore_mem>>) src(%arg9 : memref<128x128xf32, #tpu.memory_space<vmem>>) dst(%dma_wait3A_286 : memref<10240x128xf32, #tpu.memory_space<vmem_shared>>)
        %add3A_287 = arith.constant 2 : i32
        %add3A_288 = arith.addi %mul3A_237, %add3A_287 : i32
        %dma_start3A_289 = arith.constant 0 : i32
        %dma_start3A_290 = tpu.memref_slice %arg7[%add3A_288, %dma_start3A_289] : memref<32x128xi32, #tpu.memory_space<vmem>> -> memref<1x128xi32, #tpu.memory_space<vmem>>
        %dma_start3A_291 = tpu.memref_squeeze %dma_start3A_290 : memref<1x128xi32, #tpu.memory_space<vmem>> -> memref<128xi32, #tpu.memory_space<vmem>>
        %dma_start3A_292 = arith.constant 0 : i32
        %dma_start3A_293 = arith.constant 0 : i32
        %dma_start3A_294 = tpu.memref_slice %arg2[%dma_start3A_292, %dma_start3A_293] : memref<20000x128xf32, #tpu.memory_space<hbm>> -> memref<20000x128xf32, #tpu.memory_space<hbm>>
        tpu.enqueue_indirect_dma source(%dma_start3A_294 : memref<20000x128xf32, #tpu.memory_space<hbm>>) target(%arg9 : memref<128x128xf32, #tpu.memory_space<vmem>>) offsets(%dma_start3A_291 : memref<128xi32, #tpu.memory_space<vmem>>) semaphore(%arg12 : memref<!tpu.dma_semaphore, #tpu.memory_space<semaphore_mem>>)
      } else {
      }
      %add3A_258 = arith.constant 1 : i32
      %add3A_259 = arith.addi %mul3A_237, %add3A_258 : i32
      %dma_wait3A_260 = arith.constant 0 : i32
      %dma_wait3A_261 = arith.constant 0 : i32
      %dma_wait3A_262 = tpu.memref_slice %arg7[%dma_wait3A_260, %dma_wait3A_261] : memref<32x128xi32, #tpu.memory_space<vmem>> -> memref<1x128xi32, #tpu.memory_space<vmem>>
      %dma_wait3A_263 = tpu.memref_squeeze %dma_wait3A_262 : memref<1x128xi32, #tpu.memory_space<vmem>> -> memref<128xi32, #tpu.memory_space<vmem>>
      %dma_wait3A_264 = arith.constant 0 : i32
      %dma_wait3A_265 = arith.constant 0 : i32
      %dma_wait3A_266 = tpu.memref_slice %arg2[%dma_wait3A_264, %dma_wait3A_265] : memref<20000x128xf32, #tpu.memory_space<hbm>> -> memref<20000x128xf32, #tpu.memory_space<hbm>>
      tpu.wait_indirect_dma semaphore(%arg13 : memref<!tpu.dma_semaphore, #tpu.memory_space<semaphore_mem>>) src(%dma_wait3A_266 : memref<20000x128xf32, #tpu.memory_space<hbm>>) dst(%arg10 : memref<128x128xf32, #tpu.memory_space<vmem>>)
      %dma_start3A_267 = arith.constant 0 : i32
      %dma_start3A_268 = tpu.memref_slice %arg8[%add3A_259, %dma_start3A_267] : memref<32x128xi32, #tpu.memory_space<vmem>> -> memref<1x128xi32, #tpu.memory_space<vmem>>
      %dma_start3A_269 = tpu.memref_squeeze %dma_start3A_268 : memref<1x128xi32, #tpu.memory_space<vmem>> -> memref<128xi32, #tpu.memory_space<vmem>>
      %dma_start3A_270 = arith.constant 0 : i32
      %dma_start3A_271 = arith.constant 0 : i32
      %dma_start3A_272 = tpu.memref_slice %arg6[%dma_start3A_270, %dma_start3A_271] : memref<10240x128xf32, #tpu.memory_space<vmem_shared>> -> memref<10240x128xf32, #tpu.memory_space<vmem_shared>>
      tpu.enqueue_indirect_dma source(%arg10 : memref<128x128xf32, #tpu.memory_space<vmem>>) target(%dma_start3A_272 : memref<10240x128xf32, #tpu.memory_space<vmem_shared>>) offsets(%dma_start3A_269 : memref<128xi32, #tpu.memory_space<vmem>>) semaphore(%arg15 : memref<!tpu.dma_semaphore, #tpu.memory_space<semaphore_mem>>) {add = true}
      %add3A_273 = arith.constant 2 : i32
      %add3A_274 = arith.addi %add3A_259, %add3A_273 : i32
      %lt3A_275 = arith.constant 32 : i32
      %lt3A_276 = arith.cmpi slt, %add3A_274, %lt3A_275 : i32
      %convert_element_type3A_277 = arith.extui %lt3A_276 : i1 to i32
      %cond3A_278 = arith.constant 0 : i32
      %cond3A_279 = arith.cmpi ne, %convert_element_type3A_277, %cond3A_278 : i32
      scf.if %cond3A_279 {
        %dma_wait3A_280 = arith.constant 0 : i32
        %dma_wait3A_281 = arith.constant 0 : i32
        %dma_wait3A_282 = tpu.memref_slice %arg8[%dma_wait3A_280, %dma_wait3A_281] : memref<32x128xi32, #tpu.memory_space<vmem>> -> memref<1x128xi32, #tpu.memory_space<vmem>>
        %dma_wait3A_283 = tpu.memref_squeeze %dma_wait3A_282 : memref<1x128xi32, #tpu.memory_space<vmem>> -> memref<128xi32, #tpu.memory_space<vmem>>
        %dma_wait3A_284 = arith.constant 0 : i32
        %dma_wait3A_285 = arith.constant 0 : i32
        %dma_wait3A_286 = tpu.memref_slice %arg6[%dma_wait3A_284, %dma_wait3A_285] : memref<10240x128xf32, #tpu.memory_space<vmem_shared>> -> memref<10240x128xf32, #tpu.memory_space<vmem_shared>>
        tpu.wait_indirect_dma semaphore(%arg15 : memref<!tpu.dma_semaphore, #tpu.memory_space<semaphore_mem>>) src(%arg10 : memref<128x128xf32, #tpu.memory_space<vmem>>) dst(%dma_wait3A_286 : memref<10240x128xf32, #tpu.memory_space<vmem_shared>>)
        %add3A_287 = arith.constant 2 : i32
        %add3A_288 = arith.addi %add3A_259, %add3A_287 : i32
        %dma_start3A_289 = arith.constant 0 : i32
        %dma_start3A_290 = tpu.memref_slice %arg7[%add3A_288, %dma_start3A_289] : memref<32x128xi32, #tpu.memory_space<vmem>> -> memref<1x128xi32, #tpu.memory_space<vmem>>
        %dma_start3A_291 = tpu.memref_squeeze %dma_start3A_290 : memref<1x128xi32, #tpu.memory_space<vmem>> -> memref<128xi32, #tpu.memory_space<vmem>>
        %dma_start3A_292 = arith.constant 0 : i32
        %dma_start3A_293 = arith.constant 0 : i32
        %dma_start3A_294 = tpu.memref_slice %arg2[%dma_start3A_292, %dma_start3A_293] : memref<20000x128xf32, #tpu.memory_space<hbm>> -> memref<20000x128xf32, #tpu.memory_space<hbm>>
        tpu.enqueue_indirect_dma source(%dma_start3A_294 : memref<20000x128xf32, #tpu.memory_space<hbm>>) target(%arg10 : memref<128x128xf32, #tpu.memory_space<vmem>>) offsets(%dma_start3A_291 : memref<128xi32, #tpu.memory_space<vmem>>) semaphore(%arg13 : memref<!tpu.dma_semaphore, #tpu.memory_space<semaphore_mem>>)
      } else {
      }
    }
    %scan3A_213 = arith.constant 16 : i32
    %dma_wait3A_214 = arith.constant 0 : i32
    %dma_wait3A_215 = arith.constant 0 : i32
    %dma_wait3A_216 = tpu.memref_slice %arg8[%dma_wait3A_214, %dma_wait3A_215] : memref<32x128xi32, #tpu.memory_space<vmem>> -> memref<1x128xi32, #tpu.memory_space<vmem>>
    %dma_wait3A_217 = tpu.memref_squeeze %dma_wait3A_216 : memref<1x128xi32, #tpu.memory_space<vmem>> -> memref<128xi32, #tpu.memory_space<vmem>>
    %dma_wait3A_218 = arith.constant 0 : i32
    %dma_wait3A_219 = arith.constant 0 : i32
    %dma_wait3A_220 = tpu.memref_slice %arg6[%dma_wait3A_218, %dma_wait3A_219] : memref<10240x128xf32, #tpu.memory_space<vmem_shared>> -> memref<10240x128xf32, #tpu.memory_space<vmem_shared>>
    tpu.wait_indirect_dma semaphore(%arg14 : memref<!tpu.dma_semaphore, #tpu.memory_space<semaphore_mem>>) src(%arg9 : memref<128x128xf32, #tpu.memory_space<vmem>>) dst(%dma_wait3A_220 : memref<10240x128xf32, #tpu.memory_space<vmem_shared>>)
    %dma_wait3A_221 = arith.constant 1 : i32
    %dma_wait3A_222 = arith.constant 0 : i32
    %dma_wait3A_223 = tpu.memref_slice %arg8[%dma_wait3A_221, %dma_wait3A_222] : memref<32x128xi32, #tpu.memory_space<vmem>> -> memref<1x128xi32, #tpu.memory_space<vmem>>
    %dma_wait3A_224 = tpu.memref_squeeze %dma_wait3A_223 : memref<1x128xi32, #tpu.memory_space<vmem>> -> memref<128xi32, #tpu.memory_space<vmem>>
    %dma_wait3A_225 = arith.constant 0 : i32
    %dma_wait3A_226 = arith.constant 0 : i32
    %dma_wait3A_227 = tpu.memref_slice %arg6[%dma_wait3A_225, %dma_wait3A_226] : memref<10240x128xf32, #tpu.memory_space<vmem_shared>> -> memref<10240x128xf32, #tpu.memory_space<vmem_shared>>
    tpu.wait_indirect_dma semaphore(%arg15 : memref<!tpu.dma_semaphore, #tpu.memory_space<semaphore_mem>>) src(%arg10 : memref<128x128xf32, #tpu.memory_space<vmem>>) dst(%dma_wait3A_227 : memref<10240x128xf32, #tpu.memory_space<vmem_shared>>)
    %barrier3A_228 = arith.constant 0 : index
    tpu.barrier barrier_id(%barrier3A_228)
    %lt3A = arith.constant 15 : i32
    %lt3A_229 = arith.cmpi slt, %arg1, %lt3A : i32
    %convert_element_type3A = arith.extui %lt3A_229 : i1 to i32
    %cond3A = arith.constant 0 : i32
    %cond3A_230 = arith.cmpi ne, %convert_element_type3A, %cond3A : i32
    scf.if %cond3A_230 {
      %mul3A_235 = arith.constant 640 : i32
      %mul3A_236 = arith.muli %arg1, %mul3A_235 : i32
      %mul3A_237 = arith.constant 10000 : i32
      %mul3A_238 = arith.muli %arg0, %mul3A_237 : i32
      %mul3A_239 = arith.constant 640 : i32
      %mul3A_240 = arith.muli %arg1, %mul3A_239 : i32
      %add3A_241 = arith.addi %mul3A_238, %mul3A_240 : i32
      "tpu.region"() ({
        %run_scoped3A = tpu.sem_alloc : memref<!tpu.dma_semaphore, #tpu.memory_space<semaphore_mem>>
        %dma_start3A_242 = arith.constant 0 : i32
        %dma_start3A_243 = tpu.memref_slice %arg5[%add3A_241, %dma_start3A_242] : memref<20000x128xf32, #tpu.memory_space<hbm>> -> memref<640x128xf32, #tpu.memory_space<hbm>>
        %dma_start3A_244 = arith.constant 0 : i32
        %dma_start3A_245 = tpu.memref_slice %arg6[%mul3A_236, %dma_start3A_244] : memref<10240x128xf32, #tpu.memory_space<vmem_shared>> -> memref<640x128xf32, #tpu.memory_space<vmem_shared>>
        tpu.enqueue_dma source(%dma_start3A_245 : memref<640x128xf32, #tpu.memory_space<vmem_shared>>) target(%dma_start3A_243 : memref<640x128xf32, #tpu.memory_space<hbm>>) target_semaphore(%run_scoped3A : memref<!tpu.dma_semaphore, #tpu.memory_space<semaphore_mem>>)
        %dma_wait3A_246 = arith.constant 0 : i32
        %dma_wait3A_247 = tpu.memref_slice %arg5[%add3A_241, %dma_wait3A_246] : memref<20000x128xf32, #tpu.memory_space<hbm>> -> memref<640x128xf32, #tpu.memory_space<hbm>>
        %dma_wait3A_248 = arith.constant 0 : i32
        %dma_wait3A_249 = tpu.memref_slice %arg6[%mul3A_236, %dma_wait3A_248] : memref<10240x128xf32, #tpu.memory_space<vmem_shared>> -> memref<640x128xf32, #tpu.memory_space<vmem_shared>>
        tpu.wait_dma2 semaphore(%run_scoped3A : memref<!tpu.dma_semaphore, #tpu.memory_space<semaphore_mem>>) src(%dma_wait3A_249 : memref<640x128xf32, #tpu.memory_space<vmem_shared>>) dst(%dma_wait3A_247 : memref<640x128xf32, #tpu.memory_space<hbm>>)
        tpu.yield
      }) : () -> ()
    } else {
    }
    %eq3A = arith.constant 15 : i32
    %eq3A_231 = arith.cmpi eq, %arg1, %eq3A : i32
    %convert_element_type3A_232 = arith.extui %eq3A_231 : i1 to i32
    %cond3A_233 = arith.constant 0 : i32
    %cond3A_234 = arith.cmpi ne, %convert_element_type3A_232, %cond3A_233 : i32
    scf.if %cond3A_234 {
      %mul3A_235 = arith.constant 10000 : i32
      %mul3A_236 = arith.muli %arg0, %mul3A_235 : i32
      %add3A_237 = arith.constant 9600 : i32
      %add3A_238 = arith.addi %mul3A_236, %add3A_237 : i32
      "tpu.region"() ({
        %run_scoped3A = tpu.sem_alloc : memref<!tpu.dma_semaphore, #tpu.memory_space<semaphore_mem>>
        %dma_start3A_239 = arith.constant 0 : i32
        %dma_start3A_240 = tpu.memref_slice %arg5[%add3A_238, %dma_start3A_239] : memref<20000x128xf32, #tpu.memory_space<hbm>> -> memref<400x128xf32, #tpu.memory_space<hbm>>
        %dma_start3A_241 = arith.constant 9600 : i32
        %dma_start3A_242 = arith.constant 0 : i32
        %dma_start3A_243 = tpu.memref_slice %arg6[%dma_start3A_241, %dma_start3A_242] : memref<10240x128xf32, #tpu.memory_space<vmem_shared>> -> memref<400x128xf32, #tpu.memory_space<vmem_shared>>
        tpu.enqueue_dma source(%dma_start3A_243 : memref<400x128xf32, #tpu.memory_space<vmem_shared>>) target(%dma_start3A_240 : memref<400x128xf32, #tpu.memory_space<hbm>>) target_semaphore(%run_scoped3A : memref<!tpu.dma_semaphore, #tpu.memory_space<semaphore_mem>>)
        %dma_wait3A_244 = arith.constant 0 : i32
        %dma_wait3A_245 = tpu.memref_slice %arg5[%add3A_238, %dma_wait3A_244] : memref<20000x128xf32, #tpu.memory_space<hbm>> -> memref<400x128xf32, #tpu.memory_space<hbm>>
        %dma_wait3A_246 = arith.constant 9600 : i32
        %dma_wait3A_247 = arith.constant 0 : i32
        %dma_wait3A_248 = tpu.memref_slice %arg6[%dma_wait3A_246, %dma_wait3A_247] : memref<10240x128xf32, #tpu.memory_space<vmem_shared>> -> memref<400x128xf32, #tpu.memory_space<vmem_shared>>
        tpu.wait_dma2 semaphore(%run_scoped3A : memref<!tpu.dma_semaphore, #tpu.memory_space<semaphore_mem>>) src(%dma_wait3A_248 : memref<400x128xf32, #tpu.memory_space<vmem_shared>>) dst(%dma_wait3A_245 : memref<400x128xf32, #tpu.memory_space<hbm>>)
        tpu.yield
      }) : () -> ()
    } else {
    }
    return
  }
}

#map = affine_map<(d0, d1) -> (0, 0)>
#map1 = affine_map<(d0, d1) -> (0, 0, 0)>
module attributes {stable_mosaic.version = 14 : i64} {
  func.func @_gs_body(%arg0: i32, %arg1: i32, %arg2: memref<20000x128xf32, #tpu.memory_space<hbm>>, %arg3: memref<160x32x128xi32, #tpu.memory_space<hbm>>, %arg4: memref<80x32x128xi32, #tpu.memory_space<hbm>>, %arg5: memref<20000x128xf32, #tpu.memory_space<hbm>>, %arg6: memref<10240x128xf32, #tpu.memory_space<vmem_shared>>, %arg7: memref<32x128xi32, #tpu.memory_space<vmem>>, %arg8: memref<32x128xi32, #tpu.memory_space<vmem>>, %arg9: memref<128x128xf32, #tpu.memory_space<vmem>>, %arg10: memref<128x128xf32, #tpu.memory_space<vmem>>, %arg11: memref<16x128xf32, #tpu.memory_space<vmem>>, %arg12: memref<!tpu.dma_semaphore, #tpu.memory_space<semaphore_mem>>, %arg13: memref<!tpu.dma_semaphore, #tpu.memory_space<semaphore_mem>>, %arg14: memref<!tpu.dma_semaphore, #tpu.memory_space<semaphore_mem>>, %arg15: memref<!tpu.dma_semaphore, #tpu.memory_space<semaphore_mem>>) attributes {dimension_semantics = [#tpu.dimension_semantics<core_parallel>, #tpu.dimension_semantics<subcore_parallel>], iteration_bounds = array<i64: 2, 16>, scalar_prefetch = 0 : i64, scratch_operands = 10 : i64, tpu.core_type = #tpu.core_type<sc_vector_subcore>, window_params = [{transform_indices = #map}, {transform_indices = #map1}, {transform_indices = #map1}, {transform_indices = #map}]} {
    %mul3A = arith.constant 16 : i32
    %mul3A_0 = arith.muli %arg0, %mul3A : i32
    %add3A = arith.addi %mul3A_0, %arg1 : i32
    %mul3A_1 = arith.constant 5 : i32
    %mul3A_2 = arith.muli %add3A, %mul3A_1 : i32
    "tpu.region"() ({
      %run_scoped3A = tpu.sem_alloc : memref<!tpu.dma_semaphore, #tpu.memory_space<semaphore_mem>>
      %dma_start3A_235 = arith.constant 0 : i32
      %dma_start3A_236 = arith.constant 0 : i32
      %dma_start3A_237 = tpu.memref_slice %arg3[%mul3A_2, %dma_start3A_235, %dma_start3A_236] : memref<160x32x128xi32, #tpu.memory_space<hbm>> -> memref<1x32x128xi32, #tpu.memory_space<hbm>>
      %dma_start3A_238 = tpu.memref_squeeze %dma_start3A_237 : memref<1x32x128xi32, #tpu.memory_space<hbm>> -> memref<32x128xi32, #tpu.memory_space<hbm>>
      %dma_start3A_239 = arith.constant 0 : i32
      %dma_start3A_240 = arith.constant 0 : i32
      %dma_start3A_241 = tpu.memref_slice %arg3[%mul3A_2, %dma_start3A_239, %dma_start3A_240] : memref<160x32x128xi32, #tpu.memory_space<hbm>> -> memref<1x32x128xi32, #tpu.memory_space<hbm>>
      %dma_start3A_242 = tpu.memref_squeeze %dma_start3A_241 : memref<1x32x128xi32, #tpu.memory_space<hbm>> -> memref<32x128xi32, #tpu.memory_space<hbm>>
      tpu.enqueue_dma source(%dma_start3A_242 : memref<32x128xi32, #tpu.memory_space<hbm>>) target(%arg7 : memref<32x128xi32, #tpu.memory_space<vmem>>) target_semaphore(%run_scoped3A : memref<!tpu.dma_semaphore, #tpu.memory_space<semaphore_mem>>)
      %dma_wait3A_243 = arith.constant 0 : i32
      %dma_wait3A_244 = arith.constant 0 : i32
      %dma_wait3A_245 = tpu.memref_slice %arg3[%mul3A_2, %dma_wait3A_243, %dma_wait3A_244] : memref<160x32x128xi32, #tpu.memory_space<hbm>> -> memref<1x32x128xi32, #tpu.memory_space<hbm>>
      %dma_wait3A_246 = tpu.memref_squeeze %dma_wait3A_245 : memref<1x32x128xi32, #tpu.memory_space<hbm>> -> memref<32x128xi32, #tpu.memory_space<hbm>>
      %dma_wait3A_247 = arith.constant 0 : i32
      %dma_wait3A_248 = arith.constant 0 : i32
      %dma_wait3A_249 = tpu.memref_slice %arg3[%mul3A_2, %dma_wait3A_247, %dma_wait3A_248] : memref<160x32x128xi32, #tpu.memory_space<hbm>> -> memref<1x32x128xi32, #tpu.memory_space<hbm>>
      %dma_wait3A_250 = tpu.memref_squeeze %dma_wait3A_249 : memref<1x32x128xi32, #tpu.memory_space<hbm>> -> memref<32x128xi32, #tpu.memory_space<hbm>>
      tpu.wait_dma2 semaphore(%run_scoped3A : memref<!tpu.dma_semaphore, #tpu.memory_space<semaphore_mem>>) src(%dma_wait3A_250 : memref<32x128xi32, #tpu.memory_space<hbm>>) dst(%arg7 : memref<32x128xi32, #tpu.memory_space<vmem>>)
      tpu.yield
    }) : () -> ()
    %mul3A_3 = arith.constant 5 : i32
    %mul3A_4 = arith.muli %arg1, %mul3A_3 : i32
    "tpu.region"() ({
      %run_scoped3A = tpu.sem_alloc : memref<!tpu.dma_semaphore, #tpu.memory_space<semaphore_mem>>
      %dma_start3A_235 = arith.constant 0 : i32
      %dma_start3A_236 = arith.constant 0 : i32
      %dma_start3A_237 = tpu.memref_slice %arg4[%mul3A_4, %dma_start3A_235, %dma_start3A_236] : memref<80x32x128xi32, #tpu.memory_space<hbm>> -> memref<1x32x128xi32, #tpu.memory_space<hbm>>
      %dma_start3A_238 = tpu.memref_squeeze %dma_start3A_237 : memref<1x32x128xi32, #tpu.memory_space<hbm>> -> memref<32x128xi32, #tpu.memory_space<hbm>>
      %dma_start3A_239 = arith.constant 0 : i32
      %dma_start3A_240 = arith.constant 0 : i32
      %dma_start3A_241 = tpu.memref_slice %arg4[%mul3A_4, %dma_start3A_239, %dma_start3A_240] : memref<80x32x128xi32, #tpu.memory_space<hbm>> -> memref<1x32x128xi32, #tpu.memory_space<hbm>>
      %dma_start3A_242 = tpu.memref_squeeze %dma_start3A_241 : memref<1x32x128xi32, #tpu.memory_space<hbm>> -> memref<32x128xi32, #tpu.memory_space<hbm>>
      tpu.enqueue_dma source(%dma_start3A_242 : memref<32x128xi32, #tpu.memory_space<hbm>>) target(%arg8 : memref<32x128xi32, #tpu.memory_space<vmem>>) target_semaphore(%run_scoped3A : memref<!tpu.dma_semaphore, #tpu.memory_space<semaphore_mem>>)
      %dma_wait3A_243 = arith.constant 0 : i32
      %dma_wait3A_244 = arith.constant 0 : i32
      %dma_wait3A_245 = tpu.memref_slice %arg4[%mul3A_4, %dma_wait3A_243, %dma_wait3A_244] : memref<80x32x128xi32, #tpu.memory_space<hbm>> -> memref<1x32x128xi32, #tpu.memory_space<hbm>>
      %dma_wait3A_246 = tpu.memref_squeeze %dma_wait3A_245 : memref<1x32x128xi32, #tpu.memory_space<hbm>> -> memref<32x128xi32, #tpu.memory_space<hbm>>
      %dma_wait3A_247 = arith.constant 0 : i32
      %dma_wait3A_248 = arith.constant 0 : i32
      %dma_wait3A_249 = tpu.memref_slice %arg4[%mul3A_4, %dma_wait3A_247, %dma_wait3A_248] : memref<80x32x128xi32, #tpu.memory_space<hbm>> -> memref<1x32x128xi32, #tpu.memory_space<hbm>>
      %dma_wait3A_250 = tpu.memref_squeeze %dma_wait3A_249 : memref<1x32x128xi32, #tpu.memory_space<hbm>> -> memref<32x128xi32, #tpu.memory_space<hbm>>
      tpu.wait_dma2 semaphore(%run_scoped3A : memref<!tpu.dma_semaphore, #tpu.memory_space<semaphore_mem>>) src(%dma_wait3A_250 : memref<32x128xi32, #tpu.memory_space<hbm>>) dst(%arg8 : memref<32x128xi32, #tpu.memory_space<vmem>>)
      tpu.yield
    }) : () -> ()
    %dma_start3A = arith.constant 0 : i32
    %dma_start3A_5 = arith.constant 0 : i32
    %dma_start3A_6 = tpu.memref_slice %arg7[%dma_start3A, %dma_start3A_5] : memref<32x128xi32, #tpu.memory_space<vmem>> -> memref<1x128xi32, #tpu.memory_space<vmem>>
    %dma_start3A_7 = tpu.memref_squeeze %dma_start3A_6 : memref<1x128xi32, #tpu.memory_space<vmem>> -> memref<128xi32, #tpu.memory_space<vmem>>
    %dma_start3A_8 = arith.constant 0 : i32
    %dma_start3A_9 = arith.constant 0 : i32
    %dma_start3A_10 = tpu.memref_slice %arg2[%dma_start3A_8, %dma_start3A_9] : memref<20000x128xf32, #tpu.memory_space<hbm>> -> memref<20000x128xf32, #tpu.memory_space<hbm>>
    tpu.enqueue_indirect_dma source(%dma_start3A_10 : memref<20000x128xf32, #tpu.memory_space<hbm>>) target(%arg9 : memref<128x128xf32, #tpu.memory_space<vmem>>) offsets(%dma_start3A_7 : memref<128xi32, #tpu.memory_space<vmem>>) semaphore(%arg12 : memref<!tpu.dma_semaphore, #tpu.memory_space<semaphore_mem>>)
    %dma_start3A_11 = arith.constant 1 : i32
    %dma_start3A_12 = arith.constant 0 : i32
    %dma_start3A_13 = tpu.memref_slice %arg7[%dma_start3A_11, %dma_start3A_12] : memref<32x128xi32, #tpu.memory_space<vmem>> -> memref<1x128xi32, #tpu.memory_space<vmem>>
    %dma_start3A_14 = tpu.memref_squeeze %dma_start3A_13 : memref<1x128xi32, #tpu.memory_space<vmem>> -> memref<128xi32, #tpu.memory_space<vmem>>
    %dma_start3A_15 = arith.constant 0 : i32
    %dma_start3A_16 = arith.constant 0 : i32
    %dma_start3A_17 = tpu.memref_slice %arg2[%dma_start3A_15, %dma_start3A_16] : memref<20000x128xf32, #tpu.memory_space<hbm>> -> memref<20000x128xf32, #tpu.memory_space<hbm>>
    tpu.enqueue_indirect_dma source(%dma_start3A_17 : memref<20000x128xf32, #tpu.memory_space<hbm>>) target(%arg10 : memref<128x128xf32, #tpu.memory_space<vmem>>) offsets(%dma_start3A_14 : memref<128xi32, #tpu.memory_space<vmem>>) semaphore(%arg13 : memref<!tpu.dma_semaphore, #tpu.memory_space<semaphore_mem>>)
    %scan3A = arith.constant 0 : i32
    %scan3A_18 = arith.constant 0 : i32
    %scan3A_19 = arith.constant 128 : i32
    %scan3A_20 = arith.addi %scan3A_18, %scan3A_19 : i32
    %scan3A_21 = arith.constant 1 : i32
    scf.for %scan3A_235 = %scan3A_18 to %scan3A_20 step %scan3A_21  : i32 {
      %jit3A = arith.constant 8 : i32
      %div3A = arith.divsi %scan3A_235, %jit3A : i32
      %sign3A = arith.constant 0 : i32
      %sign3A_236 = arith.cmpi sgt, %scan3A_235, %sign3A : i32
      %sign3A_237 = arith.extui %sign3A_236 : i1 to i32
      %sign3A_238 = arith.constant 0 : i32
      %sign3A_239 = arith.cmpi slt, %scan3A_235, %sign3A_238 : i32
      %sign3A_240 = arith.extui %sign3A_239 : i1 to i32
      %sign3A_241 = arith.subi %sign3A_237, %sign3A_240 : i32
      %sign3A_242 = arith.constant 0 : i32
      %sign3A_243 = arith.cmpi sgt, %jit3A, %sign3A_242 : i32
      %sign3A_244 = arith.extui %sign3A_243 : i1 to i32
      %sign3A_245 = arith.constant 0 : i32
      %sign3A_246 = arith.cmpi slt, %jit3A, %sign3A_245 : i32
      %sign3A_247 = arith.extui %sign3A_246 : i1 to i32
      %sign3A_248 = arith.subi %sign3A_244, %sign3A_247 : i32
      %ne3A = arith.cmpi ne, %sign3A_241, %sign3A_248 : i32
      %rem3A = arith.remsi %scan3A_235, %jit3A : i32
      %ne3A_249 = arith.constant 0 : i32
      %ne3A_250 = arith.cmpi ne, %rem3A, %ne3A_249 : i32
      %and3A = arith.andi %ne3A, %ne3A_250 : i1
      %sub3A = arith.constant 1 : i32
      %sub3A_251 = arith.subi %div3A, %sub3A : i32
      %select_n3A = arith.select %and3A, %sub3A_251, %div3A : i32
      %jit3A_252 = arith.constant 8 : i32
      %eq3A_253 = arith.constant 0 : i32
      %eq3A_254 = arith.cmpi eq, %jit3A_252, %eq3A_253 : i32
      %jit3A_255 = arith.constant 1 : i32
      %select_n3A_256 = arith.select %eq3A_254, %jit3A_255, %jit3A_252 : i32
      %rem3A_257 = arith.remsi %scan3A_235, %select_n3A_256 : i32
      %ne3A_258 = arith.constant 0 : i32
      %ne3A_259 = arith.cmpi ne, %rem3A_257, %ne3A_258 : i32
      %lt3A_260 = arith.constant 0 : i32
      %lt3A_261 = arith.cmpi slt, %rem3A_257, %lt3A_260 : i32
      %lt3A_262 = arith.constant 0 : i32
      %lt3A_263 = arith.cmpi slt, %select_n3A_256, %lt3A_262 : i32
      %ne3A_264 = arith.xori %lt3A_261, %lt3A_263 : i1
      %and3A_265 = arith.andi %ne3A_264, %ne3A_259 : i1
      %add3A_266 = arith.addi %rem3A_257, %select_n3A_256 : i32
      %select_n3A_267 = arith.select %and3A_265, %add3A_266, %rem3A_257 : i32
      %broadcast_in_dim3A = arith.constant 0.000000e+00 : f32
      %broadcast_in_dim3A_268 = vector.broadcast %broadcast_in_dim3A : f32 to vector<16xf32>
      %mul3A_269 = arith.constant 16 : i32
      %mul3A_270 = arith.muli %select_n3A_267, %mul3A_269 : i32
      %swap3A = arith.index_cast %select_n3A : i32 to index
      %swap3A_271 = arith.index_cast %mul3A_270 : i32 to index
      %swap3A_272 = tpu.vector_load %arg11[%swap3A, %swap3A_271] {strides = array<i32>} : memref<16x128xf32, #tpu.memory_space<vmem>>, vector<1x16xf32>,
      %swap3A_273 = vector.shape_cast %swap3A_272 : vector<1x16xf32> to vector<16xf32>
      %swap3A_274 = vector.shape_cast %broadcast_in_dim3A_268 : vector<16xf32> to vector<1x16xf32>
      tpu.vector_store %arg11[%swap3A, %swap3A_271], %swap3A_274 {strides = array<i32>} : memref<16x128xf32, #tpu.memory_space<vmem>>, vector<1x16xf32>,
    }
    %scan3A_22 = arith.constant 128 : i32
    %scan3A_23 = arith.constant 0 : i32
    %scan3A_24 = arith.constant 0 : i32
    %scan3A_25 = arith.constant 40 : i32
    %scan3A_26 = arith.addi %scan3A_24, %scan3A_25 : i32
    %scan3A_27 = arith.constant 1 : i32
    scf.for %scan3A_235 = %scan3A_24 to %scan3A_26 step %scan3A_27  : i32 {
      %mul3A_236 = arith.constant 640 : i32
      %mul3A_237 = arith.muli %arg1, %mul3A_236 : i32
      %mul3A_238 = arith.constant 16 : i32
      %mul3A_239 = arith.muli %scan3A_235, %mul3A_238 : i32
      %add3A_240 = arith.addi %mul3A_237, %mul3A_239 : i32
      "tpu.region"() ({
        %run_scoped3A = tpu.sem_alloc : memref<!tpu.dma_semaphore, #tpu.memory_space<semaphore_mem>>
        %dma_start3A_241 = arith.constant 0 : i32
        %dma_start3A_242 = tpu.memref_slice %arg6[%add3A_240, %dma_start3A_241] : memref<10240x128xf32, #tpu.memory_space<vmem_shared>> -> memref<16x128xf32, #tpu.memory_space<vmem_shared>>
        %dma_start3A_243 = arith.constant 0 : i32
        %dma_start3A_244 = tpu.memref_slice %arg6[%add3A_240, %dma_start3A_243] : memref<10240x128xf32, #tpu.memory_space<vmem_shared>> -> memref<16x128xf32, #tpu.memory_space<vmem_shared>>
        tpu.enqueue_dma source(%arg11 : memref<16x128xf32, #tpu.memory_space<vmem>>) target(%dma_start3A_244 : memref<16x128xf32, #tpu.memory_space<vmem_shared>>) target_semaphore(%run_scoped3A : memref<!tpu.dma_semaphore, #tpu.memory_space<semaphore_mem>>)
        %dma_wait3A_245 = arith.constant 0 : i32
        %dma_wait3A_246 = tpu.memref_slice %arg6[%add3A_240, %dma_wait3A_245] : memref<10240x128xf32, #tpu.memory_space<vmem_shared>> -> memref<16x128xf32, #tpu.memory_space<vmem_shared>>
        %dma_wait3A_247 = arith.constant 0 : i32
        %dma_wait3A_248 = tpu.memref_slice %arg6[%add3A_240, %dma_wait3A_247] : memref<10240x128xf32, #tpu.memory_space<vmem_shared>> -> memref<16x128xf32, #tpu.memory_space<vmem_shared>>
        tpu.wait_dma2 semaphore(%run_scoped3A : memref<!tpu.dma_semaphore, #tpu.memory_space<semaphore_mem>>) src(%arg11 : memref<16x128xf32, #tpu.memory_space<vmem>>) dst(%dma_wait3A_248 : memref<16x128xf32, #tpu.memory_space<vmem_shared>>)
        tpu.yield
      }) : () -> ()
    }
    %scan3A_28 = arith.constant 40 : i32
    %barrier3A = arith.constant 0 : index
    tpu.barrier barrier_id(%barrier3A)
    %scan3A_29 = arith.constant 0 : i32
    %scan3A_30 = arith.constant 0 : i32
    %scan3A_31 = arith.constant 16 : i32
    %scan3A_32 = arith.addi %scan3A_30, %scan3A_31 : i32
    %scan3A_33 = arith.constant 1 : i32
    scf.for %scan3A_235 = %scan3A_30 to %scan3A_32 step %scan3A_33  : i32 {
      %mul3A_236 = arith.constant 2 : i32
      %mul3A_237 = arith.muli %mul3A_236, %scan3A_235 : i32
      %dma_wait3A_238 = arith.constant 0 : i32
      %dma_wait3A_239 = arith.constant 0 : i32
      %dma_wait3A_240 = tpu.memref_slice %arg7[%dma_wait3A_238, %dma_wait3A_239] : memref<32x128xi32, #tpu.memory_space<vmem>> -> memref<1x128xi32, #tpu.memory_space<vmem>>
      %dma_wait3A_241 = tpu.memref_squeeze %dma_wait3A_240 : memref<1x128xi32, #tpu.memory_space<vmem>> -> memref<128xi32, #tpu.memory_space<vmem>>
      %dma_wait3A_242 = arith.constant 0 : i32
      %dma_wait3A_243 = arith.constant 0 : i32
      %dma_wait3A_244 = tpu.memref_slice %arg2[%dma_wait3A_242, %dma_wait3A_243] : memref<20000x128xf32, #tpu.memory_space<hbm>> -> memref<20000x128xf32, #tpu.memory_space<hbm>>
      tpu.wait_indirect_dma semaphore(%arg12 : memref<!tpu.dma_semaphore, #tpu.memory_space<semaphore_mem>>) src(%dma_wait3A_244 : memref<20000x128xf32, #tpu.memory_space<hbm>>) dst(%arg9 : memref<128x128xf32, #tpu.memory_space<vmem>>)
      %dma_start3A_245 = arith.constant 0 : i32
      %dma_start3A_246 = tpu.memref_slice %arg8[%mul3A_237, %dma_start3A_245] : memref<32x128xi32, #tpu.memory_space<vmem>> -> memref<1x128xi32, #tpu.memory_space<vmem>>
      %dma_start3A_247 = tpu.memref_squeeze %dma_start3A_246 : memref<1x128xi32, #tpu.memory_space<vmem>> -> memref<128xi32, #tpu.memory_space<vmem>>
      %dma_start3A_248 = arith.constant 0 : i32
      %dma_start3A_249 = arith.constant 0 : i32
      %dma_start3A_250 = tpu.memref_slice %arg6[%dma_start3A_248, %dma_start3A_249] : memref<10240x128xf32, #tpu.memory_space<vmem_shared>> -> memref<10240x128xf32, #tpu.memory_space<vmem_shared>>
      tpu.enqueue_indirect_dma source(%arg9 : memref<128x128xf32, #tpu.memory_space<vmem>>) target(%dma_start3A_250 : memref<10240x128xf32, #tpu.memory_space<vmem_shared>>) offsets(%dma_start3A_247 : memref<128xi32, #tpu.memory_space<vmem>>) semaphore(%arg14 : memref<!tpu.dma_semaphore, #tpu.memory_space<semaphore_mem>>) {add = true}
      %add3A_251 = arith.constant 2 : i32
      %add3A_252 = arith.addi %mul3A_237, %add3A_251 : i32
      %lt3A_253 = arith.constant 32 : i32
      %lt3A_254 = arith.cmpi slt, %add3A_252, %lt3A_253 : i32
      %convert_element_type3A_255 = arith.extui %lt3A_254 : i1 to i32
      %cond3A_256 = arith.constant 0 : i32
      %cond3A_257 = arith.cmpi ne, %convert_element_type3A_255, %cond3A_256 : i32
      scf.if %cond3A_257 {
        %dma_wait3A_280 = arith.constant 0 : i32
        %dma_wait3A_281 = arith.constant 0 : i32
        %dma_wait3A_282 = tpu.memref_slice %arg8[%dma_wait3A_280, %dma_wait3A_281] : memref<32x128xi32, #tpu.memory_space<vmem>> -> memref<1x128xi32, #tpu.memory_space<vmem>>
        %dma_wait3A_283 = tpu.memref_squeeze %dma_wait3A_282 : memref<1x128xi32, #tpu.memory_space<vmem>> -> memref<128xi32, #tpu.memory_space<vmem>>
        %dma_wait3A_284 = arith.constant 0 : i32
        %dma_wait3A_285 = arith.constant 0 : i32
        %dma_wait3A_286 = tpu.memref_slice %arg6[%dma_wait3A_284, %dma_wait3A_285] : memref<10240x128xf32, #tpu.memory_space<vmem_shared>> -> memref<10240x128xf32, #tpu.memory_space<vmem_shared>>
        tpu.wait_indirect_dma semaphore(%arg14 : memref<!tpu.dma_semaphore, #tpu.memory_space<semaphore_mem>>) src(%arg9 : memref<128x128xf32, #tpu.memory_space<vmem>>) dst(%dma_wait3A_286 : memref<10240x128xf32, #tpu.memory_space<vmem_shared>>)
        %add3A_287 = arith.constant 2 : i32
        %add3A_288 = arith.addi %mul3A_237, %add3A_287 : i32
        %dma_start3A_289 = arith.constant 0 : i32
        %dma_start3A_290 = tpu.memref_slice %arg7[%add3A_288, %dma_start3A_289] : memref<32x128xi32, #tpu.memory_space<vmem>> -> memref<1x128xi32, #tpu.memory_space<vmem>>
        %dma_start3A_291 = tpu.memref_squeeze %dma_start3A_290 : memref<1x128xi32, #tpu.memory_space<vmem>> -> memref<128xi32, #tpu.memory_space<vmem>>
        %dma_start3A_292 = arith.constant 0 : i32
        %dma_start3A_293 = arith.constant 0 : i32
        %dma_start3A_294 = tpu.memref_slice %arg2[%dma_start3A_292, %dma_start3A_293] : memref<20000x128xf32, #tpu.memory_space<hbm>> -> memref<20000x128xf32, #tpu.memory_space<hbm>>
        tpu.enqueue_indirect_dma source(%dma_start3A_294 : memref<20000x128xf32, #tpu.memory_space<hbm>>) target(%arg9 : memref<128x128xf32, #tpu.memory_space<vmem>>) offsets(%dma_start3A_291 : memref<128xi32, #tpu.memory_space<vmem>>) semaphore(%arg12 : memref<!tpu.dma_semaphore, #tpu.memory_space<semaphore_mem>>)
      } else {
      }
      %add3A_258 = arith.constant 1 : i32
      %add3A_259 = arith.addi %mul3A_237, %add3A_258 : i32
      %dma_wait3A_260 = arith.constant 0 : i32
      %dma_wait3A_261 = arith.constant 0 : i32
      %dma_wait3A_262 = tpu.memref_slice %arg7[%dma_wait3A_260, %dma_wait3A_261] : memref<32x128xi32, #tpu.memory_space<vmem>> -> memref<1x128xi32, #tpu.memory_space<vmem>>
      %dma_wait3A_263 = tpu.memref_squeeze %dma_wait3A_262 : memref<1x128xi32, #tpu.memory_space<vmem>> -> memref<128xi32, #tpu.memory_space<vmem>>
      %dma_wait3A_264 = arith.constant 0 : i32
      %dma_wait3A_265 = arith.constant 0 : i32
      %dma_wait3A_266 = tpu.memref_slice %arg2[%dma_wait3A_264, %dma_wait3A_265] : memref<20000x128xf32, #tpu.memory_space<hbm>> -> memref<20000x128xf32, #tpu.memory_space<hbm>>
      tpu.wait_indirect_dma semaphore(%arg13 : memref<!tpu.dma_semaphore, #tpu.memory_space<semaphore_mem>>) src(%dma_wait3A_266 : memref<20000x128xf32, #tpu.memory_space<hbm>>) dst(%arg10 : memref<128x128xf32, #tpu.memory_space<vmem>>)
      %dma_start3A_267 = arith.constant 0 : i32
      %dma_start3A_268 = tpu.memref_slice %arg8[%add3A_259, %dma_start3A_267] : memref<32x128xi32, #tpu.memory_space<vmem>> -> memref<1x128xi32, #tpu.memory_space<vmem>>
      %dma_start3A_269 = tpu.memref_squeeze %dma_start3A_268 : memref<1x128xi32, #tpu.memory_space<vmem>> -> memref<128xi32, #tpu.memory_space<vmem>>
      %dma_start3A_270 = arith.constant 0 : i32
      %dma_start3A_271 = arith.constant 0 : i32
      %dma_start3A_272 = tpu.memref_slice %arg6[%dma_start3A_270, %dma_start3A_271] : memref<10240x128xf32, #tpu.memory_space<vmem_shared>> -> memref<10240x128xf32, #tpu.memory_space<vmem_shared>>
      tpu.enqueue_indirect_dma source(%arg10 : memref<128x128xf32, #tpu.memory_space<vmem>>) target(%dma_start3A_272 : memref<10240x128xf32, #tpu.memory_space<vmem_shared>>) offsets(%dma_start3A_269 : memref<128xi32, #tpu.memory_space<vmem>>) semaphore(%arg15 : memref<!tpu.dma_semaphore, #tpu.memory_space<semaphore_mem>>) {add = true}
      %add3A_273 = arith.constant 2 : i32
      %add3A_274 = arith.addi %add3A_259, %add3A_273 : i32
      %lt3A_275 = arith.constant 32 : i32
      %lt3A_276 = arith.cmpi slt, %add3A_274, %lt3A_275 : i32
      %convert_element_type3A_277 = arith.extui %lt3A_276 : i1 to i32
      %cond3A_278 = arith.constant 0 : i32
      %cond3A_279 = arith.cmpi ne, %convert_element_type3A_277, %cond3A_278 : i32
      scf.if %cond3A_279 {
        %dma_wait3A_280 = arith.constant 0 : i32
        %dma_wait3A_281 = arith.constant 0 : i32
        %dma_wait3A_282 = tpu.memref_slice %arg8[%dma_wait3A_280, %dma_wait3A_281] : memref<32x128xi32, #tpu.memory_space<vmem>> -> memref<1x128xi32, #tpu.memory_space<vmem>>
        %dma_wait3A_283 = tpu.memref_squeeze %dma_wait3A_282 : memref<1x128xi32, #tpu.memory_space<vmem>> -> memref<128xi32, #tpu.memory_space<vmem>>
        %dma_wait3A_284 = arith.constant 0 : i32
        %dma_wait3A_285 = arith.constant 0 : i32
        %dma_wait3A_286 = tpu.memref_slice %arg6[%dma_wait3A_284, %dma_wait3A_285] : memref<10240x128xf32, #tpu.memory_space<vmem_shared>> -> memref<10240x128xf32, #tpu.memory_space<vmem_shared>>
        tpu.wait_indirect_dma semaphore(%arg15 : memref<!tpu.dma_semaphore, #tpu.memory_space<semaphore_mem>>) src(%arg10 : memref<128x128xf32, #tpu.memory_space<vmem>>) dst(%dma_wait3A_286 : memref<10240x128xf32, #tpu.memory_space<vmem_shared>>)
        %add3A_287 = arith.constant 2 : i32
        %add3A_288 = arith.addi %add3A_259, %add3A_287 : i32
        %dma_start3A_289 = arith.constant 0 : i32
        %dma_start3A_290 = tpu.memref_slice %arg7[%add3A_288, %dma_start3A_289] : memref<32x128xi32, #tpu.memory_space<vmem>> -> memref<1x128xi32, #tpu.memory_space<vmem>>
        %dma_start3A_291 = tpu.memref_squeeze %dma_start3A_290 : memref<1x128xi32, #tpu.memory_space<vmem>> -> memref<128xi32, #tpu.memory_space<vmem>>
        %dma_start3A_292 = arith.constant 0 : i32
        %dma_start3A_293 = arith.constant 0 : i32
        %dma_start3A_294 = tpu.memref_slice %arg2[%dma_start3A_292, %dma_start3A_293] : memref<20000x128xf32, #tpu.memory_space<hbm>> -> memref<20000x128xf32, #tpu.memory_space<hbm>>
        tpu.enqueue_indirect_dma source(%dma_start3A_294 : memref<20000x128xf32, #tpu.memory_space<hbm>>) target(%arg10 : memref<128x128xf32, #tpu.memory_space<vmem>>) offsets(%dma_start3A_291 : memref<128xi32, #tpu.memory_space<vmem>>) semaphore(%arg13 : memref<!tpu.dma_semaphore, #tpu.memory_space<semaphore_mem>>)
      } else {
      }
    }
    %scan3A_34 = arith.constant 16 : i32
    %dma_wait3A = arith.constant 0 : i32
    %dma_wait3A_35 = arith.constant 0 : i32
    %dma_wait3A_36 = tpu.memref_slice %arg8[%dma_wait3A, %dma_wait3A_35] : memref<32x128xi32, #tpu.memory_space<vmem>> -> memref<1x128xi32, #tpu.memory_space<vmem>>
    %dma_wait3A_37 = tpu.memref_squeeze %dma_wait3A_36 : memref<1x128xi32, #tpu.memory_space<vmem>> -> memref<128xi32, #tpu.memory_space<vmem>>
    %dma_wait3A_38 = arith.constant 0 : i32
    %dma_wait3A_39 = arith.constant 0 : i32
    %dma_wait3A_40 = tpu.memref_slice %arg6[%dma_wait3A_38, %dma_wait3A_39] : memref<10240x128xf32, #tpu.memory_space<vmem_shared>> -> memref<10240x128xf32, #tpu.memory_space<vmem_shared>>
    tpu.wait_indirect_dma semaphore(%arg14 : memref<!tpu.dma_semaphore, #tpu.memory_space<semaphore_mem>>) src(%arg9 : memref<128x128xf32, #tpu.memory_space<vmem>>) dst(%dma_wait3A_40 : memref<10240x128xf32, #tpu.memory_space<vmem_shared>>)
    %dma_wait3A_41 = arith.constant 1 : i32
    %dma_wait3A_42 = arith.constant 0 : i32
    %dma_wait3A_43 = tpu.memref_slice %arg8[%dma_wait3A_41, %dma_wait3A_42] : memref<32x128xi32, #tpu.memory_space<vmem>> -> memref<1x128xi32, #tpu.memory_space<vmem>>
    %dma_wait3A_44 = tpu.memref_squeeze %dma_wait3A_43 : memref<1x128xi32, #tpu.memory_space<vmem>> -> memref<128xi32, #tpu.memory_space<vmem>>
    %dma_wait3A_45 = arith.constant 0 : i32
    %dma_wait3A_46 = arith.constant 0 : i32
    %dma_wait3A_47 = tpu.memref_slice %arg6[%dma_wait3A_45, %dma_wait3A_46] : memref<10240x128xf32, #tpu.memory_space<vmem_shared>> -> memref<10240x128xf32, #tpu.memory_space<vmem_shared>>
    tpu.wait_indirect_dma semaphore(%arg15 : memref<!tpu.dma_semaphore, #tpu.memory_space<semaphore_mem>>) src(%arg10 : memref<128x128xf32, #tpu.memory_space<vmem>>) dst(%dma_wait3A_47 : memref<10240x128xf32, #tpu.memory_space<vmem_shared>>)
    %mul3A_48 = arith.constant 16 : i32
    %mul3A_49 = arith.muli %arg0, %mul3A_48 : i32
    %add3A_50 = arith.addi %mul3A_49, %arg1 : i32
    %mul3A_51 = arith.constant 5 : i32
    %mul3A_52 = arith.muli %add3A_50, %mul3A_51 : i32
    %add3A_53 = arith.constant 1 : i32
    %add3A_54 = arith.addi %mul3A_52, %add3A_53 : i32
    "tpu.region"() ({
      %run_scoped3A = tpu.sem_alloc : memref<!tpu.dma_semaphore, #tpu.memory_space<semaphore_mem>>
      %dma_start3A_235 = arith.constant 0 : i32
      %dma_start3A_236 = arith.constant 0 : i32
      %dma_start3A_237 = tpu.memref_slice %arg3[%add3A_54, %dma_start3A_235, %dma_start3A_236] : memref<160x32x128xi32, #tpu.memory_space<hbm>> -> memref<1x32x128xi32, #tpu.memory_space<hbm>>
      %dma_start3A_238 = tpu.memref_squeeze %dma_start3A_237 : memref<1x32x128xi32, #tpu.memory_space<hbm>> -> memref<32x128xi32, #tpu.memory_space<hbm>>
      %dma_start3A_239 = arith.constant 0 : i32
      %dma_start3A_240 = arith.constant 0 : i32
      %dma_start3A_241 = tpu.memref_slice %arg3[%add3A_54, %dma_start3A_239, %dma_start3A_240] : memref<160x32x128xi32, #tpu.memory_space<hbm>> -> memref<1x32x128xi32, #tpu.memory_space<hbm>>
      %dma_start3A_242 = tpu.memref_squeeze %dma_start3A_241 : memref<1x32x128xi32, #tpu.memory_space<hbm>> -> memref<32x128xi32, #tpu.memory_space<hbm>>
      tpu.enqueue_dma source(%dma_start3A_242 : memref<32x128xi32, #tpu.memory_space<hbm>>) target(%arg7 : memref<32x128xi32, #tpu.memory_space<vmem>>) target_semaphore(%run_scoped3A : memref<!tpu.dma_semaphore, #tpu.memory_space<semaphore_mem>>)
      %dma_wait3A_243 = arith.constant 0 : i32
      %dma_wait3A_244 = arith.constant 0 : i32
      %dma_wait3A_245 = tpu.memref_slice %arg3[%add3A_54, %dma_wait3A_243, %dma_wait3A_244] : memref<160x32x128xi32, #tpu.memory_space<hbm>> -> memref<1x32x128xi32, #tpu.memory_space<hbm>>
      %dma_wait3A_246 = tpu.memref_squeeze %dma_wait3A_245 : memref<1x32x128xi32, #tpu.memory_space<hbm>> -> memref<32x128xi32, #tpu.memory_space<hbm>>
      %dma_wait3A_247 = arith.constant 0 : i32
      %dma_wait3A_248 = arith.constant 0 : i32
      %dma_wait3A_249 = tpu.memref_slice %arg3[%add3A_54, %dma_wait3A_247, %dma_wait3A_248] : memref<160x32x128xi32, #tpu.memory_space<hbm>> -> memref<1x32x128xi32, #tpu.memory_space<hbm>>
      %dma_wait3A_250 = tpu.memref_squeeze %dma_wait3A_249 : memref<1x32x128xi32, #tpu.memory_space<hbm>> -> memref<32x128xi32, #tpu.memory_space<hbm>>
      tpu.wait_dma2 semaphore(%run_scoped3A : memref<!tpu.dma_semaphore, #tpu.memory_space<semaphore_mem>>) src(%dma_wait3A_250 : memref<32x128xi32, #tpu.memory_space<hbm>>) dst(%arg7 : memref<32x128xi32, #tpu.memory_space<vmem>>)
      tpu.yield
    }) : () -> ()
    %mul3A_55 = arith.constant 5 : i32
    %mul3A_56 = arith.muli %arg1, %mul3A_55 : i32
    %add3A_57 = arith.constant 1 : i32
    %add3A_58 = arith.addi %mul3A_56, %add3A_57 : i32
    "tpu.region"() ({
      %run_scoped3A = tpu.sem_alloc : memref<!tpu.dma_semaphore, #tpu.memory_space<semaphore_mem>>
      %dma_start3A_235 = arith.constant 0 : i32
      %dma_start3A_236 = arith.constant 0 : i32
      %dma_start3A_237 = tpu.memref_slice %arg4[%add3A_58, %dma_start3A_235, %dma_start3A_236] : memref<80x32x128xi32, #tpu.memory_space<hbm>> -> memref<1x32x128xi32, #tpu.memory_space<hbm>>
      %dma_start3A_238 = tpu.memref_squeeze %dma_start3A_237 : memref<1x32x128xi32, #tpu.memory_space<hbm>> -> memref<32x128xi32, #tpu.memory_space<hbm>>
      %dma_start3A_239 = arith.constant 0 : i32
      %dma_start3A_240 = arith.constant 0 : i32
      %dma_start3A_241 = tpu.memref_slice %arg4[%add3A_58, %dma_start3A_239, %dma_start3A_240] : memref<80x32x128xi32, #tpu.memory_space<hbm>> -> memref<1x32x128xi32, #tpu.memory_space<hbm>>
      %dma_start3A_242 = tpu.memref_squeeze %dma_start3A_241 : memref<1x32x128xi32, #tpu.memory_space<hbm>> -> memref<32x128xi32, #tpu.memory_space<hbm>>
      tpu.enqueue_dma source(%dma_start3A_242 : memref<32x128xi32, #tpu.memory_space<hbm>>) target(%arg8 : memref<32x128xi32, #tpu.memory_space<vmem>>) target_semaphore(%run_scoped3A : memref<!tpu.dma_semaphore, #tpu.memory_space<semaphore_mem>>)
      %dma_wait3A_243 = arith.constant 0 : i32
      %dma_wait3A_244 = arith.constant 0 : i32
      %dma_wait3A_245 = tpu.memref_slice %arg4[%add3A_58, %dma_wait3A_243, %dma_wait3A_244] : memref<80x32x128xi32, #tpu.memory_space<hbm>> -> memref<1x32x128xi32, #tpu.memory_space<hbm>>
      %dma_wait3A_246 = tpu.memref_squeeze %dma_wait3A_245 : memref<1x32x128xi32, #tpu.memory_space<hbm>> -> memref<32x128xi32, #tpu.memory_space<hbm>>
      %dma_wait3A_247 = arith.constant 0 : i32
      %dma_wait3A_248 = arith.constant 0 : i32
      %dma_wait3A_249 = tpu.memref_slice %arg4[%add3A_58, %dma_wait3A_247, %dma_wait3A_248] : memref<80x32x128xi32, #tpu.memory_space<hbm>> -> memref<1x32x128xi32, #tpu.memory_space<hbm>>
      %dma_wait3A_250 = tpu.memref_squeeze %dma_wait3A_249 : memref<1x32x128xi32, #tpu.memory_space<hbm>> -> memref<32x128xi32, #tpu.memory_space<hbm>>
      tpu.wait_dma2 semaphore(%run_scoped3A : memref<!tpu.dma_semaphore, #tpu.memory_space<semaphore_mem>>) src(%dma_wait3A_250 : memref<32x128xi32, #tpu.memory_space<hbm>>) dst(%arg8 : memref<32x128xi32, #tpu.memory_space<vmem>>)
      tpu.yield
    }) : () -> ()
    %dma_start3A_59 = arith.constant 0 : i32
    %dma_start3A_60 = arith.constant 0 : i32
    %dma_start3A_61 = tpu.memref_slice %arg7[%dma_start3A_59, %dma_start3A_60] : memref<32x128xi32, #tpu.memory_space<vmem>> -> memref<1x128xi32, #tpu.memory_space<vmem>>
    %dma_start3A_62 = tpu.memref_squeeze %dma_start3A_61 : memref<1x128xi32, #tpu.memory_space<vmem>> -> memref<128xi32, #tpu.memory_space<vmem>>
    %dma_start3A_63 = arith.constant 0 : i32
    %dma_start3A_64 = arith.constant 0 : i32
    %dma_start3A_65 = tpu.memref_slice %arg2[%dma_start3A_63, %dma_start3A_64] : memref<20000x128xf32, #tpu.memory_space<hbm>> -> memref<20000x128xf32, #tpu.memory_space<hbm>>
    tpu.enqueue_indirect_dma source(%dma_start3A_65 : memref<20000x128xf32, #tpu.memory_space<hbm>>) target(%arg9 : memref<128x128xf32, #tpu.memory_space<vmem>>) offsets(%dma_start3A_62 : memref<128xi32, #tpu.memory_space<vmem>>) semaphore(%arg12 : memref<!tpu.dma_semaphore, #tpu.memory_space<semaphore_mem>>)
    %dma_start3A_66 = arith.constant 1 : i32
    %dma_start3A_67 = arith.constant 0 : i32
    %dma_start3A_68 = tpu.memref_slice %arg7[%dma_start3A_66, %dma_start3A_67] : memref<32x128xi32, #tpu.memory_space<vmem>> -> memref<1x128xi32, #tpu.memory_space<vmem>>
    %dma_start3A_69 = tpu.memref_squeeze %dma_start3A_68 : memref<1x128xi32, #tpu.memory_space<vmem>> -> memref<128xi32, #tpu.memory_space<vmem>>
    %dma_start3A_70 = arith.constant 0 : i32
    %dma_start3A_71 = arith.constant 0 : i32
    %dma_start3A_72 = tpu.memref_slice %arg2[%dma_start3A_70, %dma_start3A_71] : memref<20000x128xf32, #tpu.memory_space<hbm>> -> memref<20000x128xf32, #tpu.memory_space<hbm>>
    tpu.enqueue_indirect_dma source(%dma_start3A_72 : memref<20000x128xf32, #tpu.memory_space<hbm>>) target(%arg10 : memref<128x128xf32, #tpu.memory_space<vmem>>) offsets(%dma_start3A_69 : memref<128xi32, #tpu.memory_space<vmem>>) semaphore(%arg13 : memref<!tpu.dma_semaphore, #tpu.memory_space<semaphore_mem>>)
    %scan3A_73 = arith.constant 0 : i32
    %scan3A_74 = arith.constant 0 : i32
    %scan3A_75 = arith.constant 16 : i32
    %scan3A_76 = arith.addi %scan3A_74, %scan3A_75 : i32
    %scan3A_77 = arith.constant 1 : i32
    scf.for %scan3A_235 = %scan3A_74 to %scan3A_76 step %scan3A_77  : i32 {
      %mul3A_236 = arith.constant 2 : i32
      %mul3A_237 = arith.muli %mul3A_236, %scan3A_235 : i32
      %dma_wait3A_238 = arith.constant 0 : i32
      %dma_wait3A_239 = arith.constant 0 : i32
      %dma_wait3A_240 = tpu.memref_slice %arg7[%dma_wait3A_238, %dma_wait3A_239] : memref<32x128xi32, #tpu.memory_space<vmem>> -> memref<1x128xi32, #tpu.memory_space<vmem>>
      %dma_wait3A_241 = tpu.memref_squeeze %dma_wait3A_240 : memref<1x128xi32, #tpu.memory_space<vmem>> -> memref<128xi32, #tpu.memory_space<vmem>>
      %dma_wait3A_242 = arith.constant 0 : i32
      %dma_wait3A_243 = arith.constant 0 : i32
      %dma_wait3A_244 = tpu.memref_slice %arg2[%dma_wait3A_242, %dma_wait3A_243] : memref<20000x128xf32, #tpu.memory_space<hbm>> -> memref<20000x128xf32, #tpu.memory_space<hbm>>
      tpu.wait_indirect_dma semaphore(%arg12 : memref<!tpu.dma_semaphore, #tpu.memory_space<semaphore_mem>>) src(%dma_wait3A_244 : memref<20000x128xf32, #tpu.memory_space<hbm>>) dst(%arg9 : memref<128x128xf32, #tpu.memory_space<vmem>>)
      %dma_start3A_245 = arith.constant 0 : i32
      %dma_start3A_246 = tpu.memref_slice %arg8[%mul3A_237, %dma_start3A_245] : memref<32x128xi32, #tpu.memory_space<vmem>> -> memref<1x128xi32, #tpu.memory_space<vmem>>
      %dma_start3A_247 = tpu.memref_squeeze %dma_start3A_246 : memref<1x128xi32, #tpu.memory_space<vmem>> -> memref<128xi32, #tpu.memory_space<vmem>>
      %dma_start3A_248 = arith.constant 0 : i32
      %dma_start3A_249 = arith.constant 0 : i32
      %dma_start3A_250 = tpu.memref_slice %arg6[%dma_start3A_248, %dma_start3A_249] : memref<10240x128xf32, #tpu.memory_space<vmem_shared>> -> memref<10240x128xf32, #tpu.memory_space<vmem_shared>>
      tpu.enqueue_indirect_dma source(%arg9 : memref<128x128xf32, #tpu.memory_space<vmem>>) target(%dma_start3A_250 : memref<10240x128xf32, #tpu.memory_space<vmem_shared>>) offsets(%dma_start3A_247 : memref<128xi32, #tpu.memory_space<vmem>>) semaphore(%arg14 : memref<!tpu.dma_semaphore, #tpu.memory_space<semaphore_mem>>) {add = true}
      %add3A_251 = arith.constant 2 : i32
      %add3A_252 = arith.addi %mul3A_237, %add3A_251 : i32
      %lt3A_253 = arith.constant 32 : i32
      %lt3A_254 = arith.cmpi slt, %add3A_252, %lt3A_253 : i32
      %convert_element_type3A_255 = arith.extui %lt3A_254 : i1 to i32
      %cond3A_256 = arith.constant 0 : i32
      %cond3A_257 = arith.cmpi ne, %convert_element_type3A_255, %cond3A_256 : i32
      scf.if %cond3A_257 {
        %dma_wait3A_280 = arith.constant 0 : i32
        %dma_wait3A_281 = arith.constant 0 : i32
        %dma_wait3A_282 = tpu.memref_slice %arg8[%dma_wait3A_280, %dma_wait3A_281] : memref<32x128xi32, #tpu.memory_space<vmem>> -> memref<1x128xi32, #tpu.memory_space<vmem>>
        %dma_wait3A_283 = tpu.memref_squeeze %dma_wait3A_282 : memref<1x128xi32, #tpu.memory_space<vmem>> -> memref<128xi32, #tpu.memory_space<vmem>>
        %dma_wait3A_284 = arith.constant 0 : i32
        %dma_wait3A_285 = arith.constant 0 : i32
        %dma_wait3A_286 = tpu.memref_slice %arg6[%dma_wait3A_284, %dma_wait3A_285] : memref<10240x128xf32, #tpu.memory_space<vmem_shared>> -> memref<10240x128xf32, #tpu.memory_space<vmem_shared>>
        tpu.wait_indirect_dma semaphore(%arg14 : memref<!tpu.dma_semaphore, #tpu.memory_space<semaphore_mem>>) src(%arg9 : memref<128x128xf32, #tpu.memory_space<vmem>>) dst(%dma_wait3A_286 : memref<10240x128xf32, #tpu.memory_space<vmem_shared>>)
        %add3A_287 = arith.constant 2 : i32
        %add3A_288 = arith.addi %mul3A_237, %add3A_287 : i32
        %dma_start3A_289 = arith.constant 0 : i32
        %dma_start3A_290 = tpu.memref_slice %arg7[%add3A_288, %dma_start3A_289] : memref<32x128xi32, #tpu.memory_space<vmem>> -> memref<1x128xi32, #tpu.memory_space<vmem>>
        %dma_start3A_291 = tpu.memref_squeeze %dma_start3A_290 : memref<1x128xi32, #tpu.memory_space<vmem>> -> memref<128xi32, #tpu.memory_space<vmem>>
        %dma_start3A_292 = arith.constant 0 : i32
        %dma_start3A_293 = arith.constant 0 : i32
        %dma_start3A_294 = tpu.memref_slice %arg2[%dma_start3A_292, %dma_start3A_293] : memref<20000x128xf32, #tpu.memory_space<hbm>> -> memref<20000x128xf32, #tpu.memory_space<hbm>>
        tpu.enqueue_indirect_dma source(%dma_start3A_294 : memref<20000x128xf32, #tpu.memory_space<hbm>>) target(%arg9 : memref<128x128xf32, #tpu.memory_space<vmem>>) offsets(%dma_start3A_291 : memref<128xi32, #tpu.memory_space<vmem>>) semaphore(%arg12 : memref<!tpu.dma_semaphore, #tpu.memory_space<semaphore_mem>>)
      } else {
      }
      %add3A_258 = arith.constant 1 : i32
      %add3A_259 = arith.addi %mul3A_237, %add3A_258 : i32
      %dma_wait3A_260 = arith.constant 0 : i32
      %dma_wait3A_261 = arith.constant 0 : i32
      %dma_wait3A_262 = tpu.memref_slice %arg7[%dma_wait3A_260, %dma_wait3A_261] : memref<32x128xi32, #tpu.memory_space<vmem>> -> memref<1x128xi32, #tpu.memory_space<vmem>>
      %dma_wait3A_263 = tpu.memref_squeeze %dma_wait3A_262 : memref<1x128xi32, #tpu.memory_space<vmem>> -> memref<128xi32, #tpu.memory_space<vmem>>
      %dma_wait3A_264 = arith.constant 0 : i32
      %dma_wait3A_265 = arith.constant 0 : i32
      %dma_wait3A_266 = tpu.memref_slice %arg2[%dma_wait3A_264, %dma_wait3A_265] : memref<20000x128xf32, #tpu.memory_space<hbm>> -> memref<20000x128xf32, #tpu.memory_space<hbm>>
      tpu.wait_indirect_dma semaphore(%arg13 : memref<!tpu.dma_semaphore, #tpu.memory_space<semaphore_mem>>) src(%dma_wait3A_266 : memref<20000x128xf32, #tpu.memory_space<hbm>>) dst(%arg10 : memref<128x128xf32, #tpu.memory_space<vmem>>)
      %dma_start3A_267 = arith.constant 0 : i32
      %dma_start3A_268 = tpu.memref_slice %arg8[%add3A_259, %dma_start3A_267] : memref<32x128xi32, #tpu.memory_space<vmem>> -> memref<1x128xi32, #tpu.memory_space<vmem>>
      %dma_start3A_269 = tpu.memref_squeeze %dma_start3A_268 : memref<1x128xi32, #tpu.memory_space<vmem>> -> memref<128xi32, #tpu.memory_space<vmem>>
      %dma_start3A_270 = arith.constant 0 : i32
      %dma_start3A_271 = arith.constant 0 : i32
      %dma_start3A_272 = tpu.memref_slice %arg6[%dma_start3A_270, %dma_start3A_271] : memref<10240x128xf32, #tpu.memory_space<vmem_shared>> -> memref<10240x128xf32, #tpu.memory_space<vmem_shared>>
      tpu.enqueue_indirect_dma source(%arg10 : memref<128x128xf32, #tpu.memory_space<vmem>>) target(%dma_start3A_272 : memref<10240x128xf32, #tpu.memory_space<vmem_shared>>) offsets(%dma_start3A_269 : memref<128xi32, #tpu.memory_space<vmem>>) semaphore(%arg15 : memref<!tpu.dma_semaphore, #tpu.memory_space<semaphore_mem>>) {add = true}
      %add3A_273 = arith.constant 2 : i32
      %add3A_274 = arith.addi %add3A_259, %add3A_273 : i32
      %lt3A_275 = arith.constant 32 : i32
      %lt3A_276 = arith.cmpi slt, %add3A_274, %lt3A_275 : i32
      %convert_element_type3A_277 = arith.extui %lt3A_276 : i1 to i32
      %cond3A_278 = arith.constant 0 : i32
      %cond3A_279 = arith.cmpi ne, %convert_element_type3A_277, %cond3A_278 : i32
      scf.if %cond3A_279 {
        %dma_wait3A_280 = arith.constant 0 : i32
        %dma_wait3A_281 = arith.constant 0 : i32
        %dma_wait3A_282 = tpu.memref_slice %arg8[%dma_wait3A_280, %dma_wait3A_281] : memref<32x128xi32, #tpu.memory_space<vmem>> -> memref<1x128xi32, #tpu.memory_space<vmem>>
        %dma_wait3A_283 = tpu.memref_squeeze %dma_wait3A_282 : memref<1x128xi32, #tpu.memory_space<vmem>> -> memref<128xi32, #tpu.memory_space<vmem>>
        %dma_wait3A_284 = arith.constant 0 : i32
        %dma_wait3A_285 = arith.constant 0 : i32
        %dma_wait3A_286 = tpu.memref_slice %arg6[%dma_wait3A_284, %dma_wait3A_285] : memref<10240x128xf32, #tpu.memory_space<vmem_shared>> -> memref<10240x128xf32, #tpu.memory_space<vmem_shared>>
        tpu.wait_indirect_dma semaphore(%arg15 : memref<!tpu.dma_semaphore, #tpu.memory_space<semaphore_mem>>) src(%arg10 : memref<128x128xf32, #tpu.memory_space<vmem>>) dst(%dma_wait3A_286 : memref<10240x128xf32, #tpu.memory_space<vmem_shared>>)
        %add3A_287 = arith.constant 2 : i32
        %add3A_288 = arith.addi %add3A_259, %add3A_287 : i32
        %dma_start3A_289 = arith.constant 0 : i32
        %dma_start3A_290 = tpu.memref_slice %arg7[%add3A_288, %dma_start3A_289] : memref<32x128xi32, #tpu.memory_space<vmem>> -> memref<1x128xi32, #tpu.memory_space<vmem>>
        %dma_start3A_291 = tpu.memref_squeeze %dma_start3A_290 : memref<1x128xi32, #tpu.memory_space<vmem>> -> memref<128xi32, #tpu.memory_space<vmem>>
        %dma_start3A_292 = arith.constant 0 : i32
        %dma_start3A_293 = arith.constant 0 : i32
        %dma_start3A_294 = tpu.memref_slice %arg2[%dma_start3A_292, %dma_start3A_293] : memref<20000x128xf32, #tpu.memory_space<hbm>> -> memref<20000x128xf32, #tpu.memory_space<hbm>>
        tpu.enqueue_indirect_dma source(%dma_start3A_294 : memref<20000x128xf32, #tpu.memory_space<hbm>>) target(%arg10 : memref<128x128xf32, #tpu.memory_space<vmem>>) offsets(%dma_start3A_291 : memref<128xi32, #tpu.memory_space<vmem>>) semaphore(%arg13 : memref<!tpu.dma_semaphore, #tpu.memory_space<semaphore_mem>>)
      } else {
      }
    }
    %scan3A_78 = arith.constant 16 : i32
    %dma_wait3A_79 = arith.constant 0 : i32
    %dma_wait3A_80 = arith.constant 0 : i32
    %dma_wait3A_81 = tpu.memref_slice %arg8[%dma_wait3A_79, %dma_wait3A_80] : memref<32x128xi32, #tpu.memory_space<vmem>> -> memref<1x128xi32, #tpu.memory_space<vmem>>
    %dma_wait3A_82 = tpu.memref_squeeze %dma_wait3A_81 : memref<1x128xi32, #tpu.memory_space<vmem>> -> memref<128xi32, #tpu.memory_space<vmem>>
    %dma_wait3A_83 = arith.constant 0 : i32
    %dma_wait3A_84 = arith.constant 0 : i32
    %dma_wait3A_85 = tpu.memref_slice %arg6[%dma_wait3A_83, %dma_wait3A_84] : memref<10240x128xf32, #tpu.memory_space<vmem_shared>> -> memref<10240x128xf32, #tpu.memory_space<vmem_shared>>
    tpu.wait_indirect_dma semaphore(%arg14 : memref<!tpu.dma_semaphore, #tpu.memory_space<semaphore_mem>>) src(%arg9 : memref<128x128xf32, #tpu.memory_space<vmem>>) dst(%dma_wait3A_85 : memref<10240x128xf32, #tpu.memory_space<vmem_shared>>)
    %dma_wait3A_86 = arith.constant 1 : i32
    %dma_wait3A_87 = arith.constant 0 : i32
    %dma_wait3A_88 = tpu.memref_slice %arg8[%dma_wait3A_86, %dma_wait3A_87] : memref<32x128xi32, #tpu.memory_space<vmem>> -> memref<1x128xi32, #tpu.memory_space<vmem>>
    %dma_wait3A_89 = tpu.memref_squeeze %dma_wait3A_88 : memref<1x128xi32, #tpu.memory_space<vmem>> -> memref<128xi32, #tpu.memory_space<vmem>>
    %dma_wait3A_90 = arith.constant 0 : i32
    %dma_wait3A_91 = arith.constant 0 : i32
    %dma_wait3A_92 = tpu.memref_slice %arg6[%dma_wait3A_90, %dma_wait3A_91] : memref<10240x128xf32, #tpu.memory_space<vmem_shared>> -> memref<10240x128xf32, #tpu.memory_space<vmem_shared>>
    tpu.wait_indirect_dma semaphore(%arg15 : memref<!tpu.dma_semaphore, #tpu.memory_space<semaphore_mem>>) src(%arg10 : memref<128x128xf32, #tpu.memory_space<vmem>>) dst(%dma_wait3A_92 : memref<10240x128xf32, #tpu.memory_space<vmem_shared>>)
    %mul3A_93 = arith.constant 16 : i32
    %mul3A_94 = arith.muli %arg0, %mul3A_93 : i32
    %add3A_95 = arith.addi %mul3A_94, %arg1 : i32
    %mul3A_96 = arith.constant 5 : i32
    %mul3A_97 = arith.muli %add3A_95, %mul3A_96 : i32
    %add3A_98 = arith.constant 2 : i32
    %add3A_99 = arith.addi %mul3A_97, %add3A_98 : i32
    "tpu.region"() ({
      %run_scoped3A = tpu.sem_alloc : memref<!tpu.dma_semaphore, #tpu.memory_space<semaphore_mem>>
      %dma_start3A_235 = arith.constant 0 : i32
      %dma_start3A_236 = arith.constant 0 : i32
      %dma_start3A_237 = tpu.memref_slice %arg3[%add3A_99, %dma_start3A_235, %dma_start3A_236] : memref<160x32x128xi32, #tpu.memory_space<hbm>> -> memref<1x32x128xi32, #tpu.memory_space<hbm>>
      %dma_start3A_238 = tpu.memref_squeeze %dma_start3A_237 : memref<1x32x128xi32, #tpu.memory_space<hbm>> -> memref<32x128xi32, #tpu.memory_space<hbm>>
      %dma_start3A_239 = arith.constant 0 : i32
      %dma_start3A_240 = arith.constant 0 : i32
      %dma_start3A_241 = tpu.memref_slice %arg3[%add3A_99, %dma_start3A_239, %dma_start3A_240] : memref<160x32x128xi32, #tpu.memory_space<hbm>> -> memref<1x32x128xi32, #tpu.memory_space<hbm>>
      %dma_start3A_242 = tpu.memref_squeeze %dma_start3A_241 : memref<1x32x128xi32, #tpu.memory_space<hbm>> -> memref<32x128xi32, #tpu.memory_space<hbm>>
      tpu.enqueue_dma source(%dma_start3A_242 : memref<32x128xi32, #tpu.memory_space<hbm>>) target(%arg7 : memref<32x128xi32, #tpu.memory_space<vmem>>) target_semaphore(%run_scoped3A : memref<!tpu.dma_semaphore, #tpu.memory_space<semaphore_mem>>)
      %dma_wait3A_243 = arith.constant 0 : i32
      %dma_wait3A_244 = arith.constant 0 : i32
      %dma_wait3A_245 = tpu.memref_slice %arg3[%add3A_99, %dma_wait3A_243, %dma_wait3A_244] : memref<160x32x128xi32, #tpu.memory_space<hbm>> -> memref<1x32x128xi32, #tpu.memory_space<hbm>>
      %dma_wait3A_246 = tpu.memref_squeeze %dma_wait3A_245 : memref<1x32x128xi32, #tpu.memory_space<hbm>> -> memref<32x128xi32, #tpu.memory_space<hbm>>
      %dma_wait3A_247 = arith.constant 0 : i32
      %dma_wait3A_248 = arith.constant 0 : i32
      %dma_wait3A_249 = tpu.memref_slice %arg3[%add3A_99, %dma_wait3A_247, %dma_wait3A_248] : memref<160x32x128xi32, #tpu.memory_space<hbm>> -> memref<1x32x128xi32, #tpu.memory_space<hbm>>
      %dma_wait3A_250 = tpu.memref_squeeze %dma_wait3A_249 : memref<1x32x128xi32, #tpu.memory_space<hbm>> -> memref<32x128xi32, #tpu.memory_space<hbm>>
      tpu.wait_dma2 semaphore(%run_scoped3A : memref<!tpu.dma_semaphore, #tpu.memory_space<semaphore_mem>>) src(%dma_wait3A_250 : memref<32x128xi32, #tpu.memory_space<hbm>>) dst(%arg7 : memref<32x128xi32, #tpu.memory_space<vmem>>)
      tpu.yield
    }) : () -> ()
    %mul3A_100 = arith.constant 5 : i32
    %mul3A_101 = arith.muli %arg1, %mul3A_100 : i32
    %add3A_102 = arith.constant 2 : i32
    %add3A_103 = arith.addi %mul3A_101, %add3A_102 : i32
    "tpu.region"() ({
      %run_scoped3A = tpu.sem_alloc : memref<!tpu.dma_semaphore, #tpu.memory_space<semaphore_mem>>
      %dma_start3A_235 = arith.constant 0 : i32
      %dma_start3A_236 = arith.constant 0 : i32
      %dma_start3A_237 = tpu.memref_slice %arg4[%add3A_103, %dma_start3A_235, %dma_start3A_236] : memref<80x32x128xi32, #tpu.memory_space<hbm>> -> memref<1x32x128xi32, #tpu.memory_space<hbm>>
      %dma_start3A_238 = tpu.memref_squeeze %dma_start3A_237 : memref<1x32x128xi32, #tpu.memory_space<hbm>> -> memref<32x128xi32, #tpu.memory_space<hbm>>
      %dma_start3A_239 = arith.constant 0 : i32
      %dma_start3A_240 = arith.constant 0 : i32
      %dma_start3A_241 = tpu.memref_slice %arg4[%add3A_103, %dma_start3A_239, %dma_start3A_240] : memref<80x32x128xi32, #tpu.memory_space<hbm>> -> memref<1x32x128xi32, #tpu.memory_space<hbm>>
      %dma_start3A_242 = tpu.memref_squeeze %dma_start3A_241 : memref<1x32x128xi32, #tpu.memory_space<hbm>> -> memref<32x128xi32, #tpu.memory_space<hbm>>
      tpu.enqueue_dma source(%dma_start3A_242 : memref<32x128xi32, #tpu.memory_space<hbm>>) target(%arg8 : memref<32x128xi32, #tpu.memory_space<vmem>>) target_semaphore(%run_scoped3A : memref<!tpu.dma_semaphore, #tpu.memory_space<semaphore_mem>>)
      %dma_wait3A_243 = arith.constant 0 : i32
      %dma_wait3A_244 = arith.constant 0 : i32
      %dma_wait3A_245 = tpu.memref_slice %arg4[%add3A_103, %dma_wait3A_243, %dma_wait3A_244] : memref<80x32x128xi32, #tpu.memory_space<hbm>> -> memref<1x32x128xi32, #tpu.memory_space<hbm>>
      %dma_wait3A_246 = tpu.memref_squeeze %dma_wait3A_245 : memref<1x32x128xi32, #tpu.memory_space<hbm>> -> memref<32x128xi32, #tpu.memory_space<hbm>>
      %dma_wait3A_247 = arith.constant 0 : i32
      %dma_wait3A_248 = arith.constant 0 : i32
      %dma_wait3A_249 = tpu.memref_slice %arg4[%add3A_103, %dma_wait3A_247, %dma_wait3A_248] : memref<80x32x128xi32, #tpu.memory_space<hbm>> -> memref<1x32x128xi32, #tpu.memory_space<hbm>>
      %dma_wait3A_250 = tpu.memref_squeeze %dma_wait3A_249 : memref<1x32x128xi32, #tpu.memory_space<hbm>> -> memref<32x128xi32, #tpu.memory_space<hbm>>
      tpu.wait_dma2 semaphore(%run_scoped3A : memref<!tpu.dma_semaphore, #tpu.memory_space<semaphore_mem>>) src(%dma_wait3A_250 : memref<32x128xi32, #tpu.memory_space<hbm>>) dst(%arg8 : memref<32x128xi32, #tpu.memory_space<vmem>>)
      tpu.yield
    }) : () -> ()
    %dma_start3A_104 = arith.constant 0 : i32
    %dma_start3A_105 = arith.constant 0 : i32
    %dma_start3A_106 = tpu.memref_slice %arg7[%dma_start3A_104, %dma_start3A_105] : memref<32x128xi32, #tpu.memory_space<vmem>> -> memref<1x128xi32, #tpu.memory_space<vmem>>
    %dma_start3A_107 = tpu.memref_squeeze %dma_start3A_106 : memref<1x128xi32, #tpu.memory_space<vmem>> -> memref<128xi32, #tpu.memory_space<vmem>>
    %dma_start3A_108 = arith.constant 0 : i32
    %dma_start3A_109 = arith.constant 0 : i32
    %dma_start3A_110 = tpu.memref_slice %arg2[%dma_start3A_108, %dma_start3A_109] : memref<20000x128xf32, #tpu.memory_space<hbm>> -> memref<20000x128xf32, #tpu.memory_space<hbm>>
    tpu.enqueue_indirect_dma source(%dma_start3A_110 : memref<20000x128xf32, #tpu.memory_space<hbm>>) target(%arg9 : memref<128x128xf32, #tpu.memory_space<vmem>>) offsets(%dma_start3A_107 : memref<128xi32, #tpu.memory_space<vmem>>) semaphore(%arg12 : memref<!tpu.dma_semaphore, #tpu.memory_space<semaphore_mem>>)
    %dma_start3A_111 = arith.constant 1 : i32
    %dma_start3A_112 = arith.constant 0 : i32
    %dma_start3A_113 = tpu.memref_slice %arg7[%dma_start3A_111, %dma_start3A_112] : memref<32x128xi32, #tpu.memory_space<vmem>> -> memref<1x128xi32, #tpu.memory_space<vmem>>
    %dma_start3A_114 = tpu.memref_squeeze %dma_start3A_113 : memref<1x128xi32, #tpu.memory_space<vmem>> -> memref<128xi32, #tpu.memory_space<vmem>>
    %dma_start3A_115 = arith.constant 0 : i32
    %dma_start3A_116 = arith.constant 0 : i32
    %dma_start3A_117 = tpu.memref_slice %arg2[%dma_start3A_115, %dma_start3A_116] : memref<20000x128xf32, #tpu.memory_space<hbm>> -> memref<20000x128xf32, #tpu.memory_space<hbm>>
    tpu.enqueue_indirect_dma source(%dma_start3A_117 : memref<20000x128xf32, #tpu.memory_space<hbm>>) target(%arg10 : memref<128x128xf32, #tpu.memory_space<vmem>>) offsets(%dma_start3A_114 : memref<128xi32, #tpu.memory_space<vmem>>) semaphore(%arg13 : memref<!tpu.dma_semaphore, #tpu.memory_space<semaphore_mem>>)
    %scan3A_118 = arith.constant 0 : i32
    %scan3A_119 = arith.constant 0 : i32
    %scan3A_120 = arith.constant 16 : i32
    %scan3A_121 = arith.addi %scan3A_119, %scan3A_120 : i32
    %scan3A_122 = arith.constant 1 : i32
    scf.for %scan3A_235 = %scan3A_119 to %scan3A_121 step %scan3A_122  : i32 {
      %mul3A_236 = arith.constant 2 : i32
      %mul3A_237 = arith.muli %mul3A_236, %scan3A_235 : i32
      %dma_wait3A_238 = arith.constant 0 : i32
      %dma_wait3A_239 = arith.constant 0 : i32
      %dma_wait3A_240 = tpu.memref_slice %arg7[%dma_wait3A_238, %dma_wait3A_239] : memref<32x128xi32, #tpu.memory_space<vmem>> -> memref<1x128xi32, #tpu.memory_space<vmem>>
      %dma_wait3A_241 = tpu.memref_squeeze %dma_wait3A_240 : memref<1x128xi32, #tpu.memory_space<vmem>> -> memref<128xi32, #tpu.memory_space<vmem>>
      %dma_wait3A_242 = arith.constant 0 : i32
      %dma_wait3A_243 = arith.constant 0 : i32
      %dma_wait3A_244 = tpu.memref_slice %arg2[%dma_wait3A_242, %dma_wait3A_243] : memref<20000x128xf32, #tpu.memory_space<hbm>> -> memref<20000x128xf32, #tpu.memory_space<hbm>>
      tpu.wait_indirect_dma semaphore(%arg12 : memref<!tpu.dma_semaphore, #tpu.memory_space<semaphore_mem>>) src(%dma_wait3A_244 : memref<20000x128xf32, #tpu.memory_space<hbm>>) dst(%arg9 : memref<128x128xf32, #tpu.memory_space<vmem>>)
      %dma_start3A_245 = arith.constant 0 : i32
      %dma_start3A_246 = tpu.memref_slice %arg8[%mul3A_237, %dma_start3A_245] : memref<32x128xi32, #tpu.memory_space<vmem>> -> memref<1x128xi32, #tpu.memory_space<vmem>>
      %dma_start3A_247 = tpu.memref_squeeze %dma_start3A_246 : memref<1x128xi32, #tpu.memory_space<vmem>> -> memref<128xi32, #tpu.memory_space<vmem>>
      %dma_start3A_248 = arith.constant 0 : i32
      %dma_start3A_249 = arith.constant 0 : i32
      %dma_start3A_250 = tpu.memref_slice %arg6[%dma_start3A_248, %dma_start3A_249] : memref<10240x128xf32, #tpu.memory_space<vmem_shared>> -> memref<10240x128xf32, #tpu.memory_space<vmem_shared>>
      tpu.enqueue_indirect_dma source(%arg9 : memref<128x128xf32, #tpu.memory_space<vmem>>) target(%dma_start3A_250 : memref<10240x128xf32, #tpu.memory_space<vmem_shared>>) offsets(%dma_start3A_247 : memref<128xi32, #tpu.memory_space<vmem>>) semaphore(%arg14 : memref<!tpu.dma_semaphore, #tpu.memory_space<semaphore_mem>>) {add = true}
      %add3A_251 = arith.constant 2 : i32
      %add3A_252 = arith.addi %mul3A_237, %add3A_251 : i32
      %lt3A_253 = arith.constant 32 : i32
      %lt3A_254 = arith.cmpi slt, %add3A_252, %lt3A_253 : i32
      %convert_element_type3A_255 = arith.extui %lt3A_254 : i1 to i32
      %cond3A_256 = arith.constant 0 : i32
      %cond3A_257 = arith.cmpi ne, %convert_element_type3A_255, %cond3A_256 : i32
      scf.if %cond3A_257 {
        %dma_wait3A_280 = arith.constant 0 : i32
        %dma_wait3A_281 = arith.constant 0 : i32
        %dma_wait3A_282 = tpu.memref_slice %arg8[%dma_wait3A_280, %dma_wait3A_281] : memref<32x128xi32, #tpu.memory_space<vmem>> -> memref<1x128xi32, #tpu.memory_space<vmem>>
        %dma_wait3A_283 = tpu.memref_squeeze %dma_wait3A_282 : memref<1x128xi32, #tpu.memory_space<vmem>> -> memref<128xi32, #tpu.memory_space<vmem>>
        %dma_wait3A_284 = arith.constant 0 : i32
        %dma_wait3A_285 = arith.constant 0 : i32
        %dma_wait3A_286 = tpu.memref_slice %arg6[%dma_wait3A_284, %dma_wait3A_285] : memref<10240x128xf32, #tpu.memory_space<vmem_shared>> -> memref<10240x128xf32, #tpu.memory_space<vmem_shared>>
        tpu.wait_indirect_dma semaphore(%arg14 : memref<!tpu.dma_semaphore, #tpu.memory_space<semaphore_mem>>) src(%arg9 : memref<128x128xf32, #tpu.memory_space<vmem>>) dst(%dma_wait3A_286 : memref<10240x128xf32, #tpu.memory_space<vmem_shared>>)
        %add3A_287 = arith.constant 2 : i32
        %add3A_288 = arith.addi %mul3A_237, %add3A_287 : i32
        %dma_start3A_289 = arith.constant 0 : i32
        %dma_start3A_290 = tpu.memref_slice %arg7[%add3A_288, %dma_start3A_289] : memref<32x128xi32, #tpu.memory_space<vmem>> -> memref<1x128xi32, #tpu.memory_space<vmem>>
        %dma_start3A_291 = tpu.memref_squeeze %dma_start3A_290 : memref<1x128xi32, #tpu.memory_space<vmem>> -> memref<128xi32, #tpu.memory_space<vmem>>
        %dma_start3A_292 = arith.constant 0 : i32
        %dma_start3A_293 = arith.constant 0 : i32
        %dma_start3A_294 = tpu.memref_slice %arg2[%dma_start3A_292, %dma_start3A_293] : memref<20000x128xf32, #tpu.memory_space<hbm>> -> memref<20000x128xf32, #tpu.memory_space<hbm>>
        tpu.enqueue_indirect_dma source(%dma_start3A_294 : memref<20000x128xf32, #tpu.memory_space<hbm>>) target(%arg9 : memref<128x128xf32, #tpu.memory_space<vmem>>) offsets(%dma_start3A_291 : memref<128xi32, #tpu.memory_space<vmem>>) semaphore(%arg12 : memref<!tpu.dma_semaphore, #tpu.memory_space<semaphore_mem>>)
      } else {
      }
      %add3A_258 = arith.constant 1 : i32
      %add3A_259 = arith.addi %mul3A_237, %add3A_258 : i32
      %dma_wait3A_260 = arith.constant 0 : i32
      %dma_wait3A_261 = arith.constant 0 : i32
      %dma_wait3A_262 = tpu.memref_slice %arg7[%dma_wait3A_260, %dma_wait3A_261] : memref<32x128xi32, #tpu.memory_space<vmem>> -> memref<1x128xi32, #tpu.memory_space<vmem>>
      %dma_wait3A_263 = tpu.memref_squeeze %dma_wait3A_262 : memref<1x128xi32, #tpu.memory_space<vmem>> -> memref<128xi32, #tpu.memory_space<vmem>>
      %dma_wait3A_264 = arith.constant 0 : i32
      %dma_wait3A_265 = arith.constant 0 : i32
      %dma_wait3A_266 = tpu.memref_slice %arg2[%dma_wait3A_264, %dma_wait3A_265] : memref<20000x128xf32, #tpu.memory_space<hbm>> -> memref<20000x128xf32, #tpu.memory_space<hbm>>
      tpu.wait_indirect_dma semaphore(%arg13 : memref<!tpu.dma_semaphore, #tpu.memory_space<semaphore_mem>>) src(%dma_wait3A_266 : memref<20000x128xf32, #tpu.memory_space<hbm>>) dst(%arg10 : memref<128x128xf32, #tpu.memory_space<vmem>>)
      %dma_start3A_267 = arith.constant 0 : i32
      %dma_start3A_268 = tpu.memref_slice %arg8[%add3A_259, %dma_start3A_267] : memref<32x128xi32, #tpu.memory_space<vmem>> -> memref<1x128xi32, #tpu.memory_space<vmem>>
      %dma_start3A_269 = tpu.memref_squeeze %dma_start3A_268 : memref<1x128xi32, #tpu.memory_space<vmem>> -> memref<128xi32, #tpu.memory_space<vmem>>
      %dma_start3A_270 = arith.constant 0 : i32
      %dma_start3A_271 = arith.constant 0 : i32
      %dma_start3A_272 = tpu.memref_slice %arg6[%dma_start3A_270, %dma_start3A_271] : memref<10240x128xf32, #tpu.memory_space<vmem_shared>> -> memref<10240x128xf32, #tpu.memory_space<vmem_shared>>
      tpu.enqueue_indirect_dma source(%arg10 : memref<128x128xf32, #tpu.memory_space<vmem>>) target(%dma_start3A_272 : memref<10240x128xf32, #tpu.memory_space<vmem_shared>>) offsets(%dma_start3A_269 : memref<128xi32, #tpu.memory_space<vmem>>) semaphore(%arg15 : memref<!tpu.dma_semaphore, #tpu.memory_space<semaphore_mem>>) {add = true}
      %add3A_273 = arith.constant 2 : i32
      %add3A_274 = arith.addi %add3A_259, %add3A_273 : i32
      %lt3A_275 = arith.constant 32 : i32
      %lt3A_276 = arith.cmpi slt, %add3A_274, %lt3A_275 : i32
      %convert_element_type3A_277 = arith.extui %lt3A_276 : i1 to i32
      %cond3A_278 = arith.constant 0 : i32
      %cond3A_279 = arith.cmpi ne, %convert_element_type3A_277, %cond3A_278 : i32
      scf.if %cond3A_279 {
        %dma_wait3A_280 = arith.constant 0 : i32
        %dma_wait3A_281 = arith.constant 0 : i32
        %dma_wait3A_282 = tpu.memref_slice %arg8[%dma_wait3A_280, %dma_wait3A_281] : memref<32x128xi32, #tpu.memory_space<vmem>> -> memref<1x128xi32, #tpu.memory_space<vmem>>
        %dma_wait3A_283 = tpu.memref_squeeze %dma_wait3A_282 : memref<1x128xi32, #tpu.memory_space<vmem>> -> memref<128xi32, #tpu.memory_space<vmem>>
        %dma_wait3A_284 = arith.constant 0 : i32
        %dma_wait3A_285 = arith.constant 0 : i32
        %dma_wait3A_286 = tpu.memref_slice %arg6[%dma_wait3A_284, %dma_wait3A_285] : memref<10240x128xf32, #tpu.memory_space<vmem_shared>> -> memref<10240x128xf32, #tpu.memory_space<vmem_shared>>
        tpu.wait_indirect_dma semaphore(%arg15 : memref<!tpu.dma_semaphore, #tpu.memory_space<semaphore_mem>>) src(%arg10 : memref<128x128xf32, #tpu.memory_space<vmem>>) dst(%dma_wait3A_286 : memref<10240x128xf32, #tpu.memory_space<vmem_shared>>)
        %add3A_287 = arith.constant 2 : i32
        %add3A_288 = arith.addi %add3A_259, %add3A_287 : i32
        %dma_start3A_289 = arith.constant 0 : i32
        %dma_start3A_290 = tpu.memref_slice %arg7[%add3A_288, %dma_start3A_289] : memref<32x128xi32, #tpu.memory_space<vmem>> -> memref<1x128xi32, #tpu.memory_space<vmem>>
        %dma_start3A_291 = tpu.memref_squeeze %dma_start3A_290 : memref<1x128xi32, #tpu.memory_space<vmem>> -> memref<128xi32, #tpu.memory_space<vmem>>
        %dma_start3A_292 = arith.constant 0 : i32
        %dma_start3A_293 = arith.constant 0 : i32
        %dma_start3A_294 = tpu.memref_slice %arg2[%dma_start3A_292, %dma_start3A_293] : memref<20000x128xf32, #tpu.memory_space<hbm>> -> memref<20000x128xf32, #tpu.memory_space<hbm>>
        tpu.enqueue_indirect_dma source(%dma_start3A_294 : memref<20000x128xf32, #tpu.memory_space<hbm>>) target(%arg10 : memref<128x128xf32, #tpu.memory_space<vmem>>) offsets(%dma_start3A_291 : memref<128xi32, #tpu.memory_space<vmem>>) semaphore(%arg13 : memref<!tpu.dma_semaphore, #tpu.memory_space<semaphore_mem>>)
      } else {
      }
    }
    %scan3A_123 = arith.constant 16 : i32
    %dma_wait3A_124 = arith.constant 0 : i32
    %dma_wait3A_125 = arith.constant 0 : i32
    %dma_wait3A_126 = tpu.memref_slice %arg8[%dma_wait3A_124, %dma_wait3A_125] : memref<32x128xi32, #tpu.memory_space<vmem>> -> memref<1x128xi32, #tpu.memory_space<vmem>>
    %dma_wait3A_127 = tpu.memref_squeeze %dma_wait3A_126 : memref<1x128xi32, #tpu.memory_space<vmem>> -> memref<128xi32, #tpu.memory_space<vmem>>
    %dma_wait3A_128 = arith.constant 0 : i32
    %dma_wait3A_129 = arith.constant 0 : i32
    %dma_wait3A_130 = tpu.memref_slice %arg6[%dma_wait3A_128, %dma_wait3A_129] : memref<10240x128xf32, #tpu.memory_space<vmem_shared>> -> memref<10240x128xf32, #tpu.memory_space<vmem_shared>>
    tpu.wait_indirect_dma semaphore(%arg14 : memref<!tpu.dma_semaphore, #tpu.memory_space<semaphore_mem>>) src(%arg9 : memref<128x128xf32, #tpu.memory_space<vmem>>) dst(%dma_wait3A_130 : memref<10240x128xf32, #tpu.memory_space<vmem_shared>>)
    %dma_wait3A_131 = arith.constant 1 : i32
    %dma_wait3A_132 = arith.constant 0 : i32
    %dma_wait3A_133 = tpu.memref_slice %arg8[%dma_wait3A_131, %dma_wait3A_132] : memref<32x128xi32, #tpu.memory_space<vmem>> -> memref<1x128xi32, #tpu.memory_space<vmem>>
    %dma_wait3A_134 = tpu.memref_squeeze %dma_wait3A_133 : memref<1x128xi32, #tpu.memory_space<vmem>> -> memref<128xi32, #tpu.memory_space<vmem>>
    %dma_wait3A_135 = arith.constant 0 : i32
    %dma_wait3A_136 = arith.constant 0 : i32
    %dma_wait3A_137 = tpu.memref_slice %arg6[%dma_wait3A_135, %dma_wait3A_136] : memref<10240x128xf32, #tpu.memory_space<vmem_shared>> -> memref<10240x128xf32, #tpu.memory_space<vmem_shared>>
    tpu.wait_indirect_dma semaphore(%arg15 : memref<!tpu.dma_semaphore, #tpu.memory_space<semaphore_mem>>) src(%arg10 : memref<128x128xf32, #tpu.memory_space<vmem>>) dst(%dma_wait3A_137 : memref<10240x128xf32, #tpu.memory_space<vmem_shared>>)
    %mul3A_138 = arith.constant 16 : i32
    %mul3A_139 = arith.muli %arg0, %mul3A_138 : i32
    %add3A_140 = arith.addi %mul3A_139, %arg1 : i32
    %mul3A_141 = arith.constant 5 : i32
    %mul3A_142 = arith.muli %add3A_140, %mul3A_141 : i32
    %add3A_143 = arith.constant 3 : i32
    %add3A_144 = arith.addi %mul3A_142, %add3A_143 : i32
    "tpu.region"() ({
      %run_scoped3A = tpu.sem_alloc : memref<!tpu.dma_semaphore, #tpu.memory_space<semaphore_mem>>
      %dma_start3A_235 = arith.constant 0 : i32
      %dma_start3A_236 = arith.constant 0 : i32
      %dma_start3A_237 = tpu.memref_slice %arg3[%add3A_144, %dma_start3A_235, %dma_start3A_236] : memref<160x32x128xi32, #tpu.memory_space<hbm>> -> memref<1x32x128xi32, #tpu.memory_space<hbm>>
      %dma_start3A_238 = tpu.memref_squeeze %dma_start3A_237 : memref<1x32x128xi32, #tpu.memory_space<hbm>> -> memref<32x128xi32, #tpu.memory_space<hbm>>
      %dma_start3A_239 = arith.constant 0 : i32
      %dma_start3A_240 = arith.constant 0 : i32
      %dma_start3A_241 = tpu.memref_slice %arg3[%add3A_144, %dma_start3A_239, %dma_start3A_240] : memref<160x32x128xi32, #tpu.memory_space<hbm>> -> memref<1x32x128xi32, #tpu.memory_space<hbm>>
      %dma_start3A_242 = tpu.memref_squeeze %dma_start3A_241 : memref<1x32x128xi32, #tpu.memory_space<hbm>> -> memref<32x128xi32, #tpu.memory_space<hbm>>
      tpu.enqueue_dma source(%dma_start3A_242 : memref<32x128xi32, #tpu.memory_space<hbm>>) target(%arg7 : memref<32x128xi32, #tpu.memory_space<vmem>>) target_semaphore(%run_scoped3A : memref<!tpu.dma_semaphore, #tpu.memory_space<semaphore_mem>>)
      %dma_wait3A_243 = arith.constant 0 : i32
      %dma_wait3A_244 = arith.constant 0 : i32
      %dma_wait3A_245 = tpu.memref_slice %arg3[%add3A_144, %dma_wait3A_243, %dma_wait3A_244] : memref<160x32x128xi32, #tpu.memory_space<hbm>> -> memref<1x32x128xi32, #tpu.memory_space<hbm>>
      %dma_wait3A_246 = tpu.memref_squeeze %dma_wait3A_245 : memref<1x32x128xi32, #tpu.memory_space<hbm>> -> memref<32x128xi32, #tpu.memory_space<hbm>>
      %dma_wait3A_247 = arith.constant 0 : i32
      %dma_wait3A_248 = arith.constant 0 : i32
      %dma_wait3A_249 = tpu.memref_slice %arg3[%add3A_144, %dma_wait3A_247, %dma_wait3A_248] : memref<160x32x128xi32, #tpu.memory_space<hbm>> -> memref<1x32x128xi32, #tpu.memory_space<hbm>>
      %dma_wait3A_250 = tpu.memref_squeeze %dma_wait3A_249 : memref<1x32x128xi32, #tpu.memory_space<hbm>> -> memref<32x128xi32, #tpu.memory_space<hbm>>
      tpu.wait_dma2 semaphore(%run_scoped3A : memref<!tpu.dma_semaphore, #tpu.memory_space<semaphore_mem>>) src(%dma_wait3A_250 : memref<32x128xi32, #tpu.memory_space<hbm>>) dst(%arg7 : memref<32x128xi32, #tpu.memory_space<vmem>>)
      tpu.yield
    }) : () -> ()
    %mul3A_145 = arith.constant 5 : i32
    %mul3A_146 = arith.muli %arg1, %mul3A_145 : i32
    %add3A_147 = arith.constant 3 : i32
    %add3A_148 = arith.addi %mul3A_146, %add3A_147 : i32
    "tpu.region"() ({
      %run_scoped3A = tpu.sem_alloc : memref<!tpu.dma_semaphore, #tpu.memory_space<semaphore_mem>>
      %dma_start3A_235 = arith.constant 0 : i32
      %dma_start3A_236 = arith.constant 0 : i32
      %dma_start3A_237 = tpu.memref_slice %arg4[%add3A_148, %dma_start3A_235, %dma_start3A_236] : memref<80x32x128xi32, #tpu.memory_space<hbm>> -> memref<1x32x128xi32, #tpu.memory_space<hbm>>
      %dma_start3A_238 = tpu.memref_squeeze %dma_start3A_237 : memref<1x32x128xi32, #tpu.memory_space<hbm>> -> memref<32x128xi32, #tpu.memory_space<hbm>>
      %dma_start3A_239 = arith.constant 0 : i32
      %dma_start3A_240 = arith.constant 0 : i32
      %dma_start3A_241 = tpu.memref_slice %arg4[%add3A_148, %dma_start3A_239, %dma_start3A_240] : memref<80x32x128xi32, #tpu.memory_space<hbm>> -> memref<1x32x128xi32, #tpu.memory_space<hbm>>
      %dma_start3A_242 = tpu.memref_squeeze %dma_start3A_241 : memref<1x32x128xi32, #tpu.memory_space<hbm>> -> memref<32x128xi32, #tpu.memory_space<hbm>>
      tpu.enqueue_dma source(%dma_start3A_242 : memref<32x128xi32, #tpu.memory_space<hbm>>) target(%arg8 : memref<32x128xi32, #tpu.memory_space<vmem>>) target_semaphore(%run_scoped3A : memref<!tpu.dma_semaphore, #tpu.memory_space<semaphore_mem>>)
      %dma_wait3A_243 = arith.constant 0 : i32
      %dma_wait3A_244 = arith.constant 0 : i32
      %dma_wait3A_245 = tpu.memref_slice %arg4[%add3A_148, %dma_wait3A_243, %dma_wait3A_244] : memref<80x32x128xi32, #tpu.memory_space<hbm>> -> memref<1x32x128xi32, #tpu.memory_space<hbm>>
      %dma_wait3A_246 = tpu.memref_squeeze %dma_wait3A_245 : memref<1x32x128xi32, #tpu.memory_space<hbm>> -> memref<32x128xi32, #tpu.memory_space<hbm>>
      %dma_wait3A_247 = arith.constant 0 : i32
      %dma_wait3A_248 = arith.constant 0 : i32
      %dma_wait3A_249 = tpu.memref_slice %arg4[%add3A_148, %dma_wait3A_247, %dma_wait3A_248] : memref<80x32x128xi32, #tpu.memory_space<hbm>> -> memref<1x32x128xi32, #tpu.memory_space<hbm>>
      %dma_wait3A_250 = tpu.memref_squeeze %dma_wait3A_249 : memref<1x32x128xi32, #tpu.memory_space<hbm>> -> memref<32x128xi32, #tpu.memory_space<hbm>>
      tpu.wait_dma2 semaphore(%run_scoped3A : memref<!tpu.dma_semaphore, #tpu.memory_space<semaphore_mem>>) src(%dma_wait3A_250 : memref<32x128xi32, #tpu.memory_space<hbm>>) dst(%arg8 : memref<32x128xi32, #tpu.memory_space<vmem>>)
      tpu.yield
    }) : () -> ()
    %dma_start3A_149 = arith.constant 0 : i32
    %dma_start3A_150 = arith.constant 0 : i32
    %dma_start3A_151 = tpu.memref_slice %arg7[%dma_start3A_149, %dma_start3A_150] : memref<32x128xi32, #tpu.memory_space<vmem>> -> memref<1x128xi32, #tpu.memory_space<vmem>>
    %dma_start3A_152 = tpu.memref_squeeze %dma_start3A_151 : memref<1x128xi32, #tpu.memory_space<vmem>> -> memref<128xi32, #tpu.memory_space<vmem>>
    %dma_start3A_153 = arith.constant 0 : i32
    %dma_start3A_154 = arith.constant 0 : i32
    %dma_start3A_155 = tpu.memref_slice %arg2[%dma_start3A_153, %dma_start3A_154] : memref<20000x128xf32, #tpu.memory_space<hbm>> -> memref<20000x128xf32, #tpu.memory_space<hbm>>
    tpu.enqueue_indirect_dma source(%dma_start3A_155 : memref<20000x128xf32, #tpu.memory_space<hbm>>) target(%arg9 : memref<128x128xf32, #tpu.memory_space<vmem>>) offsets(%dma_start3A_152 : memref<128xi32, #tpu.memory_space<vmem>>) semaphore(%arg12 : memref<!tpu.dma_semaphore, #tpu.memory_space<semaphore_mem>>)
    %dma_start3A_156 = arith.constant 1 : i32
    %dma_start3A_157 = arith.constant 0 : i32
    %dma_start3A_158 = tpu.memref_slice %arg7[%dma_start3A_156, %dma_start3A_157] : memref<32x128xi32, #tpu.memory_space<vmem>> -> memref<1x128xi32, #tpu.memory_space<vmem>>
    %dma_start3A_159 = tpu.memref_squeeze %dma_start3A_158 : memref<1x128xi32, #tpu.memory_space<vmem>> -> memref<128xi32, #tpu.memory_space<vmem>>
    %dma_start3A_160 = arith.constant 0 : i32
    %dma_start3A_161 = arith.constant 0 : i32
    %dma_start3A_162 = tpu.memref_slice %arg2[%dma_start3A_160, %dma_start3A_161] : memref<20000x128xf32, #tpu.memory_space<hbm>> -> memref<20000x128xf32, #tpu.memory_space<hbm>>
    tpu.enqueue_indirect_dma source(%dma_start3A_162 : memref<20000x128xf32, #tpu.memory_space<hbm>>) target(%arg10 : memref<128x128xf32, #tpu.memory_space<vmem>>) offsets(%dma_start3A_159 : memref<128xi32, #tpu.memory_space<vmem>>) semaphore(%arg13 : memref<!tpu.dma_semaphore, #tpu.memory_space<semaphore_mem>>)
    %scan3A_163 = arith.constant 0 : i32
    %scan3A_164 = arith.constant 0 : i32
    %scan3A_165 = arith.constant 16 : i32
    %scan3A_166 = arith.addi %scan3A_164, %scan3A_165 : i32
    %scan3A_167 = arith.constant 1 : i32
    scf.for %scan3A_235 = %scan3A_164 to %scan3A_166 step %scan3A_167  : i32 {
      %mul3A_236 = arith.constant 2 : i32
      %mul3A_237 = arith.muli %mul3A_236, %scan3A_235 : i32
      %dma_wait3A_238 = arith.constant 0 : i32
      %dma_wait3A_239 = arith.constant 0 : i32
      %dma_wait3A_240 = tpu.memref_slice %arg7[%dma_wait3A_238, %dma_wait3A_239] : memref<32x128xi32, #tpu.memory_space<vmem>> -> memref<1x128xi32, #tpu.memory_space<vmem>>
      %dma_wait3A_241 = tpu.memref_squeeze %dma_wait3A_240 : memref<1x128xi32, #tpu.memory_space<vmem>> -> memref<128xi32, #tpu.memory_space<vmem>>
      %dma_wait3A_242 = arith.constant 0 : i32
      %dma_wait3A_243 = arith.constant 0 : i32
      %dma_wait3A_244 = tpu.memref_slice %arg2[%dma_wait3A_242, %dma_wait3A_243] : memref<20000x128xf32, #tpu.memory_space<hbm>> -> memref<20000x128xf32, #tpu.memory_space<hbm>>
      tpu.wait_indirect_dma semaphore(%arg12 : memref<!tpu.dma_semaphore, #tpu.memory_space<semaphore_mem>>) src(%dma_wait3A_244 : memref<20000x128xf32, #tpu.memory_space<hbm>>) dst(%arg9 : memref<128x128xf32, #tpu.memory_space<vmem>>)
      %dma_start3A_245 = arith.constant 0 : i32
      %dma_start3A_246 = tpu.memref_slice %arg8[%mul3A_237, %dma_start3A_245] : memref<32x128xi32, #tpu.memory_space<vmem>> -> memref<1x128xi32, #tpu.memory_space<vmem>>
      %dma_start3A_247 = tpu.memref_squeeze %dma_start3A_246 : memref<1x128xi32, #tpu.memory_space<vmem>> -> memref<128xi32, #tpu.memory_space<vmem>>
      %dma_start3A_248 = arith.constant 0 : i32
      %dma_start3A_249 = arith.constant 0 : i32
      %dma_start3A_250 = tpu.memref_slice %arg6[%dma_start3A_248, %dma_start3A_249] : memref<10240x128xf32, #tpu.memory_space<vmem_shared>> -> memref<10240x128xf32, #tpu.memory_space<vmem_shared>>
      tpu.enqueue_indirect_dma source(%arg9 : memref<128x128xf32, #tpu.memory_space<vmem>>) target(%dma_start3A_250 : memref<10240x128xf32, #tpu.memory_space<vmem_shared>>) offsets(%dma_start3A_247 : memref<128xi32, #tpu.memory_space<vmem>>) semaphore(%arg14 : memref<!tpu.dma_semaphore, #tpu.memory_space<semaphore_mem>>) {add = true}
      %add3A_251 = arith.constant 2 : i32
      %add3A_252 = arith.addi %mul3A_237, %add3A_251 : i32
      %lt3A_253 = arith.constant 32 : i32
      %lt3A_254 = arith.cmpi slt, %add3A_252, %lt3A_253 : i32
      %convert_element_type3A_255 = arith.extui %lt3A_254 : i1 to i32
      %cond3A_256 = arith.constant 0 : i32
      %cond3A_257 = arith.cmpi ne, %convert_element_type3A_255, %cond3A_256 : i32
      scf.if %cond3A_257 {
        %dma_wait3A_280 = arith.constant 0 : i32
        %dma_wait3A_281 = arith.constant 0 : i32
        %dma_wait3A_282 = tpu.memref_slice %arg8[%dma_wait3A_280, %dma_wait3A_281] : memref<32x128xi32, #tpu.memory_space<vmem>> -> memref<1x128xi32, #tpu.memory_space<vmem>>
        %dma_wait3A_283 = tpu.memref_squeeze %dma_wait3A_282 : memref<1x128xi32, #tpu.memory_space<vmem>> -> memref<128xi32, #tpu.memory_space<vmem>>
        %dma_wait3A_284 = arith.constant 0 : i32
        %dma_wait3A_285 = arith.constant 0 : i32
        %dma_wait3A_286 = tpu.memref_slice %arg6[%dma_wait3A_284, %dma_wait3A_285] : memref<10240x128xf32, #tpu.memory_space<vmem_shared>> -> memref<10240x128xf32, #tpu.memory_space<vmem_shared>>
        tpu.wait_indirect_dma semaphore(%arg14 : memref<!tpu.dma_semaphore, #tpu.memory_space<semaphore_mem>>) src(%arg9 : memref<128x128xf32, #tpu.memory_space<vmem>>) dst(%dma_wait3A_286 : memref<10240x128xf32, #tpu.memory_space<vmem_shared>>)
        %add3A_287 = arith.constant 2 : i32
        %add3A_288 = arith.addi %mul3A_237, %add3A_287 : i32
        %dma_start3A_289 = arith.constant 0 : i32
        %dma_start3A_290 = tpu.memref_slice %arg7[%add3A_288, %dma_start3A_289] : memref<32x128xi32, #tpu.memory_space<vmem>> -> memref<1x128xi32, #tpu.memory_space<vmem>>
        %dma_start3A_291 = tpu.memref_squeeze %dma_start3A_290 : memref<1x128xi32, #tpu.memory_space<vmem>> -> memref<128xi32, #tpu.memory_space<vmem>>
        %dma_start3A_292 = arith.constant 0 : i32
        %dma_start3A_293 = arith.constant 0 : i32
        %dma_start3A_294 = tpu.memref_slice %arg2[%dma_start3A_292, %dma_start3A_293] : memref<20000x128xf32, #tpu.memory_space<hbm>> -> memref<20000x128xf32, #tpu.memory_space<hbm>>
        tpu.enqueue_indirect_dma source(%dma_start3A_294 : memref<20000x128xf32, #tpu.memory_space<hbm>>) target(%arg9 : memref<128x128xf32, #tpu.memory_space<vmem>>) offsets(%dma_start3A_291 : memref<128xi32, #tpu.memory_space<vmem>>) semaphore(%arg12 : memref<!tpu.dma_semaphore, #tpu.memory_space<semaphore_mem>>)
      } else {
      }
      %add3A_258 = arith.constant 1 : i32
      %add3A_259 = arith.addi %mul3A_237, %add3A_258 : i32
      %dma_wait3A_260 = arith.constant 0 : i32
      %dma_wait3A_261 = arith.constant 0 : i32
      %dma_wait3A_262 = tpu.memref_slice %arg7[%dma_wait3A_260, %dma_wait3A_261] : memref<32x128xi32, #tpu.memory_space<vmem>> -> memref<1x128xi32, #tpu.memory_space<vmem>>
      %dma_wait3A_263 = tpu.memref_squeeze %dma_wait3A_262 : memref<1x128xi32, #tpu.memory_space<vmem>> -> memref<128xi32, #tpu.memory_space<vmem>>
      %dma_wait3A_264 = arith.constant 0 : i32
      %dma_wait3A_265 = arith.constant 0 : i32
      %dma_wait3A_266 = tpu.memref_slice %arg2[%dma_wait3A_264, %dma_wait3A_265] : memref<20000x128xf32, #tpu.memory_space<hbm>> -> memref<20000x128xf32, #tpu.memory_space<hbm>>
      tpu.wait_indirect_dma semaphore(%arg13 : memref<!tpu.dma_semaphore, #tpu.memory_space<semaphore_mem>>) src(%dma_wait3A_266 : memref<20000x128xf32, #tpu.memory_space<hbm>>) dst(%arg10 : memref<128x128xf32, #tpu.memory_space<vmem>>)
      %dma_start3A_267 = arith.constant 0 : i32
      %dma_start3A_268 = tpu.memref_slice %arg8[%add3A_259, %dma_start3A_267] : memref<32x128xi32, #tpu.memory_space<vmem>> -> memref<1x128xi32, #tpu.memory_space<vmem>>
      %dma_start3A_269 = tpu.memref_squeeze %dma_start3A_268 : memref<1x128xi32, #tpu.memory_space<vmem>> -> memref<128xi32, #tpu.memory_space<vmem>>
      %dma_start3A_270 = arith.constant 0 : i32
      %dma_start3A_271 = arith.constant 0 : i32
      %dma_start3A_272 = tpu.memref_slice %arg6[%dma_start3A_270, %dma_start3A_271] : memref<10240x128xf32, #tpu.memory_space<vmem_shared>> -> memref<10240x128xf32, #tpu.memory_space<vmem_shared>>
      tpu.enqueue_indirect_dma source(%arg10 : memref<128x128xf32, #tpu.memory_space<vmem>>) target(%dma_start3A_272 : memref<10240x128xf32, #tpu.memory_space<vmem_shared>>) offsets(%dma_start3A_269 : memref<128xi32, #tpu.memory_space<vmem>>) semaphore(%arg15 : memref<!tpu.dma_semaphore, #tpu.memory_space<semaphore_mem>>) {add = true}
      %add3A_273 = arith.constant 2 : i32
      %add3A_274 = arith.addi %add3A_259, %add3A_273 : i32
      %lt3A_275 = arith.constant 32 : i32
      %lt3A_276 = arith.cmpi slt, %add3A_274, %lt3A_275 : i32
      %convert_element_type3A_277 = arith.extui %lt3A_276 : i1 to i32
      %cond3A_278 = arith.constant 0 : i32
      %cond3A_279 = arith.cmpi ne, %convert_element_type3A_277, %cond3A_278 : i32
      scf.if %cond3A_279 {
        %dma_wait3A_280 = arith.constant 0 : i32
        %dma_wait3A_281 = arith.constant 0 : i32
        %dma_wait3A_282 = tpu.memref_slice %arg8[%dma_wait3A_280, %dma_wait3A_281] : memref<32x128xi32, #tpu.memory_space<vmem>> -> memref<1x128xi32, #tpu.memory_space<vmem>>
        %dma_wait3A_283 = tpu.memref_squeeze %dma_wait3A_282 : memref<1x128xi32, #tpu.memory_space<vmem>> -> memref<128xi32, #tpu.memory_space<vmem>>
        %dma_wait3A_284 = arith.constant 0 : i32
        %dma_wait3A_285 = arith.constant 0 : i32
        %dma_wait3A_286 = tpu.memref_slice %arg6[%dma_wait3A_284, %dma_wait3A_285] : memref<10240x128xf32, #tpu.memory_space<vmem_shared>> -> memref<10240x128xf32, #tpu.memory_space<vmem_shared>>
        tpu.wait_indirect_dma semaphore(%arg15 : memref<!tpu.dma_semaphore, #tpu.memory_space<semaphore_mem>>) src(%arg10 : memref<128x128xf32, #tpu.memory_space<vmem>>) dst(%dma_wait3A_286 : memref<10240x128xf32, #tpu.memory_space<vmem_shared>>)
        %add3A_287 = arith.constant 2 : i32
        %add3A_288 = arith.addi %add3A_259, %add3A_287 : i32
        %dma_start3A_289 = arith.constant 0 : i32
        %dma_start3A_290 = tpu.memref_slice %arg7[%add3A_288, %dma_start3A_289] : memref<32x128xi32, #tpu.memory_space<vmem>> -> memref<1x128xi32, #tpu.memory_space<vmem>>
        %dma_start3A_291 = tpu.memref_squeeze %dma_start3A_290 : memref<1x128xi32, #tpu.memory_space<vmem>> -> memref<128xi32, #tpu.memory_space<vmem>>
        %dma_start3A_292 = arith.constant 0 : i32
        %dma_start3A_293 = arith.constant 0 : i32
        %dma_start3A_294 = tpu.memref_slice %arg2[%dma_start3A_292, %dma_start3A_293] : memref<20000x128xf32, #tpu.memory_space<hbm>> -> memref<20000x128xf32, #tpu.memory_space<hbm>>
        tpu.enqueue_indirect_dma source(%dma_start3A_294 : memref<20000x128xf32, #tpu.memory_space<hbm>>) target(%arg10 : memref<128x128xf32, #tpu.memory_space<vmem>>) offsets(%dma_start3A_291 : memref<128xi32, #tpu.memory_space<vmem>>) semaphore(%arg13 : memref<!tpu.dma_semaphore, #tpu.memory_space<semaphore_mem>>)
      } else {
      }
    }
    %scan3A_168 = arith.constant 16 : i32
    %dma_wait3A_169 = arith.constant 0 : i32
    %dma_wait3A_170 = arith.constant 0 : i32
    %dma_wait3A_171 = tpu.memref_slice %arg8[%dma_wait3A_169, %dma_wait3A_170] : memref<32x128xi32, #tpu.memory_space<vmem>> -> memref<1x128xi32, #tpu.memory_space<vmem>>
    %dma_wait3A_172 = tpu.memref_squeeze %dma_wait3A_171 : memref<1x128xi32, #tpu.memory_space<vmem>> -> memref<128xi32, #tpu.memory_space<vmem>>
    %dma_wait3A_173 = arith.constant 0 : i32
    %dma_wait3A_174 = arith.constant 0 : i32
    %dma_wait3A_175 = tpu.memref_slice %arg6[%dma_wait3A_173, %dma_wait3A_174] : memref<10240x128xf32, #tpu.memory_space<vmem_shared>> -> memref<10240x128xf32, #tpu.memory_space<vmem_shared>>
    tpu.wait_indirect_dma semaphore(%arg14 : memref<!tpu.dma_semaphore, #tpu.memory_space<semaphore_mem>>) src(%arg9 : memref<128x128xf32, #tpu.memory_space<vmem>>) dst(%dma_wait3A_175 : memref<10240x128xf32, #tpu.memory_space<vmem_shared>>)
    %dma_wait3A_176 = arith.constant 1 : i32
    %dma_wait3A_177 = arith.constant 0 : i32
    %dma_wait3A_178 = tpu.memref_slice %arg8[%dma_wait3A_176, %dma_wait3A_177] : memref<32x128xi32, #tpu.memory_space<vmem>> -> memref<1x128xi32, #tpu.memory_space<vmem>>
    %dma_wait3A_179 = tpu.memref_squeeze %dma_wait3A_178 : memref<1x128xi32, #tpu.memory_space<vmem>> -> memref<128xi32, #tpu.memory_space<vmem>>
    %dma_wait3A_180 = arith.constant 0 : i32
    %dma_wait3A_181 = arith.constant 0 : i32
    %dma_wait3A_182 = tpu.memref_slice %arg6[%dma_wait3A_180, %dma_wait3A_181] : memref<10240x128xf32, #tpu.memory_space<vmem_shared>> -> memref<10240x128xf32, #tpu.memory_space<vmem_shared>>
    tpu.wait_indirect_dma semaphore(%arg15 : memref<!tpu.dma_semaphore, #tpu.memory_space<semaphore_mem>>) src(%arg10 : memref<128x128xf32, #tpu.memory_space<vmem>>) dst(%dma_wait3A_182 : memref<10240x128xf32, #tpu.memory_space<vmem_shared>>)
    %mul3A_183 = arith.constant 16 : i32
    %mul3A_184 = arith.muli %arg0, %mul3A_183 : i32
    %add3A_185 = arith.addi %mul3A_184, %arg1 : i32
    %mul3A_186 = arith.constant 5 : i32
    %mul3A_187 = arith.muli %add3A_185, %mul3A_186 : i32
    %add3A_188 = arith.constant 4 : i32
    %add3A_189 = arith.addi %mul3A_187, %add3A_188 : i32
    "tpu.region"() ({
      %run_scoped3A = tpu.sem_alloc : memref<!tpu.dma_semaphore, #tpu.memory_space<semaphore_mem>>
      %dma_start3A_235 = arith.constant 0 : i32
      %dma_start3A_236 = arith.constant 0 : i32
      %dma_start3A_237 = tpu.memref_slice %arg3[%add3A_189, %dma_start3A_235, %dma_start3A_236] : memref<160x32x128xi32, #tpu.memory_space<hbm>> -> memref<1x32x128xi32, #tpu.memory_space<hbm>>
      %dma_start3A_238 = tpu.memref_squeeze %dma_start3A_237 : memref<1x32x128xi32, #tpu.memory_space<hbm>> -> memref<32x128xi32, #tpu.memory_space<hbm>>
      %dma_start3A_239 = arith.constant 0 : i32
      %dma_start3A_240 = arith.constant 0 : i32
      %dma_start3A_241 = tpu.memref_slice %arg3[%add3A_189, %dma_start3A_239, %dma_start3A_240] : memref<160x32x128xi32, #tpu.memory_space<hbm>> -> memref<1x32x128xi32, #tpu.memory_space<hbm>>
      %dma_start3A_242 = tpu.memref_squeeze %dma_start3A_241 : memref<1x32x128xi32, #tpu.memory_space<hbm>> -> memref<32x128xi32, #tpu.memory_space<hbm>>
      tpu.enqueue_dma source(%dma_start3A_242 : memref<32x128xi32, #tpu.memory_space<hbm>>) target(%arg7 : memref<32x128xi32, #tpu.memory_space<vmem>>) target_semaphore(%run_scoped3A : memref<!tpu.dma_semaphore, #tpu.memory_space<semaphore_mem>>)
      %dma_wait3A_243 = arith.constant 0 : i32
      %dma_wait3A_244 = arith.constant 0 : i32
      %dma_wait3A_245 = tpu.memref_slice %arg3[%add3A_189, %dma_wait3A_243, %dma_wait3A_244] : memref<160x32x128xi32, #tpu.memory_space<hbm>> -> memref<1x32x128xi32, #tpu.memory_space<hbm>>
      %dma_wait3A_246 = tpu.memref_squeeze %dma_wait3A_245 : memref<1x32x128xi32, #tpu.memory_space<hbm>> -> memref<32x128xi32, #tpu.memory_space<hbm>>
      %dma_wait3A_247 = arith.constant 0 : i32
      %dma_wait3A_248 = arith.constant 0 : i32
      %dma_wait3A_249 = tpu.memref_slice %arg3[%add3A_189, %dma_wait3A_247, %dma_wait3A_248] : memref<160x32x128xi32, #tpu.memory_space<hbm>> -> memref<1x32x128xi32, #tpu.memory_space<hbm>>
      %dma_wait3A_250 = tpu.memref_squeeze %dma_wait3A_249 : memref<1x32x128xi32, #tpu.memory_space<hbm>> -> memref<32x128xi32, #tpu.memory_space<hbm>>
      tpu.wait_dma2 semaphore(%run_scoped3A : memref<!tpu.dma_semaphore, #tpu.memory_space<semaphore_mem>>) src(%dma_wait3A_250 : memref<32x128xi32, #tpu.memory_space<hbm>>) dst(%arg7 : memref<32x128xi32, #tpu.memory_space<vmem>>)
      tpu.yield
    }) : () -> ()
    %mul3A_190 = arith.constant 5 : i32
    %mul3A_191 = arith.muli %arg1, %mul3A_190 : i32
    %add3A_192 = arith.constant 4 : i32
    %add3A_193 = arith.addi %mul3A_191, %add3A_192 : i32
    "tpu.region"() ({
      %run_scoped3A = tpu.sem_alloc : memref<!tpu.dma_semaphore, #tpu.memory_space<semaphore_mem>>
      %dma_start3A_235 = arith.constant 0 : i32
      %dma_start3A_236 = arith.constant 0 : i32
      %dma_start3A_237 = tpu.memref_slice %arg4[%add3A_193, %dma_start3A_235, %dma_start3A_236] : memref<80x32x128xi32, #tpu.memory_space<hbm>> -> memref<1x32x128xi32, #tpu.memory_space<hbm>>
      %dma_start3A_238 = tpu.memref_squeeze %dma_start3A_237 : memref<1x32x128xi32, #tpu.memory_space<hbm>> -> memref<32x128xi32, #tpu.memory_space<hbm>>
      %dma_start3A_239 = arith.constant 0 : i32
      %dma_start3A_240 = arith.constant 0 : i32
      %dma_start3A_241 = tpu.memref_slice %arg4[%add3A_193, %dma_start3A_239, %dma_start3A_240] : memref<80x32x128xi32, #tpu.memory_space<hbm>> -> memref<1x32x128xi32, #tpu.memory_space<hbm>>
      %dma_start3A_242 = tpu.memref_squeeze %dma_start3A_241 : memref<1x32x128xi32, #tpu.memory_space<hbm>> -> memref<32x128xi32, #tpu.memory_space<hbm>>
      tpu.enqueue_dma source(%dma_start3A_242 : memref<32x128xi32, #tpu.memory_space<hbm>>) target(%arg8 : memref<32x128xi32, #tpu.memory_space<vmem>>) target_semaphore(%run_scoped3A : memref<!tpu.dma_semaphore, #tpu.memory_space<semaphore_mem>>)
      %dma_wait3A_243 = arith.constant 0 : i32
      %dma_wait3A_244 = arith.constant 0 : i32
      %dma_wait3A_245 = tpu.memref_slice %arg4[%add3A_193, %dma_wait3A_243, %dma_wait3A_244] : memref<80x32x128xi32, #tpu.memory_space<hbm>> -> memref<1x32x128xi32, #tpu.memory_space<hbm>>
      %dma_wait3A_246 = tpu.memref_squeeze %dma_wait3A_245 : memref<1x32x128xi32, #tpu.memory_space<hbm>> -> memref<32x128xi32, #tpu.memory_space<hbm>>
      %dma_wait3A_247 = arith.constant 0 : i32
      %dma_wait3A_248 = arith.constant 0 : i32
      %dma_wait3A_249 = tpu.memref_slice %arg4[%add3A_193, %dma_wait3A_247, %dma_wait3A_248] : memref<80x32x128xi32, #tpu.memory_space<hbm>> -> memref<1x32x128xi32, #tpu.memory_space<hbm>>
      %dma_wait3A_250 = tpu.memref_squeeze %dma_wait3A_249 : memref<1x32x128xi32, #tpu.memory_space<hbm>> -> memref<32x128xi32, #tpu.memory_space<hbm>>
      tpu.wait_dma2 semaphore(%run_scoped3A : memref<!tpu.dma_semaphore, #tpu.memory_space<semaphore_mem>>) src(%dma_wait3A_250 : memref<32x128xi32, #tpu.memory_space<hbm>>) dst(%arg8 : memref<32x128xi32, #tpu.memory_space<vmem>>)
      tpu.yield
    }) : () -> ()
    %dma_start3A_194 = arith.constant 0 : i32
    %dma_start3A_195 = arith.constant 0 : i32
    %dma_start3A_196 = tpu.memref_slice %arg7[%dma_start3A_194, %dma_start3A_195] : memref<32x128xi32, #tpu.memory_space<vmem>> -> memref<1x128xi32, #tpu.memory_space<vmem>>
    %dma_start3A_197 = tpu.memref_squeeze %dma_start3A_196 : memref<1x128xi32, #tpu.memory_space<vmem>> -> memref<128xi32, #tpu.memory_space<vmem>>
    %dma_start3A_198 = arith.constant 0 : i32
    %dma_start3A_199 = arith.constant 0 : i32
    %dma_start3A_200 = tpu.memref_slice %arg2[%dma_start3A_198, %dma_start3A_199] : memref<20000x128xf32, #tpu.memory_space<hbm>> -> memref<20000x128xf32, #tpu.memory_space<hbm>>
    tpu.enqueue_indirect_dma source(%dma_start3A_200 : memref<20000x128xf32, #tpu.memory_space<hbm>>) target(%arg9 : memref<128x128xf32, #tpu.memory_space<vmem>>) offsets(%dma_start3A_197 : memref<128xi32, #tpu.memory_space<vmem>>) semaphore(%arg12 : memref<!tpu.dma_semaphore, #tpu.memory_space<semaphore_mem>>)
    %dma_start3A_201 = arith.constant 1 : i32
    %dma_start3A_202 = arith.constant 0 : i32
    %dma_start3A_203 = tpu.memref_slice %arg7[%dma_start3A_201, %dma_start3A_202] : memref<32x128xi32, #tpu.memory_space<vmem>> -> memref<1x128xi32, #tpu.memory_space<vmem>>
    %dma_start3A_204 = tpu.memref_squeeze %dma_start3A_203 : memref<1x128xi32, #tpu.memory_space<vmem>> -> memref<128xi32, #tpu.memory_space<vmem>>
    %dma_start3A_205 = arith.constant 0 : i32
    %dma_start3A_206 = arith.constant 0 : i32
    %dma_start3A_207 = tpu.memref_slice %arg2[%dma_start3A_205, %dma_start3A_206] : memref<20000x128xf32, #tpu.memory_space<hbm>> -> memref<20000x128xf32, #tpu.memory_space<hbm>>
    tpu.enqueue_indirect_dma source(%dma_start3A_207 : memref<20000x128xf32, #tpu.memory_space<hbm>>) target(%arg10 : memref<128x128xf32, #tpu.memory_space<vmem>>) offsets(%dma_start3A_204 : memref<128xi32, #tpu.memory_space<vmem>>) semaphore(%arg13 : memref<!tpu.dma_semaphore, #tpu.memory_space<semaphore_mem>>)
    %scan3A_208 = arith.constant 0 : i32
    %scan3A_209 = arith.constant 0 : i32
    %scan3A_210 = arith.constant 16 : i32
    %scan3A_211 = arith.addi %scan3A_209, %scan3A_210 : i32
    %scan3A_212 = arith.constant 1 : i32
    scf.for %scan3A_235 = %scan3A_209 to %scan3A_211 step %scan3A_212  : i32 {
      %mul3A_236 = arith.constant 2 : i32
      %mul3A_237 = arith.muli %mul3A_236, %scan3A_235 : i32
      %dma_wait3A_238 = arith.constant 0 : i32
      %dma_wait3A_239 = arith.constant 0 : i32
      %dma_wait3A_240 = tpu.memref_slice %arg7[%dma_wait3A_238, %dma_wait3A_239] : memref<32x128xi32, #tpu.memory_space<vmem>> -> memref<1x128xi32, #tpu.memory_space<vmem>>
      %dma_wait3A_241 = tpu.memref_squeeze %dma_wait3A_240 : memref<1x128xi32, #tpu.memory_space<vmem>> -> memref<128xi32, #tpu.memory_space<vmem>>
      %dma_wait3A_242 = arith.constant 0 : i32
      %dma_wait3A_243 = arith.constant 0 : i32
      %dma_wait3A_244 = tpu.memref_slice %arg2[%dma_wait3A_242, %dma_wait3A_243] : memref<20000x128xf32, #tpu.memory_space<hbm>> -> memref<20000x128xf32, #tpu.memory_space<hbm>>
      tpu.wait_indirect_dma semaphore(%arg12 : memref<!tpu.dma_semaphore, #tpu.memory_space<semaphore_mem>>) src(%dma_wait3A_244 : memref<20000x128xf32, #tpu.memory_space<hbm>>) dst(%arg9 : memref<128x128xf32, #tpu.memory_space<vmem>>)
      %dma_start3A_245 = arith.constant 0 : i32
      %dma_start3A_246 = tpu.memref_slice %arg8[%mul3A_237, %dma_start3A_245] : memref<32x128xi32, #tpu.memory_space<vmem>> -> memref<1x128xi32, #tpu.memory_space<vmem>>
      %dma_start3A_247 = tpu.memref_squeeze %dma_start3A_246 : memref<1x128xi32, #tpu.memory_space<vmem>> -> memref<128xi32, #tpu.memory_space<vmem>>
      %dma_start3A_248 = arith.constant 0 : i32
      %dma_start3A_249 = arith.constant 0 : i32
      %dma_start3A_250 = tpu.memref_slice %arg6[%dma_start3A_248, %dma_start3A_249] : memref<10240x128xf32, #tpu.memory_space<vmem_shared>> -> memref<10240x128xf32, #tpu.memory_space<vmem_shared>>
      tpu.enqueue_indirect_dma source(%arg9 : memref<128x128xf32, #tpu.memory_space<vmem>>) target(%dma_start3A_250 : memref<10240x128xf32, #tpu.memory_space<vmem_shared>>) offsets(%dma_start3A_247 : memref<128xi32, #tpu.memory_space<vmem>>) semaphore(%arg14 : memref<!tpu.dma_semaphore, #tpu.memory_space<semaphore_mem>>) {add = true}
      %add3A_251 = arith.constant 2 : i32
      %add3A_252 = arith.addi %mul3A_237, %add3A_251 : i32
      %lt3A_253 = arith.constant 32 : i32
      %lt3A_254 = arith.cmpi slt, %add3A_252, %lt3A_253 : i32
      %convert_element_type3A_255 = arith.extui %lt3A_254 : i1 to i32
      %cond3A_256 = arith.constant 0 : i32
      %cond3A_257 = arith.cmpi ne, %convert_element_type3A_255, %cond3A_256 : i32
      scf.if %cond3A_257 {
        %dma_wait3A_280 = arith.constant 0 : i32
        %dma_wait3A_281 = arith.constant 0 : i32
        %dma_wait3A_282 = tpu.memref_slice %arg8[%dma_wait3A_280, %dma_wait3A_281] : memref<32x128xi32, #tpu.memory_space<vmem>> -> memref<1x128xi32, #tpu.memory_space<vmem>>
        %dma_wait3A_283 = tpu.memref_squeeze %dma_wait3A_282 : memref<1x128xi32, #tpu.memory_space<vmem>> -> memref<128xi32, #tpu.memory_space<vmem>>
        %dma_wait3A_284 = arith.constant 0 : i32
        %dma_wait3A_285 = arith.constant 0 : i32
        %dma_wait3A_286 = tpu.memref_slice %arg6[%dma_wait3A_284, %dma_wait3A_285] : memref<10240x128xf32, #tpu.memory_space<vmem_shared>> -> memref<10240x128xf32, #tpu.memory_space<vmem_shared>>
        tpu.wait_indirect_dma semaphore(%arg14 : memref<!tpu.dma_semaphore, #tpu.memory_space<semaphore_mem>>) src(%arg9 : memref<128x128xf32, #tpu.memory_space<vmem>>) dst(%dma_wait3A_286 : memref<10240x128xf32, #tpu.memory_space<vmem_shared>>)
        %add3A_287 = arith.constant 2 : i32
        %add3A_288 = arith.addi %mul3A_237, %add3A_287 : i32
        %dma_start3A_289 = arith.constant 0 : i32
        %dma_start3A_290 = tpu.memref_slice %arg7[%add3A_288, %dma_start3A_289] : memref<32x128xi32, #tpu.memory_space<vmem>> -> memref<1x128xi32, #tpu.memory_space<vmem>>
        %dma_start3A_291 = tpu.memref_squeeze %dma_start3A_290 : memref<1x128xi32, #tpu.memory_space<vmem>> -> memref<128xi32, #tpu.memory_space<vmem>>
        %dma_start3A_292 = arith.constant 0 : i32
        %dma_start3A_293 = arith.constant 0 : i32
        %dma_start3A_294 = tpu.memref_slice %arg2[%dma_start3A_292, %dma_start3A_293] : memref<20000x128xf32, #tpu.memory_space<hbm>> -> memref<20000x128xf32, #tpu.memory_space<hbm>>
        tpu.enqueue_indirect_dma source(%dma_start3A_294 : memref<20000x128xf32, #tpu.memory_space<hbm>>) target(%arg9 : memref<128x128xf32, #tpu.memory_space<vmem>>) offsets(%dma_start3A_291 : memref<128xi32, #tpu.memory_space<vmem>>) semaphore(%arg12 : memref<!tpu.dma_semaphore, #tpu.memory_space<semaphore_mem>>)
      } else {
      }
      %add3A_258 = arith.constant 1 : i32
      %add3A_259 = arith.addi %mul3A_237, %add3A_258 : i32
      %dma_wait3A_260 = arith.constant 0 : i32
      %dma_wait3A_261 = arith.constant 0 : i32
      %dma_wait3A_262 = tpu.memref_slice %arg7[%dma_wait3A_260, %dma_wait3A_261] : memref<32x128xi32, #tpu.memory_space<vmem>> -> memref<1x128xi32, #tpu.memory_space<vmem>>
      %dma_wait3A_263 = tpu.memref_squeeze %dma_wait3A_262 : memref<1x128xi32, #tpu.memory_space<vmem>> -> memref<128xi32, #tpu.memory_space<vmem>>
      %dma_wait3A_264 = arith.constant 0 : i32
      %dma_wait3A_265 = arith.constant 0 : i32
      %dma_wait3A_266 = tpu.memref_slice %arg2[%dma_wait3A_264, %dma_wait3A_265] : memref<20000x128xf32, #tpu.memory_space<hbm>> -> memref<20000x128xf32, #tpu.memory_space<hbm>>
      tpu.wait_indirect_dma semaphore(%arg13 : memref<!tpu.dma_semaphore, #tpu.memory_space<semaphore_mem>>) src(%dma_wait3A_266 : memref<20000x128xf32, #tpu.memory_space<hbm>>) dst(%arg10 : memref<128x128xf32, #tpu.memory_space<vmem>>)
      %dma_start3A_267 = arith.constant 0 : i32
      %dma_start3A_268 = tpu.memref_slice %arg8[%add3A_259, %dma_start3A_267] : memref<32x128xi32, #tpu.memory_space<vmem>> -> memref<1x128xi32, #tpu.memory_space<vmem>>
      %dma_start3A_269 = tpu.memref_squeeze %dma_start3A_268 : memref<1x128xi32, #tpu.memory_space<vmem>> -> memref<128xi32, #tpu.memory_space<vmem>>
      %dma_start3A_270 = arith.constant 0 : i32
      %dma_start3A_271 = arith.constant 0 : i32
      %dma_start3A_272 = tpu.memref_slice %arg6[%dma_start3A_270, %dma_start3A_271] : memref<10240x128xf32, #tpu.memory_space<vmem_shared>> -> memref<10240x128xf32, #tpu.memory_space<vmem_shared>>
      tpu.enqueue_indirect_dma source(%arg10 : memref<128x128xf32, #tpu.memory_space<vmem>>) target(%dma_start3A_272 : memref<10240x128xf32, #tpu.memory_space<vmem_shared>>) offsets(%dma_start3A_269 : memref<128xi32, #tpu.memory_space<vmem>>) semaphore(%arg15 : memref<!tpu.dma_semaphore, #tpu.memory_space<semaphore_mem>>) {add = true}
      %add3A_273 = arith.constant 2 : i32
      %add3A_274 = arith.addi %add3A_259, %add3A_273 : i32
      %lt3A_275 = arith.constant 32 : i32
      %lt3A_276 = arith.cmpi slt, %add3A_274, %lt3A_275 : i32
      %convert_element_type3A_277 = arith.extui %lt3A_276 : i1 to i32
      %cond3A_278 = arith.constant 0 : i32
      %cond3A_279 = arith.cmpi ne, %convert_element_type3A_277, %cond3A_278 : i32
      scf.if %cond3A_279 {
        %dma_wait3A_280 = arith.constant 0 : i32
        %dma_wait3A_281 = arith.constant 0 : i32
        %dma_wait3A_282 = tpu.memref_slice %arg8[%dma_wait3A_280, %dma_wait3A_281] : memref<32x128xi32, #tpu.memory_space<vmem>> -> memref<1x128xi32, #tpu.memory_space<vmem>>
        %dma_wait3A_283 = tpu.memref_squeeze %dma_wait3A_282 : memref<1x128xi32, #tpu.memory_space<vmem>> -> memref<128xi32, #tpu.memory_space<vmem>>
        %dma_wait3A_284 = arith.constant 0 : i32
        %dma_wait3A_285 = arith.constant 0 : i32
        %dma_wait3A_286 = tpu.memref_slice %arg6[%dma_wait3A_284, %dma_wait3A_285] : memref<10240x128xf32, #tpu.memory_space<vmem_shared>> -> memref<10240x128xf32, #tpu.memory_space<vmem_shared>>
        tpu.wait_indirect_dma semaphore(%arg15 : memref<!tpu.dma_semaphore, #tpu.memory_space<semaphore_mem>>) src(%arg10 : memref<128x128xf32, #tpu.memory_space<vmem>>) dst(%dma_wait3A_286 : memref<10240x128xf32, #tpu.memory_space<vmem_shared>>)
        %add3A_287 = arith.constant 2 : i32
        %add3A_288 = arith.addi %add3A_259, %add3A_287 : i32
        %dma_start3A_289 = arith.constant 0 : i32
        %dma_start3A_290 = tpu.memref_slice %arg7[%add3A_288, %dma_start3A_289] : memref<32x128xi32, #tpu.memory_space<vmem>> -> memref<1x128xi32, #tpu.memory_space<vmem>>
        %dma_start3A_291 = tpu.memref_squeeze %dma_start3A_290 : memref<1x128xi32, #tpu.memory_space<vmem>> -> memref<128xi32, #tpu.memory_space<vmem>>
        %dma_start3A_292 = arith.constant 0 : i32
        %dma_start3A_293 = arith.constant 0 : i32
        %dma_start3A_294 = tpu.memref_slice %arg2[%dma_start3A_292, %dma_start3A_293] : memref<20000x128xf32, #tpu.memory_space<hbm>> -> memref<20000x128xf32, #tpu.memory_space<hbm>>
        tpu.enqueue_indirect_dma source(%dma_start3A_294 : memref<20000x128xf32, #tpu.memory_space<hbm>>) target(%arg10 : memref<128x128xf32, #tpu.memory_space<vmem>>) offsets(%dma_start3A_291 : memref<128xi32, #tpu.memory_space<vmem>>) semaphore(%arg13 : memref<!tpu.dma_semaphore, #tpu.memory_space<semaphore_mem>>)
      } else {
      }
    }
    %scan3A_213 = arith.constant 16 : i32
    %dma_wait3A_214 = arith.constant 0 : i32
    %dma_wait3A_215 = arith.constant 0 : i32
    %dma_wait3A_216 = tpu.memref_slice %arg8[%dma_wait3A_214, %dma_wait3A_215] : memref<32x128xi32, #tpu.memory_space<vmem>> -> memref<1x128xi32, #tpu.memory_space<vmem>>
    %dma_wait3A_217 = tpu.memref_squeeze %dma_wait3A_216 : memref<1x128xi32, #tpu.memory_space<vmem>> -> memref<128xi32, #tpu.memory_space<vmem>>
    %dma_wait3A_218 = arith.constant 0 : i32
    %dma_wait3A_219 = arith.constant 0 : i32
    %dma_wait3A_220 = tpu.memref_slice %arg6[%dma_wait3A_218, %dma_wait3A_219] : memref<10240x128xf32, #tpu.memory_space<vmem_shared>> -> memref<10240x128xf32, #tpu.memory_space<vmem_shared>>
    tpu.wait_indirect_dma semaphore(%arg14 : memref<!tpu.dma_semaphore, #tpu.memory_space<semaphore_mem>>) src(%arg9 : memref<128x128xf32, #tpu.memory_space<vmem>>) dst(%dma_wait3A_220 : memref<10240x128xf32, #tpu.memory_space<vmem_shared>>)
    %dma_wait3A_221 = arith.constant 1 : i32
    %dma_wait3A_222 = arith.constant 0 : i32
    %dma_wait3A_223 = tpu.memref_slice %arg8[%dma_wait3A_221, %dma_wait3A_222] : memref<32x128xi32, #tpu.memory_space<vmem>> -> memref<1x128xi32, #tpu.memory_space<vmem>>
    %dma_wait3A_224 = tpu.memref_squeeze %dma_wait3A_223 : memref<1x128xi32, #tpu.memory_space<vmem>> -> memref<128xi32, #tpu.memory_space<vmem>>
    %dma_wait3A_225 = arith.constant 0 : i32
    %dma_wait3A_226 = arith.constant 0 : i32
    %dma_wait3A_227 = tpu.memref_slice %arg6[%dma_wait3A_225, %dma_wait3A_226] : memref<10240x128xf32, #tpu.memory_space<vmem_shared>> -> memref<10240x128xf32, #tpu.memory_space<vmem_shared>>
    tpu.wait_indirect_dma semaphore(%arg15 : memref<!tpu.dma_semaphore, #tpu.memory_space<semaphore_mem>>) src(%arg10 : memref<128x128xf32, #tpu.memory_space<vmem>>) dst(%dma_wait3A_227 : memref<10240x128xf32, #tpu.memory_space<vmem_shared>>)
    %barrier3A_228 = arith.constant 0 : index
    tpu.barrier barrier_id(%barrier3A_228)
    %lt3A = arith.constant 15 : i32
    %lt3A_229 = arith.cmpi slt, %arg1, %lt3A : i32
    %convert_element_type3A = arith.extui %lt3A_229 : i1 to i32
    %cond3A = arith.constant 0 : i32
    %cond3A_230 = arith.cmpi ne, %convert_element_type3A, %cond3A : i32
    scf.if %cond3A_230 {
      %mul3A_235 = arith.constant 640 : i32
      %mul3A_236 = arith.muli %arg1, %mul3A_235 : i32
      %mul3A_237 = arith.constant 10000 : i32
      %mul3A_238 = arith.muli %arg0, %mul3A_237 : i32
      %mul3A_239 = arith.constant 640 : i32
      %mul3A_240 = arith.muli %arg1, %mul3A_239 : i32
      %add3A_241 = arith.addi %mul3A_238, %mul3A_240 : i32
      "tpu.region"() ({
        %run_scoped3A = tpu.sem_alloc : memref<!tpu.dma_semaphore, #tpu.memory_space<semaphore_mem>>
        %dma_start3A_242 = arith.constant 0 : i32
        %dma_start3A_243 = tpu.memref_slice %arg5[%add3A_241, %dma_start3A_242] : memref<20000x128xf32, #tpu.memory_space<hbm>> -> memref<640x128xf32, #tpu.memory_space<hbm>>
        %dma_start3A_244 = arith.constant 0 : i32
        %dma_start3A_245 = tpu.memref_slice %arg6[%mul3A_236, %dma_start3A_244] : memref<10240x128xf32, #tpu.memory_space<vmem_shared>> -> memref<640x128xf32, #tpu.memory_space<vmem_shared>>
        tpu.enqueue_dma source(%dma_start3A_245 : memref<640x128xf32, #tpu.memory_space<vmem_shared>>) target(%dma_start3A_243 : memref<640x128xf32, #tpu.memory_space<hbm>>) target_semaphore(%run_scoped3A : memref<!tpu.dma_semaphore, #tpu.memory_space<semaphore_mem>>)
        %dma_wait3A_246 = arith.constant 0 : i32
        %dma_wait3A_247 = tpu.memref_slice %arg5[%add3A_241, %dma_wait3A_246] : memref<20000x128xf32, #tpu.memory_space<hbm>> -> memref<640x128xf32, #tpu.memory_space<hbm>>
        %dma_wait3A_248 = arith.constant 0 : i32
        %dma_wait3A_249 = tpu.memref_slice %arg6[%mul3A_236, %dma_wait3A_248] : memref<10240x128xf32, #tpu.memory_space<vmem_shared>> -> memref<640x128xf32, #tpu.memory_space<vmem_shared>>
        tpu.wait_dma2 semaphore(%run_scoped3A : memref<!tpu.dma_semaphore, #tpu.memory_space<semaphore_mem>>) src(%dma_wait3A_249 : memref<640x128xf32, #tpu.memory_space<vmem_shared>>) dst(%dma_wait3A_247 : memref<640x128xf32, #tpu.memory_space<hbm>>)
        tpu.yield
      }) : () -> ()
    } else {
    }
    %eq3A = arith.constant 15 : i32
    %eq3A_231 = arith.cmpi eq, %arg1, %eq3A : i32
    %convert_element_type3A_232 = arith.extui %eq3A_231 : i1 to i32
    %cond3A_233 = arith.constant 0 : i32
    %cond3A_234 = arith.cmpi ne, %convert_element_type3A_232, %cond3A_233 : i32
    scf.if %cond3A_234 {
      %mul3A_235 = arith.constant 10000 : i32
      %mul3A_236 = arith.muli %arg0, %mul3A_235 : i32
      %add3A_237 = arith.constant 9600 : i32
      %add3A_238 = arith.addi %mul3A_236, %add3A_237 : i32
      "tpu.region"() ({
        %run_scoped3A = tpu.sem_alloc : memref<!tpu.dma_semaphore, #tpu.memory_space<semaphore_mem>>
        %dma_start3A_239 = arith.constant 0 : i32
        %dma_start3A_240 = tpu.memref_slice %arg5[%add3A_238, %dma_start3A_239] : memref<20000x128xf32, #tpu.memory_space<hbm>> -> memref<400x128xf32, #tpu.memory_space<hbm>>
        %dma_start3A_241 = arith.constant 9600 : i32
        %dma_start3A_242 = arith.constant 0 : i32
        %dma_start3A_243 = tpu.memref_slice %arg6[%dma_start3A_241, %dma_start3A_242] : memref<10240x128xf32, #tpu.memory_space<vmem_shared>> -> memref<400x128xf32, #tpu.memory_space<vmem_shared>>
        tpu.enqueue_dma source(%dma_start3A_243 : memref<400x128xf32, #tpu.memory_space<vmem_shared>>) target(%dma_start3A_240 : memref<400x128xf32, #tpu.memory_space<hbm>>) target_semaphore(%run_scoped3A : memref<!tpu.dma_semaphore, #tpu.memory_space<semaphore_mem>>)
        %dma_wait3A_244 = arith.constant 0 : i32
        %dma_wait3A_245 = tpu.memref_slice %arg5[%add3A_238, %dma_wait3A_244] : memref<20000x128xf32, #tpu.memory_space<hbm>> -> memref<400x128xf32, #tpu.memory_space<hbm>>
        %dma_wait3A_246 = arith.constant 9600 : i32
        %dma_wait3A_247 = arith.constant 0 : i32
        %dma_wait3A_248 = tpu.memref_slice %arg6[%dma_wait3A_246, %dma_wait3A_247] : memref<10240x128xf32, #tpu.memory_space<vmem_shared>> -> memref<400x128xf32, #tpu.memory_space<vmem_shared>>
        tpu.wait_dma2 semaphore(%run_scoped3A : memref<!tpu.dma_semaphore, #tpu.memory_space<semaphore_mem>>) src(%dma_wait3A_248 : memref<400x128xf32, #tpu.memory_space<vmem_shared>>) dst(%dma_wait3A_245 : memref<400x128xf32, #tpu.memory_space<hbm>>)
        tpu.yield
      }) : () -> ()
    } else {
    }
    return
  }
}

#map = affine_map<(d0, d1) -> (0, 0)>
#map1 = affine_map<(d0, d1) -> (0, 0, 0)>
module attributes {stable_mosaic.version = 14 : i64} {
  func.func @_gs_body(%arg0: i32, %arg1: i32, %arg2: memref<20000x128xf32, #tpu.memory_space<hbm>>, %arg3: memref<160x32x128xi32, #tpu.memory_space<hbm>>, %arg4: memref<80x32x128xi32, #tpu.memory_space<hbm>>, %arg5: memref<20000x128xf32, #tpu.memory_space<hbm>>, %arg6: memref<10240x128xf32, #tpu.memory_space<vmem_shared>>, %arg7: memref<32x128xi32, #tpu.memory_space<vmem>>, %arg8: memref<32x128xi32, #tpu.memory_space<vmem>>, %arg9: memref<128x128xf32, #tpu.memory_space<vmem>>, %arg10: memref<128x128xf32, #tpu.memory_space<vmem>>, %arg11: memref<16x128xf32, #tpu.memory_space<vmem>>, %arg12: memref<!tpu.dma_semaphore, #tpu.memory_space<semaphore_mem>>, %arg13: memref<!tpu.dma_semaphore, #tpu.memory_space<semaphore_mem>>, %arg14: memref<!tpu.dma_semaphore, #tpu.memory_space<semaphore_mem>>, %arg15: memref<!tpu.dma_semaphore, #tpu.memory_space<semaphore_mem>>) attributes {dimension_semantics = [#tpu.dimension_semantics<core_parallel>, #tpu.dimension_semantics<subcore_parallel>], iteration_bounds = array<i64: 2, 16>, scalar_prefetch = 0 : i64, scratch_operands = 10 : i64, tpu.core_type = #tpu.core_type<sc_vector_subcore>, window_params = [{transform_indices = #map}, {transform_indices = #map1}, {transform_indices = #map1}, {transform_indices = #map}]} {
    %mul3A = arith.constant 16 : i32
    %mul3A_0 = arith.muli %arg0, %mul3A : i32
    %add3A = arith.addi %mul3A_0, %arg1 : i32
    %mul3A_1 = arith.constant 5 : i32
    %mul3A_2 = arith.muli %add3A, %mul3A_1 : i32
    "tpu.region"() ({
      %run_scoped3A = tpu.sem_alloc : memref<!tpu.dma_semaphore, #tpu.memory_space<semaphore_mem>>
      %dma_start3A_235 = arith.constant 0 : i32
      %dma_start3A_236 = arith.constant 0 : i32
      %dma_start3A_237 = tpu.memref_slice %arg3[%mul3A_2, %dma_start3A_235, %dma_start3A_236] : memref<160x32x128xi32, #tpu.memory_space<hbm>> -> memref<1x32x128xi32, #tpu.memory_space<hbm>>
      %dma_start3A_238 = tpu.memref_squeeze %dma_start3A_237 : memref<1x32x128xi32, #tpu.memory_space<hbm>> -> memref<32x128xi32, #tpu.memory_space<hbm>>
      %dma_start3A_239 = arith.constant 0 : i32
      %dma_start3A_240 = arith.constant 0 : i32
      %dma_start3A_241 = tpu.memref_slice %arg3[%mul3A_2, %dma_start3A_239, %dma_start3A_240] : memref<160x32x128xi32, #tpu.memory_space<hbm>> -> memref<1x32x128xi32, #tpu.memory_space<hbm>>
      %dma_start3A_242 = tpu.memref_squeeze %dma_start3A_241 : memref<1x32x128xi32, #tpu.memory_space<hbm>> -> memref<32x128xi32, #tpu.memory_space<hbm>>
      tpu.enqueue_dma source(%dma_start3A_242 : memref<32x128xi32, #tpu.memory_space<hbm>>) target(%arg7 : memref<32x128xi32, #tpu.memory_space<vmem>>) target_semaphore(%run_scoped3A : memref<!tpu.dma_semaphore, #tpu.memory_space<semaphore_mem>>)
      %dma_wait3A_243 = arith.constant 0 : i32
      %dma_wait3A_244 = arith.constant 0 : i32
      %dma_wait3A_245 = tpu.memref_slice %arg3[%mul3A_2, %dma_wait3A_243, %dma_wait3A_244] : memref<160x32x128xi32, #tpu.memory_space<hbm>> -> memref<1x32x128xi32, #tpu.memory_space<hbm>>
      %dma_wait3A_246 = tpu.memref_squeeze %dma_wait3A_245 : memref<1x32x128xi32, #tpu.memory_space<hbm>> -> memref<32x128xi32, #tpu.memory_space<hbm>>
      %dma_wait3A_247 = arith.constant 0 : i32
      %dma_wait3A_248 = arith.constant 0 : i32
      %dma_wait3A_249 = tpu.memref_slice %arg3[%mul3A_2, %dma_wait3A_247, %dma_wait3A_248] : memref<160x32x128xi32, #tpu.memory_space<hbm>> -> memref<1x32x128xi32, #tpu.memory_space<hbm>>
      %dma_wait3A_250 = tpu.memref_squeeze %dma_wait3A_249 : memref<1x32x128xi32, #tpu.memory_space<hbm>> -> memref<32x128xi32, #tpu.memory_space<hbm>>
      tpu.wait_dma2 semaphore(%run_scoped3A : memref<!tpu.dma_semaphore, #tpu.memory_space<semaphore_mem>>) src(%dma_wait3A_250 : memref<32x128xi32, #tpu.memory_space<hbm>>) dst(%arg7 : memref<32x128xi32, #tpu.memory_space<vmem>>)
      tpu.yield
    }) : () -> ()
    %mul3A_3 = arith.constant 5 : i32
    %mul3A_4 = arith.muli %arg1, %mul3A_3 : i32
    "tpu.region"() ({
      %run_scoped3A = tpu.sem_alloc : memref<!tpu.dma_semaphore, #tpu.memory_space<semaphore_mem>>
      %dma_start3A_235 = arith.constant 0 : i32
      %dma_start3A_236 = arith.constant 0 : i32
      %dma_start3A_237 = tpu.memref_slice %arg4[%mul3A_4, %dma_start3A_235, %dma_start3A_236] : memref<80x32x128xi32, #tpu.memory_space<hbm>> -> memref<1x32x128xi32, #tpu.memory_space<hbm>>
      %dma_start3A_238 = tpu.memref_squeeze %dma_start3A_237 : memref<1x32x128xi32, #tpu.memory_space<hbm>> -> memref<32x128xi32, #tpu.memory_space<hbm>>
      %dma_start3A_239 = arith.constant 0 : i32
      %dma_start3A_240 = arith.constant 0 : i32
      %dma_start3A_241 = tpu.memref_slice %arg4[%mul3A_4, %dma_start3A_239, %dma_start3A_240] : memref<80x32x128xi32, #tpu.memory_space<hbm>> -> memref<1x32x128xi32, #tpu.memory_space<hbm>>
      %dma_start3A_242 = tpu.memref_squeeze %dma_start3A_241 : memref<1x32x128xi32, #tpu.memory_space<hbm>> -> memref<32x128xi32, #tpu.memory_space<hbm>>
      tpu.enqueue_dma source(%dma_start3A_242 : memref<32x128xi32, #tpu.memory_space<hbm>>) target(%arg8 : memref<32x128xi32, #tpu.memory_space<vmem>>) target_semaphore(%run_scoped3A : memref<!tpu.dma_semaphore, #tpu.memory_space<semaphore_mem>>)
      %dma_wait3A_243 = arith.constant 0 : i32
      %dma_wait3A_244 = arith.constant 0 : i32
      %dma_wait3A_245 = tpu.memref_slice %arg4[%mul3A_4, %dma_wait3A_243, %dma_wait3A_244] : memref<80x32x128xi32, #tpu.memory_space<hbm>> -> memref<1x32x128xi32, #tpu.memory_space<hbm>>
      %dma_wait3A_246 = tpu.memref_squeeze %dma_wait3A_245 : memref<1x32x128xi32, #tpu.memory_space<hbm>> -> memref<32x128xi32, #tpu.memory_space<hbm>>
      %dma_wait3A_247 = arith.constant 0 : i32
      %dma_wait3A_248 = arith.constant 0 : i32
      %dma_wait3A_249 = tpu.memref_slice %arg4[%mul3A_4, %dma_wait3A_247, %dma_wait3A_248] : memref<80x32x128xi32, #tpu.memory_space<hbm>> -> memref<1x32x128xi32, #tpu.memory_space<hbm>>
      %dma_wait3A_250 = tpu.memref_squeeze %dma_wait3A_249 : memref<1x32x128xi32, #tpu.memory_space<hbm>> -> memref<32x128xi32, #tpu.memory_space<hbm>>
      tpu.wait_dma2 semaphore(%run_scoped3A : memref<!tpu.dma_semaphore, #tpu.memory_space<semaphore_mem>>) src(%dma_wait3A_250 : memref<32x128xi32, #tpu.memory_space<hbm>>) dst(%arg8 : memref<32x128xi32, #tpu.memory_space<vmem>>)
      tpu.yield
    }) : () -> ()
    %dma_start3A = arith.constant 0 : i32
    %dma_start3A_5 = arith.constant 0 : i32
    %dma_start3A_6 = tpu.memref_slice %arg7[%dma_start3A, %dma_start3A_5] : memref<32x128xi32, #tpu.memory_space<vmem>> -> memref<1x128xi32, #tpu.memory_space<vmem>>
    %dma_start3A_7 = tpu.memref_squeeze %dma_start3A_6 : memref<1x128xi32, #tpu.memory_space<vmem>> -> memref<128xi32, #tpu.memory_space<vmem>>
    %dma_start3A_8 = arith.constant 0 : i32
    %dma_start3A_9 = arith.constant 0 : i32
    %dma_start3A_10 = tpu.memref_slice %arg2[%dma_start3A_8, %dma_start3A_9] : memref<20000x128xf32, #tpu.memory_space<hbm>> -> memref<20000x128xf32, #tpu.memory_space<hbm>>
    tpu.enqueue_indirect_dma source(%dma_start3A_10 : memref<20000x128xf32, #tpu.memory_space<hbm>>) target(%arg9 : memref<128x128xf32, #tpu.memory_space<vmem>>) offsets(%dma_start3A_7 : memref<128xi32, #tpu.memory_space<vmem>>) semaphore(%arg12 : memref<!tpu.dma_semaphore, #tpu.memory_space<semaphore_mem>>)
    %dma_start3A_11 = arith.constant 1 : i32
    %dma_start3A_12 = arith.constant 0 : i32
    %dma_start3A_13 = tpu.memref_slice %arg7[%dma_start3A_11, %dma_start3A_12] : memref<32x128xi32, #tpu.memory_space<vmem>> -> memref<1x128xi32, #tpu.memory_space<vmem>>
    %dma_start3A_14 = tpu.memref_squeeze %dma_start3A_13 : memref<1x128xi32, #tpu.memory_space<vmem>> -> memref<128xi32, #tpu.memory_space<vmem>>
    %dma_start3A_15 = arith.constant 0 : i32
    %dma_start3A_16 = arith.constant 0 : i32
    %dma_start3A_17 = tpu.memref_slice %arg2[%dma_start3A_15, %dma_start3A_16] : memref<20000x128xf32, #tpu.memory_space<hbm>> -> memref<20000x128xf32, #tpu.memory_space<hbm>>
    tpu.enqueue_indirect_dma source(%dma_start3A_17 : memref<20000x128xf32, #tpu.memory_space<hbm>>) target(%arg10 : memref<128x128xf32, #tpu.memory_space<vmem>>) offsets(%dma_start3A_14 : memref<128xi32, #tpu.memory_space<vmem>>) semaphore(%arg13 : memref<!tpu.dma_semaphore, #tpu.memory_space<semaphore_mem>>)
    %scan3A = arith.constant 0 : i32
    %scan3A_18 = arith.constant 0 : i32
    %scan3A_19 = arith.constant 128 : i32
    %scan3A_20 = arith.addi %scan3A_18, %scan3A_19 : i32
    %scan3A_21 = arith.constant 1 : i32
    scf.for %scan3A_235 = %scan3A_18 to %scan3A_20 step %scan3A_21  : i32 {
      %jit3A = arith.constant 8 : i32
      %div3A = arith.divsi %scan3A_235, %jit3A : i32
      %sign3A = arith.constant 0 : i32
      %sign3A_236 = arith.cmpi sgt, %scan3A_235, %sign3A : i32
      %sign3A_237 = arith.extui %sign3A_236 : i1 to i32
      %sign3A_238 = arith.constant 0 : i32
      %sign3A_239 = arith.cmpi slt, %scan3A_235, %sign3A_238 : i32
      %sign3A_240 = arith.extui %sign3A_239 : i1 to i32
      %sign3A_241 = arith.subi %sign3A_237, %sign3A_240 : i32
      %sign3A_242 = arith.constant 0 : i32
      %sign3A_243 = arith.cmpi sgt, %jit3A, %sign3A_242 : i32
      %sign3A_244 = arith.extui %sign3A_243 : i1 to i32
      %sign3A_245 = arith.constant 0 : i32
      %sign3A_246 = arith.cmpi slt, %jit3A, %sign3A_245 : i32
      %sign3A_247 = arith.extui %sign3A_246 : i1 to i32
      %sign3A_248 = arith.subi %sign3A_244, %sign3A_247 : i32
      %ne3A = arith.cmpi ne, %sign3A_241, %sign3A_248 : i32
      %rem3A = arith.remsi %scan3A_235, %jit3A : i32
      %ne3A_249 = arith.constant 0 : i32
      %ne3A_250 = arith.cmpi ne, %rem3A, %ne3A_249 : i32
      %and3A = arith.andi %ne3A, %ne3A_250 : i1
      %sub3A = arith.constant 1 : i32
      %sub3A_251 = arith.subi %div3A, %sub3A : i32
      %select_n3A = arith.select %and3A, %sub3A_251, %div3A : i32
      %jit3A_252 = arith.constant 8 : i32
      %eq3A_253 = arith.constant 0 : i32
      %eq3A_254 = arith.cmpi eq, %jit3A_252, %eq3A_253 : i32
      %jit3A_255 = arith.constant 1 : i32
      %select_n3A_256 = arith.select %eq3A_254, %jit3A_255, %jit3A_252 : i32
      %rem3A_257 = arith.remsi %scan3A_235, %select_n3A_256 : i32
      %ne3A_258 = arith.constant 0 : i32
      %ne3A_259 = arith.cmpi ne, %rem3A_257, %ne3A_258 : i32
      %lt3A_260 = arith.constant 0 : i32
      %lt3A_261 = arith.cmpi slt, %rem3A_257, %lt3A_260 : i32
      %lt3A_262 = arith.constant 0 : i32
      %lt3A_263 = arith.cmpi slt, %select_n3A_256, %lt3A_262 : i32
      %ne3A_264 = arith.xori %lt3A_261, %lt3A_263 : i1
      %and3A_265 = arith.andi %ne3A_264, %ne3A_259 : i1
      %add3A_266 = arith.addi %rem3A_257, %select_n3A_256 : i32
      %select_n3A_267 = arith.select %and3A_265, %add3A_266, %rem3A_257 : i32
      %broadcast_in_dim3A = arith.constant 0.000000e+00 : f32
      %broadcast_in_dim3A_268 = vector.broadcast %broadcast_in_dim3A : f32 to vector<16xf32>
      %mul3A_269 = arith.constant 16 : i32
      %mul3A_270 = arith.muli %select_n3A_267, %mul3A_269 : i32
      %swap3A = arith.index_cast %select_n3A : i32 to index
      %swap3A_271 = arith.index_cast %mul3A_270 : i32 to index
      %swap3A_272 = tpu.vector_load %arg11[%swap3A, %swap3A_271] {strides = array<i32>} : memref<16x128xf32, #tpu.memory_space<vmem>>, vector<1x16xf32>,
      %swap3A_273 = vector.shape_cast %swap3A_272 : vector<1x16xf32> to vector<16xf32>
      %swap3A_274 = vector.shape_cast %broadcast_in_dim3A_268 : vector<16xf32> to vector<1x16xf32>
      tpu.vector_store %arg11[%swap3A, %swap3A_271], %swap3A_274 {strides = array<i32>} : memref<16x128xf32, #tpu.memory_space<vmem>>, vector<1x16xf32>,
    }
    %scan3A_22 = arith.constant 128 : i32
    %scan3A_23 = arith.constant 0 : i32
    %scan3A_24 = arith.constant 0 : i32
    %scan3A_25 = arith.constant 40 : i32
    %scan3A_26 = arith.addi %scan3A_24, %scan3A_25 : i32
    %scan3A_27 = arith.constant 1 : i32
    scf.for %scan3A_235 = %scan3A_24 to %scan3A_26 step %scan3A_27  : i32 {
      %mul3A_236 = arith.constant 640 : i32
      %mul3A_237 = arith.muli %arg1, %mul3A_236 : i32
      %mul3A_238 = arith.constant 16 : i32
      %mul3A_239 = arith.muli %scan3A_235, %mul3A_238 : i32
      %add3A_240 = arith.addi %mul3A_237, %mul3A_239 : i32
      "tpu.region"() ({
        %run_scoped3A = tpu.sem_alloc : memref<!tpu.dma_semaphore, #tpu.memory_space<semaphore_mem>>
        %dma_start3A_241 = arith.constant 0 : i32
        %dma_start3A_242 = tpu.memref_slice %arg6[%add3A_240, %dma_start3A_241] : memref<10240x128xf32, #tpu.memory_space<vmem_shared>> -> memref<16x128xf32, #tpu.memory_space<vmem_shared>>
        %dma_start3A_243 = arith.constant 0 : i32
        %dma_start3A_244 = tpu.memref_slice %arg6[%add3A_240, %dma_start3A_243] : memref<10240x128xf32, #tpu.memory_space<vmem_shared>> -> memref<16x128xf32, #tpu.memory_space<vmem_shared>>
        tpu.enqueue_dma source(%arg11 : memref<16x128xf32, #tpu.memory_space<vmem>>) target(%dma_start3A_244 : memref<16x128xf32, #tpu.memory_space<vmem_shared>>) target_semaphore(%run_scoped3A : memref<!tpu.dma_semaphore, #tpu.memory_space<semaphore_mem>>)
        %dma_wait3A_245 = arith.constant 0 : i32
        %dma_wait3A_246 = tpu.memref_slice %arg6[%add3A_240, %dma_wait3A_245] : memref<10240x128xf32, #tpu.memory_space<vmem_shared>> -> memref<16x128xf32, #tpu.memory_space<vmem_shared>>
        %dma_wait3A_247 = arith.constant 0 : i32
        %dma_wait3A_248 = tpu.memref_slice %arg6[%add3A_240, %dma_wait3A_247] : memref<10240x128xf32, #tpu.memory_space<vmem_shared>> -> memref<16x128xf32, #tpu.memory_space<vmem_shared>>
        tpu.wait_dma2 semaphore(%run_scoped3A : memref<!tpu.dma_semaphore, #tpu.memory_space<semaphore_mem>>) src(%arg11 : memref<16x128xf32, #tpu.memory_space<vmem>>) dst(%dma_wait3A_248 : memref<16x128xf32, #tpu.memory_space<vmem_shared>>)
        tpu.yield
      }) : () -> ()
    }
    %scan3A_28 = arith.constant 40 : i32
    %barrier3A = arith.constant 0 : index
    tpu.barrier barrier_id(%barrier3A)
    %scan3A_29 = arith.constant 0 : i32
    %scan3A_30 = arith.constant 0 : i32
    %scan3A_31 = arith.constant 16 : i32
    %scan3A_32 = arith.addi %scan3A_30, %scan3A_31 : i32
    %scan3A_33 = arith.constant 1 : i32
    scf.for %scan3A_235 = %scan3A_30 to %scan3A_32 step %scan3A_33  : i32 {
      %mul3A_236 = arith.constant 2 : i32
      %mul3A_237 = arith.muli %mul3A_236, %scan3A_235 : i32
      %dma_wait3A_238 = arith.constant 0 : i32
      %dma_wait3A_239 = arith.constant 0 : i32
      %dma_wait3A_240 = tpu.memref_slice %arg7[%dma_wait3A_238, %dma_wait3A_239] : memref<32x128xi32, #tpu.memory_space<vmem>> -> memref<1x128xi32, #tpu.memory_space<vmem>>
      %dma_wait3A_241 = tpu.memref_squeeze %dma_wait3A_240 : memref<1x128xi32, #tpu.memory_space<vmem>> -> memref<128xi32, #tpu.memory_space<vmem>>
      %dma_wait3A_242 = arith.constant 0 : i32
      %dma_wait3A_243 = arith.constant 0 : i32
      %dma_wait3A_244 = tpu.memref_slice %arg2[%dma_wait3A_242, %dma_wait3A_243] : memref<20000x128xf32, #tpu.memory_space<hbm>> -> memref<20000x128xf32, #tpu.memory_space<hbm>>
      tpu.wait_indirect_dma semaphore(%arg12 : memref<!tpu.dma_semaphore, #tpu.memory_space<semaphore_mem>>) src(%dma_wait3A_244 : memref<20000x128xf32, #tpu.memory_space<hbm>>) dst(%arg9 : memref<128x128xf32, #tpu.memory_space<vmem>>)
      %dma_start3A_245 = arith.constant 0 : i32
      %dma_start3A_246 = tpu.memref_slice %arg8[%mul3A_237, %dma_start3A_245] : memref<32x128xi32, #tpu.memory_space<vmem>> -> memref<1x128xi32, #tpu.memory_space<vmem>>
      %dma_start3A_247 = tpu.memref_squeeze %dma_start3A_246 : memref<1x128xi32, #tpu.memory_space<vmem>> -> memref<128xi32, #tpu.memory_space<vmem>>
      %dma_start3A_248 = arith.constant 0 : i32
      %dma_start3A_249 = arith.constant 0 : i32
      %dma_start3A_250 = tpu.memref_slice %arg6[%dma_start3A_248, %dma_start3A_249] : memref<10240x128xf32, #tpu.memory_space<vmem_shared>> -> memref<10240x128xf32, #tpu.memory_space<vmem_shared>>
      tpu.enqueue_indirect_dma source(%arg9 : memref<128x128xf32, #tpu.memory_space<vmem>>) target(%dma_start3A_250 : memref<10240x128xf32, #tpu.memory_space<vmem_shared>>) offsets(%dma_start3A_247 : memref<128xi32, #tpu.memory_space<vmem>>) semaphore(%arg14 : memref<!tpu.dma_semaphore, #tpu.memory_space<semaphore_mem>>) {add = true}
      %add3A_251 = arith.constant 2 : i32
      %add3A_252 = arith.addi %mul3A_237, %add3A_251 : i32
      %lt3A_253 = arith.constant 32 : i32
      %lt3A_254 = arith.cmpi slt, %add3A_252, %lt3A_253 : i32
      %convert_element_type3A_255 = arith.extui %lt3A_254 : i1 to i32
      %cond3A_256 = arith.constant 0 : i32
      %cond3A_257 = arith.cmpi ne, %convert_element_type3A_255, %cond3A_256 : i32
      scf.if %cond3A_257 {
        %dma_wait3A_280 = arith.constant 0 : i32
        %dma_wait3A_281 = arith.constant 0 : i32
        %dma_wait3A_282 = tpu.memref_slice %arg8[%dma_wait3A_280, %dma_wait3A_281] : memref<32x128xi32, #tpu.memory_space<vmem>> -> memref<1x128xi32, #tpu.memory_space<vmem>>
        %dma_wait3A_283 = tpu.memref_squeeze %dma_wait3A_282 : memref<1x128xi32, #tpu.memory_space<vmem>> -> memref<128xi32, #tpu.memory_space<vmem>>
        %dma_wait3A_284 = arith.constant 0 : i32
        %dma_wait3A_285 = arith.constant 0 : i32
        %dma_wait3A_286 = tpu.memref_slice %arg6[%dma_wait3A_284, %dma_wait3A_285] : memref<10240x128xf32, #tpu.memory_space<vmem_shared>> -> memref<10240x128xf32, #tpu.memory_space<vmem_shared>>
        tpu.wait_indirect_dma semaphore(%arg14 : memref<!tpu.dma_semaphore, #tpu.memory_space<semaphore_mem>>) src(%arg9 : memref<128x128xf32, #tpu.memory_space<vmem>>) dst(%dma_wait3A_286 : memref<10240x128xf32, #tpu.memory_space<vmem_shared>>)
        %add3A_287 = arith.constant 2 : i32
        %add3A_288 = arith.addi %mul3A_237, %add3A_287 : i32
        %dma_start3A_289 = arith.constant 0 : i32
        %dma_start3A_290 = tpu.memref_slice %arg7[%add3A_288, %dma_start3A_289] : memref<32x128xi32, #tpu.memory_space<vmem>> -> memref<1x128xi32, #tpu.memory_space<vmem>>
        %dma_start3A_291 = tpu.memref_squeeze %dma_start3A_290 : memref<1x128xi32, #tpu.memory_space<vmem>> -> memref<128xi32, #tpu.memory_space<vmem>>
        %dma_start3A_292 = arith.constant 0 : i32
        %dma_start3A_293 = arith.constant 0 : i32
        %dma_start3A_294 = tpu.memref_slice %arg2[%dma_start3A_292, %dma_start3A_293] : memref<20000x128xf32, #tpu.memory_space<hbm>> -> memref<20000x128xf32, #tpu.memory_space<hbm>>
        tpu.enqueue_indirect_dma source(%dma_start3A_294 : memref<20000x128xf32, #tpu.memory_space<hbm>>) target(%arg9 : memref<128x128xf32, #tpu.memory_space<vmem>>) offsets(%dma_start3A_291 : memref<128xi32, #tpu.memory_space<vmem>>) semaphore(%arg12 : memref<!tpu.dma_semaphore, #tpu.memory_space<semaphore_mem>>)
      } else {
      }
      %add3A_258 = arith.constant 1 : i32
      %add3A_259 = arith.addi %mul3A_237, %add3A_258 : i32
      %dma_wait3A_260 = arith.constant 0 : i32
      %dma_wait3A_261 = arith.constant 0 : i32
      %dma_wait3A_262 = tpu.memref_slice %arg7[%dma_wait3A_260, %dma_wait3A_261] : memref<32x128xi32, #tpu.memory_space<vmem>> -> memref<1x128xi32, #tpu.memory_space<vmem>>
      %dma_wait3A_263 = tpu.memref_squeeze %dma_wait3A_262 : memref<1x128xi32, #tpu.memory_space<vmem>> -> memref<128xi32, #tpu.memory_space<vmem>>
      %dma_wait3A_264 = arith.constant 0 : i32
      %dma_wait3A_265 = arith.constant 0 : i32
      %dma_wait3A_266 = tpu.memref_slice %arg2[%dma_wait3A_264, %dma_wait3A_265] : memref<20000x128xf32, #tpu.memory_space<hbm>> -> memref<20000x128xf32, #tpu.memory_space<hbm>>
      tpu.wait_indirect_dma semaphore(%arg13 : memref<!tpu.dma_semaphore, #tpu.memory_space<semaphore_mem>>) src(%dma_wait3A_266 : memref<20000x128xf32, #tpu.memory_space<hbm>>) dst(%arg10 : memref<128x128xf32, #tpu.memory_space<vmem>>)
      %dma_start3A_267 = arith.constant 0 : i32
      %dma_start3A_268 = tpu.memref_slice %arg8[%add3A_259, %dma_start3A_267] : memref<32x128xi32, #tpu.memory_space<vmem>> -> memref<1x128xi32, #tpu.memory_space<vmem>>
      %dma_start3A_269 = tpu.memref_squeeze %dma_start3A_268 : memref<1x128xi32, #tpu.memory_space<vmem>> -> memref<128xi32, #tpu.memory_space<vmem>>
      %dma_start3A_270 = arith.constant 0 : i32
      %dma_start3A_271 = arith.constant 0 : i32
      %dma_start3A_272 = tpu.memref_slice %arg6[%dma_start3A_270, %dma_start3A_271] : memref<10240x128xf32, #tpu.memory_space<vmem_shared>> -> memref<10240x128xf32, #tpu.memory_space<vmem_shared>>
      tpu.enqueue_indirect_dma source(%arg10 : memref<128x128xf32, #tpu.memory_space<vmem>>) target(%dma_start3A_272 : memref<10240x128xf32, #tpu.memory_space<vmem_shared>>) offsets(%dma_start3A_269 : memref<128xi32, #tpu.memory_space<vmem>>) semaphore(%arg15 : memref<!tpu.dma_semaphore, #tpu.memory_space<semaphore_mem>>) {add = true}
      %add3A_273 = arith.constant 2 : i32
      %add3A_274 = arith.addi %add3A_259, %add3A_273 : i32
      %lt3A_275 = arith.constant 32 : i32
      %lt3A_276 = arith.cmpi slt, %add3A_274, %lt3A_275 : i32
      %convert_element_type3A_277 = arith.extui %lt3A_276 : i1 to i32
      %cond3A_278 = arith.constant 0 : i32
      %cond3A_279 = arith.cmpi ne, %convert_element_type3A_277, %cond3A_278 : i32
      scf.if %cond3A_279 {
        %dma_wait3A_280 = arith.constant 0 : i32
        %dma_wait3A_281 = arith.constant 0 : i32
        %dma_wait3A_282 = tpu.memref_slice %arg8[%dma_wait3A_280, %dma_wait3A_281] : memref<32x128xi32, #tpu.memory_space<vmem>> -> memref<1x128xi32, #tpu.memory_space<vmem>>
        %dma_wait3A_283 = tpu.memref_squeeze %dma_wait3A_282 : memref<1x128xi32, #tpu.memory_space<vmem>> -> memref<128xi32, #tpu.memory_space<vmem>>
        %dma_wait3A_284 = arith.constant 0 : i32
        %dma_wait3A_285 = arith.constant 0 : i32
        %dma_wait3A_286 = tpu.memref_slice %arg6[%dma_wait3A_284, %dma_wait3A_285] : memref<10240x128xf32, #tpu.memory_space<vmem_shared>> -> memref<10240x128xf32, #tpu.memory_space<vmem_shared>>
        tpu.wait_indirect_dma semaphore(%arg15 : memref<!tpu.dma_semaphore, #tpu.memory_space<semaphore_mem>>) src(%arg10 : memref<128x128xf32, #tpu.memory_space<vmem>>) dst(%dma_wait3A_286 : memref<10240x128xf32, #tpu.memory_space<vmem_shared>>)
        %add3A_287 = arith.constant 2 : i32
        %add3A_288 = arith.addi %add3A_259, %add3A_287 : i32
        %dma_start3A_289 = arith.constant 0 : i32
        %dma_start3A_290 = tpu.memref_slice %arg7[%add3A_288, %dma_start3A_289] : memref<32x128xi32, #tpu.memory_space<vmem>> -> memref<1x128xi32, #tpu.memory_space<vmem>>
        %dma_start3A_291 = tpu.memref_squeeze %dma_start3A_290 : memref<1x128xi32, #tpu.memory_space<vmem>> -> memref<128xi32, #tpu.memory_space<vmem>>
        %dma_start3A_292 = arith.constant 0 : i32
        %dma_start3A_293 = arith.constant 0 : i32
        %dma_start3A_294 = tpu.memref_slice %arg2[%dma_start3A_292, %dma_start3A_293] : memref<20000x128xf32, #tpu.memory_space<hbm>> -> memref<20000x128xf32, #tpu.memory_space<hbm>>
        tpu.enqueue_indirect_dma source(%dma_start3A_294 : memref<20000x128xf32, #tpu.memory_space<hbm>>) target(%arg10 : memref<128x128xf32, #tpu.memory_space<vmem>>) offsets(%dma_start3A_291 : memref<128xi32, #tpu.memory_space<vmem>>) semaphore(%arg13 : memref<!tpu.dma_semaphore, #tpu.memory_space<semaphore_mem>>)
      } else {
      }
    }
    %scan3A_34 = arith.constant 16 : i32
    %dma_wait3A = arith.constant 0 : i32
    %dma_wait3A_35 = arith.constant 0 : i32
    %dma_wait3A_36 = tpu.memref_slice %arg8[%dma_wait3A, %dma_wait3A_35] : memref<32x128xi32, #tpu.memory_space<vmem>> -> memref<1x128xi32, #tpu.memory_space<vmem>>
    %dma_wait3A_37 = tpu.memref_squeeze %dma_wait3A_36 : memref<1x128xi32, #tpu.memory_space<vmem>> -> memref<128xi32, #tpu.memory_space<vmem>>
    %dma_wait3A_38 = arith.constant 0 : i32
    %dma_wait3A_39 = arith.constant 0 : i32
    %dma_wait3A_40 = tpu.memref_slice %arg6[%dma_wait3A_38, %dma_wait3A_39] : memref<10240x128xf32, #tpu.memory_space<vmem_shared>> -> memref<10240x128xf32, #tpu.memory_space<vmem_shared>>
    tpu.wait_indirect_dma semaphore(%arg14 : memref<!tpu.dma_semaphore, #tpu.memory_space<semaphore_mem>>) src(%arg9 : memref<128x128xf32, #tpu.memory_space<vmem>>) dst(%dma_wait3A_40 : memref<10240x128xf32, #tpu.memory_space<vmem_shared>>)
    %dma_wait3A_41 = arith.constant 1 : i32
    %dma_wait3A_42 = arith.constant 0 : i32
    %dma_wait3A_43 = tpu.memref_slice %arg8[%dma_wait3A_41, %dma_wait3A_42] : memref<32x128xi32, #tpu.memory_space<vmem>> -> memref<1x128xi32, #tpu.memory_space<vmem>>
    %dma_wait3A_44 = tpu.memref_squeeze %dma_wait3A_43 : memref<1x128xi32, #tpu.memory_space<vmem>> -> memref<128xi32, #tpu.memory_space<vmem>>
    %dma_wait3A_45 = arith.constant 0 : i32
    %dma_wait3A_46 = arith.constant 0 : i32
    %dma_wait3A_47 = tpu.memref_slice %arg6[%dma_wait3A_45, %dma_wait3A_46] : memref<10240x128xf32, #tpu.memory_space<vmem_shared>> -> memref<10240x128xf32, #tpu.memory_space<vmem_shared>>
    tpu.wait_indirect_dma semaphore(%arg15 : memref<!tpu.dma_semaphore, #tpu.memory_space<semaphore_mem>>) src(%arg10 : memref<128x128xf32, #tpu.memory_space<vmem>>) dst(%dma_wait3A_47 : memref<10240x128xf32, #tpu.memory_space<vmem_shared>>)
    %mul3A_48 = arith.constant 16 : i32
    %mul3A_49 = arith.muli %arg0, %mul3A_48 : i32
    %add3A_50 = arith.addi %mul3A_49, %arg1 : i32
    %mul3A_51 = arith.constant 5 : i32
    %mul3A_52 = arith.muli %add3A_50, %mul3A_51 : i32
    %add3A_53 = arith.constant 1 : i32
    %add3A_54 = arith.addi %mul3A_52, %add3A_53 : i32
    "tpu.region"() ({
      %run_scoped3A = tpu.sem_alloc : memref<!tpu.dma_semaphore, #tpu.memory_space<semaphore_mem>>
      %dma_start3A_235 = arith.constant 0 : i32
      %dma_start3A_236 = arith.constant 0 : i32
      %dma_start3A_237 = tpu.memref_slice %arg3[%add3A_54, %dma_start3A_235, %dma_start3A_236] : memref<160x32x128xi32, #tpu.memory_space<hbm>> -> memref<1x32x128xi32, #tpu.memory_space<hbm>>
      %dma_start3A_238 = tpu.memref_squeeze %dma_start3A_237 : memref<1x32x128xi32, #tpu.memory_space<hbm>> -> memref<32x128xi32, #tpu.memory_space<hbm>>
      %dma_start3A_239 = arith.constant 0 : i32
      %dma_start3A_240 = arith.constant 0 : i32
      %dma_start3A_241 = tpu.memref_slice %arg3[%add3A_54, %dma_start3A_239, %dma_start3A_240] : memref<160x32x128xi32, #tpu.memory_space<hbm>> -> memref<1x32x128xi32, #tpu.memory_space<hbm>>
      %dma_start3A_242 = tpu.memref_squeeze %dma_start3A_241 : memref<1x32x128xi32, #tpu.memory_space<hbm>> -> memref<32x128xi32, #tpu.memory_space<hbm>>
      tpu.enqueue_dma source(%dma_start3A_242 : memref<32x128xi32, #tpu.memory_space<hbm>>) target(%arg7 : memref<32x128xi32, #tpu.memory_space<vmem>>) target_semaphore(%run_scoped3A : memref<!tpu.dma_semaphore, #tpu.memory_space<semaphore_mem>>)
      %dma_wait3A_243 = arith.constant 0 : i32
      %dma_wait3A_244 = arith.constant 0 : i32
      %dma_wait3A_245 = tpu.memref_slice %arg3[%add3A_54, %dma_wait3A_243, %dma_wait3A_244] : memref<160x32x128xi32, #tpu.memory_space<hbm>> -> memref<1x32x128xi32, #tpu.memory_space<hbm>>
      %dma_wait3A_246 = tpu.memref_squeeze %dma_wait3A_245 : memref<1x32x128xi32, #tpu.memory_space<hbm>> -> memref<32x128xi32, #tpu.memory_space<hbm>>
      %dma_wait3A_247 = arith.constant 0 : i32
      %dma_wait3A_248 = arith.constant 0 : i32
      %dma_wait3A_249 = tpu.memref_slice %arg3[%add3A_54, %dma_wait3A_247, %dma_wait3A_248] : memref<160x32x128xi32, #tpu.memory_space<hbm>> -> memref<1x32x128xi32, #tpu.memory_space<hbm>>
      %dma_wait3A_250 = tpu.memref_squeeze %dma_wait3A_249 : memref<1x32x128xi32, #tpu.memory_space<hbm>> -> memref<32x128xi32, #tpu.memory_space<hbm>>
      tpu.wait_dma2 semaphore(%run_scoped3A : memref<!tpu.dma_semaphore, #tpu.memory_space<semaphore_mem>>) src(%dma_wait3A_250 : memref<32x128xi32, #tpu.memory_space<hbm>>) dst(%arg7 : memref<32x128xi32, #tpu.memory_space<vmem>>)
      tpu.yield
    }) : () -> ()
    %mul3A_55 = arith.constant 5 : i32
    %mul3A_56 = arith.muli %arg1, %mul3A_55 : i32
    %add3A_57 = arith.constant 1 : i32
    %add3A_58 = arith.addi %mul3A_56, %add3A_57 : i32
    "tpu.region"() ({
      %run_scoped3A = tpu.sem_alloc : memref<!tpu.dma_semaphore, #tpu.memory_space<semaphore_mem>>
      %dma_start3A_235 = arith.constant 0 : i32
      %dma_start3A_236 = arith.constant 0 : i32
      %dma_start3A_237 = tpu.memref_slice %arg4[%add3A_58, %dma_start3A_235, %dma_start3A_236] : memref<80x32x128xi32, #tpu.memory_space<hbm>> -> memref<1x32x128xi32, #tpu.memory_space<hbm>>
      %dma_start3A_238 = tpu.memref_squeeze %dma_start3A_237 : memref<1x32x128xi32, #tpu.memory_space<hbm>> -> memref<32x128xi32, #tpu.memory_space<hbm>>
      %dma_start3A_239 = arith.constant 0 : i32
      %dma_start3A_240 = arith.constant 0 : i32
      %dma_start3A_241 = tpu.memref_slice %arg4[%add3A_58, %dma_start3A_239, %dma_start3A_240] : memref<80x32x128xi32, #tpu.memory_space<hbm>> -> memref<1x32x128xi32, #tpu.memory_space<hbm>>
      %dma_start3A_242 = tpu.memref_squeeze %dma_start3A_241 : memref<1x32x128xi32, #tpu.memory_space<hbm>> -> memref<32x128xi32, #tpu.memory_space<hbm>>
      tpu.enqueue_dma source(%dma_start3A_242 : memref<32x128xi32, #tpu.memory_space<hbm>>) target(%arg8 : memref<32x128xi32, #tpu.memory_space<vmem>>) target_semaphore(%run_scoped3A : memref<!tpu.dma_semaphore, #tpu.memory_space<semaphore_mem>>)
      %dma_wait3A_243 = arith.constant 0 : i32
      %dma_wait3A_244 = arith.constant 0 : i32
      %dma_wait3A_245 = tpu.memref_slice %arg4[%add3A_58, %dma_wait3A_243, %dma_wait3A_244] : memref<80x32x128xi32, #tpu.memory_space<hbm>> -> memref<1x32x128xi32, #tpu.memory_space<hbm>>
      %dma_wait3A_246 = tpu.memref_squeeze %dma_wait3A_245 : memref<1x32x128xi32, #tpu.memory_space<hbm>> -> memref<32x128xi32, #tpu.memory_space<hbm>>
      %dma_wait3A_247 = arith.constant 0 : i32
      %dma_wait3A_248 = arith.constant 0 : i32
      %dma_wait3A_249 = tpu.memref_slice %arg4[%add3A_58, %dma_wait3A_247, %dma_wait3A_248] : memref<80x32x128xi32, #tpu.memory_space<hbm>> -> memref<1x32x128xi32, #tpu.memory_space<hbm>>
      %dma_wait3A_250 = tpu.memref_squeeze %dma_wait3A_249 : memref<1x32x128xi32, #tpu.memory_space<hbm>> -> memref<32x128xi32, #tpu.memory_space<hbm>>
      tpu.wait_dma2 semaphore(%run_scoped3A : memref<!tpu.dma_semaphore, #tpu.memory_space<semaphore_mem>>) src(%dma_wait3A_250 : memref<32x128xi32, #tpu.memory_space<hbm>>) dst(%arg8 : memref<32x128xi32, #tpu.memory_space<vmem>>)
      tpu.yield
    }) : () -> ()
    %dma_start3A_59 = arith.constant 0 : i32
    %dma_start3A_60 = arith.constant 0 : i32
    %dma_start3A_61 = tpu.memref_slice %arg7[%dma_start3A_59, %dma_start3A_60] : memref<32x128xi32, #tpu.memory_space<vmem>> -> memref<1x128xi32, #tpu.memory_space<vmem>>
    %dma_start3A_62 = tpu.memref_squeeze %dma_start3A_61 : memref<1x128xi32, #tpu.memory_space<vmem>> -> memref<128xi32, #tpu.memory_space<vmem>>
    %dma_start3A_63 = arith.constant 0 : i32
    %dma_start3A_64 = arith.constant 0 : i32
    %dma_start3A_65 = tpu.memref_slice %arg2[%dma_start3A_63, %dma_start3A_64] : memref<20000x128xf32, #tpu.memory_space<hbm>> -> memref<20000x128xf32, #tpu.memory_space<hbm>>
    tpu.enqueue_indirect_dma source(%dma_start3A_65 : memref<20000x128xf32, #tpu.memory_space<hbm>>) target(%arg9 : memref<128x128xf32, #tpu.memory_space<vmem>>) offsets(%dma_start3A_62 : memref<128xi32, #tpu.memory_space<vmem>>) semaphore(%arg12 : memref<!tpu.dma_semaphore, #tpu.memory_space<semaphore_mem>>)
    %dma_start3A_66 = arith.constant 1 : i32
    %dma_start3A_67 = arith.constant 0 : i32
    %dma_start3A_68 = tpu.memref_slice %arg7[%dma_start3A_66, %dma_start3A_67] : memref<32x128xi32, #tpu.memory_space<vmem>> -> memref<1x128xi32, #tpu.memory_space<vmem>>
    %dma_start3A_69 = tpu.memref_squeeze %dma_start3A_68 : memref<1x128xi32, #tpu.memory_space<vmem>> -> memref<128xi32, #tpu.memory_space<vmem>>
    %dma_start3A_70 = arith.constant 0 : i32
    %dma_start3A_71 = arith.constant 0 : i32
    %dma_start3A_72 = tpu.memref_slice %arg2[%dma_start3A_70, %dma_start3A_71] : memref<20000x128xf32, #tpu.memory_space<hbm>> -> memref<20000x128xf32, #tpu.memory_space<hbm>>
    tpu.enqueue_indirect_dma source(%dma_start3A_72 : memref<20000x128xf32, #tpu.memory_space<hbm>>) target(%arg10 : memref<128x128xf32, #tpu.memory_space<vmem>>) offsets(%dma_start3A_69 : memref<128xi32, #tpu.memory_space<vmem>>) semaphore(%arg13 : memref<!tpu.dma_semaphore, #tpu.memory_space<semaphore_mem>>)
    %scan3A_73 = arith.constant 0 : i32
    %scan3A_74 = arith.constant 0 : i32
    %scan3A_75 = arith.constant 16 : i32
    %scan3A_76 = arith.addi %scan3A_74, %scan3A_75 : i32
    %scan3A_77 = arith.constant 1 : i32
    scf.for %scan3A_235 = %scan3A_74 to %scan3A_76 step %scan3A_77  : i32 {
      %mul3A_236 = arith.constant 2 : i32
      %mul3A_237 = arith.muli %mul3A_236, %scan3A_235 : i32
      %dma_wait3A_238 = arith.constant 0 : i32
      %dma_wait3A_239 = arith.constant 0 : i32
      %dma_wait3A_240 = tpu.memref_slice %arg7[%dma_wait3A_238, %dma_wait3A_239] : memref<32x128xi32, #tpu.memory_space<vmem>> -> memref<1x128xi32, #tpu.memory_space<vmem>>
      %dma_wait3A_241 = tpu.memref_squeeze %dma_wait3A_240 : memref<1x128xi32, #tpu.memory_space<vmem>> -> memref<128xi32, #tpu.memory_space<vmem>>
      %dma_wait3A_242 = arith.constant 0 : i32
      %dma_wait3A_243 = arith.constant 0 : i32
      %dma_wait3A_244 = tpu.memref_slice %arg2[%dma_wait3A_242, %dma_wait3A_243] : memref<20000x128xf32, #tpu.memory_space<hbm>> -> memref<20000x128xf32, #tpu.memory_space<hbm>>
      tpu.wait_indirect_dma semaphore(%arg12 : memref<!tpu.dma_semaphore, #tpu.memory_space<semaphore_mem>>) src(%dma_wait3A_244 : memref<20000x128xf32, #tpu.memory_space<hbm>>) dst(%arg9 : memref<128x128xf32, #tpu.memory_space<vmem>>)
      %dma_start3A_245 = arith.constant 0 : i32
      %dma_start3A_246 = tpu.memref_slice %arg8[%mul3A_237, %dma_start3A_245] : memref<32x128xi32, #tpu.memory_space<vmem>> -> memref<1x128xi32, #tpu.memory_space<vmem>>
      %dma_start3A_247 = tpu.memref_squeeze %dma_start3A_246 : memref<1x128xi32, #tpu.memory_space<vmem>> -> memref<128xi32, #tpu.memory_space<vmem>>
      %dma_start3A_248 = arith.constant 0 : i32
      %dma_start3A_249 = arith.constant 0 : i32
      %dma_start3A_250 = tpu.memref_slice %arg6[%dma_start3A_248, %dma_start3A_249] : memref<10240x128xf32, #tpu.memory_space<vmem_shared>> -> memref<10240x128xf32, #tpu.memory_space<vmem_shared>>
      tpu.enqueue_indirect_dma source(%arg9 : memref<128x128xf32, #tpu.memory_space<vmem>>) target(%dma_start3A_250 : memref<10240x128xf32, #tpu.memory_space<vmem_shared>>) offsets(%dma_start3A_247 : memref<128xi32, #tpu.memory_space<vmem>>) semaphore(%arg14 : memref<!tpu.dma_semaphore, #tpu.memory_space<semaphore_mem>>) {add = true}
      %add3A_251 = arith.constant 2 : i32
      %add3A_252 = arith.addi %mul3A_237, %add3A_251 : i32
      %lt3A_253 = arith.constant 32 : i32
      %lt3A_254 = arith.cmpi slt, %add3A_252, %lt3A_253 : i32
      %convert_element_type3A_255 = arith.extui %lt3A_254 : i1 to i32
      %cond3A_256 = arith.constant 0 : i32
      %cond3A_257 = arith.cmpi ne, %convert_element_type3A_255, %cond3A_256 : i32
      scf.if %cond3A_257 {
        %dma_wait3A_280 = arith.constant 0 : i32
        %dma_wait3A_281 = arith.constant 0 : i32
        %dma_wait3A_282 = tpu.memref_slice %arg8[%dma_wait3A_280, %dma_wait3A_281] : memref<32x128xi32, #tpu.memory_space<vmem>> -> memref<1x128xi32, #tpu.memory_space<vmem>>
        %dma_wait3A_283 = tpu.memref_squeeze %dma_wait3A_282 : memref<1x128xi32, #tpu.memory_space<vmem>> -> memref<128xi32, #tpu.memory_space<vmem>>
        %dma_wait3A_284 = arith.constant 0 : i32
        %dma_wait3A_285 = arith.constant 0 : i32
        %dma_wait3A_286 = tpu.memref_slice %arg6[%dma_wait3A_284, %dma_wait3A_285] : memref<10240x128xf32, #tpu.memory_space<vmem_shared>> -> memref<10240x128xf32, #tpu.memory_space<vmem_shared>>
        tpu.wait_indirect_dma semaphore(%arg14 : memref<!tpu.dma_semaphore, #tpu.memory_space<semaphore_mem>>) src(%arg9 : memref<128x128xf32, #tpu.memory_space<vmem>>) dst(%dma_wait3A_286 : memref<10240x128xf32, #tpu.memory_space<vmem_shared>>)
        %add3A_287 = arith.constant 2 : i32
        %add3A_288 = arith.addi %mul3A_237, %add3A_287 : i32
        %dma_start3A_289 = arith.constant 0 : i32
        %dma_start3A_290 = tpu.memref_slice %arg7[%add3A_288, %dma_start3A_289] : memref<32x128xi32, #tpu.memory_space<vmem>> -> memref<1x128xi32, #tpu.memory_space<vmem>>
        %dma_start3A_291 = tpu.memref_squeeze %dma_start3A_290 : memref<1x128xi32, #tpu.memory_space<vmem>> -> memref<128xi32, #tpu.memory_space<vmem>>
        %dma_start3A_292 = arith.constant 0 : i32
        %dma_start3A_293 = arith.constant 0 : i32
        %dma_start3A_294 = tpu.memref_slice %arg2[%dma_start3A_292, %dma_start3A_293] : memref<20000x128xf32, #tpu.memory_space<hbm>> -> memref<20000x128xf32, #tpu.memory_space<hbm>>
        tpu.enqueue_indirect_dma source(%dma_start3A_294 : memref<20000x128xf32, #tpu.memory_space<hbm>>) target(%arg9 : memref<128x128xf32, #tpu.memory_space<vmem>>) offsets(%dma_start3A_291 : memref<128xi32, #tpu.memory_space<vmem>>) semaphore(%arg12 : memref<!tpu.dma_semaphore, #tpu.memory_space<semaphore_mem>>)
      } else {
      }
      %add3A_258 = arith.constant 1 : i32
      %add3A_259 = arith.addi %mul3A_237, %add3A_258 : i32
      %dma_wait3A_260 = arith.constant 0 : i32
      %dma_wait3A_261 = arith.constant 0 : i32
      %dma_wait3A_262 = tpu.memref_slice %arg7[%dma_wait3A_260, %dma_wait3A_261] : memref<32x128xi32, #tpu.memory_space<vmem>> -> memref<1x128xi32, #tpu.memory_space<vmem>>
      %dma_wait3A_263 = tpu.memref_squeeze %dma_wait3A_262 : memref<1x128xi32, #tpu.memory_space<vmem>> -> memref<128xi32, #tpu.memory_space<vmem>>
      %dma_wait3A_264 = arith.constant 0 : i32
      %dma_wait3A_265 = arith.constant 0 : i32
      %dma_wait3A_266 = tpu.memref_slice %arg2[%dma_wait3A_264, %dma_wait3A_265] : memref<20000x128xf32, #tpu.memory_space<hbm>> -> memref<20000x128xf32, #tpu.memory_space<hbm>>
      tpu.wait_indirect_dma semaphore(%arg13 : memref<!tpu.dma_semaphore, #tpu.memory_space<semaphore_mem>>) src(%dma_wait3A_266 : memref<20000x128xf32, #tpu.memory_space<hbm>>) dst(%arg10 : memref<128x128xf32, #tpu.memory_space<vmem>>)
      %dma_start3A_267 = arith.constant 0 : i32
      %dma_start3A_268 = tpu.memref_slice %arg8[%add3A_259, %dma_start3A_267] : memref<32x128xi32, #tpu.memory_space<vmem>> -> memref<1x128xi32, #tpu.memory_space<vmem>>
      %dma_start3A_269 = tpu.memref_squeeze %dma_start3A_268 : memref<1x128xi32, #tpu.memory_space<vmem>> -> memref<128xi32, #tpu.memory_space<vmem>>
      %dma_start3A_270 = arith.constant 0 : i32
      %dma_start3A_271 = arith.constant 0 : i32
      %dma_start3A_272 = tpu.memref_slice %arg6[%dma_start3A_270, %dma_start3A_271] : memref<10240x128xf32, #tpu.memory_space<vmem_shared>> -> memref<10240x128xf32, #tpu.memory_space<vmem_shared>>
      tpu.enqueue_indirect_dma source(%arg10 : memref<128x128xf32, #tpu.memory_space<vmem>>) target(%dma_start3A_272 : memref<10240x128xf32, #tpu.memory_space<vmem_shared>>) offsets(%dma_start3A_269 : memref<128xi32, #tpu.memory_space<vmem>>) semaphore(%arg15 : memref<!tpu.dma_semaphore, #tpu.memory_space<semaphore_mem>>) {add = true}
      %add3A_273 = arith.constant 2 : i32
      %add3A_274 = arith.addi %add3A_259, %add3A_273 : i32
      %lt3A_275 = arith.constant 32 : i32
      %lt3A_276 = arith.cmpi slt, %add3A_274, %lt3A_275 : i32
      %convert_element_type3A_277 = arith.extui %lt3A_276 : i1 to i32
      %cond3A_278 = arith.constant 0 : i32
      %cond3A_279 = arith.cmpi ne, %convert_element_type3A_277, %cond3A_278 : i32
      scf.if %cond3A_279 {
        %dma_wait3A_280 = arith.constant 0 : i32
        %dma_wait3A_281 = arith.constant 0 : i32
        %dma_wait3A_282 = tpu.memref_slice %arg8[%dma_wait3A_280, %dma_wait3A_281] : memref<32x128xi32, #tpu.memory_space<vmem>> -> memref<1x128xi32, #tpu.memory_space<vmem>>
        %dma_wait3A_283 = tpu.memref_squeeze %dma_wait3A_282 : memref<1x128xi32, #tpu.memory_space<vmem>> -> memref<128xi32, #tpu.memory_space<vmem>>
        %dma_wait3A_284 = arith.constant 0 : i32
        %dma_wait3A_285 = arith.constant 0 : i32
        %dma_wait3A_286 = tpu.memref_slice %arg6[%dma_wait3A_284, %dma_wait3A_285] : memref<10240x128xf32, #tpu.memory_space<vmem_shared>> -> memref<10240x128xf32, #tpu.memory_space<vmem_shared>>
        tpu.wait_indirect_dma semaphore(%arg15 : memref<!tpu.dma_semaphore, #tpu.memory_space<semaphore_mem>>) src(%arg10 : memref<128x128xf32, #tpu.memory_space<vmem>>) dst(%dma_wait3A_286 : memref<10240x128xf32, #tpu.memory_space<vmem_shared>>)
        %add3A_287 = arith.constant 2 : i32
        %add3A_288 = arith.addi %add3A_259, %add3A_287 : i32
        %dma_start3A_289 = arith.constant 0 : i32
        %dma_start3A_290 = tpu.memref_slice %arg7[%add3A_288, %dma_start3A_289] : memref<32x128xi32, #tpu.memory_space<vmem>> -> memref<1x128xi32, #tpu.memory_space<vmem>>
        %dma_start3A_291 = tpu.memref_squeeze %dma_start3A_290 : memref<1x128xi32, #tpu.memory_space<vmem>> -> memref<128xi32, #tpu.memory_space<vmem>>
        %dma_start3A_292 = arith.constant 0 : i32
        %dma_start3A_293 = arith.constant 0 : i32
        %dma_start3A_294 = tpu.memref_slice %arg2[%dma_start3A_292, %dma_start3A_293] : memref<20000x128xf32, #tpu.memory_space<hbm>> -> memref<20000x128xf32, #tpu.memory_space<hbm>>
        tpu.enqueue_indirect_dma source(%dma_start3A_294 : memref<20000x128xf32, #tpu.memory_space<hbm>>) target(%arg10 : memref<128x128xf32, #tpu.memory_space<vmem>>) offsets(%dma_start3A_291 : memref<128xi32, #tpu.memory_space<vmem>>) semaphore(%arg13 : memref<!tpu.dma_semaphore, #tpu.memory_space<semaphore_mem>>)
      } else {
      }
    }
    %scan3A_78 = arith.constant 16 : i32
    %dma_wait3A_79 = arith.constant 0 : i32
    %dma_wait3A_80 = arith.constant 0 : i32
    %dma_wait3A_81 = tpu.memref_slice %arg8[%dma_wait3A_79, %dma_wait3A_80] : memref<32x128xi32, #tpu.memory_space<vmem>> -> memref<1x128xi32, #tpu.memory_space<vmem>>
    %dma_wait3A_82 = tpu.memref_squeeze %dma_wait3A_81 : memref<1x128xi32, #tpu.memory_space<vmem>> -> memref<128xi32, #tpu.memory_space<vmem>>
    %dma_wait3A_83 = arith.constant 0 : i32
    %dma_wait3A_84 = arith.constant 0 : i32
    %dma_wait3A_85 = tpu.memref_slice %arg6[%dma_wait3A_83, %dma_wait3A_84] : memref<10240x128xf32, #tpu.memory_space<vmem_shared>> -> memref<10240x128xf32, #tpu.memory_space<vmem_shared>>
    tpu.wait_indirect_dma semaphore(%arg14 : memref<!tpu.dma_semaphore, #tpu.memory_space<semaphore_mem>>) src(%arg9 : memref<128x128xf32, #tpu.memory_space<vmem>>) dst(%dma_wait3A_85 : memref<10240x128xf32, #tpu.memory_space<vmem_shared>>)
    %dma_wait3A_86 = arith.constant 1 : i32
    %dma_wait3A_87 = arith.constant 0 : i32
    %dma_wait3A_88 = tpu.memref_slice %arg8[%dma_wait3A_86, %dma_wait3A_87] : memref<32x128xi32, #tpu.memory_space<vmem>> -> memref<1x128xi32, #tpu.memory_space<vmem>>
    %dma_wait3A_89 = tpu.memref_squeeze %dma_wait3A_88 : memref<1x128xi32, #tpu.memory_space<vmem>> -> memref<128xi32, #tpu.memory_space<vmem>>
    %dma_wait3A_90 = arith.constant 0 : i32
    %dma_wait3A_91 = arith.constant 0 : i32
    %dma_wait3A_92 = tpu.memref_slice %arg6[%dma_wait3A_90, %dma_wait3A_91] : memref<10240x128xf32, #tpu.memory_space<vmem_shared>> -> memref<10240x128xf32, #tpu.memory_space<vmem_shared>>
    tpu.wait_indirect_dma semaphore(%arg15 : memref<!tpu.dma_semaphore, #tpu.memory_space<semaphore_mem>>) src(%arg10 : memref<128x128xf32, #tpu.memory_space<vmem>>) dst(%dma_wait3A_92 : memref<10240x128xf32, #tpu.memory_space<vmem_shared>>)
    %mul3A_93 = arith.constant 16 : i32
    %mul3A_94 = arith.muli %arg0, %mul3A_93 : i32
    %add3A_95 = arith.addi %mul3A_94, %arg1 : i32
    %mul3A_96 = arith.constant 5 : i32
    %mul3A_97 = arith.muli %add3A_95, %mul3A_96 : i32
    %add3A_98 = arith.constant 2 : i32
    %add3A_99 = arith.addi %mul3A_97, %add3A_98 : i32
    "tpu.region"() ({
      %run_scoped3A = tpu.sem_alloc : memref<!tpu.dma_semaphore, #tpu.memory_space<semaphore_mem>>
      %dma_start3A_235 = arith.constant 0 : i32
      %dma_start3A_236 = arith.constant 0 : i32
      %dma_start3A_237 = tpu.memref_slice %arg3[%add3A_99, %dma_start3A_235, %dma_start3A_236] : memref<160x32x128xi32, #tpu.memory_space<hbm>> -> memref<1x32x128xi32, #tpu.memory_space<hbm>>
      %dma_start3A_238 = tpu.memref_squeeze %dma_start3A_237 : memref<1x32x128xi32, #tpu.memory_space<hbm>> -> memref<32x128xi32, #tpu.memory_space<hbm>>
      %dma_start3A_239 = arith.constant 0 : i32
      %dma_start3A_240 = arith.constant 0 : i32
      %dma_start3A_241 = tpu.memref_slice %arg3[%add3A_99, %dma_start3A_239, %dma_start3A_240] : memref<160x32x128xi32, #tpu.memory_space<hbm>> -> memref<1x32x128xi32, #tpu.memory_space<hbm>>
      %dma_start3A_242 = tpu.memref_squeeze %dma_start3A_241 : memref<1x32x128xi32, #tpu.memory_space<hbm>> -> memref<32x128xi32, #tpu.memory_space<hbm>>
      tpu.enqueue_dma source(%dma_start3A_242 : memref<32x128xi32, #tpu.memory_space<hbm>>) target(%arg7 : memref<32x128xi32, #tpu.memory_space<vmem>>) target_semaphore(%run_scoped3A : memref<!tpu.dma_semaphore, #tpu.memory_space<semaphore_mem>>)
      %dma_wait3A_243 = arith.constant 0 : i32
      %dma_wait3A_244 = arith.constant 0 : i32
      %dma_wait3A_245 = tpu.memref_slice %arg3[%add3A_99, %dma_wait3A_243, %dma_wait3A_244] : memref<160x32x128xi32, #tpu.memory_space<hbm>> -> memref<1x32x128xi32, #tpu.memory_space<hbm>>
      %dma_wait3A_246 = tpu.memref_squeeze %dma_wait3A_245 : memref<1x32x128xi32, #tpu.memory_space<hbm>> -> memref<32x128xi32, #tpu.memory_space<hbm>>
      %dma_wait3A_247 = arith.constant 0 : i32
      %dma_wait3A_248 = arith.constant 0 : i32
      %dma_wait3A_249 = tpu.memref_slice %arg3[%add3A_99, %dma_wait3A_247, %dma_wait3A_248] : memref<160x32x128xi32, #tpu.memory_space<hbm>> -> memref<1x32x128xi32, #tpu.memory_space<hbm>>
      %dma_wait3A_250 = tpu.memref_squeeze %dma_wait3A_249 : memref<1x32x128xi32, #tpu.memory_space<hbm>> -> memref<32x128xi32, #tpu.memory_space<hbm>>
      tpu.wait_dma2 semaphore(%run_scoped3A : memref<!tpu.dma_semaphore, #tpu.memory_space<semaphore_mem>>) src(%dma_wait3A_250 : memref<32x128xi32, #tpu.memory_space<hbm>>) dst(%arg7 : memref<32x128xi32, #tpu.memory_space<vmem>>)
      tpu.yield
    }) : () -> ()
    %mul3A_100 = arith.constant 5 : i32
    %mul3A_101 = arith.muli %arg1, %mul3A_100 : i32
    %add3A_102 = arith.constant 2 : i32
    %add3A_103 = arith.addi %mul3A_101, %add3A_102 : i32
    "tpu.region"() ({
      %run_scoped3A = tpu.sem_alloc : memref<!tpu.dma_semaphore, #tpu.memory_space<semaphore_mem>>
      %dma_start3A_235 = arith.constant 0 : i32
      %dma_start3A_236 = arith.constant 0 : i32
      %dma_start3A_237 = tpu.memref_slice %arg4[%add3A_103, %dma_start3A_235, %dma_start3A_236] : memref<80x32x128xi32, #tpu.memory_space<hbm>> -> memref<1x32x128xi32, #tpu.memory_space<hbm>>
      %dma_start3A_238 = tpu.memref_squeeze %dma_start3A_237 : memref<1x32x128xi32, #tpu.memory_space<hbm>> -> memref<32x128xi32, #tpu.memory_space<hbm>>
      %dma_start3A_239 = arith.constant 0 : i32
      %dma_start3A_240 = arith.constant 0 : i32
      %dma_start3A_241 = tpu.memref_slice %arg4[%add3A_103, %dma_start3A_239, %dma_start3A_240] : memref<80x32x128xi32, #tpu.memory_space<hbm>> -> memref<1x32x128xi32, #tpu.memory_space<hbm>>
      %dma_start3A_242 = tpu.memref_squeeze %dma_start3A_241 : memref<1x32x128xi32, #tpu.memory_space<hbm>> -> memref<32x128xi32, #tpu.memory_space<hbm>>
      tpu.enqueue_dma source(%dma_start3A_242 : memref<32x128xi32, #tpu.memory_space<hbm>>) target(%arg8 : memref<32x128xi32, #tpu.memory_space<vmem>>) target_semaphore(%run_scoped3A : memref<!tpu.dma_semaphore, #tpu.memory_space<semaphore_mem>>)
      %dma_wait3A_243 = arith.constant 0 : i32
      %dma_wait3A_244 = arith.constant 0 : i32
      %dma_wait3A_245 = tpu.memref_slice %arg4[%add3A_103, %dma_wait3A_243, %dma_wait3A_244] : memref<80x32x128xi32, #tpu.memory_space<hbm>> -> memref<1x32x128xi32, #tpu.memory_space<hbm>>
      %dma_wait3A_246 = tpu.memref_squeeze %dma_wait3A_245 : memref<1x32x128xi32, #tpu.memory_space<hbm>> -> memref<32x128xi32, #tpu.memory_space<hbm>>
      %dma_wait3A_247 = arith.constant 0 : i32
      %dma_wait3A_248 = arith.constant 0 : i32
      %dma_wait3A_249 = tpu.memref_slice %arg4[%add3A_103, %dma_wait3A_247, %dma_wait3A_248] : memref<80x32x128xi32, #tpu.memory_space<hbm>> -> memref<1x32x128xi32, #tpu.memory_space<hbm>>
      %dma_wait3A_250 = tpu.memref_squeeze %dma_wait3A_249 : memref<1x32x128xi32, #tpu.memory_space<hbm>> -> memref<32x128xi32, #tpu.memory_space<hbm>>
      tpu.wait_dma2 semaphore(%run_scoped3A : memref<!tpu.dma_semaphore, #tpu.memory_space<semaphore_mem>>) src(%dma_wait3A_250 : memref<32x128xi32, #tpu.memory_space<hbm>>) dst(%arg8 : memref<32x128xi32, #tpu.memory_space<vmem>>)
      tpu.yield
    }) : () -> ()
    %dma_start3A_104 = arith.constant 0 : i32
    %dma_start3A_105 = arith.constant 0 : i32
    %dma_start3A_106 = tpu.memref_slice %arg7[%dma_start3A_104, %dma_start3A_105] : memref<32x128xi32, #tpu.memory_space<vmem>> -> memref<1x128xi32, #tpu.memory_space<vmem>>
    %dma_start3A_107 = tpu.memref_squeeze %dma_start3A_106 : memref<1x128xi32, #tpu.memory_space<vmem>> -> memref<128xi32, #tpu.memory_space<vmem>>
    %dma_start3A_108 = arith.constant 0 : i32
    %dma_start3A_109 = arith.constant 0 : i32
    %dma_start3A_110 = tpu.memref_slice %arg2[%dma_start3A_108, %dma_start3A_109] : memref<20000x128xf32, #tpu.memory_space<hbm>> -> memref<20000x128xf32, #tpu.memory_space<hbm>>
    tpu.enqueue_indirect_dma source(%dma_start3A_110 : memref<20000x128xf32, #tpu.memory_space<hbm>>) target(%arg9 : memref<128x128xf32, #tpu.memory_space<vmem>>) offsets(%dma_start3A_107 : memref<128xi32, #tpu.memory_space<vmem>>) semaphore(%arg12 : memref<!tpu.dma_semaphore, #tpu.memory_space<semaphore_mem>>)
    %dma_start3A_111 = arith.constant 1 : i32
    %dma_start3A_112 = arith.constant 0 : i32
    %dma_start3A_113 = tpu.memref_slice %arg7[%dma_start3A_111, %dma_start3A_112] : memref<32x128xi32, #tpu.memory_space<vmem>> -> memref<1x128xi32, #tpu.memory_space<vmem>>
    %dma_start3A_114 = tpu.memref_squeeze %dma_start3A_113 : memref<1x128xi32, #tpu.memory_space<vmem>> -> memref<128xi32, #tpu.memory_space<vmem>>
    %dma_start3A_115 = arith.constant 0 : i32
    %dma_start3A_116 = arith.constant 0 : i32
    %dma_start3A_117 = tpu.memref_slice %arg2[%dma_start3A_115, %dma_start3A_116] : memref<20000x128xf32, #tpu.memory_space<hbm>> -> memref<20000x128xf32, #tpu.memory_space<hbm>>
    tpu.enqueue_indirect_dma source(%dma_start3A_117 : memref<20000x128xf32, #tpu.memory_space<hbm>>) target(%arg10 : memref<128x128xf32, #tpu.memory_space<vmem>>) offsets(%dma_start3A_114 : memref<128xi32, #tpu.memory_space<vmem>>) semaphore(%arg13 : memref<!tpu.dma_semaphore, #tpu.memory_space<semaphore_mem>>)
    %scan3A_118 = arith.constant 0 : i32
    %scan3A_119 = arith.constant 0 : i32
    %scan3A_120 = arith.constant 16 : i32
    %scan3A_121 = arith.addi %scan3A_119, %scan3A_120 : i32
    %scan3A_122 = arith.constant 1 : i32
    scf.for %scan3A_235 = %scan3A_119 to %scan3A_121 step %scan3A_122  : i32 {
      %mul3A_236 = arith.constant 2 : i32
      %mul3A_237 = arith.muli %mul3A_236, %scan3A_235 : i32
      %dma_wait3A_238 = arith.constant 0 : i32
      %dma_wait3A_239 = arith.constant 0 : i32
      %dma_wait3A_240 = tpu.memref_slice %arg7[%dma_wait3A_238, %dma_wait3A_239] : memref<32x128xi32, #tpu.memory_space<vmem>> -> memref<1x128xi32, #tpu.memory_space<vmem>>
      %dma_wait3A_241 = tpu.memref_squeeze %dma_wait3A_240 : memref<1x128xi32, #tpu.memory_space<vmem>> -> memref<128xi32, #tpu.memory_space<vmem>>
      %dma_wait3A_242 = arith.constant 0 : i32
      %dma_wait3A_243 = arith.constant 0 : i32
      %dma_wait3A_244 = tpu.memref_slice %arg2[%dma_wait3A_242, %dma_wait3A_243] : memref<20000x128xf32, #tpu.memory_space<hbm>> -> memref<20000x128xf32, #tpu.memory_space<hbm>>
      tpu.wait_indirect_dma semaphore(%arg12 : memref<!tpu.dma_semaphore, #tpu.memory_space<semaphore_mem>>) src(%dma_wait3A_244 : memref<20000x128xf32, #tpu.memory_space<hbm>>) dst(%arg9 : memref<128x128xf32, #tpu.memory_space<vmem>>)
      %dma_start3A_245 = arith.constant 0 : i32
      %dma_start3A_246 = tpu.memref_slice %arg8[%mul3A_237, %dma_start3A_245] : memref<32x128xi32, #tpu.memory_space<vmem>> -> memref<1x128xi32, #tpu.memory_space<vmem>>
      %dma_start3A_247 = tpu.memref_squeeze %dma_start3A_246 : memref<1x128xi32, #tpu.memory_space<vmem>> -> memref<128xi32, #tpu.memory_space<vmem>>
      %dma_start3A_248 = arith.constant 0 : i32
      %dma_start3A_249 = arith.constant 0 : i32
      %dma_start3A_250 = tpu.memref_slice %arg6[%dma_start3A_248, %dma_start3A_249] : memref<10240x128xf32, #tpu.memory_space<vmem_shared>> -> memref<10240x128xf32, #tpu.memory_space<vmem_shared>>
      tpu.enqueue_indirect_dma source(%arg9 : memref<128x128xf32, #tpu.memory_space<vmem>>) target(%dma_start3A_250 : memref<10240x128xf32, #tpu.memory_space<vmem_shared>>) offsets(%dma_start3A_247 : memref<128xi32, #tpu.memory_space<vmem>>) semaphore(%arg14 : memref<!tpu.dma_semaphore, #tpu.memory_space<semaphore_mem>>) {add = true}
      %add3A_251 = arith.constant 2 : i32
      %add3A_252 = arith.addi %mul3A_237, %add3A_251 : i32
      %lt3A_253 = arith.constant 32 : i32
      %lt3A_254 = arith.cmpi slt, %add3A_252, %lt3A_253 : i32
      %convert_element_type3A_255 = arith.extui %lt3A_254 : i1 to i32
      %cond3A_256 = arith.constant 0 : i32
      %cond3A_257 = arith.cmpi ne, %convert_element_type3A_255, %cond3A_256 : i32
      scf.if %cond3A_257 {
        %dma_wait3A_280 = arith.constant 0 : i32
        %dma_wait3A_281 = arith.constant 0 : i32
        %dma_wait3A_282 = tpu.memref_slice %arg8[%dma_wait3A_280, %dma_wait3A_281] : memref<32x128xi32, #tpu.memory_space<vmem>> -> memref<1x128xi32, #tpu.memory_space<vmem>>
        %dma_wait3A_283 = tpu.memref_squeeze %dma_wait3A_282 : memref<1x128xi32, #tpu.memory_space<vmem>> -> memref<128xi32, #tpu.memory_space<vmem>>
        %dma_wait3A_284 = arith.constant 0 : i32
        %dma_wait3A_285 = arith.constant 0 : i32
        %dma_wait3A_286 = tpu.memref_slice %arg6[%dma_wait3A_284, %dma_wait3A_285] : memref<10240x128xf32, #tpu.memory_space<vmem_shared>> -> memref<10240x128xf32, #tpu.memory_space<vmem_shared>>
        tpu.wait_indirect_dma semaphore(%arg14 : memref<!tpu.dma_semaphore, #tpu.memory_space<semaphore_mem>>) src(%arg9 : memref<128x128xf32, #tpu.memory_space<vmem>>) dst(%dma_wait3A_286 : memref<10240x128xf32, #tpu.memory_space<vmem_shared>>)
        %add3A_287 = arith.constant 2 : i32
        %add3A_288 = arith.addi %mul3A_237, %add3A_287 : i32
        %dma_start3A_289 = arith.constant 0 : i32
        %dma_start3A_290 = tpu.memref_slice %arg7[%add3A_288, %dma_start3A_289] : memref<32x128xi32, #tpu.memory_space<vmem>> -> memref<1x128xi32, #tpu.memory_space<vmem>>
        %dma_start3A_291 = tpu.memref_squeeze %dma_start3A_290 : memref<1x128xi32, #tpu.memory_space<vmem>> -> memref<128xi32, #tpu.memory_space<vmem>>
        %dma_start3A_292 = arith.constant 0 : i32
        %dma_start3A_293 = arith.constant 0 : i32
        %dma_start3A_294 = tpu.memref_slice %arg2[%dma_start3A_292, %dma_start3A_293] : memref<20000x128xf32, #tpu.memory_space<hbm>> -> memref<20000x128xf32, #tpu.memory_space<hbm>>
        tpu.enqueue_indirect_dma source(%dma_start3A_294 : memref<20000x128xf32, #tpu.memory_space<hbm>>) target(%arg9 : memref<128x128xf32, #tpu.memory_space<vmem>>) offsets(%dma_start3A_291 : memref<128xi32, #tpu.memory_space<vmem>>) semaphore(%arg12 : memref<!tpu.dma_semaphore, #tpu.memory_space<semaphore_mem>>)
      } else {
      }
      %add3A_258 = arith.constant 1 : i32
      %add3A_259 = arith.addi %mul3A_237, %add3A_258 : i32
      %dma_wait3A_260 = arith.constant 0 : i32
      %dma_wait3A_261 = arith.constant 0 : i32
      %dma_wait3A_262 = tpu.memref_slice %arg7[%dma_wait3A_260, %dma_wait3A_261] : memref<32x128xi32, #tpu.memory_space<vmem>> -> memref<1x128xi32, #tpu.memory_space<vmem>>
      %dma_wait3A_263 = tpu.memref_squeeze %dma_wait3A_262 : memref<1x128xi32, #tpu.memory_space<vmem>> -> memref<128xi32, #tpu.memory_space<vmem>>
      %dma_wait3A_264 = arith.constant 0 : i32
      %dma_wait3A_265 = arith.constant 0 : i32
      %dma_wait3A_266 = tpu.memref_slice %arg2[%dma_wait3A_264, %dma_wait3A_265] : memref<20000x128xf32, #tpu.memory_space<hbm>> -> memref<20000x128xf32, #tpu.memory_space<hbm>>
      tpu.wait_indirect_dma semaphore(%arg13 : memref<!tpu.dma_semaphore, #tpu.memory_space<semaphore_mem>>) src(%dma_wait3A_266 : memref<20000x128xf32, #tpu.memory_space<hbm>>) dst(%arg10 : memref<128x128xf32, #tpu.memory_space<vmem>>)
      %dma_start3A_267 = arith.constant 0 : i32
      %dma_start3A_268 = tpu.memref_slice %arg8[%add3A_259, %dma_start3A_267] : memref<32x128xi32, #tpu.memory_space<vmem>> -> memref<1x128xi32, #tpu.memory_space<vmem>>
      %dma_start3A_269 = tpu.memref_squeeze %dma_start3A_268 : memref<1x128xi32, #tpu.memory_space<vmem>> -> memref<128xi32, #tpu.memory_space<vmem>>
      %dma_start3A_270 = arith.constant 0 : i32
      %dma_start3A_271 = arith.constant 0 : i32
      %dma_start3A_272 = tpu.memref_slice %arg6[%dma_start3A_270, %dma_start3A_271] : memref<10240x128xf32, #tpu.memory_space<vmem_shared>> -> memref<10240x128xf32, #tpu.memory_space<vmem_shared>>
      tpu.enqueue_indirect_dma source(%arg10 : memref<128x128xf32, #tpu.memory_space<vmem>>) target(%dma_start3A_272 : memref<10240x128xf32, #tpu.memory_space<vmem_shared>>) offsets(%dma_start3A_269 : memref<128xi32, #tpu.memory_space<vmem>>) semaphore(%arg15 : memref<!tpu.dma_semaphore, #tpu.memory_space<semaphore_mem>>) {add = true}
      %add3A_273 = arith.constant 2 : i32
      %add3A_274 = arith.addi %add3A_259, %add3A_273 : i32
      %lt3A_275 = arith.constant 32 : i32
      %lt3A_276 = arith.cmpi slt, %add3A_274, %lt3A_275 : i32
      %convert_element_type3A_277 = arith.extui %lt3A_276 : i1 to i32
      %cond3A_278 = arith.constant 0 : i32
      %cond3A_279 = arith.cmpi ne, %convert_element_type3A_277, %cond3A_278 : i32
      scf.if %cond3A_279 {
        %dma_wait3A_280 = arith.constant 0 : i32
        %dma_wait3A_281 = arith.constant 0 : i32
        %dma_wait3A_282 = tpu.memref_slice %arg8[%dma_wait3A_280, %dma_wait3A_281] : memref<32x128xi32, #tpu.memory_space<vmem>> -> memref<1x128xi32, #tpu.memory_space<vmem>>
        %dma_wait3A_283 = tpu.memref_squeeze %dma_wait3A_282 : memref<1x128xi32, #tpu.memory_space<vmem>> -> memref<128xi32, #tpu.memory_space<vmem>>
        %dma_wait3A_284 = arith.constant 0 : i32
        %dma_wait3A_285 = arith.constant 0 : i32
        %dma_wait3A_286 = tpu.memref_slice %arg6[%dma_wait3A_284, %dma_wait3A_285] : memref<10240x128xf32, #tpu.memory_space<vmem_shared>> -> memref<10240x128xf32, #tpu.memory_space<vmem_shared>>
        tpu.wait_indirect_dma semaphore(%arg15 : memref<!tpu.dma_semaphore, #tpu.memory_space<semaphore_mem>>) src(%arg10 : memref<128x128xf32, #tpu.memory_space<vmem>>) dst(%dma_wait3A_286 : memref<10240x128xf32, #tpu.memory_space<vmem_shared>>)
        %add3A_287 = arith.constant 2 : i32
        %add3A_288 = arith.addi %add3A_259, %add3A_287 : i32
        %dma_start3A_289 = arith.constant 0 : i32
        %dma_start3A_290 = tpu.memref_slice %arg7[%add3A_288, %dma_start3A_289] : memref<32x128xi32, #tpu.memory_space<vmem>> -> memref<1x128xi32, #tpu.memory_space<vmem>>
        %dma_start3A_291 = tpu.memref_squeeze %dma_start3A_290 : memref<1x128xi32, #tpu.memory_space<vmem>> -> memref<128xi32, #tpu.memory_space<vmem>>
        %dma_start3A_292 = arith.constant 0 : i32
        %dma_start3A_293 = arith.constant 0 : i32
        %dma_start3A_294 = tpu.memref_slice %arg2[%dma_start3A_292, %dma_start3A_293] : memref<20000x128xf32, #tpu.memory_space<hbm>> -> memref<20000x128xf32, #tpu.memory_space<hbm>>
        tpu.enqueue_indirect_dma source(%dma_start3A_294 : memref<20000x128xf32, #tpu.memory_space<hbm>>) target(%arg10 : memref<128x128xf32, #tpu.memory_space<vmem>>) offsets(%dma_start3A_291 : memref<128xi32, #tpu.memory_space<vmem>>) semaphore(%arg13 : memref<!tpu.dma_semaphore, #tpu.memory_space<semaphore_mem>>)
      } else {
      }
    }
    %scan3A_123 = arith.constant 16 : i32
    %dma_wait3A_124 = arith.constant 0 : i32
    %dma_wait3A_125 = arith.constant 0 : i32
    %dma_wait3A_126 = tpu.memref_slice %arg8[%dma_wait3A_124, %dma_wait3A_125] : memref<32x128xi32, #tpu.memory_space<vmem>> -> memref<1x128xi32, #tpu.memory_space<vmem>>
    %dma_wait3A_127 = tpu.memref_squeeze %dma_wait3A_126 : memref<1x128xi32, #tpu.memory_space<vmem>> -> memref<128xi32, #tpu.memory_space<vmem>>
    %dma_wait3A_128 = arith.constant 0 : i32
    %dma_wait3A_129 = arith.constant 0 : i32
    %dma_wait3A_130 = tpu.memref_slice %arg6[%dma_wait3A_128, %dma_wait3A_129] : memref<10240x128xf32, #tpu.memory_space<vmem_shared>> -> memref<10240x128xf32, #tpu.memory_space<vmem_shared>>
    tpu.wait_indirect_dma semaphore(%arg14 : memref<!tpu.dma_semaphore, #tpu.memory_space<semaphore_mem>>) src(%arg9 : memref<128x128xf32, #tpu.memory_space<vmem>>) dst(%dma_wait3A_130 : memref<10240x128xf32, #tpu.memory_space<vmem_shared>>)
    %dma_wait3A_131 = arith.constant 1 : i32
    %dma_wait3A_132 = arith.constant 0 : i32
    %dma_wait3A_133 = tpu.memref_slice %arg8[%dma_wait3A_131, %dma_wait3A_132] : memref<32x128xi32, #tpu.memory_space<vmem>> -> memref<1x128xi32, #tpu.memory_space<vmem>>
    %dma_wait3A_134 = tpu.memref_squeeze %dma_wait3A_133 : memref<1x128xi32, #tpu.memory_space<vmem>> -> memref<128xi32, #tpu.memory_space<vmem>>
    %dma_wait3A_135 = arith.constant 0 : i32
    %dma_wait3A_136 = arith.constant 0 : i32
    %dma_wait3A_137 = tpu.memref_slice %arg6[%dma_wait3A_135, %dma_wait3A_136] : memref<10240x128xf32, #tpu.memory_space<vmem_shared>> -> memref<10240x128xf32, #tpu.memory_space<vmem_shared>>
    tpu.wait_indirect_dma semaphore(%arg15 : memref<!tpu.dma_semaphore, #tpu.memory_space<semaphore_mem>>) src(%arg10 : memref<128x128xf32, #tpu.memory_space<vmem>>) dst(%dma_wait3A_137 : memref<10240x128xf32, #tpu.memory_space<vmem_shared>>)
    %mul3A_138 = arith.constant 16 : i32
    %mul3A_139 = arith.muli %arg0, %mul3A_138 : i32
    %add3A_140 = arith.addi %mul3A_139, %arg1 : i32
    %mul3A_141 = arith.constant 5 : i32
    %mul3A_142 = arith.muli %add3A_140, %mul3A_141 : i32
    %add3A_143 = arith.constant 3 : i32
    %add3A_144 = arith.addi %mul3A_142, %add3A_143 : i32
    "tpu.region"() ({
      %run_scoped3A = tpu.sem_alloc : memref<!tpu.dma_semaphore, #tpu.memory_space<semaphore_mem>>
      %dma_start3A_235 = arith.constant 0 : i32
      %dma_start3A_236 = arith.constant 0 : i32
      %dma_start3A_237 = tpu.memref_slice %arg3[%add3A_144, %dma_start3A_235, %dma_start3A_236] : memref<160x32x128xi32, #tpu.memory_space<hbm>> -> memref<1x32x128xi32, #tpu.memory_space<hbm>>
      %dma_start3A_238 = tpu.memref_squeeze %dma_start3A_237 : memref<1x32x128xi32, #tpu.memory_space<hbm>> -> memref<32x128xi32, #tpu.memory_space<hbm>>
      %dma_start3A_239 = arith.constant 0 : i32
      %dma_start3A_240 = arith.constant 0 : i32
      %dma_start3A_241 = tpu.memref_slice %arg3[%add3A_144, %dma_start3A_239, %dma_start3A_240] : memref<160x32x128xi32, #tpu.memory_space<hbm>> -> memref<1x32x128xi32, #tpu.memory_space<hbm>>
      %dma_start3A_242 = tpu.memref_squeeze %dma_start3A_241 : memref<1x32x128xi32, #tpu.memory_space<hbm>> -> memref<32x128xi32, #tpu.memory_space<hbm>>
      tpu.enqueue_dma source(%dma_start3A_242 : memref<32x128xi32, #tpu.memory_space<hbm>>) target(%arg7 : memref<32x128xi32, #tpu.memory_space<vmem>>) target_semaphore(%run_scoped3A : memref<!tpu.dma_semaphore, #tpu.memory_space<semaphore_mem>>)
      %dma_wait3A_243 = arith.constant 0 : i32
      %dma_wait3A_244 = arith.constant 0 : i32
      %dma_wait3A_245 = tpu.memref_slice %arg3[%add3A_144, %dma_wait3A_243, %dma_wait3A_244] : memref<160x32x128xi32, #tpu.memory_space<hbm>> -> memref<1x32x128xi32, #tpu.memory_space<hbm>>
      %dma_wait3A_246 = tpu.memref_squeeze %dma_wait3A_245 : memref<1x32x128xi32, #tpu.memory_space<hbm>> -> memref<32x128xi32, #tpu.memory_space<hbm>>
      %dma_wait3A_247 = arith.constant 0 : i32
      %dma_wait3A_248 = arith.constant 0 : i32
      %dma_wait3A_249 = tpu.memref_slice %arg3[%add3A_144, %dma_wait3A_247, %dma_wait3A_248] : memref<160x32x128xi32, #tpu.memory_space<hbm>> -> memref<1x32x128xi32, #tpu.memory_space<hbm>>
      %dma_wait3A_250 = tpu.memref_squeeze %dma_wait3A_249 : memref<1x32x128xi32, #tpu.memory_space<hbm>> -> memref<32x128xi32, #tpu.memory_space<hbm>>
      tpu.wait_dma2 semaphore(%run_scoped3A : memref<!tpu.dma_semaphore, #tpu.memory_space<semaphore_mem>>) src(%dma_wait3A_250 : memref<32x128xi32, #tpu.memory_space<hbm>>) dst(%arg7 : memref<32x128xi32, #tpu.memory_space<vmem>>)
      tpu.yield
    }) : () -> ()
    %mul3A_145 = arith.constant 5 : i32
    %mul3A_146 = arith.muli %arg1, %mul3A_145 : i32
    %add3A_147 = arith.constant 3 : i32
    %add3A_148 = arith.addi %mul3A_146, %add3A_147 : i32
    "tpu.region"() ({
      %run_scoped3A = tpu.sem_alloc : memref<!tpu.dma_semaphore, #tpu.memory_space<semaphore_mem>>
      %dma_start3A_235 = arith.constant 0 : i32
      %dma_start3A_236 = arith.constant 0 : i32
      %dma_start3A_237 = tpu.memref_slice %arg4[%add3A_148, %dma_start3A_235, %dma_start3A_236] : memref<80x32x128xi32, #tpu.memory_space<hbm>> -> memref<1x32x128xi32, #tpu.memory_space<hbm>>
      %dma_start3A_238 = tpu.memref_squeeze %dma_start3A_237 : memref<1x32x128xi32, #tpu.memory_space<hbm>> -> memref<32x128xi32, #tpu.memory_space<hbm>>
      %dma_start3A_239 = arith.constant 0 : i32
      %dma_start3A_240 = arith.constant 0 : i32
      %dma_start3A_241 = tpu.memref_slice %arg4[%add3A_148, %dma_start3A_239, %dma_start3A_240] : memref<80x32x128xi32, #tpu.memory_space<hbm>> -> memref<1x32x128xi32, #tpu.memory_space<hbm>>
      %dma_start3A_242 = tpu.memref_squeeze %dma_start3A_241 : memref<1x32x128xi32, #tpu.memory_space<hbm>> -> memref<32x128xi32, #tpu.memory_space<hbm>>
      tpu.enqueue_dma source(%dma_start3A_242 : memref<32x128xi32, #tpu.memory_space<hbm>>) target(%arg8 : memref<32x128xi32, #tpu.memory_space<vmem>>) target_semaphore(%run_scoped3A : memref<!tpu.dma_semaphore, #tpu.memory_space<semaphore_mem>>)
      %dma_wait3A_243 = arith.constant 0 : i32
      %dma_wait3A_244 = arith.constant 0 : i32
      %dma_wait3A_245 = tpu.memref_slice %arg4[%add3A_148, %dma_wait3A_243, %dma_wait3A_244] : memref<80x32x128xi32, #tpu.memory_space<hbm>> -> memref<1x32x128xi32, #tpu.memory_space<hbm>>
      %dma_wait3A_246 = tpu.memref_squeeze %dma_wait3A_245 : memref<1x32x128xi32, #tpu.memory_space<hbm>> -> memref<32x128xi32, #tpu.memory_space<hbm>>
      %dma_wait3A_247 = arith.constant 0 : i32
      %dma_wait3A_248 = arith.constant 0 : i32
      %dma_wait3A_249 = tpu.memref_slice %arg4[%add3A_148, %dma_wait3A_247, %dma_wait3A_248] : memref<80x32x128xi32, #tpu.memory_space<hbm>> -> memref<1x32x128xi32, #tpu.memory_space<hbm>>
      %dma_wait3A_250 = tpu.memref_squeeze %dma_wait3A_249 : memref<1x32x128xi32, #tpu.memory_space<hbm>> -> memref<32x128xi32, #tpu.memory_space<hbm>>
      tpu.wait_dma2 semaphore(%run_scoped3A : memref<!tpu.dma_semaphore, #tpu.memory_space<semaphore_mem>>) src(%dma_wait3A_250 : memref<32x128xi32, #tpu.memory_space<hbm>>) dst(%arg8 : memref<32x128xi32, #tpu.memory_space<vmem>>)
      tpu.yield
    }) : () -> ()
    %dma_start3A_149 = arith.constant 0 : i32
    %dma_start3A_150 = arith.constant 0 : i32
    %dma_start3A_151 = tpu.memref_slice %arg7[%dma_start3A_149, %dma_start3A_150] : memref<32x128xi32, #tpu.memory_space<vmem>> -> memref<1x128xi32, #tpu.memory_space<vmem>>
    %dma_start3A_152 = tpu.memref_squeeze %dma_start3A_151 : memref<1x128xi32, #tpu.memory_space<vmem>> -> memref<128xi32, #tpu.memory_space<vmem>>
    %dma_start3A_153 = arith.constant 0 : i32
    %dma_start3A_154 = arith.constant 0 : i32
    %dma_start3A_155 = tpu.memref_slice %arg2[%dma_start3A_153, %dma_start3A_154] : memref<20000x128xf32, #tpu.memory_space<hbm>> -> memref<20000x128xf32, #tpu.memory_space<hbm>>
    tpu.enqueue_indirect_dma source(%dma_start3A_155 : memref<20000x128xf32, #tpu.memory_space<hbm>>) target(%arg9 : memref<128x128xf32, #tpu.memory_space<vmem>>) offsets(%dma_start3A_152 : memref<128xi32, #tpu.memory_space<vmem>>) semaphore(%arg12 : memref<!tpu.dma_semaphore, #tpu.memory_space<semaphore_mem>>)
    %dma_start3A_156 = arith.constant 1 : i32
    %dma_start3A_157 = arith.constant 0 : i32
    %dma_start3A_158 = tpu.memref_slice %arg7[%dma_start3A_156, %dma_start3A_157] : memref<32x128xi32, #tpu.memory_space<vmem>> -> memref<1x128xi32, #tpu.memory_space<vmem>>
    %dma_start3A_159 = tpu.memref_squeeze %dma_start3A_158 : memref<1x128xi32, #tpu.memory_space<vmem>> -> memref<128xi32, #tpu.memory_space<vmem>>
    %dma_start3A_160 = arith.constant 0 : i32
    %dma_start3A_161 = arith.constant 0 : i32
    %dma_start3A_162 = tpu.memref_slice %arg2[%dma_start3A_160, %dma_start3A_161] : memref<20000x128xf32, #tpu.memory_space<hbm>> -> memref<20000x128xf32, #tpu.memory_space<hbm>>
    tpu.enqueue_indirect_dma source(%dma_start3A_162 : memref<20000x128xf32, #tpu.memory_space<hbm>>) target(%arg10 : memref<128x128xf32, #tpu.memory_space<vmem>>) offsets(%dma_start3A_159 : memref<128xi32, #tpu.memory_space<vmem>>) semaphore(%arg13 : memref<!tpu.dma_semaphore, #tpu.memory_space<semaphore_mem>>)
    %scan3A_163 = arith.constant 0 : i32
    %scan3A_164 = arith.constant 0 : i32
    %scan3A_165 = arith.constant 16 : i32
    %scan3A_166 = arith.addi %scan3A_164, %scan3A_165 : i32
    %scan3A_167 = arith.constant 1 : i32
    scf.for %scan3A_235 = %scan3A_164 to %scan3A_166 step %scan3A_167  : i32 {
      %mul3A_236 = arith.constant 2 : i32
      %mul3A_237 = arith.muli %mul3A_236, %scan3A_235 : i32
      %dma_wait3A_238 = arith.constant 0 : i32
      %dma_wait3A_239 = arith.constant 0 : i32
      %dma_wait3A_240 = tpu.memref_slice %arg7[%dma_wait3A_238, %dma_wait3A_239] : memref<32x128xi32, #tpu.memory_space<vmem>> -> memref<1x128xi32, #tpu.memory_space<vmem>>
      %dma_wait3A_241 = tpu.memref_squeeze %dma_wait3A_240 : memref<1x128xi32, #tpu.memory_space<vmem>> -> memref<128xi32, #tpu.memory_space<vmem>>
      %dma_wait3A_242 = arith.constant 0 : i32
      %dma_wait3A_243 = arith.constant 0 : i32
      %dma_wait3A_244 = tpu.memref_slice %arg2[%dma_wait3A_242, %dma_wait3A_243] : memref<20000x128xf32, #tpu.memory_space<hbm>> -> memref<20000x128xf32, #tpu.memory_space<hbm>>
      tpu.wait_indirect_dma semaphore(%arg12 : memref<!tpu.dma_semaphore, #tpu.memory_space<semaphore_mem>>) src(%dma_wait3A_244 : memref<20000x128xf32, #tpu.memory_space<hbm>>) dst(%arg9 : memref<128x128xf32, #tpu.memory_space<vmem>>)
      %dma_start3A_245 = arith.constant 0 : i32
      %dma_start3A_246 = tpu.memref_slice %arg8[%mul3A_237, %dma_start3A_245] : memref<32x128xi32, #tpu.memory_space<vmem>> -> memref<1x128xi32, #tpu.memory_space<vmem>>
      %dma_start3A_247 = tpu.memref_squeeze %dma_start3A_246 : memref<1x128xi32, #tpu.memory_space<vmem>> -> memref<128xi32, #tpu.memory_space<vmem>>
      %dma_start3A_248 = arith.constant 0 : i32
      %dma_start3A_249 = arith.constant 0 : i32
      %dma_start3A_250 = tpu.memref_slice %arg6[%dma_start3A_248, %dma_start3A_249] : memref<10240x128xf32, #tpu.memory_space<vmem_shared>> -> memref<10240x128xf32, #tpu.memory_space<vmem_shared>>
      tpu.enqueue_indirect_dma source(%arg9 : memref<128x128xf32, #tpu.memory_space<vmem>>) target(%dma_start3A_250 : memref<10240x128xf32, #tpu.memory_space<vmem_shared>>) offsets(%dma_start3A_247 : memref<128xi32, #tpu.memory_space<vmem>>) semaphore(%arg14 : memref<!tpu.dma_semaphore, #tpu.memory_space<semaphore_mem>>) {add = true}
      %add3A_251 = arith.constant 2 : i32
      %add3A_252 = arith.addi %mul3A_237, %add3A_251 : i32
      %lt3A_253 = arith.constant 32 : i32
      %lt3A_254 = arith.cmpi slt, %add3A_252, %lt3A_253 : i32
      %convert_element_type3A_255 = arith.extui %lt3A_254 : i1 to i32
      %cond3A_256 = arith.constant 0 : i32
      %cond3A_257 = arith.cmpi ne, %convert_element_type3A_255, %cond3A_256 : i32
      scf.if %cond3A_257 {
        %dma_wait3A_280 = arith.constant 0 : i32
        %dma_wait3A_281 = arith.constant 0 : i32
        %dma_wait3A_282 = tpu.memref_slice %arg8[%dma_wait3A_280, %dma_wait3A_281] : memref<32x128xi32, #tpu.memory_space<vmem>> -> memref<1x128xi32, #tpu.memory_space<vmem>>
        %dma_wait3A_283 = tpu.memref_squeeze %dma_wait3A_282 : memref<1x128xi32, #tpu.memory_space<vmem>> -> memref<128xi32, #tpu.memory_space<vmem>>
        %dma_wait3A_284 = arith.constant 0 : i32
        %dma_wait3A_285 = arith.constant 0 : i32
        %dma_wait3A_286 = tpu.memref_slice %arg6[%dma_wait3A_284, %dma_wait3A_285] : memref<10240x128xf32, #tpu.memory_space<vmem_shared>> -> memref<10240x128xf32, #tpu.memory_space<vmem_shared>>
        tpu.wait_indirect_dma semaphore(%arg14 : memref<!tpu.dma_semaphore, #tpu.memory_space<semaphore_mem>>) src(%arg9 : memref<128x128xf32, #tpu.memory_space<vmem>>) dst(%dma_wait3A_286 : memref<10240x128xf32, #tpu.memory_space<vmem_shared>>)
        %add3A_287 = arith.constant 2 : i32
        %add3A_288 = arith.addi %mul3A_237, %add3A_287 : i32
        %dma_start3A_289 = arith.constant 0 : i32
        %dma_start3A_290 = tpu.memref_slice %arg7[%add3A_288, %dma_start3A_289] : memref<32x128xi32, #tpu.memory_space<vmem>> -> memref<1x128xi32, #tpu.memory_space<vmem>>
        %dma_start3A_291 = tpu.memref_squeeze %dma_start3A_290 : memref<1x128xi32, #tpu.memory_space<vmem>> -> memref<128xi32, #tpu.memory_space<vmem>>
        %dma_start3A_292 = arith.constant 0 : i32
        %dma_start3A_293 = arith.constant 0 : i32
        %dma_start3A_294 = tpu.memref_slice %arg2[%dma_start3A_292, %dma_start3A_293] : memref<20000x128xf32, #tpu.memory_space<hbm>> -> memref<20000x128xf32, #tpu.memory_space<hbm>>
        tpu.enqueue_indirect_dma source(%dma_start3A_294 : memref<20000x128xf32, #tpu.memory_space<hbm>>) target(%arg9 : memref<128x128xf32, #tpu.memory_space<vmem>>) offsets(%dma_start3A_291 : memref<128xi32, #tpu.memory_space<vmem>>) semaphore(%arg12 : memref<!tpu.dma_semaphore, #tpu.memory_space<semaphore_mem>>)
      } else {
      }
      %add3A_258 = arith.constant 1 : i32
      %add3A_259 = arith.addi %mul3A_237, %add3A_258 : i32
      %dma_wait3A_260 = arith.constant 0 : i32
      %dma_wait3A_261 = arith.constant 0 : i32
      %dma_wait3A_262 = tpu.memref_slice %arg7[%dma_wait3A_260, %dma_wait3A_261] : memref<32x128xi32, #tpu.memory_space<vmem>> -> memref<1x128xi32, #tpu.memory_space<vmem>>
      %dma_wait3A_263 = tpu.memref_squeeze %dma_wait3A_262 : memref<1x128xi32, #tpu.memory_space<vmem>> -> memref<128xi32, #tpu.memory_space<vmem>>
      %dma_wait3A_264 = arith.constant 0 : i32
      %dma_wait3A_265 = arith.constant 0 : i32
      %dma_wait3A_266 = tpu.memref_slice %arg2[%dma_wait3A_264, %dma_wait3A_265] : memref<20000x128xf32, #tpu.memory_space<hbm>> -> memref<20000x128xf32, #tpu.memory_space<hbm>>
      tpu.wait_indirect_dma semaphore(%arg13 : memref<!tpu.dma_semaphore, #tpu.memory_space<semaphore_mem>>) src(%dma_wait3A_266 : memref<20000x128xf32, #tpu.memory_space<hbm>>) dst(%arg10 : memref<128x128xf32, #tpu.memory_space<vmem>>)
      %dma_start3A_267 = arith.constant 0 : i32
      %dma_start3A_268 = tpu.memref_slice %arg8[%add3A_259, %dma_start3A_267] : memref<32x128xi32, #tpu.memory_space<vmem>> -> memref<1x128xi32, #tpu.memory_space<vmem>>
      %dma_start3A_269 = tpu.memref_squeeze %dma_start3A_268 : memref<1x128xi32, #tpu.memory_space<vmem>> -> memref<128xi32, #tpu.memory_space<vmem>>
      %dma_start3A_270 = arith.constant 0 : i32
      %dma_start3A_271 = arith.constant 0 : i32
      %dma_start3A_272 = tpu.memref_slice %arg6[%dma_start3A_270, %dma_start3A_271] : memref<10240x128xf32, #tpu.memory_space<vmem_shared>> -> memref<10240x128xf32, #tpu.memory_space<vmem_shared>>
      tpu.enqueue_indirect_dma source(%arg10 : memref<128x128xf32, #tpu.memory_space<vmem>>) target(%dma_start3A_272 : memref<10240x128xf32, #tpu.memory_space<vmem_shared>>) offsets(%dma_start3A_269 : memref<128xi32, #tpu.memory_space<vmem>>) semaphore(%arg15 : memref<!tpu.dma_semaphore, #tpu.memory_space<semaphore_mem>>) {add = true}
      %add3A_273 = arith.constant 2 : i32
      %add3A_274 = arith.addi %add3A_259, %add3A_273 : i32
      %lt3A_275 = arith.constant 32 : i32
      %lt3A_276 = arith.cmpi slt, %add3A_274, %lt3A_275 : i32
      %convert_element_type3A_277 = arith.extui %lt3A_276 : i1 to i32
      %cond3A_278 = arith.constant 0 : i32
      %cond3A_279 = arith.cmpi ne, %convert_element_type3A_277, %cond3A_278 : i32
      scf.if %cond3A_279 {
        %dma_wait3A_280 = arith.constant 0 : i32
        %dma_wait3A_281 = arith.constant 0 : i32
        %dma_wait3A_282 = tpu.memref_slice %arg8[%dma_wait3A_280, %dma_wait3A_281] : memref<32x128xi32, #tpu.memory_space<vmem>> -> memref<1x128xi32, #tpu.memory_space<vmem>>
        %dma_wait3A_283 = tpu.memref_squeeze %dma_wait3A_282 : memref<1x128xi32, #tpu.memory_space<vmem>> -> memref<128xi32, #tpu.memory_space<vmem>>
        %dma_wait3A_284 = arith.constant 0 : i32
        %dma_wait3A_285 = arith.constant 0 : i32
        %dma_wait3A_286 = tpu.memref_slice %arg6[%dma_wait3A_284, %dma_wait3A_285] : memref<10240x128xf32, #tpu.memory_space<vmem_shared>> -> memref<10240x128xf32, #tpu.memory_space<vmem_shared>>
        tpu.wait_indirect_dma semaphore(%arg15 : memref<!tpu.dma_semaphore, #tpu.memory_space<semaphore_mem>>) src(%arg10 : memref<128x128xf32, #tpu.memory_space<vmem>>) dst(%dma_wait3A_286 : memref<10240x128xf32, #tpu.memory_space<vmem_shared>>)
        %add3A_287 = arith.constant 2 : i32
        %add3A_288 = arith.addi %add3A_259, %add3A_287 : i32
        %dma_start3A_289 = arith.constant 0 : i32
        %dma_start3A_290 = tpu.memref_slice %arg7[%add3A_288, %dma_start3A_289] : memref<32x128xi32, #tpu.memory_space<vmem>> -> memref<1x128xi32, #tpu.memory_space<vmem>>
        %dma_start3A_291 = tpu.memref_squeeze %dma_start3A_290 : memref<1x128xi32, #tpu.memory_space<vmem>> -> memref<128xi32, #tpu.memory_space<vmem>>
        %dma_start3A_292 = arith.constant 0 : i32
        %dma_start3A_293 = arith.constant 0 : i32
        %dma_start3A_294 = tpu.memref_slice %arg2[%dma_start3A_292, %dma_start3A_293] : memref<20000x128xf32, #tpu.memory_space<hbm>> -> memref<20000x128xf32, #tpu.memory_space<hbm>>
        tpu.enqueue_indirect_dma source(%dma_start3A_294 : memref<20000x128xf32, #tpu.memory_space<hbm>>) target(%arg10 : memref<128x128xf32, #tpu.memory_space<vmem>>) offsets(%dma_start3A_291 : memref<128xi32, #tpu.memory_space<vmem>>) semaphore(%arg13 : memref<!tpu.dma_semaphore, #tpu.memory_space<semaphore_mem>>)
      } else {
      }
    }
    %scan3A_168 = arith.constant 16 : i32
    %dma_wait3A_169 = arith.constant 0 : i32
    %dma_wait3A_170 = arith.constant 0 : i32
    %dma_wait3A_171 = tpu.memref_slice %arg8[%dma_wait3A_169, %dma_wait3A_170] : memref<32x128xi32, #tpu.memory_space<vmem>> -> memref<1x128xi32, #tpu.memory_space<vmem>>
    %dma_wait3A_172 = tpu.memref_squeeze %dma_wait3A_171 : memref<1x128xi32, #tpu.memory_space<vmem>> -> memref<128xi32, #tpu.memory_space<vmem>>
    %dma_wait3A_173 = arith.constant 0 : i32
    %dma_wait3A_174 = arith.constant 0 : i32
    %dma_wait3A_175 = tpu.memref_slice %arg6[%dma_wait3A_173, %dma_wait3A_174] : memref<10240x128xf32, #tpu.memory_space<vmem_shared>> -> memref<10240x128xf32, #tpu.memory_space<vmem_shared>>
    tpu.wait_indirect_dma semaphore(%arg14 : memref<!tpu.dma_semaphore, #tpu.memory_space<semaphore_mem>>) src(%arg9 : memref<128x128xf32, #tpu.memory_space<vmem>>) dst(%dma_wait3A_175 : memref<10240x128xf32, #tpu.memory_space<vmem_shared>>)
    %dma_wait3A_176 = arith.constant 1 : i32
    %dma_wait3A_177 = arith.constant 0 : i32
    %dma_wait3A_178 = tpu.memref_slice %arg8[%dma_wait3A_176, %dma_wait3A_177] : memref<32x128xi32, #tpu.memory_space<vmem>> -> memref<1x128xi32, #tpu.memory_space<vmem>>
    %dma_wait3A_179 = tpu.memref_squeeze %dma_wait3A_178 : memref<1x128xi32, #tpu.memory_space<vmem>> -> memref<128xi32, #tpu.memory_space<vmem>>
    %dma_wait3A_180 = arith.constant 0 : i32
    %dma_wait3A_181 = arith.constant 0 : i32
    %dma_wait3A_182 = tpu.memref_slice %arg6[%dma_wait3A_180, %dma_wait3A_181] : memref<10240x128xf32, #tpu.memory_space<vmem_shared>> -> memref<10240x128xf32, #tpu.memory_space<vmem_shared>>
    tpu.wait_indirect_dma semaphore(%arg15 : memref<!tpu.dma_semaphore, #tpu.memory_space<semaphore_mem>>) src(%arg10 : memref<128x128xf32, #tpu.memory_space<vmem>>) dst(%dma_wait3A_182 : memref<10240x128xf32, #tpu.memory_space<vmem_shared>>)
    %mul3A_183 = arith.constant 16 : i32
    %mul3A_184 = arith.muli %arg0, %mul3A_183 : i32
    %add3A_185 = arith.addi %mul3A_184, %arg1 : i32
    %mul3A_186 = arith.constant 5 : i32
    %mul3A_187 = arith.muli %add3A_185, %mul3A_186 : i32
    %add3A_188 = arith.constant 4 : i32
    %add3A_189 = arith.addi %mul3A_187, %add3A_188 : i32
    "tpu.region"() ({
      %run_scoped3A = tpu.sem_alloc : memref<!tpu.dma_semaphore, #tpu.memory_space<semaphore_mem>>
      %dma_start3A_235 = arith.constant 0 : i32
      %dma_start3A_236 = arith.constant 0 : i32
      %dma_start3A_237 = tpu.memref_slice %arg3[%add3A_189, %dma_start3A_235, %dma_start3A_236] : memref<160x32x128xi32, #tpu.memory_space<hbm>> -> memref<1x32x128xi32, #tpu.memory_space<hbm>>
      %dma_start3A_238 = tpu.memref_squeeze %dma_start3A_237 : memref<1x32x128xi32, #tpu.memory_space<hbm>> -> memref<32x128xi32, #tpu.memory_space<hbm>>
      %dma_start3A_239 = arith.constant 0 : i32
      %dma_start3A_240 = arith.constant 0 : i32
      %dma_start3A_241 = tpu.memref_slice %arg3[%add3A_189, %dma_start3A_239, %dma_start3A_240] : memref<160x32x128xi32, #tpu.memory_space<hbm>> -> memref<1x32x128xi32, #tpu.memory_space<hbm>>
      %dma_start3A_242 = tpu.memref_squeeze %dma_start3A_241 : memref<1x32x128xi32, #tpu.memory_space<hbm>> -> memref<32x128xi32, #tpu.memory_space<hbm>>
      tpu.enqueue_dma source(%dma_start3A_242 : memref<32x128xi32, #tpu.memory_space<hbm>>) target(%arg7 : memref<32x128xi32, #tpu.memory_space<vmem>>) target_semaphore(%run_scoped3A : memref<!tpu.dma_semaphore, #tpu.memory_space<semaphore_mem>>)
      %dma_wait3A_243 = arith.constant 0 : i32
      %dma_wait3A_244 = arith.constant 0 : i32
      %dma_wait3A_245 = tpu.memref_slice %arg3[%add3A_189, %dma_wait3A_243, %dma_wait3A_244] : memref<160x32x128xi32, #tpu.memory_space<hbm>> -> memref<1x32x128xi32, #tpu.memory_space<hbm>>
      %dma_wait3A_246 = tpu.memref_squeeze %dma_wait3A_245 : memref<1x32x128xi32, #tpu.memory_space<hbm>> -> memref<32x128xi32, #tpu.memory_space<hbm>>
      %dma_wait3A_247 = arith.constant 0 : i32
      %dma_wait3A_248 = arith.constant 0 : i32
      %dma_wait3A_249 = tpu.memref_slice %arg3[%add3A_189, %dma_wait3A_247, %dma_wait3A_248] : memref<160x32x128xi32, #tpu.memory_space<hbm>> -> memref<1x32x128xi32, #tpu.memory_space<hbm>>
      %dma_wait3A_250 = tpu.memref_squeeze %dma_wait3A_249 : memref<1x32x128xi32, #tpu.memory_space<hbm>> -> memref<32x128xi32, #tpu.memory_space<hbm>>
      tpu.wait_dma2 semaphore(%run_scoped3A : memref<!tpu.dma_semaphore, #tpu.memory_space<semaphore_mem>>) src(%dma_wait3A_250 : memref<32x128xi32, #tpu.memory_space<hbm>>) dst(%arg7 : memref<32x128xi32, #tpu.memory_space<vmem>>)
      tpu.yield
    }) : () -> ()
    %mul3A_190 = arith.constant 5 : i32
    %mul3A_191 = arith.muli %arg1, %mul3A_190 : i32
    %add3A_192 = arith.constant 4 : i32
    %add3A_193 = arith.addi %mul3A_191, %add3A_192 : i32
    "tpu.region"() ({
      %run_scoped3A = tpu.sem_alloc : memref<!tpu.dma_semaphore, #tpu.memory_space<semaphore_mem>>
      %dma_start3A_235 = arith.constant 0 : i32
      %dma_start3A_236 = arith.constant 0 : i32
      %dma_start3A_237 = tpu.memref_slice %arg4[%add3A_193, %dma_start3A_235, %dma_start3A_236] : memref<80x32x128xi32, #tpu.memory_space<hbm>> -> memref<1x32x128xi32, #tpu.memory_space<hbm>>
      %dma_start3A_238 = tpu.memref_squeeze %dma_start3A_237 : memref<1x32x128xi32, #tpu.memory_space<hbm>> -> memref<32x128xi32, #tpu.memory_space<hbm>>
      %dma_start3A_239 = arith.constant 0 : i32
      %dma_start3A_240 = arith.constant 0 : i32
      %dma_start3A_241 = tpu.memref_slice %arg4[%add3A_193, %dma_start3A_239, %dma_start3A_240] : memref<80x32x128xi32, #tpu.memory_space<hbm>> -> memref<1x32x128xi32, #tpu.memory_space<hbm>>
      %dma_start3A_242 = tpu.memref_squeeze %dma_start3A_241 : memref<1x32x128xi32, #tpu.memory_space<hbm>> -> memref<32x128xi32, #tpu.memory_space<hbm>>
      tpu.enqueue_dma source(%dma_start3A_242 : memref<32x128xi32, #tpu.memory_space<hbm>>) target(%arg8 : memref<32x128xi32, #tpu.memory_space<vmem>>) target_semaphore(%run_scoped3A : memref<!tpu.dma_semaphore, #tpu.memory_space<semaphore_mem>>)
      %dma_wait3A_243 = arith.constant 0 : i32
      %dma_wait3A_244 = arith.constant 0 : i32
      %dma_wait3A_245 = tpu.memref_slice %arg4[%add3A_193, %dma_wait3A_243, %dma_wait3A_244] : memref<80x32x128xi32, #tpu.memory_space<hbm>> -> memref<1x32x128xi32, #tpu.memory_space<hbm>>
      %dma_wait3A_246 = tpu.memref_squeeze %dma_wait3A_245 : memref<1x32x128xi32, #tpu.memory_space<hbm>> -> memref<32x128xi32, #tpu.memory_space<hbm>>
      %dma_wait3A_247 = arith.constant 0 : i32
      %dma_wait3A_248 = arith.constant 0 : i32
      %dma_wait3A_249 = tpu.memref_slice %arg4[%add3A_193, %dma_wait3A_247, %dma_wait3A_248] : memref<80x32x128xi32, #tpu.memory_space<hbm>> -> memref<1x32x128xi32, #tpu.memory_space<hbm>>
      %dma_wait3A_250 = tpu.memref_squeeze %dma_wait3A_249 : memref<1x32x128xi32, #tpu.memory_space<hbm>> -> memref<32x128xi32, #tpu.memory_space<hbm>>
      tpu.wait_dma2 semaphore(%run_scoped3A : memref<!tpu.dma_semaphore, #tpu.memory_space<semaphore_mem>>) src(%dma_wait3A_250 : memref<32x128xi32, #tpu.memory_space<hbm>>) dst(%arg8 : memref<32x128xi32, #tpu.memory_space<vmem>>)
      tpu.yield
    }) : () -> ()
    %dma_start3A_194 = arith.constant 0 : i32
    %dma_start3A_195 = arith.constant 0 : i32
    %dma_start3A_196 = tpu.memref_slice %arg7[%dma_start3A_194, %dma_start3A_195] : memref<32x128xi32, #tpu.memory_space<vmem>> -> memref<1x128xi32, #tpu.memory_space<vmem>>
    %dma_start3A_197 = tpu.memref_squeeze %dma_start3A_196 : memref<1x128xi32, #tpu.memory_space<vmem>> -> memref<128xi32, #tpu.memory_space<vmem>>
    %dma_start3A_198 = arith.constant 0 : i32
    %dma_start3A_199 = arith.constant 0 : i32
    %dma_start3A_200 = tpu.memref_slice %arg2[%dma_start3A_198, %dma_start3A_199] : memref<20000x128xf32, #tpu.memory_space<hbm>> -> memref<20000x128xf32, #tpu.memory_space<hbm>>
    tpu.enqueue_indirect_dma source(%dma_start3A_200 : memref<20000x128xf32, #tpu.memory_space<hbm>>) target(%arg9 : memref<128x128xf32, #tpu.memory_space<vmem>>) offsets(%dma_start3A_197 : memref<128xi32, #tpu.memory_space<vmem>>) semaphore(%arg12 : memref<!tpu.dma_semaphore, #tpu.memory_space<semaphore_mem>>)
    %dma_start3A_201 = arith.constant 1 : i32
    %dma_start3A_202 = arith.constant 0 : i32
    %dma_start3A_203 = tpu.memref_slice %arg7[%dma_start3A_201, %dma_start3A_202] : memref<32x128xi32, #tpu.memory_space<vmem>> -> memref<1x128xi32, #tpu.memory_space<vmem>>
    %dma_start3A_204 = tpu.memref_squeeze %dma_start3A_203 : memref<1x128xi32, #tpu.memory_space<vmem>> -> memref<128xi32, #tpu.memory_space<vmem>>
    %dma_start3A_205 = arith.constant 0 : i32
    %dma_start3A_206 = arith.constant 0 : i32
    %dma_start3A_207 = tpu.memref_slice %arg2[%dma_start3A_205, %dma_start3A_206] : memref<20000x128xf32, #tpu.memory_space<hbm>> -> memref<20000x128xf32, #tpu.memory_space<hbm>>
    tpu.enqueue_indirect_dma source(%dma_start3A_207 : memref<20000x128xf32, #tpu.memory_space<hbm>>) target(%arg10 : memref<128x128xf32, #tpu.memory_space<vmem>>) offsets(%dma_start3A_204 : memref<128xi32, #tpu.memory_space<vmem>>) semaphore(%arg13 : memref<!tpu.dma_semaphore, #tpu.memory_space<semaphore_mem>>)
    %scan3A_208 = arith.constant 0 : i32
    %scan3A_209 = arith.constant 0 : i32
    %scan3A_210 = arith.constant 16 : i32
    %scan3A_211 = arith.addi %scan3A_209, %scan3A_210 : i32
    %scan3A_212 = arith.constant 1 : i32
    scf.for %scan3A_235 = %scan3A_209 to %scan3A_211 step %scan3A_212  : i32 {
      %mul3A_236 = arith.constant 2 : i32
      %mul3A_237 = arith.muli %mul3A_236, %scan3A_235 : i32
      %dma_wait3A_238 = arith.constant 0 : i32
      %dma_wait3A_239 = arith.constant 0 : i32
      %dma_wait3A_240 = tpu.memref_slice %arg7[%dma_wait3A_238, %dma_wait3A_239] : memref<32x128xi32, #tpu.memory_space<vmem>> -> memref<1x128xi32, #tpu.memory_space<vmem>>
      %dma_wait3A_241 = tpu.memref_squeeze %dma_wait3A_240 : memref<1x128xi32, #tpu.memory_space<vmem>> -> memref<128xi32, #tpu.memory_space<vmem>>
      %dma_wait3A_242 = arith.constant 0 : i32
      %dma_wait3A_243 = arith.constant 0 : i32
      %dma_wait3A_244 = tpu.memref_slice %arg2[%dma_wait3A_242, %dma_wait3A_243] : memref<20000x128xf32, #tpu.memory_space<hbm>> -> memref<20000x128xf32, #tpu.memory_space<hbm>>
      tpu.wait_indirect_dma semaphore(%arg12 : memref<!tpu.dma_semaphore, #tpu.memory_space<semaphore_mem>>) src(%dma_wait3A_244 : memref<20000x128xf32, #tpu.memory_space<hbm>>) dst(%arg9 : memref<128x128xf32, #tpu.memory_space<vmem>>)
      %dma_start3A_245 = arith.constant 0 : i32
      %dma_start3A_246 = tpu.memref_slice %arg8[%mul3A_237, %dma_start3A_245] : memref<32x128xi32, #tpu.memory_space<vmem>> -> memref<1x128xi32, #tpu.memory_space<vmem>>
      %dma_start3A_247 = tpu.memref_squeeze %dma_start3A_246 : memref<1x128xi32, #tpu.memory_space<vmem>> -> memref<128xi32, #tpu.memory_space<vmem>>
      %dma_start3A_248 = arith.constant 0 : i32
      %dma_start3A_249 = arith.constant 0 : i32
      %dma_start3A_250 = tpu.memref_slice %arg6[%dma_start3A_248, %dma_start3A_249] : memref<10240x128xf32, #tpu.memory_space<vmem_shared>> -> memref<10240x128xf32, #tpu.memory_space<vmem_shared>>
      tpu.enqueue_indirect_dma source(%arg9 : memref<128x128xf32, #tpu.memory_space<vmem>>) target(%dma_start3A_250 : memref<10240x128xf32, #tpu.memory_space<vmem_shared>>) offsets(%dma_start3A_247 : memref<128xi32, #tpu.memory_space<vmem>>) semaphore(%arg14 : memref<!tpu.dma_semaphore, #tpu.memory_space<semaphore_mem>>) {add = true}
      %add3A_251 = arith.constant 2 : i32
      %add3A_252 = arith.addi %mul3A_237, %add3A_251 : i32
      %lt3A_253 = arith.constant 32 : i32
      %lt3A_254 = arith.cmpi slt, %add3A_252, %lt3A_253 : i32
      %convert_element_type3A_255 = arith.extui %lt3A_254 : i1 to i32
      %cond3A_256 = arith.constant 0 : i32
      %cond3A_257 = arith.cmpi ne, %convert_element_type3A_255, %cond3A_256 : i32
      scf.if %cond3A_257 {
        %dma_wait3A_280 = arith.constant 0 : i32
        %dma_wait3A_281 = arith.constant 0 : i32
        %dma_wait3A_282 = tpu.memref_slice %arg8[%dma_wait3A_280, %dma_wait3A_281] : memref<32x128xi32, #tpu.memory_space<vmem>> -> memref<1x128xi32, #tpu.memory_space<vmem>>
        %dma_wait3A_283 = tpu.memref_squeeze %dma_wait3A_282 : memref<1x128xi32, #tpu.memory_space<vmem>> -> memref<128xi32, #tpu.memory_space<vmem>>
        %dma_wait3A_284 = arith.constant 0 : i32
        %dma_wait3A_285 = arith.constant 0 : i32
        %dma_wait3A_286 = tpu.memref_slice %arg6[%dma_wait3A_284, %dma_wait3A_285] : memref<10240x128xf32, #tpu.memory_space<vmem_shared>> -> memref<10240x128xf32, #tpu.memory_space<vmem_shared>>
        tpu.wait_indirect_dma semaphore(%arg14 : memref<!tpu.dma_semaphore, #tpu.memory_space<semaphore_mem>>) src(%arg9 : memref<128x128xf32, #tpu.memory_space<vmem>>) dst(%dma_wait3A_286 : memref<10240x128xf32, #tpu.memory_space<vmem_shared>>)
        %add3A_287 = arith.constant 2 : i32
        %add3A_288 = arith.addi %mul3A_237, %add3A_287 : i32
        %dma_start3A_289 = arith.constant 0 : i32
        %dma_start3A_290 = tpu.memref_slice %arg7[%add3A_288, %dma_start3A_289] : memref<32x128xi32, #tpu.memory_space<vmem>> -> memref<1x128xi32, #tpu.memory_space<vmem>>
        %dma_start3A_291 = tpu.memref_squeeze %dma_start3A_290 : memref<1x128xi32, #tpu.memory_space<vmem>> -> memref<128xi32, #tpu.memory_space<vmem>>
        %dma_start3A_292 = arith.constant 0 : i32
        %dma_start3A_293 = arith.constant 0 : i32
        %dma_start3A_294 = tpu.memref_slice %arg2[%dma_start3A_292, %dma_start3A_293] : memref<20000x128xf32, #tpu.memory_space<hbm>> -> memref<20000x128xf32, #tpu.memory_space<hbm>>
        tpu.enqueue_indirect_dma source(%dma_start3A_294 : memref<20000x128xf32, #tpu.memory_space<hbm>>) target(%arg9 : memref<128x128xf32, #tpu.memory_space<vmem>>) offsets(%dma_start3A_291 : memref<128xi32, #tpu.memory_space<vmem>>) semaphore(%arg12 : memref<!tpu.dma_semaphore, #tpu.memory_space<semaphore_mem>>)
      } else {
      }
      %add3A_258 = arith.constant 1 : i32
      %add3A_259 = arith.addi %mul3A_237, %add3A_258 : i32
      %dma_wait3A_260 = arith.constant 0 : i32
      %dma_wait3A_261 = arith.constant 0 : i32
      %dma_wait3A_262 = tpu.memref_slice %arg7[%dma_wait3A_260, %dma_wait3A_261] : memref<32x128xi32, #tpu.memory_space<vmem>> -> memref<1x128xi32, #tpu.memory_space<vmem>>
      %dma_wait3A_263 = tpu.memref_squeeze %dma_wait3A_262 : memref<1x128xi32, #tpu.memory_space<vmem>> -> memref<128xi32, #tpu.memory_space<vmem>>
      %dma_wait3A_264 = arith.constant 0 : i32
      %dma_wait3A_265 = arith.constant 0 : i32
      %dma_wait3A_266 = tpu.memref_slice %arg2[%dma_wait3A_264, %dma_wait3A_265] : memref<20000x128xf32, #tpu.memory_space<hbm>> -> memref<20000x128xf32, #tpu.memory_space<hbm>>
      tpu.wait_indirect_dma semaphore(%arg13 : memref<!tpu.dma_semaphore, #tpu.memory_space<semaphore_mem>>) src(%dma_wait3A_266 : memref<20000x128xf32, #tpu.memory_space<hbm>>) dst(%arg10 : memref<128x128xf32, #tpu.memory_space<vmem>>)
      %dma_start3A_267 = arith.constant 0 : i32
      %dma_start3A_268 = tpu.memref_slice %arg8[%add3A_259, %dma_start3A_267] : memref<32x128xi32, #tpu.memory_space<vmem>> -> memref<1x128xi32, #tpu.memory_space<vmem>>
      %dma_start3A_269 = tpu.memref_squeeze %dma_start3A_268 : memref<1x128xi32, #tpu.memory_space<vmem>> -> memref<128xi32, #tpu.memory_space<vmem>>
      %dma_start3A_270 = arith.constant 0 : i32
      %dma_start3A_271 = arith.constant 0 : i32
      %dma_start3A_272 = tpu.memref_slice %arg6[%dma_start3A_270, %dma_start3A_271] : memref<10240x128xf32, #tpu.memory_space<vmem_shared>> -> memref<10240x128xf32, #tpu.memory_space<vmem_shared>>
      tpu.enqueue_indirect_dma source(%arg10 : memref<128x128xf32, #tpu.memory_space<vmem>>) target(%dma_start3A_272 : memref<10240x128xf32, #tpu.memory_space<vmem_shared>>) offsets(%dma_start3A_269 : memref<128xi32, #tpu.memory_space<vmem>>) semaphore(%arg15 : memref<!tpu.dma_semaphore, #tpu.memory_space<semaphore_mem>>) {add = true}
      %add3A_273 = arith.constant 2 : i32
      %add3A_274 = arith.addi %add3A_259, %add3A_273 : i32
      %lt3A_275 = arith.constant 32 : i32
      %lt3A_276 = arith.cmpi slt, %add3A_274, %lt3A_275 : i32
      %convert_element_type3A_277 = arith.extui %lt3A_276 : i1 to i32
      %cond3A_278 = arith.constant 0 : i32
      %cond3A_279 = arith.cmpi ne, %convert_element_type3A_277, %cond3A_278 : i32
      scf.if %cond3A_279 {
        %dma_wait3A_280 = arith.constant 0 : i32
        %dma_wait3A_281 = arith.constant 0 : i32
        %dma_wait3A_282 = tpu.memref_slice %arg8[%dma_wait3A_280, %dma_wait3A_281] : memref<32x128xi32, #tpu.memory_space<vmem>> -> memref<1x128xi32, #tpu.memory_space<vmem>>
        %dma_wait3A_283 = tpu.memref_squeeze %dma_wait3A_282 : memref<1x128xi32, #tpu.memory_space<vmem>> -> memref<128xi32, #tpu.memory_space<vmem>>
        %dma_wait3A_284 = arith.constant 0 : i32
        %dma_wait3A_285 = arith.constant 0 : i32
        %dma_wait3A_286 = tpu.memref_slice %arg6[%dma_wait3A_284, %dma_wait3A_285] : memref<10240x128xf32, #tpu.memory_space<vmem_shared>> -> memref<10240x128xf32, #tpu.memory_space<vmem_shared>>
        tpu.wait_indirect_dma semaphore(%arg15 : memref<!tpu.dma_semaphore, #tpu.memory_space<semaphore_mem>>) src(%arg10 : memref<128x128xf32, #tpu.memory_space<vmem>>) dst(%dma_wait3A_286 : memref<10240x128xf32, #tpu.memory_space<vmem_shared>>)
        %add3A_287 = arith.constant 2 : i32
        %add3A_288 = arith.addi %add3A_259, %add3A_287 : i32
        %dma_start3A_289 = arith.constant 0 : i32
        %dma_start3A_290 = tpu.memref_slice %arg7[%add3A_288, %dma_start3A_289] : memref<32x128xi32, #tpu.memory_space<vmem>> -> memref<1x128xi32, #tpu.memory_space<vmem>>
        %dma_start3A_291 = tpu.memref_squeeze %dma_start3A_290 : memref<1x128xi32, #tpu.memory_space<vmem>> -> memref<128xi32, #tpu.memory_space<vmem>>
        %dma_start3A_292 = arith.constant 0 : i32
        %dma_start3A_293 = arith.constant 0 : i32
        %dma_start3A_294 = tpu.memref_slice %arg2[%dma_start3A_292, %dma_start3A_293] : memref<20000x128xf32, #tpu.memory_space<hbm>> -> memref<20000x128xf32, #tpu.memory_space<hbm>>
        tpu.enqueue_indirect_dma source(%dma_start3A_294 : memref<20000x128xf32, #tpu.memory_space<hbm>>) target(%arg10 : memref<128x128xf32, #tpu.memory_space<vmem>>) offsets(%dma_start3A_291 : memref<128xi32, #tpu.memory_space<vmem>>) semaphore(%arg13 : memref<!tpu.dma_semaphore, #tpu.memory_space<semaphore_mem>>)
      } else {
      }
    }
    %scan3A_213 = arith.constant 16 : i32
    %dma_wait3A_214 = arith.constant 0 : i32
    %dma_wait3A_215 = arith.constant 0 : i32
    %dma_wait3A_216 = tpu.memref_slice %arg8[%dma_wait3A_214, %dma_wait3A_215] : memref<32x128xi32, #tpu.memory_space<vmem>> -> memref<1x128xi32, #tpu.memory_space<vmem>>
    %dma_wait3A_217 = tpu.memref_squeeze %dma_wait3A_216 : memref<1x128xi32, #tpu.memory_space<vmem>> -> memref<128xi32, #tpu.memory_space<vmem>>
    %dma_wait3A_218 = arith.constant 0 : i32
    %dma_wait3A_219 = arith.constant 0 : i32
    %dma_wait3A_220 = tpu.memref_slice %arg6[%dma_wait3A_218, %dma_wait3A_219] : memref<10240x128xf32, #tpu.memory_space<vmem_shared>> -> memref<10240x128xf32, #tpu.memory_space<vmem_shared>>
    tpu.wait_indirect_dma semaphore(%arg14 : memref<!tpu.dma_semaphore, #tpu.memory_space<semaphore_mem>>) src(%arg9 : memref<128x128xf32, #tpu.memory_space<vmem>>) dst(%dma_wait3A_220 : memref<10240x128xf32, #tpu.memory_space<vmem_shared>>)
    %dma_wait3A_221 = arith.constant 1 : i32
    %dma_wait3A_222 = arith.constant 0 : i32
    %dma_wait3A_223 = tpu.memref_slice %arg8[%dma_wait3A_221, %dma_wait3A_222] : memref<32x128xi32, #tpu.memory_space<vmem>> -> memref<1x128xi32, #tpu.memory_space<vmem>>
    %dma_wait3A_224 = tpu.memref_squeeze %dma_wait3A_223 : memref<1x128xi32, #tpu.memory_space<vmem>> -> memref<128xi32, #tpu.memory_space<vmem>>
    %dma_wait3A_225 = arith.constant 0 : i32
    %dma_wait3A_226 = arith.constant 0 : i32
    %dma_wait3A_227 = tpu.memref_slice %arg6[%dma_wait3A_225, %dma_wait3A_226] : memref<10240x128xf32, #tpu.memory_space<vmem_shared>> -> memref<10240x128xf32, #tpu.memory_space<vmem_shared>>
    tpu.wait_indirect_dma semaphore(%arg15 : memref<!tpu.dma_semaphore, #tpu.memory_space<semaphore_mem>>) src(%arg10 : memref<128x128xf32, #tpu.memory_space<vmem>>) dst(%dma_wait3A_227 : memref<10240x128xf32, #tpu.memory_space<vmem_shared>>)
    %barrier3A_228 = arith.constant 0 : index
    tpu.barrier barrier_id(%barrier3A_228)
    %lt3A = arith.constant 15 : i32
    %lt3A_229 = arith.cmpi slt, %arg1, %lt3A : i32
    %convert_element_type3A = arith.extui %lt3A_229 : i1 to i32
    %cond3A = arith.constant 0 : i32
    %cond3A_230 = arith.cmpi ne, %convert_element_type3A, %cond3A : i32
    scf.if %cond3A_230 {
      %mul3A_235 = arith.constant 640 : i32
      %mul3A_236 = arith.muli %arg1, %mul3A_235 : i32
      %mul3A_237 = arith.constant 10000 : i32
      %mul3A_238 = arith.muli %arg0, %mul3A_237 : i32
      %mul3A_239 = arith.constant 640 : i32
      %mul3A_240 = arith.muli %arg1, %mul3A_239 : i32
      %add3A_241 = arith.addi %mul3A_238, %mul3A_240 : i32
      "tpu.region"() ({
        %run_scoped3A = tpu.sem_alloc : memref<!tpu.dma_semaphore, #tpu.memory_space<semaphore_mem>>
        %dma_start3A_242 = arith.constant 0 : i32
        %dma_start3A_243 = tpu.memref_slice %arg5[%add3A_241, %dma_start3A_242] : memref<20000x128xf32, #tpu.memory_space<hbm>> -> memref<640x128xf32, #tpu.memory_space<hbm>>
        %dma_start3A_244 = arith.constant 0 : i32
        %dma_start3A_245 = tpu.memref_slice %arg6[%mul3A_236, %dma_start3A_244] : memref<10240x128xf32, #tpu.memory_space<vmem_shared>> -> memref<640x128xf32, #tpu.memory_space<vmem_shared>>
        tpu.enqueue_dma source(%dma_start3A_245 : memref<640x128xf32, #tpu.memory_space<vmem_shared>>) target(%dma_start3A_243 : memref<640x128xf32, #tpu.memory_space<hbm>>) target_semaphore(%run_scoped3A : memref<!tpu.dma_semaphore, #tpu.memory_space<semaphore_mem>>)
        %dma_wait3A_246 = arith.constant 0 : i32
        %dma_wait3A_247 = tpu.memref_slice %arg5[%add3A_241, %dma_wait3A_246] : memref<20000x128xf32, #tpu.memory_space<hbm>> -> memref<640x128xf32, #tpu.memory_space<hbm>>
        %dma_wait3A_248 = arith.constant 0 : i32
        %dma_wait3A_249 = tpu.memref_slice %arg6[%mul3A_236, %dma_wait3A_248] : memref<10240x128xf32, #tpu.memory_space<vmem_shared>> -> memref<640x128xf32, #tpu.memory_space<vmem_shared>>
        tpu.wait_dma2 semaphore(%run_scoped3A : memref<!tpu.dma_semaphore, #tpu.memory_space<semaphore_mem>>) src(%dma_wait3A_249 : memref<640x128xf32, #tpu.memory_space<vmem_shared>>) dst(%dma_wait3A_247 : memref<640x128xf32, #tpu.memory_space<hbm>>)
        tpu.yield
      }) : () -> ()
    } else {
    }
    %eq3A = arith.constant 15 : i32
    %eq3A_231 = arith.cmpi eq, %arg1, %eq3A : i32
    %convert_element_type3A_232 = arith.extui %eq3A_231 : i1 to i32
    %cond3A_233 = arith.constant 0 : i32
    %cond3A_234 = arith.cmpi ne, %convert_element_type3A_232, %cond3A_233 : i32
    scf.if %cond3A_234 {
      %mul3A_235 = arith.constant 10000 : i32
      %mul3A_236 = arith.muli %arg0, %mul3A_235 : i32
      %add3A_237 = arith.constant 9600 : i32
      %add3A_238 = arith.addi %mul3A_236, %add3A_237 : i32
      "tpu.region"() ({
        %run_scoped3A = tpu.sem_alloc : memref<!tpu.dma_semaphore, #tpu.memory_space<semaphore_mem>>
        %dma_start3A_239 = arith.constant 0 : i32
        %dma_start3A_240 = tpu.memref_slice %arg5[%add3A_238, %dma_start3A_239] : memref<20000x128xf32, #tpu.memory_space<hbm>> -> memref<400x128xf32, #tpu.memory_space<hbm>>
        %dma_start3A_241 = arith.constant 9600 : i32
        %dma_start3A_242 = arith.constant 0 : i32
        %dma_start3A_243 = tpu.memref_slice %arg6[%dma_start3A_241, %dma_start3A_242] : memref<10240x128xf32, #tpu.memory_space<vmem_shared>> -> memref<400x128xf32, #tpu.memory_space<vmem_shared>>
        tpu.enqueue_dma source(%dma_start3A_243 : memref<400x128xf32, #tpu.memory_space<vmem_shared>>) target(%dma_start3A_240 : memref<400x128xf32, #tpu.memory_space<hbm>>) target_semaphore(%run_scoped3A : memref<!tpu.dma_semaphore, #tpu.memory_space<semaphore_mem>>)
        %dma_wait3A_244 = arith.constant 0 : i32
        %dma_wait3A_245 = tpu.memref_slice %arg5[%add3A_238, %dma_wait3A_244] : memref<20000x128xf32, #tpu.memory_space<hbm>> -> memref<400x128xf32, #tpu.memory_space<hbm>>
        %dma_wait3A_246 = arith.constant 9600 : i32
        %dma_wait3A_247 = arith.constant 0 : i32
        %dma_wait3A_248 = tpu.memref_slice %arg6[%dma_wait3A_246, %dma_wait3A_247] : memref<10240x128xf32, #tpu.memory_space<vmem_shared>> -> memref<400x128xf32, #tpu.memory_space<vmem_shared>>
        tpu.wait_dma2 semaphore(%run_scoped3A : memref<!tpu.dma_semaphore, #tpu.memory_space<semaphore_mem>>) src(%dma_wait3A_248 : memref<400x128xf32, #tpu.memory_space<vmem_shared>>) dst(%dma_wait3A_245 : memref<400x128xf32, #tpu.memory_space<hbm>>)
        tpu.yield
      }) : () -> ()
    } else {
    }
    return
  }
}

module attributes {stable_mosaic.version = 14 : i64} {
  func.func @_layer1_body(%arg0: i32, %arg1: memref<1000x3xf32, #tpu.memory_space<vmem>>, %arg2: memref<3x512xf32, #tpu.memory_space<vmem>>, %arg3: memref<1x512xf32, #tpu.memory_space<vmem>>, %arg4: memref<1000x256xf32, #tpu.memory_space<vmem>>, %arg5: memref<2x1000x128xf32, #tpu.memory_space<vmem>>) attributes {dimension_semantics = [#tpu.dimension_semantics<arbitrary>], iteration_bounds = array<i64: 10>, scalar_prefetch = 0 : i64, scratch_operands = 0 : i64, tpu.core_type = #tpu.core_type<tc>, window_params = [{transform_indices = @transform_0, window_bounds = array<i64: 1000, 3>}, {pipeline_mode = #tpu.pipeline_mode<synchronous>, transform_indices = @transform_1, window_bounds = array<i64: 3, 512>}, {pipeline_mode = #tpu.pipeline_mode<synchronous>, transform_indices = @transform_2, window_bounds = array<i64: 1, 512>}, {transform_indices = @transform_3, window_bounds = array<i64: 1000, 256>}, {transform_indices = @transform_4, window_bounds = array<i64: 2, 1000, 128>}]} {
    %get3A = arith.constant 0 : index
    %get3A_0 = arith.constant 0 : index
    %get3A_1 = vector.load %arg1[%get3A, %get3A_0] : memref<1000x3xf32, #tpu.memory_space<vmem>>, vector<1000x3xf32>
    %get3A_2 = arith.constant 0 : index
    %get3A_3 = arith.constant 0 : index
    %get3A_4 = vector.load %arg2[%get3A_2, %get3A_3] : memref<3x512xf32, #tpu.memory_space<vmem>>, vector<3x512xf32>
    %dot_general3A = arith.constant dense<0.000000e+00> : vector<1000x512xf32>
    %dot_general3A_5 = tpu.matmul %get3A_1, %get3A_4, %dot_general3A {dimension_numbers = #tpu.dot_dimension_numbers<[1], [0], [0], [1], [0, 0, 1, 1], [], []>, transpose_lhs_hint = false} : vector<1000x3xf32>, vector<3x512xf32>, vector<1000x512xf32> -> vector<1000x512xf32>
    %get3A_6 = arith.constant 0 : index
    %get3A_7 = arith.constant 0 : index
    %get3A_8 = vector.load %arg3[%get3A_6, %get3A_7] : memref<1x512xf32, #tpu.memory_space<vmem>>, vector<1x512xf32>
    %add3A = vector.broadcast %get3A_8 : vector<1x512xf32> to vector<1000x512xf32>
    %add3A_9 = arith.addf %dot_general3A_5, %add3A : vector<1000x512xf32>
    %slice3A = vector.extract_strided_slice %add3A_9 {offsets = [0, 0], sizes = [1000, 256], strides = [1, 1]} : vector<1000x512xf32> to vector<1000x256xf32>
    %swap3A = arith.constant 0 : index
    %swap3A_10 = arith.constant 0 : index
    %swap3A_11 = vector.load %arg4[%swap3A, %swap3A_10] : memref<1000x256xf32, #tpu.memory_space<vmem>>, vector<1000x256xf32>
    tpu.vector_store %arg4[%swap3A, %swap3A_10], %slice3A {strides = array<i32>} : memref<1000x256xf32, #tpu.memory_space<vmem>>, vector<1000x256xf32>,
    %slice3A_12 = vector.extract_strided_slice %add3A_9 {offsets = [0, 256], sizes = [1000, 128], strides = [1, 1]} : vector<1000x512xf32> to vector<1000x128xf32>
    %swap3A_13 = arith.constant 0 : index
    %swap3A_14 = arith.constant 0 : index
    %swap3A_15 = arith.constant 0 : index
    %swap3A_16 = vector.load %arg5[%swap3A_13, %swap3A_14, %swap3A_15] : memref<2x1000x128xf32, #tpu.memory_space<vmem>>, vector<1x1000x128xf32>
    %swap3A_17 = vector.shape_cast %swap3A_16 : vector<1x1000x128xf32> to vector<1000x128xf32>
    %swap3A_18 = vector.shape_cast %slice3A_12 : vector<1000x128xf32> to vector<1x1000x128xf32>
    tpu.vector_store %arg5[%swap3A_13, %swap3A_14, %swap3A_15], %swap3A_18 {strides = array<i32>} : memref<2x1000x128xf32, #tpu.memory_space<vmem>>, vector<1x1000x128xf32>,
    %slice3A_19 = vector.extract_strided_slice %add3A_9 {offsets = [0, 384], sizes = [1000, 128], strides = [1, 1]} : vector<1000x512xf32> to vector<1000x128xf32>
    %swap3A_20 = arith.constant 1 : index
    %swap3A_21 = arith.constant 0 : index
    %swap3A_22 = arith.constant 0 : index
    %swap3A_23 = vector.load %arg5[%swap3A_20, %swap3A_21, %swap3A_22] : memref<2x1000x128xf32, #tpu.memory_space<vmem>>, vector<1x1000x128xf32>
    %swap3A_24 = vector.shape_cast %swap3A_23 : vector<1x1000x128xf32> to vector<1000x128xf32>
    %swap3A_25 = vector.shape_cast %slice3A_19 : vector<1000x128xf32> to vector<1x1000x128xf32>
    tpu.vector_store %arg5[%swap3A_20, %swap3A_21, %swap3A_22], %swap3A_25 {strides = array<i32>} : memref<2x1000x128xf32, #tpu.memory_space<vmem>>, vector<1x1000x128xf32>,
    return
  }
  func.func @transform_0(%arg0: i32) -> (i32, i32) {
    %c0_i32 = arith.constant 0 : i32
    %c0_i32_0 = arith.constant 0 : i32
    return %arg0, %c0_i32 : i32, i32
  }
  func.func @transform_1(%arg0: i32) -> (i32, i32) {
    %c0_i32 = arith.constant 0 : i32
    %c0_i32_0 = arith.constant 0 : i32
    %c0_i32_1 = arith.constant 0 : i32
    return %c0_i32, %c0_i32_0 : i32, i32
  }
  func.func @transform_2(%arg0: i32) -> (i32, i32) {
    %c0_i32 = arith.constant 0 : i32
    %c0_i32_0 = arith.constant 0 : i32
    %c0_i32_1 = arith.constant 0 : i32
    return %c0_i32, %c0_i32_0 : i32, i32
  }
  func.func @transform_3(%arg0: i32) -> (i32, i32) {
    %c0_i32 = arith.constant 0 : i32
    %c0_i32_0 = arith.constant 0 : i32
    return %arg0, %c0_i32 : i32, i32
  }
  func.func @transform_4(%arg0: i32) -> (i32, i32, i32) {
    %c0_i32 = arith.constant 0 : i32
    %c0_i32_0 = arith.constant 0 : i32
    %c0_i32_1 = arith.constant 0 : i32
    return %c0_i32, %arg0, %c0_i32_0 : i32, i32, i32
  }
}

module attributes {stable_mosaic.version = 14 : i64} {
  func.func @_layerB_body(%arg0: i32, %arg1: memref<1000x256xf32, #tpu.memory_space<vmem>>, %arg2: memref<2x1000x128xf32, #tpu.memory_space<vmem>>, %arg3: memref<256x512xf32, #tpu.memory_space<vmem>>, %arg4: memref<1x512xf32, #tpu.memory_space<vmem>>, %arg5: memref<1000x256xf32, #tpu.memory_space<vmem>>, %arg6: memref<2x1000x128xf32, #tpu.memory_space<vmem>>) attributes {dimension_semantics = [#tpu.dimension_semantics<arbitrary>], iteration_bounds = array<i64: 10>, scalar_prefetch = 0 : i64, scratch_operands = 0 : i64, tpu.core_type = #tpu.core_type<tc>, window_params = [{transform_indices = @transform_0, window_bounds = array<i64: 1000, 256>}, {transform_indices = @transform_1, window_bounds = array<i64: 2, 1000, 128>}, {pipeline_mode = #tpu.pipeline_mode<synchronous>, transform_indices = @transform_2, window_bounds = array<i64: 256, 512>}, {pipeline_mode = #tpu.pipeline_mode<synchronous>, transform_indices = @transform_3, window_bounds = array<i64: 1, 512>}, {transform_indices = @transform_4, window_bounds = array<i64: 1000, 256>}, {transform_indices = @transform_5, window_bounds = array<i64: 2, 1000, 128>}]} {
    %get3A = arith.constant 0 : index
    %get3A_0 = arith.constant 0 : index
    %get3A_1 = arith.constant 0 : index
    %get3A_2 = vector.load %arg2[%get3A, %get3A_0, %get3A_1] : memref<2x1000x128xf32, #tpu.memory_space<vmem>>, vector<1x1000x128xf32>
    %get3A_3 = vector.shape_cast %get3A_2 : vector<1x1000x128xf32> to vector<1000x128xf32>
    %get3A_4 = arith.constant 1 : index
    %get3A_5 = arith.constant 0 : index
    %get3A_6 = arith.constant 0 : index
    %get3A_7 = vector.load %arg2[%get3A_4, %get3A_5, %get3A_6] : memref<2x1000x128xf32, #tpu.memory_space<vmem>>, vector<1x1000x128xf32>
    %get3A_8 = vector.shape_cast %get3A_7 : vector<1x1000x128xf32> to vector<1000x128xf32>
    %concatenate3A = tpu.concatenate %get3A_3, %get3A_8 in 1 : vector<1000x128xf32>, vector<1000x128xf32> -> vector<1000x256xf32>
    %get3A_9 = arith.constant 0 : index
    %get3A_10 = arith.constant 0 : index
    %get3A_11 = vector.load %arg1[%get3A_9, %get3A_10] : memref<1000x256xf32, #tpu.memory_space<vmem>>, vector<1000x256xf32>
    %add3A = arith.addf %get3A_11, %concatenate3A : vector<1000x256xf32>
    %max3A = arith.constant 0.000000e+00 : f32
    %max3A_12 = vector.broadcast %max3A : f32 to vector<1000x256xf32>
    %max3A_13 = arith.maximumf %add3A, %max3A_12 : vector<1000x256xf32>
    %get3A_14 = arith.constant 0 : index
    %get3A_15 = arith.constant 0 : index
    %get3A_16 = vector.load %arg3[%get3A_14, %get3A_15] : memref<256x512xf32, #tpu.memory_space<vmem>>, vector<256x512xf32>
    %dot_general3A = arith.constant dense<0.000000e+00> : vector<1000x512xf32>
    %dot_general3A_17 = tpu.matmul %max3A_13, %get3A_16, %dot_general3A {dimension_numbers = #tpu.dot_dimension_numbers<[1], [0], [0], [1], [0, 0, 1, 1], [], []>, transpose_lhs_hint = false} : vector<1000x256xf32>, vector<256x512xf32>, vector<1000x512xf32> -> vector<1000x512xf32>
    %get3A_18 = arith.constant 0 : index
    %get3A_19 = arith.constant 0 : index
    %get3A_20 = vector.load %arg4[%get3A_18, %get3A_19] : memref<1x512xf32, #tpu.memory_space<vmem>>, vector<1x512xf32>
    %add3A_21 = vector.broadcast %get3A_20 : vector<1x512xf32> to vector<1000x512xf32>
    %add3A_22 = arith.addf %dot_general3A_17, %add3A_21 : vector<1000x512xf32>
    %slice3A = vector.extract_strided_slice %add3A_22 {offsets = [0, 0], sizes = [1000, 256], strides = [1, 1]} : vector<1000x512xf32> to vector<1000x256xf32>
    %swap3A = arith.constant 0 : index
    %swap3A_23 = arith.constant 0 : index
    %swap3A_24 = vector.load %arg5[%swap3A, %swap3A_23] : memref<1000x256xf32, #tpu.memory_space<vmem>>, vector<1000x256xf32>
    tpu.vector_store %arg5[%swap3A, %swap3A_23], %slice3A {strides = array<i32>} : memref<1000x256xf32, #tpu.memory_space<vmem>>, vector<1000x256xf32>,
    %slice3A_25 = vector.extract_strided_slice %add3A_22 {offsets = [0, 256], sizes = [1000, 128], strides = [1, 1]} : vector<1000x512xf32> to vector<1000x128xf32>
    %swap3A_26 = arith.constant 0 : index
    %swap3A_27 = arith.constant 0 : index
    %swap3A_28 = arith.constant 0 : index
    %swap3A_29 = vector.load %arg6[%swap3A_26, %swap3A_27, %swap3A_28] : memref<2x1000x128xf32, #tpu.memory_space<vmem>>, vector<1x1000x128xf32>
    %swap3A_30 = vector.shape_cast %swap3A_29 : vector<1x1000x128xf32> to vector<1000x128xf32>
    %swap3A_31 = vector.shape_cast %slice3A_25 : vector<1000x128xf32> to vector<1x1000x128xf32>
    tpu.vector_store %arg6[%swap3A_26, %swap3A_27, %swap3A_28], %swap3A_31 {strides = array<i32>} : memref<2x1000x128xf32, #tpu.memory_space<vmem>>, vector<1x1000x128xf32>,
    %slice3A_32 = vector.extract_strided_slice %add3A_22 {offsets = [0, 384], sizes = [1000, 128], strides = [1, 1]} : vector<1000x512xf32> to vector<1000x128xf32>
    %swap3A_33 = arith.constant 1 : index
    %swap3A_34 = arith.constant 0 : index
    %swap3A_35 = arith.constant 0 : index
    %swap3A_36 = vector.load %arg6[%swap3A_33, %swap3A_34, %swap3A_35] : memref<2x1000x128xf32, #tpu.memory_space<vmem>>, vector<1x1000x128xf32>
    %swap3A_37 = vector.shape_cast %swap3A_36 : vector<1x1000x128xf32> to vector<1000x128xf32>
    %swap3A_38 = vector.shape_cast %slice3A_32 : vector<1000x128xf32> to vector<1x1000x128xf32>
    tpu.vector_store %arg6[%swap3A_33, %swap3A_34, %swap3A_35], %swap3A_38 {strides = array<i32>} : memref<2x1000x128xf32, #tpu.memory_space<vmem>>, vector<1x1000x128xf32>,
    return
  }
  func.func @transform_0(%arg0: i32) -> (i32, i32) {
    %c0_i32 = arith.constant 0 : i32
    %c0_i32_0 = arith.constant 0 : i32
    return %arg0, %c0_i32 : i32, i32
  }
  func.func @transform_1(%arg0: i32) -> (i32, i32, i32) {
    %c0_i32 = arith.constant 0 : i32
    %c0_i32_0 = arith.constant 0 : i32
    %c0_i32_1 = arith.constant 0 : i32
    return %c0_i32, %arg0, %c0_i32_0 : i32, i32, i32
  }
  func.func @transform_2(%arg0: i32) -> (i32, i32) {
    %c0_i32 = arith.constant 0 : i32
    %c0_i32_0 = arith.constant 0 : i32
    %c0_i32_1 = arith.constant 0 : i32
    return %c0_i32, %c0_i32_0 : i32, i32
  }
  func.func @transform_3(%arg0: i32) -> (i32, i32) {
    %c0_i32 = arith.constant 0 : i32
    %c0_i32_0 = arith.constant 0 : i32
    %c0_i32_1 = arith.constant 0 : i32
    return %c0_i32, %c0_i32_0 : i32, i32
  }
  func.func @transform_4(%arg0: i32) -> (i32, i32) {
    %c0_i32 = arith.constant 0 : i32
    %c0_i32_0 = arith.constant 0 : i32
    return %arg0, %c0_i32 : i32, i32
  }
  func.func @transform_5(%arg0: i32) -> (i32, i32, i32) {
    %c0_i32 = arith.constant 0 : i32
    %c0_i32_0 = arith.constant 0 : i32
    %c0_i32_1 = arith.constant 0 : i32
    return %c0_i32, %arg0, %c0_i32_0 : i32, i32, i32
  }
}

module attributes {stable_mosaic.version = 14 : i64} {
  func.func @_pool_body(%arg0: i32, %arg1: memref<1000x256xf32, #tpu.memory_space<vmem>>, %arg2: memref<2x1000x128xf32, #tpu.memory_space<vmem>>, %arg3: memref<1x1x1000xi32, #tpu.memory_space<vmem>>, %arg4: memref<256x256xf32, #tpu.memory_space<vmem>>, %arg5: memref<1x256xf32, #tpu.memory_space<vmem>>, %arg6: memref<256x10xf32, #tpu.memory_space<vmem>>, %arg7: memref<1x10xf32, #tpu.memory_space<vmem>>, %arg8: memref<10x10xf32, #tpu.memory_space<vmem>>, %arg9: memref<16x256xf32, #tpu.memory_space<vmem>>, %arg10: memref<16x128xf32, #tpu.memory_space<vmem>>) attributes {dimension_semantics = [#tpu.dimension_semantics<arbitrary>], iteration_bounds = array<i64: 10>, scalar_prefetch = 0 : i64, scratch_operands = 2 : i64, tpu.core_type = #tpu.core_type<tc>, window_params = [{transform_indices = @transform_0, window_bounds = array<i64: 1000, 256>}, {transform_indices = @transform_1, window_bounds = array<i64: 2, 1000, 128>}, {transform_indices = @transform_2, window_bounds = array<i64: 1, 1, 1000>}, {pipeline_mode = #tpu.pipeline_mode<synchronous>, transform_indices = @transform_3, window_bounds = array<i64: 256, 256>}, {pipeline_mode = #tpu.pipeline_mode<synchronous>, transform_indices = @transform_4, window_bounds = array<i64: 1, 256>}, {pipeline_mode = #tpu.pipeline_mode<synchronous>, transform_indices = @transform_5, window_bounds = array<i64: 256, 10>}, {pipeline_mode = #tpu.pipeline_mode<synchronous>, transform_indices = @transform_6, window_bounds = array<i64: 1, 10>}, {pipeline_mode = #tpu.pipeline_mode<synchronous>, transform_indices = @transform_7, window_bounds = array<i64: 10, 10>}]} {
    %eq3A = arith.constant 0 : i32
    %eq3A_0 = arith.cmpi eq, %arg0, %eq3A : i32
    %convert_element_type3A = arith.extui %eq3A_0 : i1 to i32
    %cond3A = arith.constant 0 : i32
    %cond3A_1 = arith.cmpi ne, %convert_element_type3A, %cond3A : i32
    scf.if %cond3A_1 {
      %broadcast_in_dim3A_47 = arith.constant 0.000000e+00 : f32
      %broadcast_in_dim3A_48 = vector.broadcast %broadcast_in_dim3A_47 : f32 to vector<16x256xf32>
      %swap3A_49 = arith.constant 0 : index
      %swap3A_50 = arith.constant 0 : index
      %swap3A_51 = vector.load %arg9[%swap3A_49, %swap3A_50] : memref<16x256xf32, #tpu.memory_space<vmem>>, vector<16x256xf32>
      tpu.vector_store %arg9[%swap3A_49, %swap3A_50], %broadcast_in_dim3A_48 {strides = array<i32>} : memref<16x256xf32, #tpu.memory_space<vmem>>, vector<16x256xf32>,
      %broadcast_in_dim3A_52 = arith.constant 0.000000e+00 : f32
      %broadcast_in_dim3A_53 = vector.broadcast %broadcast_in_dim3A_52 : f32 to vector<16x128xf32>
      %swap3A_54 = arith.constant 0 : index
      %swap3A_55 = arith.constant 0 : index
      %swap3A_56 = vector.load %arg10[%swap3A_54, %swap3A_55] : memref<16x128xf32, #tpu.memory_space<vmem>>, vector<16x128xf32>
      tpu.vector_store %arg10[%swap3A_54, %swap3A_55], %broadcast_in_dim3A_53 {strides = array<i32>} : memref<16x128xf32, #tpu.memory_space<vmem>>, vector<16x128xf32>,
    } else {
    }
    %get3A = arith.constant 0 : index
    %get3A_2 = arith.constant 0 : index
    %get3A_3 = arith.constant 0 : index
    %get3A_4 = vector.load %arg2[%get3A, %get3A_2, %get3A_3] : memref<2x1000x128xf32, #tpu.memory_space<vmem>>, vector<1x1000x128xf32>
    %get3A_5 = vector.shape_cast %get3A_4 : vector<1x1000x128xf32> to vector<1000x128xf32>
    %get3A_6 = arith.constant 1 : index
    %get3A_7 = arith.constant 0 : index
    %get3A_8 = arith.constant 0 : index
    %get3A_9 = vector.load %arg2[%get3A_6, %get3A_7, %get3A_8] : memref<2x1000x128xf32, #tpu.memory_space<vmem>>, vector<1x1000x128xf32>
    %get3A_10 = vector.shape_cast %get3A_9 : vector<1x1000x128xf32> to vector<1000x128xf32>
    %concatenate3A = tpu.concatenate %get3A_5, %get3A_10 in 1 : vector<1000x128xf32>, vector<1000x128xf32> -> vector<1000x256xf32>
    %get3A_11 = arith.constant 0 : index
    %get3A_12 = arith.constant 0 : index
    %get3A_13 = vector.load %arg1[%get3A_11, %get3A_12] : memref<1000x256xf32, #tpu.memory_space<vmem>>, vector<1000x256xf32>
    %add3A = arith.addf %get3A_13, %concatenate3A : vector<1000x256xf32>
    %max3A = arith.constant 0.000000e+00 : f32
    %max3A_14 = vector.broadcast %max3A : f32 to vector<1000x256xf32>
    %max3A_15 = arith.maximumf %add3A, %max3A_14 : vector<1000x256xf32>
    %get3A_16 = arith.constant 0 : index
    %get3A_17 = arith.constant 0 : index
    %get3A_18 = arith.constant 0 : index
    %get3A_19 = vector.load %arg3[%get3A_16, %get3A_17, %get3A_18] : memref<1x1x1000xi32, #tpu.memory_space<vmem>>, vector<1x1x1000xi32>
    %reshape3A = vector.shape_cast %get3A_19 : vector<1x1x1000xi32> to vector<1x1000xi32>
    %broadcast_in_dim3A = vector.shape_cast %reshape3A : vector<1x1000xi32> to vector<1x1000xi32>
    %broadcast_in_dim3A_20 = vector.broadcast %broadcast_in_dim3A : vector<1x1000xi32> to vector<16x1000xi32>
    %iota3A = tpu.iota {dimensions = array<i32: 0>} : vector<16x1000xi32>
    %eq3A_21 = arith.cmpi eq, %broadcast_in_dim3A_20, %iota3A : vector<16x1000xi32>
    %convert_element_type3A_22 = arith.extui %eq3A_21 : vector<16x1000xi1> to vector<16x1000xi32>
    %convert_element_type3A_23 = arith.sitofp %convert_element_type3A_22 : vector<16x1000xi32> to vector<16x1000xf32>
    %get3A_24 = arith.constant 0 : index
    %get3A_25 = arith.constant 0 : index
    %get3A_26 = vector.load %arg9[%get3A_24, %get3A_25] : memref<16x256xf32, #tpu.memory_space<vmem>>, vector<16x256xf32>
    %dot_general3A = arith.constant dense<0.000000e+00> : vector<16x256xf32>
    %dot_general3A_27 = tpu.matmul %convert_element_type3A_23, %max3A_15, %dot_general3A {dimension_numbers = #tpu.dot_dimension_numbers<[1], [0], [0], [1], [0, 0, 1, 1], [], []>, transpose_lhs_hint = false} : vector<16x1000xf32>, vector<1000x256xf32>, vector<16x256xf32> -> vector<16x256xf32>
    %add3A_28 = arith.addf %get3A_26, %dot_general3A_27 : vector<16x256xf32>
    %swap3A = arith.constant 0 : index
    %swap3A_29 = arith.constant 0 : index
    %swap3A_30 = vector.load %arg9[%swap3A, %swap3A_29] : memref<16x256xf32, #tpu.memory_space<vmem>>, vector<16x256xf32>
    tpu.vector_store %arg9[%swap3A, %swap3A_29], %add3A_28 {strides = array<i32>} : memref<16x256xf32, #tpu.memory_space<vmem>>, vector<16x256xf32>,
    %reduce_sum3A = arith.constant dense<0.000000e+00> : vector<16xf32>
    %reduce_sum3A_31 = vector.multi_reduction <add>, %convert_element_type3A_23, %reduce_sum3A [1] : vector<16x1000xf32> to vector<16xf32>
    %broadcast_in_dim3A_32 = vector.shape_cast %reduce_sum3A_31 : vector<16xf32> to vector<16x1xf32>
    %get3A_33 = arith.constant 0 : index
    %get3A_34 = arith.constant 0 : index
    %get3A_35 = vector.load %arg10[%get3A_33, %get3A_34] : memref<16x128xf32, #tpu.memory_space<vmem>>, vector<16x128xf32>
    %broadcast_in_dim3A_36 = vector.shape_cast %broadcast_in_dim3A_32 : vector<16x1xf32> to vector<16x1xf32>
    %broadcast_in_dim3A_37 = vector.broadcast %broadcast_in_dim3A_36 : vector<16x1xf32> to vector<16x128xf32>
    %add3A_38 = arith.addf %get3A_35, %broadcast_in_dim3A_37 : vector<16x128xf32>
    %swap3A_39 = arith.constant 0 : index
    %swap3A_40 = arith.constant 0 : index
    %swap3A_41 = vector.load %arg10[%swap3A_39, %swap3A_40] : memref<16x128xf32, #tpu.memory_space<vmem>>, vector<16x128xf32>
    tpu.vector_store %arg10[%swap3A_39, %swap3A_40], %add3A_38 {strides = array<i32>} : memref<16x128xf32, #tpu.memory_space<vmem>>, vector<16x128xf32>,
    %eq3A_42 = arith.constant 9 : i32
    %eq3A_43 = arith.cmpi eq, %arg0, %eq3A_42 : i32
    %convert_element_type3A_44 = arith.extui %eq3A_43 : i1 to i32
    %cond3A_45 = arith.constant 0 : i32
    %cond3A_46 = arith.cmpi ne, %convert_element_type3A_44, %cond3A_45 : i32
    scf.if %cond3A_46 {
      %get3A_47 = arith.constant 0 : index
      %get3A_48 = arith.constant 0 : index
      %get3A_49 = vector.load %arg10[%get3A_47, %get3A_48] : memref<16x128xf32, #tpu.memory_space<vmem>>, vector<16x1xf32>
      %max3A_50 = arith.constant 1.000000e+00 : f32
      %max3A_51 = vector.broadcast %max3A_50 : f32 to vector<16x1xf32>
      %max3A_52 = arith.maximumf %get3A_49, %max3A_51 : vector<16x1xf32>
      %get3A_53 = arith.constant 0 : index
      %get3A_54 = arith.constant 0 : index
      %get3A_55 = vector.load %arg9[%get3A_53, %get3A_54] : memref<16x256xf32, #tpu.memory_space<vmem>>, vector<16x256xf32>
      %div3A = vector.broadcast %max3A_52 : vector<16x1xf32> to vector<16x256xf32>
      %div3A_56 = arith.divf %get3A_55, %div3A : vector<16x256xf32>
      %get3A_57 = arith.constant 0 : index
      %get3A_58 = arith.constant 0 : index
      %get3A_59 = vector.load %arg4[%get3A_57, %get3A_58] : memref<256x256xf32, #tpu.memory_space<vmem>>, vector<256x256xf32>
      %dot_general3A_60 = arith.constant dense<0.000000e+00> : vector<16x256xf32>
      %dot_general3A_61 = tpu.matmul %div3A_56, %get3A_59, %dot_general3A_60 {dimension_numbers = #tpu.dot_dimension_numbers<[1], [0], [0], [1], [0, 0, 1, 1], [], []>, transpose_lhs_hint = false} : vector<16x256xf32>, vector<256x256xf32>, vector<16x256xf32> -> vector<16x256xf32>
      %get3A_62 = arith.constant 0 : index
      %get3A_63 = arith.constant 0 : index
      %get3A_64 = vector.load %arg5[%get3A_62, %get3A_63] : memref<1x256xf32, #tpu.memory_space<vmem>>, vector<1x256xf32>
      %add3A_65 = vector.broadcast %get3A_64 : vector<1x256xf32> to vector<16x256xf32>
      %add3A_66 = arith.addf %dot_general3A_61, %add3A_65 : vector<16x256xf32>
      %max3A_67 = arith.constant 0.000000e+00 : f32
      %max3A_68 = vector.broadcast %max3A_67 : f32 to vector<16x256xf32>
      %max3A_69 = arith.maximumf %add3A_66, %max3A_68 : vector<16x256xf32>
      %get3A_70 = arith.constant 0 : index
      %get3A_71 = arith.constant 0 : index
      %get3A_72 = vector.load %arg6[%get3A_70, %get3A_71] : memref<256x10xf32, #tpu.memory_space<vmem>>, vector<256x10xf32>
      %dot_general3A_73 = arith.constant dense<0.000000e+00> : vector<16x10xf32>
      %dot_general3A_74 = tpu.matmul %max3A_69, %get3A_72, %dot_general3A_73 {dimension_numbers = #tpu.dot_dimension_numbers<[1], [0], [0], [1], [0, 0, 1, 1], [], []>, transpose_lhs_hint = false} : vector<16x256xf32>, vector<256x10xf32>, vector<16x10xf32> -> vector<16x10xf32>
      %get3A_75 = arith.constant 0 : index
      %get3A_76 = arith.constant 0 : index
      %get3A_77 = vector.load %arg7[%get3A_75, %get3A_76] : memref<1x10xf32, #tpu.memory_space<vmem>>, vector<1x10xf32>
      %add3A_78 = vector.broadcast %get3A_77 : vector<1x10xf32> to vector<16x10xf32>
      %add3A_79 = arith.addf %dot_general3A_74, %add3A_78 : vector<16x10xf32>
      %slice3A = vector.extract_strided_slice %add3A_79 {offsets = [0, 0], sizes = [10, 10], strides = [1, 1]} : vector<16x10xf32> to vector<10x10xf32>
      %swap3A_80 = arith.constant 0 : index
      %swap3A_81 = arith.constant 0 : index
      %swap3A_82 = vector.load %arg8[%swap3A_80, %swap3A_81] : memref<10x10xf32, #tpu.memory_space<vmem>>, vector<10x10xf32>
      tpu.vector_store %arg8[%swap3A_80, %swap3A_81], %slice3A {strides = array<i32>} : memref<10x10xf32, #tpu.memory_space<vmem>>, vector<10x10xf32>,
    } else {
    }
    return
  }
  func.func @transform_0(%arg0: i32) -> (i32, i32) {
    %c0_i32 = arith.constant 0 : i32
    %c0_i32_0 = arith.constant 0 : i32
    return %arg0, %c0_i32 : i32, i32
  }
  func.func @transform_1(%arg0: i32) -> (i32, i32, i32) {
    %c0_i32 = arith.constant 0 : i32
    %c0_i32_0 = arith.constant 0 : i32
    %c0_i32_1 = arith.constant 0 : i32
    return %c0_i32, %arg0, %c0_i32_0 : i32, i32, i32
  }
  func.func @transform_2(%arg0: i32) -> (i32, i32, i32) {
    %c0_i32 = arith.constant 0 : i32
    %c0_i32_0 = arith.constant 0 : i32
    %c0_i32_1 = arith.constant 0 : i32
    return %arg0, %c0_i32, %c0_i32_0 : i32, i32, i32
  }
  func.func @transform_3(%arg0: i32) -> (i32, i32) {
    %c0_i32 = arith.constant 0 : i32
    %c0_i32_0 = arith.constant 0 : i32
    %c0_i32_1 = arith.constant 0 : i32
    return %c0_i32, %c0_i32_0 : i32, i32
  }
  func.func @transform_4(%arg0: i32) -> (i32, i32) {
    %c0_i32 = arith.constant 0 : i32
    %c0_i32_0 = arith.constant 0 : i32
    %c0_i32_1 = arith.constant 0 : i32
    return %c0_i32, %c0_i32_0 : i32, i32
  }
  func.func @transform_5(%arg0: i32) -> (i32, i32) {
    %c0_i32 = arith.constant 0 : i32
    %c0_i32_0 = arith.constant 0 : i32
    %c0_i32_1 = arith.constant 0 : i32
    return %c0_i32, %c0_i32_0 : i32, i32
  }
  func.func @transform_6(%arg0: i32) -> (i32, i32) {
    %c0_i32 = arith.constant 0 : i32
    %c0_i32_0 = arith.constant 0 : i32
    %c0_i32_1 = arith.constant 0 : i32
    return %c0_i32, %c0_i32_0 : i32, i32
  }
  func.func @transform_7(%arg0: i32) -> (i32, i32) {
    %c0_i32 = arith.constant 0 : i32
    %c0_i32_0 = arith.constant 0 : i32
    %c0_i32_1 = arith.constant 0 : i32
    return %c0_i32, %c0_i32_0 : i32, i32
  }
}

</mosaic_0001>

<sc_bundles>
// kernel: kernel.12.cloned.1.call-start
scs
__scs_entry_jumppad:
0x0: {  	(pc) =	sbr.rel $0x88, $3  }
0x1: {  	(tag) =	ssettag $0x0;
	lr =	simm.s32 $0x1  }
0x2: {  	[smem:$0x3F8E] =	sst lr;
	_ =	strace $0xD0000000  }
0x3: {  	_ = 	snop  }
0x4: {  	_ = 	snop  }
0x5: {  	_ = 	snop  }
0x6: {  	_ = 	snop  }
0x7: {  	_ = 	snop  }
__scs_overlays_trampoline_lowered:
0x8: {  	[smem:$0x3F9D] =	sst s0  }
0x9: {  	[smem:$0x3F9E] =	sst s1  }
0xa: {  	[smem:$0x3F9F] =	sst s2  }
0xb: {  	[smem:$0x3FA0] =	sst s3  }
0xc: {  	[smem:$0x3FA1] =	sst s4  }
0xd: {  	[smem:$0x3FA2] =	sst s5  }
0xe: {  	[smem:$0x3FA3] =	sst s6  }
0xf: {  	[smem:$0x3FA4] =	sst s7  }
0x10: {  	[smem:$0x3FA5] =	sst s8  }
0x11: {  	[smem:$0x3FA6] =	sst s9;
	s0 =	simm.s32 @!p0 $0x0  }
0x12: {  	s1 =	sld [smem:$0x3F8C];
	s0 =	simm.s32 @p0 $0x1  }
0x13: {  	[smem:$0x3FA7] =	sst s0;
	s0 =	simm.s32 @!p1 $0x0  }
0x14: {  	s2 =	sld [smem:$0x3F8B];
	s0 =	simm.s32 @p1 $0x1  }
0x15: {  	[smem:$0x3FA8] =	sst s0;
	s0 =	simm.s32 @!p2 $0x0  }
0x16: {  	s3 =	sld [smem:$0x3FDB];
	s0 =	simm.s32 @p2 $0x1  }
0x17: {  	s4 =	simm.s32 $0x1BF5;
	[smem:$0x3FAA] =	sst s0  }
0x18: {  	s0 =	sld [smem:$0x3F8D];
	_ =	swait.ge [sflag:s4], $0x0  }
0x19: {  	s7 =	sld [smem:$0x3F8E]  }
0x1a: {  	s8 =	sadd.s32 $0xFFFFE003, lr  }
0x1b: {  	s9 =	sadd.s32 $0xFFFFFEF7, lr;
	s5 =	simm.s32 $0xFFFFFFFF;
	p2 =	slt.u32 s8, $0xFFFFF086  }
0x1c: {  	p1 =	slt.u32 s9, $0xF7A;
	s5 =	simm.s32 @!p2 $0x0  }
0x1d: {  	s5 =	simm.s32 @p1 $0x1;
	p0 =	seq.s32 s7, s2  }
0x1e: {  	s7 =	smul.u32 @!p0 $0xF7A, s2;
	p2 =	seq.s32 @!p0 s5, $0x0  }
0x1f: {  	s9 =	smul.u32 $0xF7A, s1;
	s8 =	simm.s32 @!p0 $0x1BF5;
	p2 =	por !p2, p0  }
0x20: {  	[sflag:s8] =	ssyncset.s32 @!p0 $0xFFFFF086;
	s6 =	sadd.s32 @!p0 s3, s7;
	s7 =	simm.s32 @!p0 $0x108  }
0x21: {  	s3 =	sadd.s32 s3, s9;
	s6 =	sadd.s32 @!p0 $0x88, s6;
	s7 =	simm.s32 @p2 $0x1082  }
0x22: {  	[simem:s7], [sflag:s8] =	dma.local @!p0 [hbm:s6], $0xF7A  }
0x23: {  	s9 =	sor.u32 $0xD0000000, s2;
	s6 =	simm.s32 $0x108;
	_ =	swait.ge @!p0 [sflag:s8], $0x0  }
0x24: {  	s3 =	sadd.s32 $0x88, s3;
	s6 =	simm.s32 @!p1 $0x1082;
	[sflag:s4] =	ssyncset.s32 $0xFFFFF086  }
0x25: {  	[simem:s6], [sflag:s4] =	dma.local [hbm:s3], $0xF7A  }
0x26: {  	[smem:$0x3F8E] =	sst s1;
	(tag) =	ssettag s2;
	_ =	strace s9  }
0x27: {  	s1 =	sld [smem:$0x3F9E]  }
0x28: {  	s2 =	sld [smem:$0x3F9F]  }
0x29: {  	s4 =	sld [smem:$0x3FA1]  }
0x2a: {  	p0 =	seq.s32 s5, $0x0;
	s5 =	sld [smem:$0x3FA2]  }
0x2b: {  	s6 =	sld [smem:$0x3FA3]  }
0x2c: {  	s7 =	sld [smem:$0x3FA4]  }
0x2d: {  	s3 =	simm.s32 $0x108;
	s8 =	sld [smem:$0x3FA5]  }
0x2e: {  	s3 =	simm.s32 @!p0 $0x1082;
	s9 =	sld [smem:$0x3FA6]  }
0x2f: {  	lr =	sadd.s32 s0, s3;
	s0 =	sld [smem:$0x3F9D]  }
0x30: {  	s3 =	sld [smem:$0x3FA0]  }
0x31: {  	[smem:$0x3FA9] =	sst s10  }
0x32: {  	s10 =	sld [smem:$0x3FA7];
	_ =	sdelay $0x3  }
0x33: {  	p0 =	seq.s32 s10, $0x1;
	s10 =	sld [smem:$0x3FA9];
	_ =	sdelay $0x3  }
0x34: {  	[smem:$0x3FA9] =	sst s10  }
0x35: {  	s10 =	sld [smem:$0x3FA8];
	_ =	sdelay $0x3  }
0x36: {  	p1 =	seq.s32 s10, $0x1;
	s10 =	sld [smem:$0x3FA9];
	_ =	sdelay $0x3  }
0x37: {  	[smem:$0x3FA9] =	sst s10  }
0x38: {  	s10 =	sld [smem:$0x3FAA]  }
0x39: {  	_ = 	snop;
	(pc) =	sbr.ind lr, $3  }
0x3a: {  	_ = 	snop  }
0x3b: {  	_ = 	snop  }
0x3c: {  	p2 =	seq.s32 s10, $0x1;
	s10 =	sld [smem:$0x3FA9]  }
0x3d: {  	_ =	shalt  }
0x3e: {  	_ =	shalt  }
0x3f: {  	_ =	shalt  }
0x40: {  	_ =	shalt  }
0x41: {  	_ =	shalt  }
0x42: {  	_ =	shalt  }
0x43: {  	_ =	shalt  }
0x44: {  	_ =	shalt  }
0x45: {  	_ =	shalt  }
0x46: {  	_ =	shalt  }
0x47: {  	_ =	shalt  }
0x48: {  	_ =	shalt  }
0x49: {  	_ =	shalt  }
0x4a: {  	_ =	shalt  }
0x4b: {  	_ =	shalt  }
0x4c: {  	_ =	shalt  }
0x4d: {  	_ =	shalt  }
0x4e: {  	_ =	shalt  }
0x4f: {  	_ =	shalt  }
0x50: {  	_ =	shalt  }
0x51: {  	_ =	shalt  }
0x52: {  	_ =	shalt  }
0x53: {  	_ =	shalt  }
0x54: {  	_ =	shalt  }
0x55: {  	_ =	shalt  }
0x56: {  	_ =	shalt  }
0x57: {  	_ =	shalt  }
0x58: {  	_ =	shalt  }
0x59: {  	_ =	shalt  }
0x5a: {  	_ =	shalt  }
0x5b: {  	_ =	shalt  }
0x5c: {  	_ =	shalt  }
0x5d: {  	_ =	shalt  }
0x5e: {  	_ =	shalt  }
0x5f: {  	_ =	shalt  }
0x60: {  	_ =	shalt  }
0x61: {  	_ =	shalt  }
0x62: {  	_ =	shalt  }
0x63: {  	_ =	shalt  }
0x64: {  	_ =	shalt  }
0x65: {  	_ =	shalt  }
0x66: {  	_ =	shalt  }
0x67: {  	_ =	shalt  }
0x68: {  	_ =	shalt  }
0x69: {  	_ =	shalt  }
0x6a: {  	_ =	shalt  }
0x6b: {  	_ =	shalt  }
0x6c: {  	_ =	shalt  }
0x6d: {  	_ =	shalt  }
0x6e: {  	_ =	shalt  }
0x6f: {  	_ =	shalt  }
0x70: {  	_ =	shalt  }
0x71: {  	_ =	shalt  }
0x72: {  	_ =	shalt  }
0x73: {  	_ =	shalt  }
0x74: {  	_ =	shalt  }
0x75: {  	_ =	shalt  }
0x76: {  	_ =	shalt  }
0x77: {  	_ =	shalt  }
0x78: {  	_ =	shalt  }
0x79: {  	_ =	shalt  }
0x7a: {  	_ =	shalt  }
0x7b: {  	_ =	shalt  }
0x7c: {  	_ =	shalt  }
0x7d: {  	_ =	shalt  }
0x7e: {  	_ =	shalt  }
0x7f: {  	_ =	shalt  }
0x80: {  	_ =	shalt  }
0x81: {  	_ =	shalt  }
0x82: {  	_ =	shalt  }
0x83: {  	_ =	shalt  }
0x84: {  	_ =	shalt  }
0x85: {  	_ =	shalt  }
0x86: {  	_ =	shalt  }
0x87: {  	_ =	shalt  }
.Lfunc_end0:
.L_simem_size_0:
called_computation.1_lowered:
.L_overlay_start_0:
0x88: {  	s2 =	sld [smem:$0x3FD9]  }
0x89: {  	s3 =	sld [smem:$0x3FFE];
	_ =	sdelay $0x1  }
0x8a: {  	s1 =	srdreg.scid  }
0x8b: {  	s0 =	sand.u32 $0x1, s1  }
0x8c: {  	s16 =	sshll.u32 s0, $0xA;
	s2 =	sadd.s32 s3, s2  }
0x8d: {  	s2 =	sadd.s32 s2, s16  }
0x8e: {  	[smem:$0x3FB5] =	sst s2  }
0x8f: {  	_ = 	snop  }
0x90: {  	(tm) =	ssettm $0x1  }
0x91: {  	s17 =	sld [smem:$0x3FFB];
	_ =	sdelay $0x3  }
0x92: {  	_ =	strace s17  }
0x93: {  	s2 =	sld [smem:$0x3FFC];
	_ =	sdelay $0x3  }
0x94: {  	_ =	strace s2  }
0x95: {  	s2 =	sld [smem:$0x3FFD];
	_ =	sdelay $0x3  }
0x96: {  	_ =	strace s2  }
0x97: {  	_ =	strace $0x8FFFFFFF  }
0x98: {  	s18 =	sld [smem:$0x3FDB];
	_ =	sdelay $0x1  }
0x99: {  	s19 =	simm.s32 $_scs_section_size  }
0x9a: {  	s4 =	simm.s32 $_size__tile_overlayer_lowered;
	s5 =	simm.s32 $_tile_overlayer_lowered  }
0x9b: {  	s22 =	simm.s32 $0x1BFF;
	s21 =	sshll.u32 s5, $0x1;
	s2 =	sadd.s32 s19, s18  }
0x9c: {  	s6 =	simm.s32 $0x0;
	s20 =	sshll.u32 s4, $0x1;
	s4 =	sadd.s32 s21, s2  }
0x9d: {  	[timem:s6], [sflag:s22] =	dma.local [hbm:s4], s20  }
0x9e: {  	_ =	swait.ge [sflag:s22], s20  }
0x9f: {  	s3 =	ssub.s32 $0x0, s20;
	[sflag:s22] =	ssyncset.done $0x0  }
0xa0: {  	[sflag:s22] =	ssyncadd.s32 s3;
	_ =	sdelay $0x1  }
0xa1: {  	s23 =	simm.s32 $0x1B8B  }
0xa2: {  	_ =	swait.ge [sflag:s23], $0x1  }
0xa3: {  	[sflag:s23] =	ssyncset.done $0x0  }
0xa4: {  	s25 =	simm.s32 $0x1B8E;
	s24 =	sld [smem:$0x3FFE];
	[sflag:s23] =	ssyncadd.s32 $0xFFFFFFFF  }
0xa5: {  	s26 =	simm.s32 $execute0_lowered;
	[smem:$0x3FD2] =	sst s25  }
0xa6: {  	s4 =	sshll.u32 s26, $0x1;
	_ =	strace $0x80000049;
	[dreg:$0x1] =	wrdreg $0xFFFFFFFF  }
0xa7: {  	s28 =	simm.s32 $_size_execute0_lowered;
	s2 =	sadd.s32 s2, s4;
	[dreg:$0x0] =	wrdreg $0x0  }
0xa8: {  	s4 =	sshll.u32 s28, $0x1;
	[dreg:$0x2] =	wrdreg s2  }
0xa9: {  	[dreg:$0x3] =	wrdreg s4  }
0xaa: {  	[dreg:$0x4] =	wrdreg $0xC0  }
0xab: {  	_ =	task [dreg:s6], $0x5FFFF  }
0xac: {  	[dreg:$0x1] =	wrdreg $0xFFFFFFFF  }
0xad: {  	[dreg:$0x0] =	wrdreg $0x60  }
0xae: {  	[dreg:$0x2] =	wrdreg s24  }
0xaf: {  	[dreg:$0x3] =	wrdreg $0x0  }
0xb0: {  	[dreg:$0x4] =	wrdreg $0x9  }
0xb1: {  	_ =	task.clear_ibuf [dreg:s6], $0x5FFFF;
	_ =	strace $0x90000049  }
0xb2: {  	s29 =	simm.s32 $0x9;
	_ =	strace $0x8000004B  }
0xb3: {  	_ =	swait.ge [sflag:s29], $0x1  }
0xb4: {  	[sflag:s29] =	ssyncadd.s32 $0xFFFFFFFF  }
0xb5: {  	_ =	strace $0x9000004B  }
0xb6: {  	_ =	sfence  }
0xb7: {  	s30 =	sld [smem:$0x0];
	_ =	sdelay $0x2  }
0xb8: {  	s31 =	sshll.u32 s1, $0xD;
	s1 =	sshrl.u32 s1, $0x2  }
0xb9: {  	s3 =	sand.u32 $0x4000, s31;
	s1 =	sadd.s32 s1, s30  }
0xba: {  	s0 =	sor.u32 s3, s0;
	s1 =	sshll.u32 s1, $0x11  }
0xbb: {  	s0 =	sor.u32 s1, s0  }
0xbc: {  	s0 =	sadd.s32 $0x8F2B, s0  }
0xbd: {  	[sflag:s0] =	ssyncadd.remote.s32 $0x1  }
0xbe: {  	_ =	sfence.sel $0xFFFF  }
0xbf: {  	[dreg:$0x0] =	wrdreg $0xFFFFFFFF;
	(pc) =	sbr.abs _section_cstart, $3  }
0xc0: {  	[dreg:$0x1] =	wrdreg $0xFFFFFFFF  }
0xc1: {  	_ =	task.clear_ibuf [dreg:s6], $0x2FFFF;
	_ =	strace $0x9FFFFFFF  }
0xc2: {  	(tm) =	ssettm $0x7FFFFFFF  }
0xc3: {  	_ =	shalt  }
tec
execute0_lowered:
.L_overlay_start_1:
0x0: {  	(tag) =	ssettag $0x1  }
0x1: {  	s0 =	rddreg [dreg:$0x0]  }
0x2: {  	s1 =	rddreg [dreg:$0x1];
	s2 =	srdreg.scid;
	s4 =	simm.s32 $0x0  }
0x3: {  	s23 =	stileid.u32;
	s19 =	simm.s32 $0x14000;
	s28 =	simm.s32 $0x1E000  }
0x4: {  	s29 =	simm.s32 $0x1;
	s30 =	simm.s32 $0x3;
	s31 =	simm.s32 $0x2  }
0x5: {  	s2 =	sand.u32 $0x1, s2;
	[smem:$0x7FF] =	sst s4;
	s7 =	smul.u32 $0xA00, s23  }
0x6: {  	s4 =	sadd.s32 $0x21A00, s0;
	s6 =	sadd.s32 $0xDA00, s0;
	s10 =	smul.u32 $0x50000, s23  }
0x7: {  	s8 =	sadd.s32 $0x3A00, s0;
	s0 =	sadd.s32 $0xBDE00, s0;
	s20 =	smul.u32 $0x5000, s23  }
0x8: {  	s25 =	smul.u32 $0x2800, s23;
	p0 =	seq.s32 s23, $0xF;
	s3 =	sshll.u32 s2, $0x4  }
0x9: {  	_ =	strace $0x8000004A;
	s9 =	ssub.s32 $0x2, s2;
	s22 =	smul.u32 $0x27100, s2  }
0xa: {  	s2 =	smul.u32 $0x138800, s2;
	s3 =	sor.u32 s23, s3;
	s11 =	sshrl.u32 s9, $0x1  }
0xb: {  	s7 =	sadd.s32 s8, s7;
	s21 =	sshrl.u32 s10, $0x2;
	s5 =	smul.u32 $0xA00, s3  }
0xc: {  	s23 =	simm.s32 $0x16000;
	s3 =	smul.u32 $0x5000, s3;
	s18 =	ssub.s32 s9, s11  }
0xd: {  	[dreg:$0x4] =	wrdreg s7;
	s7 =	sadd.s32 s21, s1;
	s2 =	sshrl.u32 s2, $0x3  }
0xe: {  	s26 =	sadd.s32 s25, s22;
	s21 =	simm.s32 $0x15000;
	s22 =	simm.s32 $0x80  }
0xf: {  	s2 =	sadd.s32 s0, s2;
	s16 =	sadd.s32 s0, s26;
	s0 =	sadd.s32 $0x12C000, s1  }
0x10: {  	s18 =	smax.u32 s18, $0x1;
	s26 =	simm.s32 $0x1A000;
	s5 =	sadd.s32 s6, s5  }
0x11: {  	s3 =	sshrl.u32 s3, $0x3;
	s17 =	sadd.s32 $0x25800, s2;
	s25 =	sshrl.u32 @p0 s0, $0x3  }
0x12: {  	s0 =	simm.s32 $0x4;
	s2 =	simm.s32 $0x15F00;
	[dreg:$0x3] =	wrdreg s5  }
0x13: {  	s3 =	sadd.s32 s6, s3;
	s5 =	sshrl.u32 s20, $0x3;
	s20 =	simm.s32 $0x5  }
0x14: {  	s6 =	sadd.s32 $0x200, s3;
	s5 =	sadd.s32 s8, s5;
	s24 =	sadd.s32 $0x400, s3  }
0x15: {  	s12 =	sadd.s32 $0x600, s3;
	s14 =	sadd.s32 $0x800, s3;
	[dreg:$0x5] =	wrdreg s6  }
0x16: {  	s3 =	simm.s32 $0x15F80;
	s8 =	sadd.s32 $0x200, s5;
	[dreg:$0x7] =	wrdreg s24  }
0x17: {  	s11 =	sadd.s32 $0x400, s5;
	s13 =	sadd.s32 $0x600, s5;
	s15 =	sadd.s32 $0x800, s5  }
0x18: {  	v0 =	vimm.f32 $0.0e+00;
	s24 =	simm.s32 $0x14080;
	s5 =	simm.s32 $0x0;
	[dreg:$0x6] =	wrdreg s8  }
.LBB2_1:
0x19: {  	s6 =	simm.s32 $0x0;
	s8 =	rddreg [dreg:$0x3]  }
0x1a: {  	[tilespmem:s19], [sflag:$0x5] =	stream.linear.gather [hbm4b:s8+s6], $0x1000, $0x38;
	[tilespmem:$0x1E800] =	vst v63  }
0x1b: {  	_ =	swait.ge [sflag:s20], $0x1000  }
0x1c: {  	[sflag:s20] =	ssyncset.done $0x0  }
0x1d: {  	s10 =	rddreg [dreg:$0x4];
	[sflag:s20] =	ssyncadd.s32 $0xFFFFF000  }
0x1e: {  	[tilespmem:s21], [sflag:$0x5] =	stream.linear.gather [hbm4b:s10+s6], $0x1000, $0x38;
	[tilespmem:$0x1E800] =	vst v63  }
0x1f: {  	_ =	swait.ge [sflag:s20], $0x1000  }
0x20: {  	[sflag:s20] =	ssyncset.done $0x0  }
0x21: {  	[sflag:s20] =	ssyncadd.s32 $0xFFFFF000  }
0x22: {  	[tilespmem:s23], [sflag:$0x1] =	stream.indirect.gather [hbm4b:s4+s22], $0x80, s19, s22, $0xb8;
	[tilespmem:$0x1E800] =	vst v63  }
0x23: {  	s8 =	simm.s32 $0x0;
	s6 =	simm.s32 $0x0  }
0x24: {  	[tilespmem:s26], [sflag:$0x2] =	stream.indirect.gather [hbm4b:s4+s22], $0x80, s24, s22, $0xb8;
	[tilespmem:$0x1E800] =	vst v63  }
.LBB2_2:
0x25: {  	p1 =	sne.s32 s8, $0x1FC0  }
.Ltmp0:
0x26: {  	_ = 	snop;
	(pc) =	sbr.rel @p1 .LBB2_2-.Ltmp0, $4  }
0x27: {  	s9 =	sand.u32 $0x1E00, s8  }
0x28: {  	s10 =	sand.u32 $0x70, s6;
	s9 =	sshrl.u32 s9, $0x2  }
0x29: {  	s9 =	sor.u32 s10, s9  }
0x2a: {  	s6 =	sadd.s32 $0x10, s6;
	s8 =	sadd.s32 $0x40, s8;
	[tilespmem:s9+$0x1E000] =	vst v0  }
0x2b: {  	s6 =	sadd.s32 $0x0, s7  }
0x2c: {  	[spmem:s6] =	stream.linear.scatter [tilespmem:s28], [sflag:$0x5], $0x800, $0x38;
	[tilespmem:$0x1E800] =	vst v63  }
0x2d: {  	s6 =	simm.s32 $0x2000;
	_ =	swait.ge [sflag:s20], $0x800  }
.LBB2_4:
0x2e: {  	s8 =	sshra.s32 s6, $0x2;
	[sflag:s20] =	ssyncset.done $0x0;
	p1 =	sne.s32 s6, $0x4E000  }
.Ltmp1:
0x2f: {  	s8 =	sadd.s32 s8, s7;
	[sflag:s20] =	ssyncadd.s32 $0xFFFFF800;
	(pc) =	sbr.rel @p1 .LBB2_4-.Ltmp1, $3  }
0x30: {  	[spmem:s8] =	stream.linear.scatter [tilespmem:s28], [sflag:$0x5], $0x800, $0x38;
	[tilespmem:$0x1E800] =	vst v63  }
0x31: {  	s6 =	sadd.s32 $0x2000, s6;
	_ =	sdelay $0x1  }
0x32: {  	_ =	swait.ge [sflag:s20], $0x800  }
0x33: {  	[sflag:s20] =	ssyncset.done $0x0  }
0x34: {  	[sflag:s20] =	ssyncadd.s32 $0xFFFFF800  }
0x35: {  	[bflag:$0x0] =	sbarrier.arrive $0xFFFF  }
0x36: {  	_ =	swait.ge [sflag:s29], $0x4000  }
0x37: {  	[sflag:s29] =	ssyncset.done $0x0  }
0x38: {  	s6 =	simm.s32 $0x15000;
	[sflag:s29] =	ssyncadd.s32 $0xFFFFC000  }
0x39: {  	[spmem:s1] =	stream.indirect.scatter.add.f32 [tilespmem:s23], [sflag:$0x3], $0x80, s6, s22, $0xb8;
	[tilespmem:$0x1E800] =	vst v63  }
0x3a: {  	_ =	swait.ge [sflag:s30], $0x4000  }
0x3b: {  	[sflag:s30] =	ssyncset.done $0x0  }
0x3c: {  	s9 =	simm.s32 $0x14100;
	[sflag:s30] =	ssyncadd.s32 $0xFFFFC000  }
0x3d: {  	[tilespmem:s23], [sflag:$0x1] =	stream.indirect.gather [hbm4b:s4+s22], $0x80, s9, s22, $0xb8;
	[tilespmem:$0x1E800] =	vst v63  }
0x3e: {  	_ =	swait.ge [sflag:s31], $0x4000  }
0x3f: {  	[sflag:s31] =	ssyncset.done $0x0  }
0x40: {  	s10 =	simm.s32 $0x15080;
	[sflag:s31] =	ssyncadd.s32 $0xFFFFC000  }
0x41: {  	[spmem:s1] =	stream.indirect.scatter.add.f32 [tilespmem:s26], [sflag:$0x4], $0x80, s10, s22, $0xb8;
	[tilespmem:$0x1E800] =	vst v63  }
0x42: {  	_ =	swait.ge [sflag:s0], $0x4000  }
0x43: {  	[sflag:s0] =	ssyncset.done $0x0  }
0x44: {  	s8 =	simm.s32 $0x14180;
	s6 =	simm.s32 $0x400;
	[sflag:s0] =	ssyncadd.s32 $0xFFFFC000  }
.LBB2_6:
0x45: {  	[tilespmem:s26], [sflag:$0x2] =	stream.indirect.gather [hbm4b:s4+s22], $0x80, s8, s22, $0xb8;
	[tilespmem:$0x1E800] =	vst v63  }
0x46: {  	s8 =	smov.u32 s6  }
0x47: {  	p1 =	sne.s32 s6, $0x3800;
	s6 =	sadd.s32 $0x400, s6;
	_ =	swait.ge [sflag:s29], $0x4000  }
0x48: {  	s8 =	sshra.s32 s8, $0x2;
	[sflag:s29] =	ssyncset.done $0x0  }
0x49: {  	s9 =	sadd.s32 $0x15000, s8;
	[sflag:s29] =	ssyncadd.s32 $0xFFFFC000  }
0x4a: {  	[spmem:s1] =	stream.indirect.scatter.add.f32 [tilespmem:s23], [sflag:$0x3], $0x80, s9, s22, $0xb8;
	[tilespmem:$0x1E800] =	vst v63  }
0x4b: {  	_ =	swait.ge [sflag:s30], $0x4000  }
0x4c: {  	[sflag:s30] =	ssyncset.done $0x0  }
0x4d: {  	s9 =	sadd.s32 $0x14100, s8;
	[sflag:s30] =	ssyncadd.s32 $0xFFFFC000  }
0x4e: {  	[tilespmem:s23], [sflag:$0x1] =	stream.indirect.gather [hbm4b:s4+s22], $0x80, s9, s22, $0xb8;
	[tilespmem:$0x1E800] =	vst v63  }
0x4f: {  	_ =	swait.ge [sflag:s31], $0x4000  }
0x50: {  	[sflag:s31] =	ssyncset.done $0x0  }
.Ltmp2:
0x51: {  	s9 =	sadd.s32 $0x15080, s8;
	[sflag:s31] =	ssyncadd.s32 $0xFFFFC000;
	(pc) =	sbr.rel @p1 .LBB2_6-.Ltmp2, $4  }
0x52: {  	[spmem:s1] =	stream.indirect.scatter.add.f32 [tilespmem:s26], [sflag:$0x4], $0x80, s9, s22, $0xb8;
	[tilespmem:$0x1E800] =	vst v63  }
0x53: {  	_ =	swait.ge [sflag:s0], $0x4000  }
0x54: {  	[sflag:s0] =	ssyncset.done $0x0  }
0x55: {  	s8 =	sadd.s32 $0x14180, s8;
	[sflag:s0] =	ssyncadd.s32 $0xFFFFC000  }
0x56: {  	[tilespmem:s26], [sflag:$0x2] =	stream.indirect.gather [hbm4b:s4+s22], $0x80, s8, s22, $0xb8;
	[tilespmem:$0x1E800] =	vst v63  }
0x57: {  	_ =	swait.ge [sflag:s29], $0x4000  }
0x58: {  	[sflag:s29] =	ssyncset.done $0x0  }
0x59: {  	[sflag:s29] =	ssyncadd.s32 $0xFFFFC000  }
0x5a: {  	[spmem:s1] =	stream.indirect.scatter.add.f32 [tilespmem:s23], [sflag:$0x3], $0x80, s2, s22, $0xb8;
	[tilespmem:$0x1E800] =	vst v63  }
0x5b: {  	_ =	swait.ge [sflag:s31], $0x4000  }
0x5c: {  	[sflag:s31] =	ssyncset.done $0x0  }
0x5d: {  	[sflag:s31] =	ssyncadd.s32 $0xFFFFC000  }
0x5e: {  	[spmem:s1] =	stream.indirect.scatter.add.f32 [tilespmem:s26], [sflag:$0x4], $0x80, s3, s22, $0xb8;
	[tilespmem:$0x1E800] =	vst v63  }
0x5f: {  	_ =	swait.ge [sflag:s30], $0x4000  }
0x60: {  	[sflag:s30] =	ssyncset.done $0x0  }
0x61: {  	[sflag:s30] =	ssyncadd.s32 $0xFFFFC000  }
0x62: {  	_ =	swait.ge [sflag:s0], $0x4000  }
0x63: {  	[sflag:s0] =	ssyncset.done $0x0  }
0x64: {  	s6 =	simm.s32 $0x0;
	s9 =	rddreg [dreg:$0x5];
	[sflag:s0] =	ssyncadd.s32 $0xFFFFC000  }
0x65: {  	[tilespmem:s19], [sflag:$0x5] =	stream.linear.gather [hbm4b:s9+s6], $0x1000, $0x38;
	[tilespmem:$0x1E800] =	vst v63  }
0x66: {  	_ =	swait.ge [sflag:s20], $0x1000  }
0x67: {  	[sflag:s20] =	ssyncset.done $0x0  }
0x68: {  	s10 =	rddreg [dreg:$0x6];
	[sflag:s20] =	ssyncadd.s32 $0xFFFFF000  }
0x69: {  	[tilespmem:s21], [sflag:$0x5] =	stream.linear.gather [hbm4b:s10+s6], $0x1000, $0x38;
	[tilespmem:$0x1E800] =	vst v63  }
0x6a: {  	_ =	swait.ge [sflag:s20], $0x1000  }
0x6b: {  	[sflag:s20] =	ssyncset.done $0x0  }
0x6c: {  	[sflag:s20] =	ssyncadd.s32 $0xFFFFF000  }
0x6d: {  	[tilespmem:s23], [sflag:$0x1] =	stream.indirect.gather [hbm4b:s4+s22], $0x80, s19, s22, $0xb8;
	[tilespmem:$0x1E800] =	vst v63  }
0x6e: {  	_ = 	snop  }
0x6f: {  	[tilespmem:s26], [sflag:$0x2] =	stream.indirect.gather [hbm4b:s4+s22], $0x80, s24, s22, $0xb8;
	[tilespmem:$0x1E800] =	vst v63  }
0x70: {  	_ =	swait.ge [sflag:s29], $0x4000  }
0x71: {  	[sflag:s29] =	ssyncset.done $0x0  }
0x72: {  	s8 =	simm.s32 $0x15000;
	[sflag:s29] =	ssyncadd.s32 $0xFFFFC000  }
0x73: {  	[spmem:s1] =	stream.indirect.scatter.add.f32 [tilespmem:s23], [sflag:$0x3], $0x80, s8, s22, $0xb8;
	[tilespmem:$0x1E800] =	vst v63  }
0x74: {  	_ =	swait.ge [sflag:s30], $0x4000  }
0x75: {  	[sflag:s30] =	ssyncset.done $0x0  }
0x76: {  	s9 =	simm.s32 $0x14100;
	[sflag:s30] =	ssyncadd.s32 $0xFFFFC000  }
0x77: {  	[tilespmem:s23], [sflag:$0x1] =	stream.indirect.gather [hbm4b:s4+s22], $0x80, s9, s22, $0xb8;
	[tilespmem:$0x1E800] =	vst v63  }
0x78: {  	_ =	swait.ge [sflag:s31], $0x4000  }
0x79: {  	[sflag:s31] =	ssyncset.done $0x0  }
0x7a: {  	s10 =	simm.s32 $0x15080;
	[sflag:s31] =	ssyncadd.s32 $0xFFFFC000  }
0x7b: {  	[spmem:s1] =	stream.indirect.scatter.add.f32 [tilespmem:s26], [sflag:$0x4], $0x80, s10, s22, $0xb8;
	[tilespmem:$0x1E800] =	vst v63  }
0x7c: {  	_ =	swait.ge [sflag:s0], $0x4000  }
0x7d: {  	[sflag:s0] =	ssyncset.done $0x0  }
0x7e: {  	s6 =	simm.s32 $0x400;
	s8 =	simm.s32 $0x14180;
	[sflag:s0] =	ssyncadd.s32 $0xFFFFC000  }
.LBB2_8:
0x7f: {  	[tilespmem:s26], [sflag:$0x2] =	stream.indirect.gather [hbm4b:s4+s22], $0x80, s8, s22, $0xb8;
	[tilespmem:$0x1E800] =	vst v63  }
0x80: {  	s8 =	smov.u32 s6  }
0x81: {  	p1 =	sne.s32 s6, $0x3800;
	s6 =	sadd.s32 $0x400, s6;
	_ =	swait.ge [sflag:s29], $0x4000  }
0x82: {  	s8 =	sshra.s32 s8, $0x2;
	[sflag:s29] =	ssyncset.done $0x0  }
0x83: {  	s9 =	sadd.s32 $0x15000, s8;
	[sflag:s29] =	ssyncadd.s32 $0xFFFFC000  }
0x84: {  	[spmem:s1] =	stream.indirect.scatter.add.f32 [tilespmem:s23], [sflag:$0x3], $0x80, s9, s22, $0xb8;
	[tilespmem:$0x1E800] =	vst v63  }
0x85: {  	_ =	swait.ge [sflag:s30], $0x4000  }
0x86: {  	[sflag:s30] =	ssyncset.done $0x0  }
0x87: {  	s9 =	sadd.s32 $0x14100, s8;
	[sflag:s30] =	ssyncadd.s32 $0xFFFFC000  }
0x88: {  	[tilespmem:s23], [sflag:$0x1] =	stream.indirect.gather [hbm4b:s4+s22], $0x80, s9, s22, $0xb8;
	[tilespmem:$0x1E800] =	vst v63  }
0x89: {  	_ =	swait.ge [sflag:s31], $0x4000  }
0x8a: {  	[sflag:s31] =	ssyncset.done $0x0  }
.Ltmp3:
0x8b: {  	s9 =	sadd.s32 $0x15080, s8;
	[sflag:s31] =	ssyncadd.s32 $0xFFFFC000;
	(pc) =	sbr.rel @p1 .LBB2_8-.Ltmp3, $4  }
0x8c: {  	[spmem:s1] =	stream.indirect.scatter.add.f32 [tilespmem:s26], [sflag:$0x4], $0x80, s9, s22, $0xb8;
	[tilespmem:$0x1E800] =	vst v63  }
0x8d: {  	_ =	swait.ge [sflag:s0], $0x4000  }
0x8e: {  	[sflag:s0] =	ssyncset.done $0x0  }
0x8f: {  	s8 =	sadd.s32 $0x14180, s8;
	[sflag:s0] =	ssyncadd.s32 $0xFFFFC000  }
0x90: {  	[tilespmem:s26], [sflag:$0x2] =	stream.indirect.gather [hbm4b:s4+s22], $0x80, s8, s22, $0xb8;
	[tilespmem:$0x1E800] =	vst v63  }
0x91: {  	_ =	swait.ge [sflag:s29], $0x4000  }
0x92: {  	[sflag:s29] =	ssyncset.done $0x0  }
0x93: {  	[sflag:s29] =	ssyncadd.s32 $0xFFFFC000  }
0x94: {  	[spmem:s1] =	stream.indirect.scatter.add.f32 [tilespmem:s23], [sflag:$0x3], $0x80, s2, s22, $0xb8;
	[tilespmem:$0x1E800] =	vst v63  }
0x95: {  	_ =	swait.ge [sflag:s31], $0x4000  }
0x96: {  	[sflag:s31] =	ssyncset.done $0x0  }
0x97: {  	[sflag:s31] =	ssyncadd.s32 $0xFFFFC000  }
0x98: {  	[spmem:s1] =	stream.indirect.scatter.add.f32 [tilespmem:s26], [sflag:$0x4], $0x80, s3, s22, $0xb8;
	[tilespmem:$0x1E800] =	vst v63  }
0x99: {  	_ =	swait.ge [sflag:s30], $0x4000  }
0x9a: {  	[sflag:s30] =	ssyncset.done $0x0  }
0x9b: {  	[sflag:s30] =	ssyncadd.s32 $0xFFFFC000  }
0x9c: {  	_ =	swait.ge [sflag:s0], $0x4000  }
0x9d: {  	[sflag:s0] =	ssyncset.done $0x0  }
0x9e: {  	s6 =	simm.s32 $0x0;
	s10 =	rddreg [dreg:$0x7];
	[sflag:s0] =	ssyncadd.s32 $0xFFFFC000  }
0x9f: {  	[tilespmem:s19], [sflag:$0x5] =	stream.linear.gather [hbm4b:s10+s6], $0x1000, $0x38;
	[tilespmem:$0x1E800] =	vst v63  }
0xa0: {  	_ =	swait.ge [sflag:s20], $0x1000  }
0xa1: {  	[sflag:s20] =	ssyncset.done $0x0  }
0xa2: {  	[sflag:s20] =	ssyncadd.s32 $0xFFFFF000  }
0xa3: {  	[tilespmem:s21], [sflag:$0x5] =	stream.linear.gather [hbm4b:s11+s6], $0x1000, $0x38;
	[tilespmem:$0x1E800] =	vst v63  }
0xa4: {  	_ =	swait.ge [sflag:s20], $0x1000  }
0xa5: {  	[sflag:s20] =	ssyncset.done $0x0  }
0xa6: {  	[sflag:s20] =	ssyncadd.s32 $0xFFFFF000  }
0xa7: {  	[tilespmem:s23], [sflag:$0x1] =	stream.indirect.gather [hbm4b:s4+s22], $0x80, s19, s22, $0xb8;
	[tilespmem:$0x1E800] =	vst v63  }
0xa8: {  	_ = 	snop  }
0xa9: {  	[tilespmem:s26], [sflag:$0x2] =	stream.indirect.gather [hbm4b:s4+s22], $0x80, s24, s22, $0xb8;
	[tilespmem:$0x1E800] =	vst v63  }
0xaa: {  	_ =	swait.ge [sflag:s29], $0x4000  }
0xab: {  	[sflag:s29] =	ssyncset.done $0x0  }
0xac: {  	s8 =	simm.s32 $0x15000;
	[sflag:s29] =	ssyncadd.s32 $0xFFFFC000  }
0xad: {  	[spmem:s1] =	stream.indirect.scatter.add.f32 [tilespmem:s23], [sflag:$0x3], $0x80, s8, s22, $0xb8;
	[tilespmem:$0x1E800] =	vst v63  }
0xae: {  	_ =	swait.ge [sflag:s30], $0x4000  }
0xaf: {  	[sflag:s30] =	ssyncset.done $0x0  }
0xb0: {  	s9 =	simm.s32 $0x14100;
	[sflag:s30] =	ssyncadd.s32 $0xFFFFC000  }
0xb1: {  	[tilespmem:s23], [sflag:$0x1] =	stream.indirect.gather [hbm4b:s4+s22], $0x80, s9, s22, $0xb8;
	[tilespmem:$0x1E800] =	vst v63  }
0xb2: {  	_ =	swait.ge [sflag:s31], $0x4000  }
0xb3: {  	[sflag:s31] =	ssyncset.done $0x0  }
0xb4: {  	s10 =	simm.s32 $0x15080;
	[sflag:s31] =	ssyncadd.s32 $0xFFFFC000  }
0xb5: {  	[spmem:s1] =	stream.indirect.scatter.add.f32 [tilespmem:s26], [sflag:$0x4], $0x80, s10, s22, $0xb8;
	[tilespmem:$0x1E800] =	vst v63  }
0xb6: {  	_ =	swait.ge [sflag:s0], $0x4000  }
0xb7: {  	[sflag:s0] =	ssyncset.done $0x0  }
0xb8: {  	s6 =	simm.s32 $0x400;
	s8 =	simm.s32 $0x14180;
	[sflag:s0] =	ssyncadd.s32 $0xFFFFC000  }
.LBB2_10:
0xb9: {  	[tilespmem:s26], [sflag:$0x2] =	stream.indirect.gather [hbm4b:s4+s22], $0x80, s8, s22, $0xb8;
	[tilespmem:$0x1E800] =	vst v63  }
0xba: {  	s8 =	smov.u32 s6  }
0xbb: {  	p1 =	sne.s32 s6, $0x3800;
	s6 =	sadd.s32 $0x400, s6;
	_ =	swait.ge [sflag:s29], $0x4000  }
0xbc: {  	s8 =	sshra.s32 s8, $0x2;
	[sflag:s29] =	ssyncset.done $0x0  }
0xbd: {  	s9 =	sadd.s32 $0x15000, s8;
	[sflag:s29] =	ssyncadd.s32 $0xFFFFC000  }
0xbe: {  	[spmem:s1] =	stream.indirect.scatter.add.f32 [tilespmem:s23], [sflag:$0x3], $0x80, s9, s22, $0xb8;
	[tilespmem:$0x1E800] =	vst v63  }
0xbf: {  	_ =	swait.ge [sflag:s30], $0x4000  }
0xc0: {  	[sflag:s30] =	ssyncset.done $0x0  }
0xc1: {  	s9 =	sadd.s32 $0x14100, s8;
	[sflag:s30] =	ssyncadd.s32 $0xFFFFC000  }
0xc2: {  	[tilespmem:s23], [sflag:$0x1] =	stream.indirect.gather [hbm4b:s4+s22], $0x80, s9, s22, $0xb8;
	[tilespmem:$0x1E800] =	vst v63  }
0xc3: {  	_ =	swait.ge [sflag:s31], $0x4000  }
0xc4: {  	[sflag:s31] =	ssyncset.done $0x0  }
.Ltmp4:
0xc5: {  	s9 =	sadd.s32 $0x15080, s8;
	[sflag:s31] =	ssyncadd.s32 $0xFFFFC000;
	(pc) =	sbr.rel @p1 .LBB2_10-.Ltmp4, $4  }
0xc6: {  	[spmem:s1] =	stream.indirect.scatter.add.f32 [tilespmem:s26], [sflag:$0x4], $0x80, s9, s22, $0xb8;
	[tilespmem:$0x1E800] =	vst v63  }
0xc7: {  	_ =	swait.ge [sflag:s0], $0x4000  }
0xc8: {  	[sflag:s0] =	ssyncset.done $0x0  }
0xc9: {  	s8 =	sadd.s32 $0x14180, s8;
	[sflag:s0] =	ssyncadd.s32 $0xFFFFC000  }
0xca: {  	[tilespmem:s26], [sflag:$0x2] =	stream.indirect.gather [hbm4b:s4+s22], $0x80, s8, s22, $0xb8;
	[tilespmem:$0x1E800] =	vst v63  }
0xcb: {  	_ =	swait.ge [sflag:s29], $0x4000  }
0xcc: {  	[sflag:s29] =	ssyncset.done $0x0  }
0xcd: {  	[sflag:s29] =	ssyncadd.s32 $0xFFFFC000  }
0xce: {  	[spmem:s1] =	stream.indirect.scatter.add.f32 [tilespmem:s23], [sflag:$0x3], $0x80, s2, s22, $0xb8;
	[tilespmem:$0x1E800] =	vst v63  }
0xcf: {  	_ =	swait.ge [sflag:s31], $0x4000  }
0xd0: {  	[sflag:s31] =	ssyncset.done $0x0  }
0xd1: {  	[sflag:s31] =	ssyncadd.s32 $0xFFFFC000  }
0xd2: {  	[spmem:s1] =	stream.indirect.scatter.add.f32 [tilespmem:s26], [sflag:$0x4], $0x80, s3, s22, $0xb8;
	[tilespmem:$0x1E800] =	vst v63  }
0xd3: {  	_ =	swait.ge [sflag:s30], $0x4000  }
0xd4: {  	[sflag:s30] =	ssyncset.done $0x0  }
0xd5: {  	[sflag:s30] =	ssyncadd.s32 $0xFFFFC000  }
0xd6: {  	_ =	swait.ge [sflag:s0], $0x4000  }
0xd7: {  	[sflag:s0] =	ssyncset.done $0x0  }
0xd8: {  	s6 =	simm.s32 $0x0;
	[sflag:s0] =	ssyncadd.s32 $0xFFFFC000  }
0xd9: {  	[tilespmem:s19], [sflag:$0x5] =	stream.linear.gather [hbm4b:s12+s6], $0x1000, $0x38;
	[tilespmem:$0x1E800] =	vst v63  }
0xda: {  	_ =	swait.ge [sflag:s20], $0x1000  }
0xdb: {  	[sflag:s20] =	ssyncset.done $0x0  }
0xdc: {  	[sflag:s20] =	ssyncadd.s32 $0xFFFFF000  }
0xdd: {  	[tilespmem:s21], [sflag:$0x5] =	stream.linear.gather [hbm4b:s13+s6], $0x1000, $0x38;
	[tilespmem:$0x1E800] =	vst v63  }
0xde: {  	_ =	swait.ge [sflag:s20], $0x1000  }
0xdf: {  	[sflag:s20] =	ssyncset.done $0x0  }
0xe0: {  	[sflag:s20] =	ssyncadd.s32 $0xFFFFF000  }
0xe1: {  	[tilespmem:s23], [sflag:$0x1] =	stream.indirect.gather [hbm4b:s4+s22], $0x80, s19, s22, $0xb8;
	[tilespmem:$0x1E800] =	vst v63  }
0xe2: {  	_ = 	snop  }
0xe3: {  	[tilespmem:s26], [sflag:$0x2] =	stream.indirect.gather [hbm4b:s4+s22], $0x80, s24, s22, $0xb8;
	[tilespmem:$0x1E800] =	vst v63  }
0xe4: {  	_ =	swait.ge [sflag:s29], $0x4000  }
0xe5: {  	[sflag:s29] =	ssyncset.done $0x0  }
0xe6: {  	s8 =	simm.s32 $0x15000;
	[sflag:s29] =	ssyncadd.s32 $0xFFFFC000  }
0xe7: {  	[spmem:s1] =	stream.indirect.scatter.add.f32 [tilespmem:s23], [sflag:$0x3], $0x80, s8, s22, $0xb8;
	[tilespmem:$0x1E800] =	vst v63  }
0xe8: {  	_ =	swait.ge [sflag:s30], $0x4000  }
0xe9: {  	[sflag:s30] =	ssyncset.done $0x0  }
0xea: {  	s9 =	simm.s32 $0x14100;
	[sflag:s30] =	ssyncadd.s32 $0xFFFFC000  }
0xeb: {  	[tilespmem:s23], [sflag:$0x1] =	stream.indirect.gather [hbm4b:s4+s22], $0x80, s9, s22, $0xb8;
	[tilespmem:$0x1E800] =	vst v63  }
0xec: {  	_ =	swait.ge [sflag:s31], $0x4000  }
0xed: {  	[sflag:s31] =	ssyncset.done $0x0  }
0xee: {  	s10 =	simm.s32 $0x15080;
	[sflag:s31] =	ssyncadd.s32 $0xFFFFC000  }
0xef: {  	[spmem:s1] =	stream.indirect.scatter.add.f32 [tilespmem:s26], [sflag:$0x4], $0x80, s10, s22, $0xb8;
	[tilespmem:$0x1E800] =	vst v63  }
0xf0: {  	_ =	swait.ge [sflag:s0], $0x4000  }
0xf1: {  	[sflag:s0] =	ssyncset.done $0x0  }
0xf2: {  	s6 =	simm.s32 $0x400;
	s8 =	simm.s32 $0x14180;
	[sflag:s0] =	ssyncadd.s32 $0xFFFFC000  }
.LBB2_12:
0xf3: {  	[tilespmem:s26], [sflag:$0x2] =	stream.indirect.gather [hbm4b:s4+s22], $0x80, s8, s22, $0xb8;
	[tilespmem:$0x1E800] =	vst v63  }
0xf4: {  	s8 =	smov.u32 s6  }
0xf5: {  	p1 =	sne.s32 s6, $0x3800;
	s6 =	sadd.s32 $0x400, s6;
	_ =	swait.ge [sflag:s29], $0x4000  }
0xf6: {  	s8 =	sshra.s32 s8, $0x2;
	[sflag:s29] =	ssyncset.done $0x0  }
0xf7: {  	s9 =	sadd.s32 $0x15000, s8;
	[sflag:s29] =	ssyncadd.s32 $0xFFFFC000  }
0xf8: {  	[spmem:s1] =	stream.indirect.scatter.add.f32 [tilespmem:s23], [sflag:$0x3], $0x80, s9, s22, $0xb8;
	[tilespmem:$0x1E800] =	vst v63  }
0xf9: {  	_ =	swait.ge [sflag:s30], $0x4000  }
0xfa: {  	[sflag:s30] =	ssyncset.done $0x0  }
0xfb: {  	s9 =	sadd.s32 $0x14100, s8;
	[sflag:s30] =	ssyncadd.s32 $0xFFFFC000  }
0xfc: {  	[tilespmem:s23], [sflag:$0x1] =	stream.indirect.gather [hbm4b:s4+s22], $0x80, s9, s22, $0xb8;
	[tilespmem:$0x1E800] =	vst v63  }
0xfd: {  	_ =	swait.ge [sflag:s31], $0x4000  }
0xfe: {  	[sflag:s31] =	ssyncset.done $0x0  }
.Ltmp5:
0xff: {  	s9 =	sadd.s32 $0x15080, s8;
	[sflag:s31] =	ssyncadd.s32 $0xFFFFC000;
	(pc) =	sbr.rel @p1 .LBB2_12-.Ltmp5, $4  }
0x100: {  	[spmem:s1] =	stream.indirect.scatter.add.f32 [tilespmem:s26], [sflag:$0x4], $0x80, s9, s22, $0xb8;
	[tilespmem:$0x1E800] =	vst v63  }
0x101: {  	_ =	swait.ge [sflag:s0], $0x4000  }
0x102: {  	[sflag:s0] =	ssyncset.done $0x0  }
0x103: {  	s8 =	sadd.s32 $0x14180, s8;
	[sflag:s0] =	ssyncadd.s32 $0xFFFFC000  }
0x104: {  	[tilespmem:s26], [sflag:$0x2] =	stream.indirect.gather [hbm4b:s4+s22], $0x80, s8, s22, $0xb8;
	[tilespmem:$0x1E800] =	vst v63  }
0x105: {  	_ =	swait.ge [sflag:s29], $0x4000  }
0x106: {  	[sflag:s29] =	ssyncset.done $0x0  }
0x107: {  	[sflag:s29] =	ssyncadd.s32 $0xFFFFC000  }
0x108: {  	[spmem:s1] =	stream.indirect.scatter.add.f32 [tilespmem:s23], [sflag:$0x3], $0x80, s2, s22, $0xb8;
	[tilespmem:$0x1E800] =	vst v63  }
0x109: {  	_ =	swait.ge [sflag:s31], $0x4000  }
0x10a: {  	[sflag:s31] =	ssyncset.done $0x0  }
0x10b: {  	[sflag:s31] =	ssyncadd.s32 $0xFFFFC000  }
0x10c: {  	[spmem:s1] =	stream.indirect.scatter.add.f32 [tilespmem:s26], [sflag:$0x4], $0x80, s3, s22, $0xb8;
	[tilespmem:$0x1E800] =	vst v63  }
0x10d: {  	_ =	swait.ge [sflag:s30], $0x4000  }
0x10e: {  	[sflag:s30] =	ssyncset.done $0x0  }
0x10f: {  	[sflag:s30] =	ssyncadd.s32 $0xFFFFC000  }
0x110: {  	_ =	swait.ge [sflag:s0], $0x4000  }
0x111: {  	[sflag:s0] =	ssyncset.done $0x0  }
0x112: {  	s6 =	simm.s32 $0x0;
	[sflag:s0] =	ssyncadd.s32 $0xFFFFC000  }
0x113: {  	[tilespmem:s19], [sflag:$0x5] =	stream.linear.gather [hbm4b:s14+s6], $0x1000, $0x38;
	[tilespmem:$0x1E800] =	vst v63  }
0x114: {  	_ =	swait.ge [sflag:s20], $0x1000  }
0x115: {  	[sflag:s20] =	ssyncset.done $0x0  }
0x116: {  	[sflag:s20] =	ssyncadd.s32 $0xFFFFF000  }
0x117: {  	[tilespmem:s21], [sflag:$0x5] =	stream.linear.gather [hbm4b:s15+s6], $0x1000, $0x38;
	[tilespmem:$0x1E800] =	vst v63  }
0x118: {  	_ =	swait.ge [sflag:s20], $0x1000  }
0x119: {  	[sflag:s20] =	ssyncset.done $0x0  }
0x11a: {  	[sflag:s20] =	ssyncadd.s32 $0xFFFFF000  }
0x11b: {  	[tilespmem:s23], [sflag:$0x1] =	stream.indirect.gather [hbm4b:s4+s22], $0x80, s19, s22, $0xb8;
	[tilespmem:$0x1E800] =	vst v63  }
0x11c: {  	_ = 	snop  }
0x11d: {  	[tilespmem:s26], [sflag:$0x2] =	stream.indirect.gather [hbm4b:s4+s22], $0x80, s24, s22, $0xb8;
	[tilespmem:$0x1E800] =	vst v63  }
0x11e: {  	_ =	swait.ge [sflag:s29], $0x4000  }
0x11f: {  	[sflag:s29] =	ssyncset.done $0x0  }
0x120: {  	s8 =	simm.s32 $0x15000;
	[sflag:s29] =	ssyncadd.s32 $0xFFFFC000  }
0x121: {  	[spmem:s1] =	stream.indirect.scatter.add.f32 [tilespmem:s23], [sflag:$0x3], $0x80, s8, s22, $0xb8;
	[tilespmem:$0x1E800] =	vst v63  }
0x122: {  	_ =	swait.ge [sflag:s30], $0x4000  }
0x123: {  	[sflag:s30] =	ssyncset.done $0x0  }
0x124: {  	s9 =	simm.s32 $0x14100;
	[sflag:s30] =	ssyncadd.s32 $0xFFFFC000  }
0x125: {  	[tilespmem:s23], [sflag:$0x1] =	stream.indirect.gather [hbm4b:s4+s22], $0x80, s9, s22, $0xb8;
	[tilespmem:$0x1E800] =	vst v63  }
0x126: {  	_ =	swait.ge [sflag:s31], $0x4000  }
0x127: {  	[sflag:s31] =	ssyncset.done $0x0  }
0x128: {  	s10 =	simm.s32 $0x15080;
	[sflag:s31] =	ssyncadd.s32 $0xFFFFC000  }
0x129: {  	[spmem:s1] =	stream.indirect.scatter.add.f32 [tilespmem:s26], [sflag:$0x4], $0x80, s10, s22, $0xb8;
	[tilespmem:$0x1E800] =	vst v63  }
0x12a: {  	_ =	swait.ge [sflag:s0], $0x4000  }
0x12b: {  	[sflag:s0] =	ssyncset.done $0x0  }
0x12c: {  	s6 =	simm.s32 $0x400;
	s8 =	simm.s32 $0x14180;
	[sflag:s0] =	ssyncadd.s32 $0xFFFFC000  }
.LBB2_14:
0x12d: {  	[tilespmem:s26], [sflag:$0x2] =	stream.indirect.gather [hbm4b:s4+s22], $0x80, s8, s22, $0xb8;
	[tilespmem:$0x1E800] =	vst v63  }
0x12e: {  	s8 =	smov.u32 s6  }
0x12f: {  	p1 =	sne.s32 s6, $0x3800;
	s6 =	sadd.s32 $0x400, s6;
	_ =	swait.ge [sflag:s29], $0x4000  }
0x130: {  	s8 =	sshra.s32 s8, $0x2;
	[sflag:s29] =	ssyncset.done $0x0  }
0x131: {  	s9 =	sadd.s32 $0x15000, s8;
	[sflag:s29] =	ssyncadd.s32 $0xFFFFC000  }
0x132: {  	[spmem:s1] =	stream.indirect.scatter.add.f32 [tilespmem:s23], [sflag:$0x3], $0x80, s9, s22, $0xb8;
	[tilespmem:$0x1E800] =	vst v63  }
0x133: {  	_ =	swait.ge [sflag:s30], $0x4000  }
0x134: {  	[sflag:s30] =	ssyncset.done $0x0  }
0x135: {  	s9 =	sadd.s32 $0x14100, s8;
	[sflag:s30] =	ssyncadd.s32 $0xFFFFC000  }
0x136: {  	[tilespmem:s23], [sflag:$0x1] =	stream.indirect.gather [hbm4b:s4+s22], $0x80, s9, s22, $0xb8;
	[tilespmem:$0x1E800] =	vst v63  }
0x137: {  	_ =	swait.ge [sflag:s31], $0x4000  }
0x138: {  	[sflag:s31] =	ssyncset.done $0x0  }
.Ltmp6:
0x139: {  	s9 =	sadd.s32 $0x15080, s8;
	[sflag:s31] =	ssyncadd.s32 $0xFFFFC000;
	(pc) =	sbr.rel @p1 .LBB2_14-.Ltmp6, $4  }
0x13a: {  	[spmem:s1] =	stream.indirect.scatter.add.f32 [tilespmem:s26], [sflag:$0x4], $0x80, s9, s22, $0xb8;
	[tilespmem:$0x1E800] =	vst v63  }
0x13b: {  	_ =	swait.ge [sflag:s0], $0x4000  }
0x13c: {  	[sflag:s0] =	ssyncset.done $0x0  }
0x13d: {  	s8 =	sadd.s32 $0x14180, s8;
	[sflag:s0] =	ssyncadd.s32 $0xFFFFC000  }
0x13e: {  	[tilespmem:s26], [sflag:$0x2] =	stream.indirect.gather [hbm4b:s4+s22], $0x80, s8, s22, $0xb8;
	[tilespmem:$0x1E800] =	vst v63  }
0x13f: {  	_ =	swait.ge [sflag:s29], $0x4000  }
0x140: {  	[sflag:s29] =	ssyncset.done $0x0  }
0x141: {  	[sflag:s29] =	ssyncadd.s32 $0xFFFFC000  }
0x142: {  	[spmem:s1] =	stream.indirect.scatter.add.f32 [tilespmem:s23], [sflag:$0x3], $0x80, s2, s22, $0xb8;
	[tilespmem:$0x1E800] =	vst v63  }
0x143: {  	_ =	swait.ge [sflag:s31], $0x4000  }
0x144: {  	[sflag:s31] =	ssyncset.done $0x0  }
0x145: {  	[sflag:s31] =	ssyncadd.s32 $0xFFFFC000  }
0x146: {  	[spmem:s1] =	stream.indirect.scatter.add.f32 [tilespmem:s26], [sflag:$0x4], $0x80, s3, s22, $0xb8;
	[tilespmem:$0x1E800] =	vst v63  }
0x147: {  	_ =	swait.ge [sflag:s30], $0x4000  }
0x148: {  	[sflag:s30] =	ssyncset.done $0x0  }
0x149: {  	[sflag:s30] =	ssyncadd.s32 $0xFFFFC000  }
0x14a: {  	_ =	swait.ge [sflag:s0], $0x4000  }
0x14b: {  	[sflag:s0] =	ssyncset.done $0x0  }
0x14c: {  	[sflag:s0] =	ssyncadd.s32 $0xFFFFC000  }
0x14d: {  	s6 =	simm.s32 @p0 $0x1FC5;
	[bflag:$0x0] =	sbarrier.arrive $0xFFFF  }
0x14e: {  	[hbm:s17], [sflag:s6] =	dma.local @p0 [spmem:s25], $0x1900  }
0x14f: {  	s6 =	simm.s32 @p0 $0x5  }
0x150: {  	s8 =	stileid.u32;
	s5 =	sadd.s32 $0x1, s5;
	_ =	swait.ge @p0 [sflag:s6], $0x1900  }
0x151: {  	s8 =	sshll.u32 @!p0 s8, $0x6;
	p1 =	sne.s32 s5, s18;
	[sflag:s6] =	ssyncset.done @p0 $0x0  }
0x152: {  	[sflag:s6] =	ssyncadd.s32 @p0 $0xFFFFE700;
	s6 =	sor.u32 @!p0 $0x1C05, s8;
	s8 =	sshrl.u32 @!p0 s7, $0x3  }
0x153: {  	[hbm:s16], [sflag:s6] =	dma.local @!p0 [spmem:s8], $0x2800  }
.Ltmp7:
0x154: {  	_ = 	snop;
	(pc) =	sbr.rel @p1 .LBB2_1-.Ltmp7, $4  }
0x155: {  	s6 =	simm.s32 @!p0 $0x5  }
0x156: {  	_ =	swait.ge @!p0 [sflag:s6], $0x2800  }
0x157: {  	[sflag:s6] =	ssyncset.done @!p0 $0x0  }
0x158: {  	[sflag:s6] =	ssyncadd.s32 @!p0 $0xFFFFD800  }
0x159: {  	_ =	sfence.sel $0x180000  }
0x15a: {  	[bflag:$0x0] =	sbarrier.arrive $0xFFFF  }
0x15b: {  	_ =	strace $0x9000004A  }
0x15c: {  	s0 =	stileid.u32;
	[bflag:$0x2] =	sbarrier.arrive $0xFFFF  }
0x15d: {  	p0 =	sne.s32 s0, $0x0;
	s0 =	rddreg [dreg:$0x2]  }
0x15e: {  	s0 =	sadd.s32 @!p0 $0x100000, s0  }
0x15f: {  	[sflag:s0] =	ssyncadd.tile.s32 @!p0 $0x1;
	_ =	shalt  }
.Lfunc_end2:
_tile_overlayer_lowered:
.L_overlay_start_2:
0x160: {  	(tag) =	ssettag $0x2  }
0x161: {  	s0 =	rddreg [dreg:$0x0];
	s2 =	stileid.u32  }
0x162: {  	s1 =	rddreg [dreg:$0x1];
	p0 =	sne.s32 s2, $0x0  }
0x163: {  	s3 =	rddreg [dreg:$0x2];
	[bflag:$0x3] =	sbarrier.arrive $0xFFFF;
	s2 =	simm.s32 @!p0 $0x1C05  }
0x164: {  	[timem:s3], [sflag:s2] =	dma.local @!p0 [hbm:s0], s1  }
0x165: {  	s0 =	simm.s32 @!p0 $0x5  }
0x166: {  	_ =	swait.ge @!p0 [sflag:s0], s1  }
0x167: {  	s1 =	ssub.s32 @!p0 $0x0, s1;
	[sflag:s0] =	ssyncset.done @!p0 $0x0  }
0x168: {  	[sflag:s0] =	ssyncadd.s32 @!p0 s1  }
0x169: {  	[bflag:$0x3] =	sbarrier.arrive $0xFFFF  }
0x16a: {  	_ =	shalt  }

// kernel: kernel.15.cloned.1.call-start
scs
__scs_entry_jumppad:
0x0: {  	(pc) =	sbr.rel $0x88, $3  }
0x1: {  	(tag) =	ssettag $0x0;
	lr =	simm.s32 $0x1  }
0x2: {  	[smem:$0x3F8E] =	sst lr;
	_ =	strace $0xD0000000  }
0x3: {  	_ = 	snop  }
0x4: {  	_ = 	snop  }
0x5: {  	_ = 	snop  }
0x6: {  	_ = 	snop  }
0x7: {  	_ = 	snop  }
__scs_overlays_trampoline_lowered:
0x8: {  	[smem:$0x3F9D] =	sst s0  }
0x9: {  	[smem:$0x3F9E] =	sst s1  }
0xa: {  	[smem:$0x3F9F] =	sst s2  }
0xb: {  	[smem:$0x3FA0] =	sst s3  }
0xc: {  	[smem:$0x3FA1] =	sst s4  }
0xd: {  	[smem:$0x3FA2] =	sst s5  }
0xe: {  	[smem:$0x3FA3] =	sst s6  }
0xf: {  	[smem:$0x3FA4] =	sst s7  }
0x10: {  	[smem:$0x3FA5] =	sst s8  }
0x11: {  	[smem:$0x3FA6] =	sst s9;
	s0 =	simm.s32 @!p0 $0x0  }
0x12: {  	s1 =	sld [smem:$0x3F8C];
	s0 =	simm.s32 @p0 $0x1  }
0x13: {  	[smem:$0x3FA7] =	sst s0;
	s0 =	simm.s32 @!p1 $0x0  }
0x14: {  	s2 =	sld [smem:$0x3F8B];
	s0 =	simm.s32 @p1 $0x1  }
0x15: {  	[smem:$0x3FA8] =	sst s0;
	s0 =	simm.s32 @!p2 $0x0  }
0x16: {  	s3 =	sld [smem:$0x3FDB];
	s0 =	simm.s32 @p2 $0x1  }
0x17: {  	s4 =	simm.s32 $0x1BF5;
	[smem:$0x3FAA] =	sst s0  }
0x18: {  	s0 =	sld [smem:$0x3F8D];
	_ =	swait.ge [sflag:s4], $0x0  }
0x19: {  	s7 =	sld [smem:$0x3F8E]  }
0x1a: {  	s8 =	sadd.s32 $0xFFFFE003, lr  }
0x1b: {  	s9 =	sadd.s32 $0xFFFFFEF7, lr;
	s5 =	simm.s32 $0xFFFFFFFF;
	p2 =	slt.u32 s8, $0xFFFFF086  }
0x1c: {  	p1 =	slt.u32 s9, $0xF7A;
	s5 =	simm.s32 @!p2 $0x0  }
0x1d: {  	s5 =	simm.s32 @p1 $0x1;
	p0 =	seq.s32 s7, s2  }
0x1e: {  	s7 =	smul.u32 @!p0 $0xF7A, s2;
	p2 =	seq.s32 @!p0 s5, $0x0  }
0x1f: {  	s9 =	smul.u32 $0xF7A, s1;
	s8 =	simm.s32 @!p0 $0x1BF5;
	p2 =	por !p2, p0  }
0x20: {  	[sflag:s8] =	ssyncset.s32 @!p0 $0xFFFFF086;
	s6 =	sadd.s32 @!p0 s3, s7;
	s7 =	simm.s32 @!p0 $0x108  }
0x21: {  	s3 =	sadd.s32 s3, s9;
	s6 =	sadd.s32 @!p0 $0x88, s6;
	s7 =	simm.s32 @p2 $0x1082  }
0x22: {  	[simem:s7], [sflag:s8] =	dma.local @!p0 [hbm:s6], $0xF7A  }
0x23: {  	s9 =	sor.u32 $0xD0000000, s2;
	s6 =	simm.s32 $0x108;
	_ =	swait.ge @!p0 [sflag:s8], $0x0  }
0x24: {  	s3 =	sadd.s32 $0x88, s3;
	s6 =	simm.s32 @!p1 $0x1082;
	[sflag:s4] =	ssyncset.s32 $0xFFFFF086  }
0x25: {  	[simem:s6], [sflag:s4] =	dma.local [hbm:s3], $0xF7A  }
0x26: {  	[smem:$0x3F8E] =	sst s1;
	(tag) =	ssettag s2;
	_ =	strace s9  }
0x27: {  	s1 =	sld [smem:$0x3F9E]  }
0x28: {  	s2 =	sld [smem:$0x3F9F]  }
0x29: {  	s4 =	sld [smem:$0x3FA1]  }
0x2a: {  	p0 =	seq.s32 s5, $0x0;
	s5 =	sld [smem:$0x3FA2]  }
0x2b: {  	s6 =	sld [smem:$0x3FA3]  }
0x2c: {  	s7 =	sld [smem:$0x3FA4]  }
0x2d: {  	s3 =	simm.s32 $0x108;
	s8 =	sld [smem:$0x3FA5]  }
0x2e: {  	s3 =	simm.s32 @!p0 $0x1082;
	s9 =	sld [smem:$0x3FA6]  }
0x2f: {  	lr =	sadd.s32 s0, s3;
	s0 =	sld [smem:$0x3F9D]  }
0x30: {  	s3 =	sld [smem:$0x3FA0]  }
0x31: {  	[smem:$0x3FA9] =	sst s10  }
0x32: {  	s10 =	sld [smem:$0x3FA7];
	_ =	sdelay $0x3  }
0x33: {  	p0 =	seq.s32 s10, $0x1;
	s10 =	sld [smem:$0x3FA9];
	_ =	sdelay $0x3  }
0x34: {  	[smem:$0x3FA9] =	sst s10  }
0x35: {  	s10 =	sld [smem:$0x3FA8];
	_ =	sdelay $0x3  }
0x36: {  	p1 =	seq.s32 s10, $0x1;
	s10 =	sld [smem:$0x3FA9];
	_ =	sdelay $0x3  }
0x37: {  	[smem:$0x3FA9] =	sst s10  }
0x38: {  	s10 =	sld [smem:$0x3FAA]  }
0x39: {  	_ = 	snop;
	(pc) =	sbr.ind lr, $3  }
0x3a: {  	_ = 	snop  }
0x3b: {  	_ = 	snop  }
0x3c: {  	p2 =	seq.s32 s10, $0x1;
	s10 =	sld [smem:$0x3FA9]  }
0x3d: {  	_ =	shalt  }
0x3e: {  	_ =	shalt  }
0x3f: {  	_ =	shalt  }
0x40: {  	_ =	shalt  }
0x41: {  	_ =	shalt  }
0x42: {  	_ =	shalt  }
0x43: {  	_ =	shalt  }
0x44: {  	_ =	shalt  }
0x45: {  	_ =	shalt  }
0x46: {  	_ =	shalt  }
0x47: {  	_ =	shalt  }
0x48: {  	_ =	shalt  }
0x49: {  	_ =	shalt  }
0x4a: {  	_ =	shalt  }
0x4b: {  	_ =	shalt  }
0x4c: {  	_ =	shalt  }
0x4d: {  	_ =	shalt  }
0x4e: {  	_ =	shalt  }
0x4f: {  	_ =	shalt  }
0x50: {  	_ =	shalt  }
0x51: {  	_ =	shalt  }
0x52: {  	_ =	shalt  }
0x53: {  	_ =	shalt  }
0x54: {  	_ =	shalt  }
0x55: {  	_ =	shalt  }
0x56: {  	_ =	shalt  }
0x57: {  	_ =	shalt  }
0x58: {  	_ =	shalt  }
0x59: {  	_ =	shalt  }
0x5a: {  	_ =	shalt  }
0x5b: {  	_ =	shalt  }
0x5c: {  	_ =	shalt  }
0x5d: {  	_ =	shalt  }
0x5e: {  	_ =	shalt  }
0x5f: {  	_ =	shalt  }
0x60: {  	_ =	shalt  }
0x61: {  	_ =	shalt  }
0x62: {  	_ =	shalt  }
0x63: {  	_ =	shalt  }
0x64: {  	_ =	shalt  }
0x65: {  	_ =	shalt  }
0x66: {  	_ =	shalt  }
0x67: {  	_ =	shalt  }
0x68: {  	_ =	shalt  }
0x69: {  	_ =	shalt  }
0x6a: {  	_ =	shalt  }
0x6b: {  	_ =	shalt  }
0x6c: {  	_ =	shalt  }
0x6d: {  	_ =	shalt  }
0x6e: {  	_ =	shalt  }
0x6f: {  	_ =	shalt  }
0x70: {  	_ =	shalt  }
0x71: {  	_ =	shalt  }
0x72: {  	_ =	shalt  }
0x73: {  	_ =	shalt  }
0x74: {  	_ =	shalt  }
0x75: {  	_ =	shalt  }
0x76: {  	_ =	shalt  }
0x77: {  	_ =	shalt  }
0x78: {  	_ =	shalt  }
0x79: {  	_ =	shalt  }
0x7a: {  	_ =	shalt  }
0x7b: {  	_ =	shalt  }
0x7c: {  	_ =	shalt  }
0x7d: {  	_ =	shalt  }
0x7e: {  	_ =	shalt  }
0x7f: {  	_ =	shalt  }
0x80: {  	_ =	shalt  }
0x81: {  	_ =	shalt  }
0x82: {  	_ =	shalt  }
0x83: {  	_ =	shalt  }
0x84: {  	_ =	shalt  }
0x85: {  	_ =	shalt  }
0x86: {  	_ =	shalt  }
0x87: {  	_ =	shalt  }
.Lfunc_end0:
.L_simem_size_0:
called_computation.2_lowered:
.L_overlay_start_0:
0x88: {  	s2 =	sld [smem:$0x3FD9]  }
0x89: {  	s3 =	sld [smem:$0x3FFE];
	_ =	sdelay $0x1  }
0x8a: {  	s1 =	srdreg.scid  }
0x8b: {  	s0 =	sand.u32 $0x1, s1  }
0x8c: {  	s16 =	sshll.u32 s0, $0xA;
	s2 =	sadd.s32 s3, s2  }
0x8d: {  	s2 =	sadd.s32 s2, s16  }
0x8e: {  	[smem:$0x3FB5] =	sst s2  }
0x8f: {  	_ = 	snop  }
0x90: {  	(tm) =	ssettm $0x1  }
0x91: {  	s17 =	sld [smem:$0x3FFB];
	_ =	sdelay $0x3  }
0x92: {  	_ =	strace s17  }
0x93: {  	s2 =	sld [smem:$0x3FFC];
	_ =	sdelay $0x3  }
0x94: {  	_ =	strace s2  }
0x95: {  	s2 =	sld [smem:$0x3FFD];
	_ =	sdelay $0x3  }
0x96: {  	_ =	strace s2  }
0x97: {  	_ =	strace $0x8FFFFFFF  }
0x98: {  	s18 =	sld [smem:$0x3FDB];
	_ =	sdelay $0x1  }
0x99: {  	s19 =	simm.s32 $_scs_section_size  }
0x9a: {  	s4 =	simm.s32 $_size__tile_overlayer_lowered;
	s5 =	simm.s32 $_tile_overlayer_lowered  }
0x9b: {  	s22 =	simm.s32 $0x1BFF;
	s21 =	sshll.u32 s5, $0x1;
	s2 =	sadd.s32 s19, s18  }
0x9c: {  	s6 =	simm.s32 $0x0;
	s20 =	sshll.u32 s4, $0x1;
	s4 =	sadd.s32 s21, s2  }
0x9d: {  	[timem:s6], [sflag:s22] =	dma.local [hbm:s4], s20  }
0x9e: {  	_ =	swait.ge [sflag:s22], s20  }
0x9f: {  	s3 =	ssub.s32 $0x0, s20;
	[sflag:s22] =	ssyncset.done $0x0  }
0xa0: {  	[sflag:s22] =	ssyncadd.s32 s3;
	_ =	sdelay $0x1  }
0xa1: {  	s23 =	simm.s32 $0x1B8B  }
0xa2: {  	_ =	swait.ge [sflag:s23], $0x1  }
0xa3: {  	[sflag:s23] =	ssyncset.done $0x0  }
0xa4: {  	s25 =	simm.s32 $0x1B8E;
	s24 =	sld [smem:$0x3FFE];
	[sflag:s23] =	ssyncadd.s32 $0xFFFFFFFF  }
0xa5: {  	s26 =	simm.s32 $execute0_lowered;
	[smem:$0x3FD2] =	sst s25  }
0xa6: {  	s4 =	sshll.u32 s26, $0x1;
	_ =	strace $0x8000004C;
	[dreg:$0x1] =	wrdreg $0xFFFFFFFF  }
0xa7: {  	s28 =	simm.s32 $_size_execute0_lowered;
	s2 =	sadd.s32 s2, s4;
	[dreg:$0x0] =	wrdreg $0x0  }
0xa8: {  	s4 =	sshll.u32 s28, $0x1;
	[dreg:$0x2] =	wrdreg s2  }
0xa9: {  	[dreg:$0x3] =	wrdreg s4  }
0xaa: {  	[dreg:$0x4] =	wrdreg $0xC0  }
0xab: {  	_ =	task [dreg:s6], $0x5FFFF  }
0xac: {  	[dreg:$0x1] =	wrdreg $0xFFFFFFFF  }
0xad: {  	[dreg:$0x0] =	wrdreg $0x60  }
0xae: {  	[dreg:$0x2] =	wrdreg s24  }
0xaf: {  	[dreg:$0x3] =	wrdreg $0x0  }
0xb0: {  	[dreg:$0x4] =	wrdreg $0x9  }
0xb1: {  	_ =	task.clear_ibuf [dreg:s6], $0x5FFFF;
	_ =	strace $0x9000004C  }
0xb2: {  	s29 =	simm.s32 $0x9;
	_ =	strace $0x8000004E  }
0xb3: {  	_ =	swait.ge [sflag:s29], $0x1  }
0xb4: {  	[sflag:s29] =	ssyncadd.s32 $0xFFFFFFFF  }
0xb5: {  	_ =	strace $0x9000004E  }
0xb6: {  	_ =	sfence  }
0xb7: {  	s30 =	sld [smem:$0x0];
	_ =	sdelay $0x2  }
0xb8: {  	s31 =	sshll.u32 s1, $0xD;
	s1 =	sshrl.u32 s1, $0x2  }
0xb9: {  	s3 =	sand.u32 $0x4000, s31;
	s1 =	sadd.s32 s1, s30  }
0xba: {  	s0 =	sor.u32 s3, s0;
	s1 =	sshll.u32 s1, $0x11  }
0xbb: {  	s0 =	sor.u32 s1, s0  }
0xbc: {  	s0 =	sadd.s32 $0x8F2B, s0  }
0xbd: {  	[sflag:s0] =	ssyncadd.remote.s32 $0x1  }
0xbe: {  	_ =	sfence.sel $0xFFFF  }
0xbf: {  	[dreg:$0x0] =	wrdreg $0xFFFFFFFF;
	(pc) =	sbr.abs _section_cstart, $3  }
0xc0: {  	[dreg:$0x1] =	wrdreg $0xFFFFFFFF  }
0xc1: {  	_ =	task.clear_ibuf [dreg:s6], $0x2FFFF;
	_ =	strace $0x9FFFFFFF  }
0xc2: {  	(tm) =	ssettm $0x7FFFFFFF  }
0xc3: {  	_ =	shalt  }
tec
execute0_lowered:
.L_overlay_start_1:
0x0: {  	(tag) =	ssettag $0x1  }
0x1: {  	s0 =	rddreg [dreg:$0x0]  }
0x2: {  	s1 =	rddreg [dreg:$0x1];
	s2 =	srdreg.scid;
	s4 =	simm.s32 $0x0  }
0x3: {  	s23 =	stileid.u32;
	s19 =	simm.s32 $0x14000;
	s28 =	simm.s32 $0x1E000  }
0x4: {  	s29 =	simm.s32 $0x1;
	s30 =	simm.s32 $0x3;
	s31 =	simm.s32 $0x2  }
0x5: {  	s2 =	sand.u32 $0x1, s2;
	[smem:$0x7FF] =	sst s4;
	s7 =	smul.u32 $0xA00, s23  }
0x6: {  	s4 =	sadd.s32 $0x21A00, s0;
	s6 =	sadd.s32 $0xDA00, s0;
	s10 =	smul.u32 $0x50000, s23  }
0x7: {  	s8 =	sadd.s32 $0x3A00, s0;
	s0 =	sadd.s32 $0x6FC00, s0;
	s20 =	smul.u32 $0x5000, s23  }
0x8: {  	s25 =	smul.u32 $0x2800, s23;
	p0 =	seq.s32 s23, $0xF;
	s3 =	sshll.u32 s2, $0x4  }
0x9: {  	_ =	strace $0x8000004D;
	s9 =	ssub.s32 $0x2, s2;
	s22 =	smul.u32 $0x27100, s2  }
0xa: {  	s2 =	smul.u32 $0x138800, s2;
	s3 =	sor.u32 s23, s3;
	s11 =	sshrl.u32 s9, $0x1  }
0xb: {  	s7 =	sadd.s32 s8, s7;
	s21 =	sshrl.u32 s10, $0x2;
	s5 =	smul.u32 $0xA00, s3  }
0xc: {  	s23 =	simm.s32 $0x16000;
	s3 =	smul.u32 $0x5000, s3;
	s18 =	ssub.s32 s9, s11  }
0xd: {  	[dreg:$0x4] =	wrdreg s7;
	s7 =	sadd.s32 s21, s1;
	s2 =	sshrl.u32 s2, $0x3  }
0xe: {  	s26 =	sadd.s32 s25, s22;
	s21 =	simm.s32 $0x15000;
	s22 =	simm.s32 $0x80  }
0xf: {  	s2 =	sadd.s32 s0, s2;
	s16 =	sadd.s32 s0, s26;
	s0 =	sadd.s32 $0x12C000, s1  }
0x10: {  	s18 =	smax.u32 s18, $0x1;
	s26 =	simm.s32 $0x1A000;
	s5 =	sadd.s32 s6, s5  }
0x11: {  	s3 =	sshrl.u32 s3, $0x3;
	s17 =	sadd.s32 $0x25800, s2;
	s25 =	sshrl.u32 @p0 s0, $0x3  }
0x12: {  	s0 =	simm.s32 $0x4;
	s2 =	simm.s32 $0x15F00;
	[dreg:$0x3] =	wrdreg s5  }
0x13: {  	s3 =	sadd.s32 s6, s3;
	s5 =	sshrl.u32 s20, $0x3;
	s20 =	simm.s32 $0x5  }
0x14: {  	s6 =	sadd.s32 $0x200, s3;
	s5 =	sadd.s32 s8, s5;
	s24 =	sadd.s32 $0x400, s3  }
0x15: {  	s12 =	sadd.s32 $0x600, s3;
	s14 =	sadd.s32 $0x800, s3;
	[dreg:$0x5] =	wrdreg s6  }
0x16: {  	s3 =	simm.s32 $0x15F80;
	s8 =	sadd.s32 $0x200, s5;
	[dreg:$0x7] =	wrdreg s24  }
0x17: {  	s11 =	sadd.s32 $0x400, s5;
	s13 =	sadd.s32 $0x600, s5;
	s15 =	sadd.s32 $0x800, s5  }
0x18: {  	v0 =	vimm.f32 $0.0e+00;
	s24 =	simm.s32 $0x14080;
	s5 =	simm.s32 $0x0;
	[dreg:$0x6] =	wrdreg s8  }
.LBB2_1:
0x19: {  	s6 =	simm.s32 $0x0;
	s8 =	rddreg [dreg:$0x3]  }
0x1a: {  	[tilespmem:s19], [sflag:$0x5] =	stream.linear.gather [hbm4b:s8+s6], $0x1000, $0x38;
	[tilespmem:$0x1E800] =	vst v63  }
0x1b: {  	_ =	swait.ge [sflag:s20], $0x1000  }
0x1c: {  	[sflag:s20] =	ssyncset.done $0x0  }
0x1d: {  	s10 =	rddreg [dreg:$0x4];
	[sflag:s20] =	ssyncadd.s32 $0xFFFFF000  }
0x1e: {  	[tilespmem:s21], [sflag:$0x5] =	stream.linear.gather [hbm4b:s10+s6], $0x1000, $0x38;
	[tilespmem:$0x1E800] =	vst v63  }
0x1f: {  	_ =	swait.ge [sflag:s20], $0x1000  }
0x20: {  	[sflag:s20] =	ssyncset.done $0x0  }
0x21: {  	[sflag:s20] =	ssyncadd.s32 $0xFFFFF000  }
0x22: {  	[tilespmem:s23], [sflag:$0x1] =	stream.indirect.gather [hbm4b:s4+s22], $0x80, s19, s22, $0xb8;
	[tilespmem:$0x1E800] =	vst v63  }
0x23: {  	s8 =	simm.s32 $0x0;
	s6 =	simm.s32 $0x0  }
0x24: {  	[tilespmem:s26], [sflag:$0x2] =	stream.indirect.gather [hbm4b:s4+s22], $0x80, s24, s22, $0xb8;
	[tilespmem:$0x1E800] =	vst v63  }
.LBB2_2:
0x25: {  	p1 =	sne.s32 s8, $0x1FC0  }
.Ltmp0:
0x26: {  	_ = 	snop;
	(pc) =	sbr.rel @p1 .LBB2_2-.Ltmp0, $4  }
0x27: {  	s9 =	sand.u32 $0x1E00, s8  }
0x28: {  	s10 =	sand.u32 $0x70, s6;
	s9 =	sshrl.u32 s9, $0x2  }
0x29: {  	s9 =	sor.u32 s10, s9  }
0x2a: {  	s6 =	sadd.s32 $0x10, s6;
	s8 =	sadd.s32 $0x40, s8;
	[tilespmem:s9+$0x1E000] =	vst v0  }
0x2b: {  	s6 =	sadd.s32 $0x0, s7  }
0x2c: {  	[spmem:s6] =	stream.linear.scatter [tilespmem:s28], [sflag:$0x5], $0x800, $0x38;
	[tilespmem:$0x1E800] =	vst v63  }
0x2d: {  	s6 =	simm.s32 $0x2000;
	_ =	swait.ge [sflag:s20], $0x800  }
.LBB2_4:
0x2e: {  	s8 =	sshra.s32 s6, $0x2;
	[sflag:s20] =	ssyncset.done $0x0;
	p1 =	sne.s32 s6, $0x4E000  }
.Ltmp1:
0x2f: {  	s8 =	sadd.s32 s8, s7;
	[sflag:s20] =	ssyncadd.s32 $0xFFFFF800;
	(pc) =	sbr.rel @p1 .LBB2_4-.Ltmp1, $3  }
0x30: {  	[spmem:s8] =	stream.linear.scatter [tilespmem:s28], [sflag:$0x5], $0x800, $0x38;
	[tilespmem:$0x1E800] =	vst v63  }
0x31: {  	s6 =	sadd.s32 $0x2000, s6;
	_ =	sdelay $0x1  }
0x32: {  	_ =	swait.ge [sflag:s20], $0x800  }
0x33: {  	[sflag:s20] =	ssyncset.done $0x0  }
0x34: {  	[sflag:s20] =	ssyncadd.s32 $0xFFFFF800  }
0x35: {  	[bflag:$0x0] =	sbarrier.arrive $0xFFFF  }
0x36: {  	_ =	swait.ge [sflag:s29], $0x4000  }
0x37: {  	[sflag:s29] =	ssyncset.done $0x0  }
0x38: {  	s6 =	simm.s32 $0x15000;
	[sflag:s29] =	ssyncadd.s32 $0xFFFFC000  }
0x39: {  	[spmem:s1] =	stream.indirect.scatter.add.f32 [tilespmem:s23], [sflag:$0x3], $0x80, s6, s22, $0xb8;
	[tilespmem:$0x1E800] =	vst v63  }
0x3a: {  	_ =	swait.ge [sflag:s30], $0x4000  }
0x3b: {  	[sflag:s30] =	ssyncset.done $0x0  }
0x3c: {  	s9 =	simm.s32 $0x14100;
	[sflag:s30] =	ssyncadd.s32 $0xFFFFC000  }
0x3d: {  	[tilespmem:s23], [sflag:$0x1] =	stream.indirect.gather [hbm4b:s4+s22], $0x80, s9, s22, $0xb8;
	[tilespmem:$0x1E800] =	vst v63  }
0x3e: {  	_ =	swait.ge [sflag:s31], $0x4000  }
0x3f: {  	[sflag:s31] =	ssyncset.done $0x0  }
0x40: {  	s10 =	simm.s32 $0x15080;
	[sflag:s31] =	ssyncadd.s32 $0xFFFFC000  }
0x41: {  	[spmem:s1] =	stream.indirect.scatter.add.f32 [tilespmem:s26], [sflag:$0x4], $0x80, s10, s22, $0xb8;
	[tilespmem:$0x1E800] =	vst v63  }
0x42: {  	_ =	swait.ge [sflag:s0], $0x4000  }
0x43: {  	[sflag:s0] =	ssyncset.done $0x0  }
0x44: {  	s8 =	simm.s32 $0x14180;
	s6 =	simm.s32 $0x400;
	[sflag:s0] =	ssyncadd.s32 $0xFFFFC000  }
.LBB2_6:
0x45: {  	[tilespmem:s26], [sflag:$0x2] =	stream.indirect.gather [hbm4b:s4+s22], $0x80, s8, s22, $0xb8;
	[tilespmem:$0x1E800] =	vst v63  }
0x46: {  	s8 =	smov.u32 s6  }
0x47: {  	p1 =	sne.s32 s6, $0x3800;
	s6 =	sadd.s32 $0x400, s6;
	_ =	swait.ge [sflag:s29], $0x4000  }
0x48: {  	s8 =	sshra.s32 s8, $0x2;
	[sflag:s29] =	ssyncset.done $0x0  }
0x49: {  	s9 =	sadd.s32 $0x15000, s8;
	[sflag:s29] =	ssyncadd.s32 $0xFFFFC000  }
0x4a: {  	[spmem:s1] =	stream.indirect.scatter.add.f32 [tilespmem:s23], [sflag:$0x3], $0x80, s9, s22, $0xb8;
	[tilespmem:$0x1E800] =	vst v63  }
0x4b: {  	_ =	swait.ge [sflag:s30], $0x4000  }
0x4c: {  	[sflag:s30] =	ssyncset.done $0x0  }
0x4d: {  	s9 =	sadd.s32 $0x14100, s8;
	[sflag:s30] =	ssyncadd.s32 $0xFFFFC000  }
0x4e: {  	[tilespmem:s23], [sflag:$0x1] =	stream.indirect.gather [hbm4b:s4+s22], $0x80, s9, s22, $0xb8;
	[tilespmem:$0x1E800] =	vst v63  }
0x4f: {  	_ =	swait.ge [sflag:s31], $0x4000  }
0x50: {  	[sflag:s31] =	ssyncset.done $0x0  }
.Ltmp2:
0x51: {  	s9 =	sadd.s32 $0x15080, s8;
	[sflag:s31] =	ssyncadd.s32 $0xFFFFC000;
	(pc) =	sbr.rel @p1 .LBB2_6-.Ltmp2, $4  }
0x52: {  	[spmem:s1] =	stream.indirect.scatter.add.f32 [tilespmem:s26], [sflag:$0x4], $0x80, s9, s22, $0xb8;
	[tilespmem:$0x1E800] =	vst v63  }
0x53: {  	_ =	swait.ge [sflag:s0], $0x4000  }
0x54: {  	[sflag:s0] =	ssyncset.done $0x0  }
0x55: {  	s8 =	sadd.s32 $0x14180, s8;
	[sflag:s0] =	ssyncadd.s32 $0xFFFFC000  }
0x56: {  	[tilespmem:s26], [sflag:$0x2] =	stream.indirect.gather [hbm4b:s4+s22], $0x80, s8, s22, $0xb8;
	[tilespmem:$0x1E800] =	vst v63  }
0x57: {  	_ =	swait.ge [sflag:s29], $0x4000  }
0x58: {  	[sflag:s29] =	ssyncset.done $0x0  }
0x59: {  	[sflag:s29] =	ssyncadd.s32 $0xFFFFC000  }
0x5a: {  	[spmem:s1] =	stream.indirect.scatter.add.f32 [tilespmem:s23], [sflag:$0x3], $0x80, s2, s22, $0xb8;
	[tilespmem:$0x1E800] =	vst v63  }
0x5b: {  	_ =	swait.ge [sflag:s31], $0x4000  }
0x5c: {  	[sflag:s31] =	ssyncset.done $0x0  }
0x5d: {  	[sflag:s31] =	ssyncadd.s32 $0xFFFFC000  }
0x5e: {  	[spmem:s1] =	stream.indirect.scatter.add.f32 [tilespmem:s26], [sflag:$0x4], $0x80, s3, s22, $0xb8;
	[tilespmem:$0x1E800] =	vst v63  }
0x5f: {  	_ =	swait.ge [sflag:s30], $0x4000  }
0x60: {  	[sflag:s30] =	ssyncset.done $0x0  }
0x61: {  	[sflag:s30] =	ssyncadd.s32 $0xFFFFC000  }
0x62: {  	_ =	swait.ge [sflag:s0], $0x4000  }
0x63: {  	[sflag:s0] =	ssyncset.done $0x0  }
0x64: {  	s6 =	simm.s32 $0x0;
	s9 =	rddreg [dreg:$0x5];
	[sflag:s0] =	ssyncadd.s32 $0xFFFFC000  }
0x65: {  	[tilespmem:s19], [sflag:$0x5] =	stream.linear.gather [hbm4b:s9+s6], $0x1000, $0x38;
	[tilespmem:$0x1E800] =	vst v63  }
0x66: {  	_ =	swait.ge [sflag:s20], $0x1000  }
0x67: {  	[sflag:s20] =	ssyncset.done $0x0  }
0x68: {  	s10 =	rddreg [dreg:$0x6];
	[sflag:s20] =	ssyncadd.s32 $0xFFFFF000  }
0x69: {  	[tilespmem:s21], [sflag:$0x5] =	stream.linear.gather [hbm4b:s10+s6], $0x1000, $0x38;
	[tilespmem:$0x1E800] =	vst v63  }
0x6a: {  	_ =	swait.ge [sflag:s20], $0x1000  }
0x6b: {  	[sflag:s20] =	ssyncset.done $0x0  }
0x6c: {  	[sflag:s20] =	ssyncadd.s32 $0xFFFFF000  }
0x6d: {  	[tilespmem:s23], [sflag:$0x1] =	stream.indirect.gather [hbm4b:s4+s22], $0x80, s19, s22, $0xb8;
	[tilespmem:$0x1E800] =	vst v63  }
0x6e: {  	_ = 	snop  }
0x6f: {  	[tilespmem:s26], [sflag:$0x2] =	stream.indirect.gather [hbm4b:s4+s22], $0x80, s24, s22, $0xb8;
	[tilespmem:$0x1E800] =	vst v63  }
0x70: {  	_ =	swait.ge [sflag:s29], $0x4000  }
0x71: {  	[sflag:s29] =	ssyncset.done $0x0  }
0x72: {  	s8 =	simm.s32 $0x15000;
	[sflag:s29] =	ssyncadd.s32 $0xFFFFC000  }
0x73: {  	[spmem:s1] =	stream.indirect.scatter.add.f32 [tilespmem:s23], [sflag:$0x3], $0x80, s8, s22, $0xb8;
	[tilespmem:$0x1E800] =	vst v63  }
0x74: {  	_ =	swait.ge [sflag:s30], $0x4000  }
0x75: {  	[sflag:s30] =	ssyncset.done $0x0  }
0x76: {  	s9 =	simm.s32 $0x14100;
	[sflag:s30] =	ssyncadd.s32 $0xFFFFC000  }
0x77: {  	[tilespmem:s23], [sflag:$0x1] =	stream.indirect.gather [hbm4b:s4+s22], $0x80, s9, s22, $0xb8;
	[tilespmem:$0x1E800] =	vst v63  }
0x78: {  	_ =	swait.ge [sflag:s31], $0x4000  }
0x79: {  	[sflag:s31] =	ssyncset.done $0x0  }
0x7a: {  	s10 =	simm.s32 $0x15080;
	[sflag:s31] =	ssyncadd.s32 $0xFFFFC000  }
0x7b: {  	[spmem:s1] =	stream.indirect.scatter.add.f32 [tilespmem:s26], [sflag:$0x4], $0x80, s10, s22, $0xb8;
	[tilespmem:$0x1E800] =	vst v63  }
0x7c: {  	_ =	swait.ge [sflag:s0], $0x4000  }
0x7d: {  	[sflag:s0] =	ssyncset.done $0x0  }
0x7e: {  	s6 =	simm.s32 $0x400;
	s8 =	simm.s32 $0x14180;
	[sflag:s0] =	ssyncadd.s32 $0xFFFFC000  }
.LBB2_8:
0x7f: {  	[tilespmem:s26], [sflag:$0x2] =	stream.indirect.gather [hbm4b:s4+s22], $0x80, s8, s22, $0xb8;
	[tilespmem:$0x1E800] =	vst v63  }
0x80: {  	s8 =	smov.u32 s6  }
0x81: {  	p1 =	sne.s32 s6, $0x3800;
	s6 =	sadd.s32 $0x400, s6;
	_ =	swait.ge [sflag:s29], $0x4000  }
0x82: {  	s8 =	sshra.s32 s8, $0x2;
	[sflag:s29] =	ssyncset.done $0x0  }
0x83: {  	s9 =	sadd.s32 $0x15000, s8;
	[sflag:s29] =	ssyncadd.s32 $0xFFFFC000  }
0x84: {  	[spmem:s1] =	stream.indirect.scatter.add.f32 [tilespmem:s23], [sflag:$0x3], $0x80, s9, s22, $0xb8;
	[tilespmem:$0x1E800] =	vst v63  }
0x85: {  	_ =	swait.ge [sflag:s30], $0x4000  }
0x86: {  	[sflag:s30] =	ssyncset.done $0x0  }
0x87: {  	s9 =	sadd.s32 $0x14100, s8;
	[sflag:s30] =	ssyncadd.s32 $0xFFFFC000  }
0x88: {  	[tilespmem:s23], [sflag:$0x1] =	stream.indirect.gather [hbm4b:s4+s22], $0x80, s9, s22, $0xb8;
	[tilespmem:$0x1E800] =	vst v63  }
0x89: {  	_ =	swait.ge [sflag:s31], $0x4000  }
0x8a: {  	[sflag:s31] =	ssyncset.done $0x0  }
.Ltmp3:
0x8b: {  	s9 =	sadd.s32 $0x15080, s8;
	[sflag:s31] =	ssyncadd.s32 $0xFFFFC000;
	(pc) =	sbr.rel @p1 .LBB2_8-.Ltmp3, $4  }
0x8c: {  	[spmem:s1] =	stream.indirect.scatter.add.f32 [tilespmem:s26], [sflag:$0x4], $0x80, s9, s22, $0xb8;
	[tilespmem:$0x1E800] =	vst v63  }
0x8d: {  	_ =	swait.ge [sflag:s0], $0x4000  }
0x8e: {  	[sflag:s0] =	ssyncset.done $0x0  }
0x8f: {  	s8 =	sadd.s32 $0x14180, s8;
	[sflag:s0] =	ssyncadd.s32 $0xFFFFC000  }
0x90: {  	[tilespmem:s26], [sflag:$0x2] =	stream.indirect.gather [hbm4b:s4+s22], $0x80, s8, s22, $0xb8;
	[tilespmem:$0x1E800] =	vst v63  }
0x91: {  	_ =	swait.ge [sflag:s29], $0x4000  }
0x92: {  	[sflag:s29] =	ssyncset.done $0x0  }
0x93: {  	[sflag:s29] =	ssyncadd.s32 $0xFFFFC000  }
0x94: {  	[spmem:s1] =	stream.indirect.scatter.add.f32 [tilespmem:s23], [sflag:$0x3], $0x80, s2, s22, $0xb8;
	[tilespmem:$0x1E800] =	vst v63  }
0x95: {  	_ =	swait.ge [sflag:s31], $0x4000  }
0x96: {  	[sflag:s31] =	ssyncset.done $0x0  }
0x97: {  	[sflag:s31] =	ssyncadd.s32 $0xFFFFC000  }
0x98: {  	[spmem:s1] =	stream.indirect.scatter.add.f32 [tilespmem:s26], [sflag:$0x4], $0x80, s3, s22, $0xb8;
	[tilespmem:$0x1E800] =	vst v63  }
0x99: {  	_ =	swait.ge [sflag:s30], $0x4000  }
0x9a: {  	[sflag:s30] =	ssyncset.done $0x0  }
0x9b: {  	[sflag:s30] =	ssyncadd.s32 $0xFFFFC000  }
0x9c: {  	_ =	swait.ge [sflag:s0], $0x4000  }
0x9d: {  	[sflag:s0] =	ssyncset.done $0x0  }
0x9e: {  	s6 =	simm.s32 $0x0;
	s10 =	rddreg [dreg:$0x7];
	[sflag:s0] =	ssyncadd.s32 $0xFFFFC000  }
0x9f: {  	[tilespmem:s19], [sflag:$0x5] =	stream.linear.gather [hbm4b:s10+s6], $0x1000, $0x38;
	[tilespmem:$0x1E800] =	vst v63  }
0xa0: {  	_ =	swait.ge [sflag:s20], $0x1000  }
0xa1: {  	[sflag:s20] =	ssyncset.done $0x0  }
0xa2: {  	[sflag:s20] =	ssyncadd.s32 $0xFFFFF000  }
0xa3: {  	[tilespmem:s21], [sflag:$0x5] =	stream.linear.gather [hbm4b:s11+s6], $0x1000, $0x38;
	[tilespmem:$0x1E800] =	vst v63  }
0xa4: {  	_ =	swait.ge [sflag:s20], $0x1000  }
0xa5: {  	[sflag:s20] =	ssyncset.done $0x0  }
0xa6: {  	[sflag:s20] =	ssyncadd.s32 $0xFFFFF000  }
0xa7: {  	[tilespmem:s23], [sflag:$0x1] =	stream.indirect.gather [hbm4b:s4+s22], $0x80, s19, s22, $0xb8;
	[tilespmem:$0x1E800] =	vst v63  }
0xa8: {  	_ = 	snop  }
0xa9: {  	[tilespmem:s26], [sflag:$0x2] =	stream.indirect.gather [hbm4b:s4+s22], $0x80, s24, s22, $0xb8;
	[tilespmem:$0x1E800] =	vst v63  }
0xaa: {  	_ =	swait.ge [sflag:s29], $0x4000  }
0xab: {  	[sflag:s29] =	ssyncset.done $0x0  }
0xac: {  	s8 =	simm.s32 $0x15000;
	[sflag:s29] =	ssyncadd.s32 $0xFFFFC000  }
0xad: {  	[spmem:s1] =	stream.indirect.scatter.add.f32 [tilespmem:s23], [sflag:$0x3], $0x80, s8, s22, $0xb8;
	[tilespmem:$0x1E800] =	vst v63  }
0xae: {  	_ =	swait.ge [sflag:s30], $0x4000  }
0xaf: {  	[sflag:s30] =	ssyncset.done $0x0  }
0xb0: {  	s9 =	simm.s32 $0x14100;
	[sflag:s30] =	ssyncadd.s32 $0xFFFFC000  }
0xb1: {  	[tilespmem:s23], [sflag:$0x1] =	stream.indirect.gather [hbm4b:s4+s22], $0x80, s9, s22, $0xb8;
	[tilespmem:$0x1E800] =	vst v63  }
0xb2: {  	_ =	swait.ge [sflag:s31], $0x4000  }
0xb3: {  	[sflag:s31] =	ssyncset.done $0x0  }
0xb4: {  	s10 =	simm.s32 $0x15080;
	[sflag:s31] =	ssyncadd.s32 $0xFFFFC000  }
0xb5: {  	[spmem:s1] =	stream.indirect.scatter.add.f32 [tilespmem:s26], [sflag:$0x4], $0x80, s10, s22, $0xb8;
	[tilespmem:$0x1E800] =	vst v63  }
0xb6: {  	_ =	swait.ge [sflag:s0], $0x4000  }
0xb7: {  	[sflag:s0] =	ssyncset.done $0x0  }
0xb8: {  	s6 =	simm.s32 $0x400;
	s8 =	simm.s32 $0x14180;
	[sflag:s0] =	ssyncadd.s32 $0xFFFFC000  }
.LBB2_10:
0xb9: {  	[tilespmem:s26], [sflag:$0x2] =	stream.indirect.gather [hbm4b:s4+s22], $0x80, s8, s22, $0xb8;
	[tilespmem:$0x1E800] =	vst v63  }
0xba: {  	s8 =	smov.u32 s6  }
0xbb: {  	p1 =	sne.s32 s6, $0x3800;
	s6 =	sadd.s32 $0x400, s6;
	_ =	swait.ge [sflag:s29], $0x4000  }
0xbc: {  	s8 =	sshra.s32 s8, $0x2;
	[sflag:s29] =	ssyncset.done $0x0  }
0xbd: {  	s9 =	sadd.s32 $0x15000, s8;
	[sflag:s29] =	ssyncadd.s32 $0xFFFFC000  }
0xbe: {  	[spmem:s1] =	stream.indirect.scatter.add.f32 [tilespmem:s23], [sflag:$0x3], $0x80, s9, s22, $0xb8;
	[tilespmem:$0x1E800] =	vst v63  }
0xbf: {  	_ =	swait.ge [sflag:s30], $0x4000  }
0xc0: {  	[sflag:s30] =	ssyncset.done $0x0  }
0xc1: {  	s9 =	sadd.s32 $0x14100, s8;
	[sflag:s30] =	ssyncadd.s32 $0xFFFFC000  }
0xc2: {  	[tilespmem:s23], [sflag:$0x1] =	stream.indirect.gather [hbm4b:s4+s22], $0x80, s9, s22, $0xb8;
	[tilespmem:$0x1E800] =	vst v63  }
0xc3: {  	_ =	swait.ge [sflag:s31], $0x4000  }
0xc4: {  	[sflag:s31] =	ssyncset.done $0x0  }
.Ltmp4:
0xc5: {  	s9 =	sadd.s32 $0x15080, s8;
	[sflag:s31] =	ssyncadd.s32 $0xFFFFC000;
	(pc) =	sbr.rel @p1 .LBB2_10-.Ltmp4, $4  }
0xc6: {  	[spmem:s1] =	stream.indirect.scatter.add.f32 [tilespmem:s26], [sflag:$0x4], $0x80, s9, s22, $0xb8;
	[tilespmem:$0x1E800] =	vst v63  }
0xc7: {  	_ =	swait.ge [sflag:s0], $0x4000  }
0xc8: {  	[sflag:s0] =	ssyncset.done $0x0  }
0xc9: {  	s8 =	sadd.s32 $0x14180, s8;
	[sflag:s0] =	ssyncadd.s32 $0xFFFFC000  }
0xca: {  	[tilespmem:s26], [sflag:$0x2] =	stream.indirect.gather [hbm4b:s4+s22], $0x80, s8, s22, $0xb8;
	[tilespmem:$0x1E800] =	vst v63  }
0xcb: {  	_ =	swait.ge [sflag:s29], $0x4000  }
0xcc: {  	[sflag:s29] =	ssyncset.done $0x0  }
0xcd: {  	[sflag:s29] =	ssyncadd.s32 $0xFFFFC000  }
0xce: {  	[spmem:s1] =	stream.indirect.scatter.add.f32 [tilespmem:s23], [sflag:$0x3], $0x80, s2, s22, $0xb8;
	[tilespmem:$0x1E800] =	vst v63  }
0xcf: {  	_ =	swait.ge [sflag:s31], $0x4000  }
0xd0: {  	[sflag:s31] =	ssyncset.done $0x0  }
0xd1: {  	[sflag:s31] =	ssyncadd.s32 $0xFFFFC000  }
0xd2: {  	[spmem:s1] =	stream.indirect.scatter.add.f32 [tilespmem:s26], [sflag:$0x4], $0x80, s3, s22, $0xb8;
	[tilespmem:$0x1E800] =	vst v63  }
0xd3: {  	_ =	swait.ge [sflag:s30], $0x4000  }
0xd4: {  	[sflag:s30] =	ssyncset.done $0x0  }
0xd5: {  	[sflag:s30] =	ssyncadd.s32 $0xFFFFC000  }
0xd6: {  	_ =	swait.ge [sflag:s0], $0x4000  }
0xd7: {  	[sflag:s0] =	ssyncset.done $0x0  }
0xd8: {  	s6 =	simm.s32 $0x0;
	[sflag:s0] =	ssyncadd.s32 $0xFFFFC000  }
0xd9: {  	[tilespmem:s19], [sflag:$0x5] =	stream.linear.gather [hbm4b:s12+s6], $0x1000, $0x38;
	[tilespmem:$0x1E800] =	vst v63  }
0xda: {  	_ =	swait.ge [sflag:s20], $0x1000  }
0xdb: {  	[sflag:s20] =	ssyncset.done $0x0  }
0xdc: {  	[sflag:s20] =	ssyncadd.s32 $0xFFFFF000  }
0xdd: {  	[tilespmem:s21], [sflag:$0x5] =	stream.linear.gather [hbm4b:s13+s6], $0x1000, $0x38;
	[tilespmem:$0x1E800] =	vst v63  }
0xde: {  	_ =	swait.ge [sflag:s20], $0x1000  }
0xdf: {  	[sflag:s20] =	ssyncset.done $0x0  }
0xe0: {  	[sflag:s20] =	ssyncadd.s32 $0xFFFFF000  }
0xe1: {  	[tilespmem:s23], [sflag:$0x1] =	stream.indirect.gather [hbm4b:s4+s22], $0x80, s19, s22, $0xb8;
	[tilespmem:$0x1E800] =	vst v63  }
0xe2: {  	_ = 	snop  }
0xe3: {  	[tilespmem:s26], [sflag:$0x2] =	stream.indirect.gather [hbm4b:s4+s22], $0x80, s24, s22, $0xb8;
	[tilespmem:$0x1E800] =	vst v63  }
0xe4: {  	_ =	swait.ge [sflag:s29], $0x4000  }
0xe5: {  	[sflag:s29] =	ssyncset.done $0x0  }
0xe6: {  	s8 =	simm.s32 $0x15000;
	[sflag:s29] =	ssyncadd.s32 $0xFFFFC000  }
0xe7: {  	[spmem:s1] =	stream.indirect.scatter.add.f32 [tilespmem:s23], [sflag:$0x3], $0x80, s8, s22, $0xb8;
	[tilespmem:$0x1E800] =	vst v63  }
0xe8: {  	_ =	swait.ge [sflag:s30], $0x4000  }
0xe9: {  	[sflag:s30] =	ssyncset.done $0x0  }
0xea: {  	s9 =	simm.s32 $0x14100;
	[sflag:s30] =	ssyncadd.s32 $0xFFFFC000  }
0xeb: {  	[tilespmem:s23], [sflag:$0x1] =	stream.indirect.gather [hbm4b:s4+s22], $0x80, s9, s22, $0xb8;
	[tilespmem:$0x1E800] =	vst v63  }
0xec: {  	_ =	swait.ge [sflag:s31], $0x4000  }
0xed: {  	[sflag:s31] =	ssyncset.done $0x0  }
0xee: {  	s10 =	simm.s32 $0x15080;
	[sflag:s31] =	ssyncadd.s32 $0xFFFFC000  }
0xef: {  	[spmem:s1] =	stream.indirect.scatter.add.f32 [tilespmem:s26], [sflag:$0x4], $0x80, s10, s22, $0xb8;
	[tilespmem:$0x1E800] =	vst v63  }
0xf0: {  	_ =	swait.ge [sflag:s0], $0x4000  }
0xf1: {  	[sflag:s0] =	ssyncset.done $0x0  }
0xf2: {  	s6 =	simm.s32 $0x400;
	s8 =	simm.s32 $0x14180;
	[sflag:s0] =	ssyncadd.s32 $0xFFFFC000  }
.LBB2_12:
0xf3: {  	[tilespmem:s26], [sflag:$0x2] =	stream.indirect.gather [hbm4b:s4+s22], $0x80, s8, s22, $0xb8;
	[tilespmem:$0x1E800] =	vst v63  }
0xf4: {  	s8 =	smov.u32 s6  }
0xf5: {  	p1 =	sne.s32 s6, $0x3800;
	s6 =	sadd.s32 $0x400, s6;
	_ =	swait.ge [sflag:s29], $0x4000  }
0xf6: {  	s8 =	sshra.s32 s8, $0x2;
	[sflag:s29] =	ssyncset.done $0x0  }
0xf7: {  	s9 =	sadd.s32 $0x15000, s8;
	[sflag:s29] =	ssyncadd.s32 $0xFFFFC000  }
0xf8: {  	[spmem:s1] =	stream.indirect.scatter.add.f32 [tilespmem:s23], [sflag:$0x3], $0x80, s9, s22, $0xb8;
	[tilespmem:$0x1E800] =	vst v63  }
0xf9: {  	_ =	swait.ge [sflag:s30], $0x4000  }
0xfa: {  	[sflag:s30] =	ssyncset.done $0x0  }
0xfb: {  	s9 =	sadd.s32 $0x14100, s8;
	[sflag:s30] =	ssyncadd.s32 $0xFFFFC000  }
0xfc: {  	[tilespmem:s23], [sflag:$0x1] =	stream.indirect.gather [hbm4b:s4+s22], $0x80, s9, s22, $0xb8;
	[tilespmem:$0x1E800] =	vst v63  }
0xfd: {  	_ =	swait.ge [sflag:s31], $0x4000  }
0xfe: {  	[sflag:s31] =	ssyncset.done $0x0  }
.Ltmp5:
0xff: {  	s9 =	sadd.s32 $0x15080, s8;
	[sflag:s31] =	ssyncadd.s32 $0xFFFFC000;
	(pc) =	sbr.rel @p1 .LBB2_12-.Ltmp5, $4  }
0x100: {  	[spmem:s1] =	stream.indirect.scatter.add.f32 [tilespmem:s26], [sflag:$0x4], $0x80, s9, s22, $0xb8;
	[tilespmem:$0x1E800] =	vst v63  }
0x101: {  	_ =	swait.ge [sflag:s0], $0x4000  }
0x102: {  	[sflag:s0] =	ssyncset.done $0x0  }
0x103: {  	s8 =	sadd.s32 $0x14180, s8;
	[sflag:s0] =	ssyncadd.s32 $0xFFFFC000  }
0x104: {  	[tilespmem:s26], [sflag:$0x2] =	stream.indirect.gather [hbm4b:s4+s22], $0x80, s8, s22, $0xb8;
	[tilespmem:$0x1E800] =	vst v63  }
0x105: {  	_ =	swait.ge [sflag:s29], $0x4000  }
0x106: {  	[sflag:s29] =	ssyncset.done $0x0  }
0x107: {  	[sflag:s29] =	ssyncadd.s32 $0xFFFFC000  }
0x108: {  	[spmem:s1] =	stream.indirect.scatter.add.f32 [tilespmem:s23], [sflag:$0x3], $0x80, s2, s22, $0xb8;
	[tilespmem:$0x1E800] =	vst v63  }
0x109: {  	_ =	swait.ge [sflag:s31], $0x4000  }
0x10a: {  	[sflag:s31] =	ssyncset.done $0x0  }
0x10b: {  	[sflag:s31] =	ssyncadd.s32 $0xFFFFC000  }
0x10c: {  	[spmem:s1] =	stream.indirect.scatter.add.f32 [tilespmem:s26], [sflag:$0x4], $0x80, s3, s22, $0xb8;
	[tilespmem:$0x1E800] =	vst v63  }
0x10d: {  	_ =	swait.ge [sflag:s30], $0x4000  }
0x10e: {  	[sflag:s30] =	ssyncset.done $0x0  }
0x10f: {  	[sflag:s30] =	ssyncadd.s32 $0xFFFFC000  }
0x110: {  	_ =	swait.ge [sflag:s0], $0x4000  }
0x111: {  	[sflag:s0] =	ssyncset.done $0x0  }
0x112: {  	s6 =	simm.s32 $0x0;
	[sflag:s0] =	ssyncadd.s32 $0xFFFFC000  }
0x113: {  	[tilespmem:s19], [sflag:$0x5] =	stream.linear.gather [hbm4b:s14+s6], $0x1000, $0x38;
	[tilespmem:$0x1E800] =	vst v63  }
0x114: {  	_ =	swait.ge [sflag:s20], $0x1000  }
0x115: {  	[sflag:s20] =	ssyncset.done $0x0  }
0x116: {  	[sflag:s20] =	ssyncadd.s32 $0xFFFFF000  }
0x117: {  	[tilespmem:s21], [sflag:$0x5] =	stream.linear.gather [hbm4b:s15+s6], $0x1000, $0x38;
	[tilespmem:$0x1E800] =	vst v63  }
0x118: {  	_ =	swait.ge [sflag:s20], $0x1000  }
0x119: {  	[sflag:s20] =	ssyncset.done $0x0  }
0x11a: {  	[sflag:s20] =	ssyncadd.s32 $0xFFFFF000  }
0x11b: {  	[tilespmem:s23], [sflag:$0x1] =	stream.indirect.gather [hbm4b:s4+s22], $0x80, s19, s22, $0xb8;
	[tilespmem:$0x1E800] =	vst v63  }
0x11c: {  	_ = 	snop  }
0x11d: {  	[tilespmem:s26], [sflag:$0x2] =	stream.indirect.gather [hbm4b:s4+s22], $0x80, s24, s22, $0xb8;
	[tilespmem:$0x1E800] =	vst v63  }
0x11e: {  	_ =	swait.ge [sflag:s29], $0x4000  }
0x11f: {  	[sflag:s29] =	ssyncset.done $0x0  }
0x120: {  	s8 =	simm.s32 $0x15000;
	[sflag:s29] =	ssyncadd.s32 $0xFFFFC000  }
0x121: {  	[spmem:s1] =	stream.indirect.scatter.add.f32 [tilespmem:s23], [sflag:$0x3], $0x80, s8, s22, $0xb8;
	[tilespmem:$0x1E800] =	vst v63  }
0x122: {  	_ =	swait.ge [sflag:s30], $0x4000  }
0x123: {  	[sflag:s30] =	ssyncset.done $0x0  }
0x124: {  	s9 =	simm.s32 $0x14100;
	[sflag:s30] =	ssyncadd.s32 $0xFFFFC000  }
0x125: {  	[tilespmem:s23], [sflag:$0x1] =	stream.indirect.gather [hbm4b:s4+s22], $0x80, s9, s22, $0xb8;
	[tilespmem:$0x1E800] =	vst v63  }
0x126: {  	_ =	swait.ge [sflag:s31], $0x4000  }
0x127: {  	[sflag:s31] =	ssyncset.done $0x0  }
0x128: {  	s10 =	simm.s32 $0x15080;
	[sflag:s31] =	ssyncadd.s32 $0xFFFFC000  }
0x129: {  	[spmem:s1] =	stream.indirect.scatter.add.f32 [tilespmem:s26], [sflag:$0x4], $0x80, s10, s22, $0xb8;
	[tilespmem:$0x1E800] =	vst v63  }
0x12a: {  	_ =	swait.ge [sflag:s0], $0x4000  }
0x12b: {  	[sflag:s0] =	ssyncset.done $0x0  }
0x12c: {  	s6 =	simm.s32 $0x400;
	s8 =	simm.s32 $0x14180;
	[sflag:s0] =	ssyncadd.s32 $0xFFFFC000  }
.LBB2_14:
0x12d: {  	[tilespmem:s26], [sflag:$0x2] =	stream.indirect.gather [hbm4b:s4+s22], $0x80, s8, s22, $0xb8;
	[tilespmem:$0x1E800] =	vst v63  }
0x12e: {  	s8 =	smov.u32 s6  }
0x12f: {  	p1 =	sne.s32 s6, $0x3800;
	s6 =	sadd.s32 $0x400, s6;
	_ =	swait.ge [sflag:s29], $0x4000  }
0x130: {  	s8 =	sshra.s32 s8, $0x2;
	[sflag:s29] =	ssyncset.done $0x0  }
0x131: {  	s9 =	sadd.s32 $0x15000, s8;
	[sflag:s29] =	ssyncadd.s32 $0xFFFFC000  }
0x132: {  	[spmem:s1] =	stream.indirect.scatter.add.f32 [tilespmem:s23], [sflag:$0x3], $0x80, s9, s22, $0xb8;
	[tilespmem:$0x1E800] =	vst v63  }
0x133: {  	_ =	swait.ge [sflag:s30], $0x4000  }
0x134: {  	[sflag:s30] =	ssyncset.done $0x0  }
0x135: {  	s9 =	sadd.s32 $0x14100, s8;
	[sflag:s30] =	ssyncadd.s32 $0xFFFFC000  }
0x136: {  	[tilespmem:s23], [sflag:$0x1] =	stream.indirect.gather [hbm4b:s4+s22], $0x80, s9, s22, $0xb8;
	[tilespmem:$0x1E800] =	vst v63  }
0x137: {  	_ =	swait.ge [sflag:s31], $0x4000  }
0x138: {  	[sflag:s31] =	ssyncset.done $0x0  }
.Ltmp6:
0x139: {  	s9 =	sadd.s32 $0x15080, s8;
	[sflag:s31] =	ssyncadd.s32 $0xFFFFC000;
	(pc) =	sbr.rel @p1 .LBB2_14-.Ltmp6, $4  }
0x13a: {  	[spmem:s1] =	stream.indirect.scatter.add.f32 [tilespmem:s26], [sflag:$0x4], $0x80, s9, s22, $0xb8;
	[tilespmem:$0x1E800] =	vst v63  }
0x13b: {  	_ =	swait.ge [sflag:s0], $0x4000  }
0x13c: {  	[sflag:s0] =	ssyncset.done $0x0  }
0x13d: {  	s8 =	sadd.s32 $0x14180, s8;
	[sflag:s0] =	ssyncadd.s32 $0xFFFFC000  }
0x13e: {  	[tilespmem:s26], [sflag:$0x2] =	stream.indirect.gather [hbm4b:s4+s22], $0x80, s8, s22, $0xb8;
	[tilespmem:$0x1E800] =	vst v63  }
0x13f: {  	_ =	swait.ge [sflag:s29], $0x4000  }
0x140: {  	[sflag:s29] =	ssyncset.done $0x0  }
0x141: {  	[sflag:s29] =	ssyncadd.s32 $0xFFFFC000  }
0x142: {  	[spmem:s1] =	stream.indirect.scatter.add.f32 [tilespmem:s23], [sflag:$0x3], $0x80, s2, s22, $0xb8;
	[tilespmem:$0x1E800] =	vst v63  }
0x143: {  	_ =	swait.ge [sflag:s31], $0x4000  }
0x144: {  	[sflag:s31] =	ssyncset.done $0x0  }
0x145: {  	[sflag:s31] =	ssyncadd.s32 $0xFFFFC000  }
0x146: {  	[spmem:s1] =	stream.indirect.scatter.add.f32 [tilespmem:s26], [sflag:$0x4], $0x80, s3, s22, $0xb8;
	[tilespmem:$0x1E800] =	vst v63  }
0x147: {  	_ =	swait.ge [sflag:s30], $0x4000  }
0x148: {  	[sflag:s30] =	ssyncset.done $0x0  }
0x149: {  	[sflag:s30] =	ssyncadd.s32 $0xFFFFC000  }
0x14a: {  	_ =	swait.ge [sflag:s0], $0x4000  }
0x14b: {  	[sflag:s0] =	ssyncset.done $0x0  }
0x14c: {  	[sflag:s0] =	ssyncadd.s32 $0xFFFFC000  }
0x14d: {  	s6 =	simm.s32 @p0 $0x1FC5;
	[bflag:$0x0] =	sbarrier.arrive $0xFFFF  }
0x14e: {  	[hbm:s17], [sflag:s6] =	dma.local @p0 [spmem:s25], $0x1900  }
0x14f: {  	s6 =	simm.s32 @p0 $0x5  }
0x150: {  	s8 =	stileid.u32;
	s5 =	sadd.s32 $0x1, s5;
	_ =	swait.ge @p0 [sflag:s6], $0x1900  }
0x151: {  	s8 =	sshll.u32 @!p0 s8, $0x6;
	p1 =	sne.s32 s5, s18;
	[sflag:s6] =	ssyncset.done @p0 $0x0  }
0x152: {  	[sflag:s6] =	ssyncadd.s32 @p0 $0xFFFFE700;
	s6 =	sor.u32 @!p0 $0x1C05, s8;
	s8 =	sshrl.u32 @!p0 s7, $0x3  }
0x153: {  	[hbm:s16], [sflag:s6] =	dma.local @!p0 [spmem:s8], $0x2800  }
.Ltmp7:
0x154: {  	_ = 	snop;
	(pc) =	sbr.rel @p1 .LBB2_1-.Ltmp7, $4  }
0x155: {  	s6 =	simm.s32 @!p0 $0x5  }
0x156: {  	_ =	swait.ge @!p0 [sflag:s6], $0x2800  }
0x157: {  	[sflag:s6] =	ssyncset.done @!p0 $0x0  }
0x158: {  	[sflag:s6] =	ssyncadd.s32 @!p0 $0xFFFFD800  }
0x159: {  	_ =	sfence.sel $0x180000  }
0x15a: {  	[bflag:$0x0] =	sbarrier.arrive $0xFFFF  }
0x15b: {  	_ =	strace $0x9000004D  }
0x15c: {  	s0 =	stileid.u32;
	[bflag:$0x2] =	sbarrier.arrive $0xFFFF  }
0x15d: {  	p0 =	sne.s32 s0, $0x0;
	s0 =	rddreg [dreg:$0x2]  }
0x15e: {  	s0 =	sadd.s32 @!p0 $0x100000, s0  }
0x15f: {  	[sflag:s0] =	ssyncadd.tile.s32 @!p0 $0x1;
	_ =	shalt  }
.Lfunc_end2:
_tile_overlayer_lowered:
.L_overlay_start_2:
0x160: {  	(tag) =	ssettag $0x2  }
0x161: {  	s0 =	rddreg [dreg:$0x0];
	s2 =	stileid.u32  }
0x162: {  	s1 =	rddreg [dreg:$0x1];
	p0 =	sne.s32 s2, $0x0  }
0x163: {  	s3 =	rddreg [dreg:$0x2];
	[bflag:$0x3] =	sbarrier.arrive $0xFFFF;
	s2 =	simm.s32 @!p0 $0x1C05  }
0x164: {  	[timem:s3], [sflag:s2] =	dma.local @!p0 [hbm:s0], s1  }
0x165: {  	s0 =	simm.s32 @!p0 $0x5  }
0x166: {  	_ =	swait.ge @!p0 [sflag:s0], s1  }
0x167: {  	s1 =	ssub.s32 @!p0 $0x0, s1;
	[sflag:s0] =	ssyncset.done @!p0 $0x0  }
0x168: {  	[sflag:s0] =	ssyncadd.s32 @!p0 s1  }
0x169: {  	[bflag:$0x3] =	sbarrier.arrive $0xFFFF  }
0x16a: {  	_ =	shalt  }

// kernel: kernel.9.cloned.1.call-start
scs
__scs_entry_jumppad:
0x0: {  	(pc) =	sbr.rel $0x88, $3  }
0x1: {  	(tag) =	ssettag $0x0;
	lr =	simm.s32 $0x1  }
0x2: {  	[smem:$0x3F8E] =	sst lr;
	_ =	strace $0xD0000000  }
0x3: {  	_ = 	snop  }
0x4: {  	_ = 	snop  }
0x5: {  	_ = 	snop  }
0x6: {  	_ = 	snop  }
0x7: {  	_ = 	snop  }
__scs_overlays_trampoline_lowered:
0x8: {  	[smem:$0x3F9D] =	sst s0  }
0x9: {  	[smem:$0x3F9E] =	sst s1  }
0xa: {  	[smem:$0x3F9F] =	sst s2  }
0xb: {  	[smem:$0x3FA0] =	sst s3  }
0xc: {  	[smem:$0x3FA1] =	sst s4  }
0xd: {  	[smem:$0x3FA2] =	sst s5  }
0xe: {  	[smem:$0x3FA3] =	sst s6  }
0xf: {  	[smem:$0x3FA4] =	sst s7  }
0x10: {  	[smem:$0x3FA5] =	sst s8  }
0x11: {  	[smem:$0x3FA6] =	sst s9;
	s0 =	simm.s32 @!p0 $0x0  }
0x12: {  	s1 =	sld [smem:$0x3F8C];
	s0 =	simm.s32 @p0 $0x1  }
0x13: {  	[smem:$0x3FA7] =	sst s0;
	s0 =	simm.s32 @!p1 $0x0  }
0x14: {  	s2 =	sld [smem:$0x3F8B];
	s0 =	simm.s32 @p1 $0x1  }
0x15: {  	[smem:$0x3FA8] =	sst s0;
	s0 =	simm.s32 @!p2 $0x0  }
0x16: {  	s3 =	sld [smem:$0x3FDB];
	s0 =	simm.s32 @p2 $0x1  }
0x17: {  	s4 =	simm.s32 $0x1BF5;
	[smem:$0x3FAA] =	sst s0  }
0x18: {  	s0 =	sld [smem:$0x3F8D];
	_ =	swait.ge [sflag:s4], $0x0  }
0x19: {  	s7 =	sld [smem:$0x3F8E]  }
0x1a: {  	s8 =	sadd.s32 $0xFFFFE003, lr  }
0x1b: {  	s9 =	sadd.s32 $0xFFFFFEF7, lr;
	s5 =	simm.s32 $0xFFFFFFFF;
	p2 =	slt.u32 s8, $0xFFFFF086  }
0x1c: {  	p1 =	slt.u32 s9, $0xF7A;
	s5 =	simm.s32 @!p2 $0x0  }
0x1d: {  	s5 =	simm.s32 @p1 $0x1;
	p0 =	seq.s32 s7, s2  }
0x1e: {  	s7 =	smul.u32 @!p0 $0xF7A, s2;
	p2 =	seq.s32 @!p0 s5, $0x0  }
0x1f: {  	s9 =	smul.u32 $0xF7A, s1;
	s8 =	simm.s32 @!p0 $0x1BF5;
	p2 =	por !p2, p0  }
0x20: {  	[sflag:s8] =	ssyncset.s32 @!p0 $0xFFFFF086;
	s6 =	sadd.s32 @!p0 s3, s7;
	s7 =	simm.s32 @!p0 $0x108  }
0x21: {  	s3 =	sadd.s32 s3, s9;
	s6 =	sadd.s32 @!p0 $0x88, s6;
	s7 =	simm.s32 @p2 $0x1082  }
0x22: {  	[simem:s7], [sflag:s8] =	dma.local @!p0 [hbm:s6], $0xF7A  }
0x23: {  	s9 =	sor.u32 $0xD0000000, s2;
	s6 =	simm.s32 $0x108;
	_ =	swait.ge @!p0 [sflag:s8], $0x0  }
0x24: {  	s3 =	sadd.s32 $0x88, s3;
	s6 =	simm.s32 @!p1 $0x1082;
	[sflag:s4] =	ssyncset.s32 $0xFFFFF086  }
0x25: {  	[simem:s6], [sflag:s4] =	dma.local [hbm:s3], $0xF7A  }
0x26: {  	[smem:$0x3F8E] =	sst s1;
	(tag) =	ssettag s2;
	_ =	strace s9  }
0x27: {  	s1 =	sld [smem:$0x3F9E]  }
0x28: {  	s2 =	sld [smem:$0x3F9F]  }
0x29: {  	s4 =	sld [smem:$0x3FA1]  }
0x2a: {  	p0 =	seq.s32 s5, $0x0;
	s5 =	sld [smem:$0x3FA2]  }
0x2b: {  	s6 =	sld [smem:$0x3FA3]  }
0x2c: {  	s7 =	sld [smem:$0x3FA4]  }
0x2d: {  	s3 =	simm.s32 $0x108;
	s8 =	sld [smem:$0x3FA5]  }
0x2e: {  	s3 =	simm.s32 @!p0 $0x1082;
	s9 =	sld [smem:$0x3FA6]  }
0x2f: {  	lr =	sadd.s32 s0, s3;
	s0 =	sld [smem:$0x3F9D]  }
0x30: {  	s3 =	sld [smem:$0x3FA0]  }
0x31: {  	[smem:$0x3FA9] =	sst s10  }
0x32: {  	s10 =	sld [smem:$0x3FA7];
	_ =	sdelay $0x3  }
0x33: {  	p0 =	seq.s32 s10, $0x1;
	s10 =	sld [smem:$0x3FA9];
	_ =	sdelay $0x3  }
0x34: {  	[smem:$0x3FA9] =	sst s10  }
0x35: {  	s10 =	sld [smem:$0x3FA8];
	_ =	sdelay $0x3  }
0x36: {  	p1 =	seq.s32 s10, $0x1;
	s10 =	sld [smem:$0x3FA9];
	_ =	sdelay $0x3  }
0x37: {  	[smem:$0x3FA9] =	sst s10  }
0x38: {  	s10 =	sld [smem:$0x3FAA]  }
0x39: {  	_ = 	snop;
	(pc) =	sbr.ind lr, $3  }
0x3a: {  	_ = 	snop  }
0x3b: {  	_ = 	snop  }
0x3c: {  	p2 =	seq.s32 s10, $0x1;
	s10 =	sld [smem:$0x3FA9]  }
0x3d: {  	_ =	shalt  }
0x3e: {  	_ =	shalt  }
0x3f: {  	_ =	shalt  }
0x40: {  	_ =	shalt  }
0x41: {  	_ =	shalt  }
0x42: {  	_ =	shalt  }
0x43: {  	_ =	shalt  }
0x44: {  	_ =	shalt  }
0x45: {  	_ =	shalt  }
0x46: {  	_ =	shalt  }
0x47: {  	_ =	shalt  }
0x48: {  	_ =	shalt  }
0x49: {  	_ =	shalt  }
0x4a: {  	_ =	shalt  }
0x4b: {  	_ =	shalt  }
0x4c: {  	_ =	shalt  }
0x4d: {  	_ =	shalt  }
0x4e: {  	_ =	shalt  }
0x4f: {  	_ =	shalt  }
0x50: {  	_ =	shalt  }
0x51: {  	_ =	shalt  }
0x52: {  	_ =	shalt  }
0x53: {  	_ =	shalt  }
0x54: {  	_ =	shalt  }
0x55: {  	_ =	shalt  }
0x56: {  	_ =	shalt  }
0x57: {  	_ =	shalt  }
0x58: {  	_ =	shalt  }
0x59: {  	_ =	shalt  }
0x5a: {  	_ =	shalt  }
0x5b: {  	_ =	shalt  }
0x5c: {  	_ =	shalt  }
0x5d: {  	_ =	shalt  }
0x5e: {  	_ =	shalt  }
0x5f: {  	_ =	shalt  }
0x60: {  	_ =	shalt  }
0x61: {  	_ =	shalt  }
0x62: {  	_ =	shalt  }
0x63: {  	_ =	shalt  }
0x64: {  	_ =	shalt  }
0x65: {  	_ =	shalt  }
0x66: {  	_ =	shalt  }
0x67: {  	_ =	shalt  }
0x68: {  	_ =	shalt  }
0x69: {  	_ =	shalt  }
0x6a: {  	_ =	shalt  }
0x6b: {  	_ =	shalt  }
0x6c: {  	_ =	shalt  }
0x6d: {  	_ =	shalt  }
0x6e: {  	_ =	shalt  }
0x6f: {  	_ =	shalt  }
0x70: {  	_ =	shalt  }
0x71: {  	_ =	shalt  }
0x72: {  	_ =	shalt  }
0x73: {  	_ =	shalt  }
0x74: {  	_ =	shalt  }
0x75: {  	_ =	shalt  }
0x76: {  	_ =	shalt  }
0x77: {  	_ =	shalt  }
0x78: {  	_ =	shalt  }
0x79: {  	_ =	shalt  }
0x7a: {  	_ =	shalt  }
0x7b: {  	_ =	shalt  }
0x7c: {  	_ =	shalt  }
0x7d: {  	_ =	shalt  }
0x7e: {  	_ =	shalt  }
0x7f: {  	_ =	shalt  }
0x80: {  	_ =	shalt  }
0x81: {  	_ =	shalt  }
0x82: {  	_ =	shalt  }
0x83: {  	_ =	shalt  }
0x84: {  	_ =	shalt  }
0x85: {  	_ =	shalt  }
0x86: {  	_ =	shalt  }
0x87: {  	_ =	shalt  }
.Lfunc_end0:
.L_simem_size_0:
called_computation_lowered:
.L_overlay_start_0:
0x88: {  	s2 =	sld [smem:$0x3FD9]  }
0x89: {  	s3 =	sld [smem:$0x3FFE];
	_ =	sdelay $0x1  }
0x8a: {  	s1 =	srdreg.scid  }
0x8b: {  	s0 =	sand.u32 $0x1, s1  }
0x8c: {  	s16 =	sshll.u32 s0, $0xA;
	s2 =	sadd.s32 s3, s2  }
0x8d: {  	s2 =	sadd.s32 s2, s16  }
0x8e: {  	[smem:$0x3FB5] =	sst s2  }
0x8f: {  	_ = 	snop  }
0x90: {  	(tm) =	ssettm $0x1  }
0x91: {  	s17 =	sld [smem:$0x3FFB];
	_ =	sdelay $0x3  }
0x92: {  	_ =	strace s17  }
0x93: {  	s2 =	sld [smem:$0x3FFC];
	_ =	sdelay $0x3  }
0x94: {  	_ =	strace s2  }
0x95: {  	s2 =	sld [smem:$0x3FFD];
	_ =	sdelay $0x3  }
0x96: {  	_ =	strace s2  }
0x97: {  	_ =	strace $0x8FFFFFFF  }
0x98: {  	s18 =	sld [smem:$0x3FDB];
	_ =	sdelay $0x1  }
0x99: {  	s19 =	simm.s32 $_scs_section_size  }
0x9a: {  	s4 =	simm.s32 $_size__tile_overlayer_lowered;
	s5 =	simm.s32 $_tile_overlayer_lowered  }
0x9b: {  	s22 =	simm.s32 $0x1BFF;
	s21 =	sshll.u32 s5, $0x1;
	s2 =	sadd.s32 s19, s18  }
0x9c: {  	s6 =	simm.s32 $0x0;
	s20 =	sshll.u32 s4, $0x1;
	s4 =	sadd.s32 s21, s2  }
0x9d: {  	[timem:s6], [sflag:s22] =	dma.local [hbm:s4], s20  }
0x9e: {  	_ =	swait.ge [sflag:s22], s20  }
0x9f: {  	s3 =	ssub.s32 $0x0, s20;
	[sflag:s22] =	ssyncset.done $0x0  }
0xa0: {  	[sflag:s22] =	ssyncadd.s32 s3;
	_ =	sdelay $0x1  }
0xa1: {  	s23 =	simm.s32 $0x1B8B  }
0xa2: {  	_ =	swait.ge [sflag:s23], $0x1  }
0xa3: {  	[sflag:s23] =	ssyncset.done $0x0  }
0xa4: {  	s25 =	simm.s32 $0x1B8E;
	s24 =	sld [smem:$0x3FFE];
	[sflag:s23] =	ssyncadd.s32 $0xFFFFFFFF  }
0xa5: {  	s26 =	simm.s32 $execute0_lowered;
	[smem:$0x3FD2] =	sst s25  }
0xa6: {  	s4 =	sshll.u32 s26, $0x1;
	_ =	strace $0x80000046;
	[dreg:$0x1] =	wrdreg $0xFFFFFFFF  }
0xa7: {  	s28 =	simm.s32 $_size_execute0_lowered;
	s2 =	sadd.s32 s2, s4;
	[dreg:$0x0] =	wrdreg $0x0  }
0xa8: {  	s4 =	sshll.u32 s28, $0x1;
	[dreg:$0x2] =	wrdreg s2  }
0xa9: {  	[dreg:$0x3] =	wrdreg s4  }
0xaa: {  	[dreg:$0x4] =	wrdreg $0xC0  }
0xab: {  	_ =	task [dreg:s6], $0x5FFFF  }
0xac: {  	[dreg:$0x1] =	wrdreg $0xFFFFFFFF  }
0xad: {  	[dreg:$0x0] =	wrdreg $0x60  }
0xae: {  	[dreg:$0x2] =	wrdreg s24  }
0xaf: {  	[dreg:$0x3] =	wrdreg $0x0  }
0xb0: {  	[dreg:$0x4] =	wrdreg $0x9  }
0xb1: {  	_ =	task.clear_ibuf [dreg:s6], $0x5FFFF;
	_ =	strace $0x90000046  }
0xb2: {  	s29 =	simm.s32 $0x9;
	_ =	strace $0x80000048  }
0xb3: {  	_ =	swait.ge [sflag:s29], $0x1  }
0xb4: {  	[sflag:s29] =	ssyncadd.s32 $0xFFFFFFFF  }
0xb5: {  	_ =	strace $0x90000048  }
0xb6: {  	_ =	sfence  }
0xb7: {  	s30 =	sld [smem:$0x0];
	_ =	sdelay $0x2  }
0xb8: {  	s31 =	sshll.u32 s1, $0xD;
	s1 =	sshrl.u32 s1, $0x2  }
0xb9: {  	s3 =	sand.u32 $0x4000, s31;
	s1 =	sadd.s32 s1, s30  }
0xba: {  	s0 =	sor.u32 s3, s0;
	s1 =	sshll.u32 s1, $0x11  }
0xbb: {  	s0 =	sor.u32 s1, s0  }
0xbc: {  	s0 =	sadd.s32 $0x8F2B, s0  }
0xbd: {  	[sflag:s0] =	ssyncadd.remote.s32 $0x1  }
0xbe: {  	_ =	sfence.sel $0xFFFF  }
0xbf: {  	[dreg:$0x0] =	wrdreg $0xFFFFFFFF;
	(pc) =	sbr.abs _section_cstart, $3  }
0xc0: {  	[dreg:$0x1] =	wrdreg $0xFFFFFFFF  }
0xc1: {  	_ =	task.clear_ibuf [dreg:s6], $0x2FFFF;
	_ =	strace $0x9FFFFFFF  }
0xc2: {  	(tm) =	ssettm $0x7FFFFFFF  }
0xc3: {  	_ =	shalt  }
tec
execute0_lowered:
.L_overlay_start_1:
0x0: {  	(tag) =	ssettag $0x1  }
0x1: {  	s0 =	rddreg [dreg:$0x0]  }
0x2: {  	s1 =	rddreg [dreg:$0x1];
	s2 =	srdreg.scid;
	s4 =	simm.s32 $0x0  }
0x3: {  	s23 =	stileid.u32;
	s19 =	simm.s32 $0x14000;
	s28 =	simm.s32 $0x1E000  }
0x4: {  	s29 =	simm.s32 $0x1;
	s30 =	simm.s32 $0x3;
	s31 =	simm.s32 $0x2  }
0x5: {  	s2 =	sand.u32 $0x1, s2;
	[smem:$0x7FF] =	sst s4;
	s7 =	smul.u32 $0xA00, s23  }
0x6: {  	s4 =	sadd.s32 $0x21A00, s0;
	s6 =	sadd.s32 $0xDA00, s0;
	s10 =	smul.u32 $0x50000, s23  }
0x7: {  	s8 =	sadd.s32 $0x3A00, s0;
	s0 =	sadd.s32 $0xBDE00, s0;
	s20 =	smul.u32 $0x5000, s23  }
0x8: {  	s25 =	smul.u32 $0x2800, s23;
	p0 =	seq.s32 s23, $0xF;
	s3 =	sshll.u32 s2, $0x4  }
0x9: {  	_ =	strace $0x80000047;
	s9 =	ssub.s32 $0x2, s2;
	s22 =	smul.u32 $0x27100, s2  }
0xa: {  	s2 =	smul.u32 $0x138800, s2;
	s3 =	sor.u32 s23, s3;
	s11 =	sshrl.u32 s9, $0x1  }
0xb: {  	s7 =	sadd.s32 s8, s7;
	s21 =	sshrl.u32 s10, $0x2;
	s5 =	smul.u32 $0xA00, s3  }
0xc: {  	s23 =	simm.s32 $0x16000;
	s3 =	smul.u32 $0x5000, s3;
	s18 =	ssub.s32 s9, s11  }
0xd: {  	[dreg:$0x4] =	wrdreg s7;
	s7 =	sadd.s32 s21, s1;
	s2 =	sshrl.u32 s2, $0x3  }
0xe: {  	s26 =	sadd.s32 s25, s22;
	s21 =	simm.s32 $0x15000;
	s22 =	simm.s32 $0x80  }
0xf: {  	s2 =	sadd.s32 s0, s2;
	s16 =	sadd.s32 s0, s26;
	s0 =	sadd.s32 $0x12C000, s1  }
0x10: {  	s18 =	smax.u32 s18, $0x1;
	s26 =	simm.s32 $0x1A000;
	s5 =	sadd.s32 s6, s5  }
0x11: {  	s3 =	sshrl.u32 s3, $0x3;
	s17 =	sadd.s32 $0x25800, s2;
	s25 =	sshrl.u32 @p0 s0, $0x3  }
0x12: {  	s0 =	simm.s32 $0x4;
	s2 =	simm.s32 $0x15F00;
	[dreg:$0x3] =	wrdreg s5  }
0x13: {  	s3 =	sadd.s32 s6, s3;
	s5 =	sshrl.u32 s20, $0x3;
	s20 =	simm.s32 $0x5  }
0x14: {  	s6 =	sadd.s32 $0x200, s3;
	s5 =	sadd.s32 s8, s5;
	s24 =	sadd.s32 $0x400, s3  }
0x15: {  	s12 =	sadd.s32 $0x600, s3;
	s14 =	sadd.s32 $0x800, s3;
	[dreg:$0x5] =	wrdreg s6  }
0x16: {  	s3 =	simm.s32 $0x15F80;
	s8 =	sadd.s32 $0x200, s5;
	[dreg:$0x7] =	wrdreg s24  }
0x17: {  	s11 =	sadd.s32 $0x400, s5;
	s13 =	sadd.s32 $0x600, s5;
	s15 =	sadd.s32 $0x800, s5  }
0x18: {  	v0 =	vimm.f32 $0.0e+00;
	s24 =	simm.s32 $0x14080;
	s5 =	simm.s32 $0x0;
	[dreg:$0x6] =	wrdreg s8  }
.LBB2_1:
0x19: {  	s6 =	simm.s32 $0x0;
	s8 =	rddreg [dreg:$0x3]  }
0x1a: {  	[tilespmem:s19], [sflag:$0x5] =	stream.linear.gather [hbm4b:s8+s6], $0x1000, $0x38;
	[tilespmem:$0x1E800] =	vst v63  }
0x1b: {  	_ =	swait.ge [sflag:s20], $0x1000  }
0x1c: {  	[sflag:s20] =	ssyncset.done $0x0  }
0x1d: {  	s10 =	rddreg [dreg:$0x4];
	[sflag:s20] =	ssyncadd.s32 $0xFFFFF000  }
0x1e: {  	[tilespmem:s21], [sflag:$0x5] =	stream.linear.gather [hbm4b:s10+s6], $0x1000, $0x38;
	[tilespmem:$0x1E800] =	vst v63  }
0x1f: {  	_ =	swait.ge [sflag:s20], $0x1000  }
0x20: {  	[sflag:s20] =	ssyncset.done $0x0  }
0x21: {  	[sflag:s20] =	ssyncadd.s32 $0xFFFFF000  }
0x22: {  	[tilespmem:s23], [sflag:$0x1] =	stream.indirect.gather [hbm4b:s4+s22], $0x80, s19, s22, $0xb8;
	[tilespmem:$0x1E800] =	vst v63  }
0x23: {  	s8 =	simm.s32 $0x0;
	s6 =	simm.s32 $0x0  }
0x24: {  	[tilespmem:s26], [sflag:$0x2] =	stream.indirect.gather [hbm4b:s4+s22], $0x80, s24, s22, $0xb8;
	[tilespmem:$0x1E800] =	vst v63  }
.LBB2_2:
0x25: {  	p1 =	sne.s32 s8, $0x1FC0  }
.Ltmp0:
0x26: {  	_ = 	snop;
	(pc) =	sbr.rel @p1 .LBB2_2-.Ltmp0, $4  }
0x27: {  	s9 =	sand.u32 $0x1E00, s8  }
0x28: {  	s10 =	sand.u32 $0x70, s6;
	s9 =	sshrl.u32 s9, $0x2  }
0x29: {  	s9 =	sor.u32 s10, s9  }
0x2a: {  	s6 =	sadd.s32 $0x10, s6;
	s8 =	sadd.s32 $0x40, s8;
	[tilespmem:s9+$0x1E000] =	vst v0  }
0x2b: {  	s6 =	sadd.s32 $0x0, s7  }
0x2c: {  	[spmem:s6] =	stream.linear.scatter [tilespmem:s28], [sflag:$0x5], $0x800, $0x38;
	[tilespmem:$0x1E800] =	vst v63  }
0x2d: {  	s6 =	simm.s32 $0x2000;
	_ =	swait.ge [sflag:s20], $0x800  }
.LBB2_4:
0x2e: {  	s8 =	sshra.s32 s6, $0x2;
	[sflag:s20] =	ssyncset.done $0x0;
	p1 =	sne.s32 s6, $0x4E000  }
.Ltmp1:
0x2f: {  	s8 =	sadd.s32 s8, s7;
	[sflag:s20] =	ssyncadd.s32 $0xFFFFF800;
	(pc) =	sbr.rel @p1 .LBB2_4-.Ltmp1, $3  }
0x30: {  	[spmem:s8] =	stream.linear.scatter [tilespmem:s28], [sflag:$0x5], $0x800, $0x38;
	[tilespmem:$0x1E800] =	vst v63  }
0x31: {  	s6 =	sadd.s32 $0x2000, s6;
	_ =	sdelay $0x1  }
0x32: {  	_ =	swait.ge [sflag:s20], $0x800  }
0x33: {  	[sflag:s20] =	ssyncset.done $0x0  }
0x34: {  	[sflag:s20] =	ssyncadd.s32 $0xFFFFF800  }
0x35: {  	[bflag:$0x0] =	sbarrier.arrive $0xFFFF  }
0x36: {  	_ =	swait.ge [sflag:s29], $0x4000  }
0x37: {  	[sflag:s29] =	ssyncset.done $0x0  }
0x38: {  	s6 =	simm.s32 $0x15000;
	[sflag:s29] =	ssyncadd.s32 $0xFFFFC000  }
0x39: {  	[spmem:s1] =	stream.indirect.scatter.add.f32 [tilespmem:s23], [sflag:$0x3], $0x80, s6, s22, $0xb8;
	[tilespmem:$0x1E800] =	vst v63  }
0x3a: {  	_ =	swait.ge [sflag:s30], $0x4000  }
0x3b: {  	[sflag:s30] =	ssyncset.done $0x0  }
0x3c: {  	s9 =	simm.s32 $0x14100;
	[sflag:s30] =	ssyncadd.s32 $0xFFFFC000  }
0x3d: {  	[tilespmem:s23], [sflag:$0x1] =	stream.indirect.gather [hbm4b:s4+s22], $0x80, s9, s22, $0xb8;
	[tilespmem:$0x1E800] =	vst v63  }
0x3e: {  	_ =	swait.ge [sflag:s31], $0x4000  }
0x3f: {  	[sflag:s31] =	ssyncset.done $0x0  }
0x40: {  	s10 =	simm.s32 $0x15080;
	[sflag:s31] =	ssyncadd.s32 $0xFFFFC000  }
0x41: {  	[spmem:s1] =	stream.indirect.scatter.add.f32 [tilespmem:s26], [sflag:$0x4], $0x80, s10, s22, $0xb8;
	[tilespmem:$0x1E800] =	vst v63  }
0x42: {  	_ =	swait.ge [sflag:s0], $0x4000  }
0x43: {  	[sflag:s0] =	ssyncset.done $0x0  }
0x44: {  	s8 =	simm.s32 $0x14180;
	s6 =	simm.s32 $0x400;
	[sflag:s0] =	ssyncadd.s32 $0xFFFFC000  }
.LBB2_6:
0x45: {  	[tilespmem:s26], [sflag:$0x2] =	stream.indirect.gather [hbm4b:s4+s22], $0x80, s8, s22, $0xb8;
	[tilespmem:$0x1E800] =	vst v63  }
0x46: {  	s8 =	smov.u32 s6  }
0x47: {  	p1 =	sne.s32 s6, $0x3800;
	s6 =	sadd.s32 $0x400, s6;
	_ =	swait.ge [sflag:s29], $0x4000  }
0x48: {  	s8 =	sshra.s32 s8, $0x2;
	[sflag:s29] =	ssyncset.done $0x0  }
0x49: {  	s9 =	sadd.s32 $0x15000, s8;
	[sflag:s29] =	ssyncadd.s32 $0xFFFFC000  }
0x4a: {  	[spmem:s1] =	stream.indirect.scatter.add.f32 [tilespmem:s23], [sflag:$0x3], $0x80, s9, s22, $0xb8;
	[tilespmem:$0x1E800] =	vst v63  }
0x4b: {  	_ =	swait.ge [sflag:s30], $0x4000  }
0x4c: {  	[sflag:s30] =	ssyncset.done $0x0  }
0x4d: {  	s9 =	sadd.s32 $0x14100, s8;
	[sflag:s30] =	ssyncadd.s32 $0xFFFFC000  }
0x4e: {  	[tilespmem:s23], [sflag:$0x1] =	stream.indirect.gather [hbm4b:s4+s22], $0x80, s9, s22, $0xb8;
	[tilespmem:$0x1E800] =	vst v63  }
0x4f: {  	_ =	swait.ge [sflag:s31], $0x4000  }
0x50: {  	[sflag:s31] =	ssyncset.done $0x0  }
.Ltmp2:
0x51: {  	s9 =	sadd.s32 $0x15080, s8;
	[sflag:s31] =	ssyncadd.s32 $0xFFFFC000;
	(pc) =	sbr.rel @p1 .LBB2_6-.Ltmp2, $4  }
0x52: {  	[spmem:s1] =	stream.indirect.scatter.add.f32 [tilespmem:s26], [sflag:$0x4], $0x80, s9, s22, $0xb8;
	[tilespmem:$0x1E800] =	vst v63  }
0x53: {  	_ =	swait.ge [sflag:s0], $0x4000  }
0x54: {  	[sflag:s0] =	ssyncset.done $0x0  }
0x55: {  	s8 =	sadd.s32 $0x14180, s8;
	[sflag:s0] =	ssyncadd.s32 $0xFFFFC000  }
0x56: {  	[tilespmem:s26], [sflag:$0x2] =	stream.indirect.gather [hbm4b:s4+s22], $0x80, s8, s22, $0xb8;
	[tilespmem:$0x1E800] =	vst v63  }
0x57: {  	_ =	swait.ge [sflag:s29], $0x4000  }
0x58: {  	[sflag:s29] =	ssyncset.done $0x0  }
0x59: {  	[sflag:s29] =	ssyncadd.s32 $0xFFFFC000  }
0x5a: {  	[spmem:s1] =	stream.indirect.scatter.add.f32 [tilespmem:s23], [sflag:$0x3], $0x80, s2, s22, $0xb8;
	[tilespmem:$0x1E800] =	vst v63  }
0x5b: {  	_ =	swait.ge [sflag:s31], $0x4000  }
0x5c: {  	[sflag:s31] =	ssyncset.done $0x0  }
0x5d: {  	[sflag:s31] =	ssyncadd.s32 $0xFFFFC000  }
0x5e: {  	[spmem:s1] =	stream.indirect.scatter.add.f32 [tilespmem:s26], [sflag:$0x4], $0x80, s3, s22, $0xb8;
	[tilespmem:$0x1E800] =	vst v63  }
0x5f: {  	_ =	swait.ge [sflag:s30], $0x4000  }
0x60: {  	[sflag:s30] =	ssyncset.done $0x0  }
0x61: {  	[sflag:s30] =	ssyncadd.s32 $0xFFFFC000  }
0x62: {  	_ =	swait.ge [sflag:s0], $0x4000  }
0x63: {  	[sflag:s0] =	ssyncset.done $0x0  }
0x64: {  	s6 =	simm.s32 $0x0;
	s9 =	rddreg [dreg:$0x5];
	[sflag:s0] =	ssyncadd.s32 $0xFFFFC000  }
0x65: {  	[tilespmem:s19], [sflag:$0x5] =	stream.linear.gather [hbm4b:s9+s6], $0x1000, $0x38;
	[tilespmem:$0x1E800] =	vst v63  }
0x66: {  	_ =	swait.ge [sflag:s20], $0x1000  }
0x67: {  	[sflag:s20] =	ssyncset.done $0x0  }
0x68: {  	s10 =	rddreg [dreg:$0x6];
	[sflag:s20] =	ssyncadd.s32 $0xFFFFF000  }
0x69: {  	[tilespmem:s21], [sflag:$0x5] =	stream.linear.gather [hbm4b:s10+s6], $0x1000, $0x38;
	[tilespmem:$0x1E800] =	vst v63  }
0x6a: {  	_ =	swait.ge [sflag:s20], $0x1000  }
0x6b: {  	[sflag:s20] =	ssyncset.done $0x0  }
0x6c: {  	[sflag:s20] =	ssyncadd.s32 $0xFFFFF000  }
0x6d: {  	[tilespmem:s23], [sflag:$0x1] =	stream.indirect.gather [hbm4b:s4+s22], $0x80, s19, s22, $0xb8;
	[tilespmem:$0x1E800] =	vst v63  }
0x6e: {  	_ = 	snop  }
0x6f: {  	[tilespmem:s26], [sflag:$0x2] =	stream.indirect.gather [hbm4b:s4+s22], $0x80, s24, s22, $0xb8;
	[tilespmem:$0x1E800] =	vst v63  }
0x70: {  	_ =	swait.ge [sflag:s29], $0x4000  }
0x71: {  	[sflag:s29] =	ssyncset.done $0x0  }
0x72: {  	s8 =	simm.s32 $0x15000;
	[sflag:s29] =	ssyncadd.s32 $0xFFFFC000  }
0x73: {  	[spmem:s1] =	stream.indirect.scatter.add.f32 [tilespmem:s23], [sflag:$0x3], $0x80, s8, s22, $0xb8;
	[tilespmem:$0x1E800] =	vst v63  }
0x74: {  	_ =	swait.ge [sflag:s30], $0x4000  }
0x75: {  	[sflag:s30] =	ssyncset.done $0x0  }
0x76: {  	s9 =	simm.s32 $0x14100;
	[sflag:s30] =	ssyncadd.s32 $0xFFFFC000  }
0x77: {  	[tilespmem:s23], [sflag:$0x1] =	stream.indirect.gather [hbm4b:s4+s22], $0x80, s9, s22, $0xb8;
	[tilespmem:$0x1E800] =	vst v63  }
0x78: {  	_ =	swait.ge [sflag:s31], $0x4000  }
0x79: {  	[sflag:s31] =	ssyncset.done $0x0  }
0x7a: {  	s10 =	simm.s32 $0x15080;
	[sflag:s31] =	ssyncadd.s32 $0xFFFFC000  }
0x7b: {  	[spmem:s1] =	stream.indirect.scatter.add.f32 [tilespmem:s26], [sflag:$0x4], $0x80, s10, s22, $0xb8;
	[tilespmem:$0x1E800] =	vst v63  }
0x7c: {  	_ =	swait.ge [sflag:s0], $0x4000  }
0x7d: {  	[sflag:s0] =	ssyncset.done $0x0  }
0x7e: {  	s6 =	simm.s32 $0x400;
	s8 =	simm.s32 $0x14180;
	[sflag:s0] =	ssyncadd.s32 $0xFFFFC000  }
.LBB2_8:
0x7f: {  	[tilespmem:s26], [sflag:$0x2] =	stream.indirect.gather [hbm4b:s4+s22], $0x80, s8, s22, $0xb8;
	[tilespmem:$0x1E800] =	vst v63  }
0x80: {  	s8 =	smov.u32 s6  }
0x81: {  	p1 =	sne.s32 s6, $0x3800;
	s6 =	sadd.s32 $0x400, s6;
	_ =	swait.ge [sflag:s29], $0x4000  }
0x82: {  	s8 =	sshra.s32 s8, $0x2;
	[sflag:s29] =	ssyncset.done $0x0  }
0x83: {  	s9 =	sadd.s32 $0x15000, s8;
	[sflag:s29] =	ssyncadd.s32 $0xFFFFC000  }
0x84: {  	[spmem:s1] =	stream.indirect.scatter.add.f32 [tilespmem:s23], [sflag:$0x3], $0x80, s9, s22, $0xb8;
	[tilespmem:$0x1E800] =	vst v63  }
0x85: {  	_ =	swait.ge [sflag:s30], $0x4000  }
0x86: {  	[sflag:s30] =	ssyncset.done $0x0  }
0x87: {  	s9 =	sadd.s32 $0x14100, s8;
	[sflag:s30] =	ssyncadd.s32 $0xFFFFC000  }
0x88: {  	[tilespmem:s23], [sflag:$0x1] =	stream.indirect.gather [hbm4b:s4+s22], $0x80, s9, s22, $0xb8;
	[tilespmem:$0x1E800] =	vst v63  }
0x89: {  	_ =	swait.ge [sflag:s31], $0x4000  }
0x8a: {  	[sflag:s31] =	ssyncset.done $0x0  }
.Ltmp3:
0x8b: {  	s9 =	sadd.s32 $0x15080, s8;
	[sflag:s31] =	ssyncadd.s32 $0xFFFFC000;
	(pc) =	sbr.rel @p1 .LBB2_8-.Ltmp3, $4  }
0x8c: {  	[spmem:s1] =	stream.indirect.scatter.add.f32 [tilespmem:s26], [sflag:$0x4], $0x80, s9, s22, $0xb8;
	[tilespmem:$0x1E800] =	vst v63  }
0x8d: {  	_ =	swait.ge [sflag:s0], $0x4000  }
0x8e: {  	[sflag:s0] =	ssyncset.done $0x0  }
0x8f: {  	s8 =	sadd.s32 $0x14180, s8;
	[sflag:s0] =	ssyncadd.s32 $0xFFFFC000  }
0x90: {  	[tilespmem:s26], [sflag:$0x2] =	stream.indirect.gather [hbm4b:s4+s22], $0x80, s8, s22, $0xb8;
	[tilespmem:$0x1E800] =	vst v63  }
0x91: {  	_ =	swait.ge [sflag:s29], $0x4000  }
0x92: {  	[sflag:s29] =	ssyncset.done $0x0  }
0x93: {  	[sflag:s29] =	ssyncadd.s32 $0xFFFFC000  }
0x94: {  	[spmem:s1] =	stream.indirect.scatter.add.f32 [tilespmem:s23], [sflag:$0x3], $0x80, s2, s22, $0xb8;
	[tilespmem:$0x1E800] =	vst v63  }
0x95: {  	_ =	swait.ge [sflag:s31], $0x4000  }
0x96: {  	[sflag:s31] =	ssyncset.done $0x0  }
0x97: {  	[sflag:s31] =	ssyncadd.s32 $0xFFFFC000  }
0x98: {  	[spmem:s1] =	stream.indirect.scatter.add.f32 [tilespmem:s26], [sflag:$0x4], $0x80, s3, s22, $0xb8;
	[tilespmem:$0x1E800] =	vst v63  }
0x99: {  	_ =	swait.ge [sflag:s30], $0x4000  }
0x9a: {  	[sflag:s30] =	ssyncset.done $0x0  }
0x9b: {  	[sflag:s30] =	ssyncadd.s32 $0xFFFFC000  }
0x9c: {  	_ =	swait.ge [sflag:s0], $0x4000  }
0x9d: {  	[sflag:s0] =	ssyncset.done $0x0  }
0x9e: {  	s6 =	simm.s32 $0x0;
	s10 =	rddreg [dreg:$0x7];
	[sflag:s0] =	ssyncadd.s32 $0xFFFFC000  }
0x9f: {  	[tilespmem:s19], [sflag:$0x5] =	stream.linear.gather [hbm4b:s10+s6], $0x1000, $0x38;
	[tilespmem:$0x1E800] =	vst v63  }
0xa0: {  	_ =	swait.ge [sflag:s20], $0x1000  }
0xa1: {  	[sflag:s20] =	ssyncset.done $0x0  }
0xa2: {  	[sflag:s20] =	ssyncadd.s32 $0xFFFFF000  }
0xa3: {  	[tilespmem:s21], [sflag:$0x5] =	stream.linear.gather [hbm4b:s11+s6], $0x1000, $0x38;
	[tilespmem:$0x1E800] =	vst v63  }
0xa4: {  	_ =	swait.ge [sflag:s20], $0x1000  }
0xa5: {  	[sflag:s20] =	ssyncset.done $0x0  }
0xa6: {  	[sflag:s20] =	ssyncadd.s32 $0xFFFFF000  }
0xa7: {  	[tilespmem:s23], [sflag:$0x1] =	stream.indirect.gather [hbm4b:s4+s22], $0x80, s19, s22, $0xb8;
	[tilespmem:$0x1E800] =	vst v63  }
0xa8: {  	_ = 	snop  }
0xa9: {  	[tilespmem:s26], [sflag:$0x2] =	stream.indirect.gather [hbm4b:s4+s22], $0x80, s24, s22, $0xb8;
	[tilespmem:$0x1E800] =	vst v63  }
0xaa: {  	_ =	swait.ge [sflag:s29], $0x4000  }
0xab: {  	[sflag:s29] =	ssyncset.done $0x0  }
0xac: {  	s8 =	simm.s32 $0x15000;
	[sflag:s29] =	ssyncadd.s32 $0xFFFFC000  }
0xad: {  	[spmem:s1] =	stream.indirect.scatter.add.f32 [tilespmem:s23], [sflag:$0x3], $0x80, s8, s22, $0xb8;
	[tilespmem:$0x1E800] =	vst v63  }
0xae: {  	_ =	swait.ge [sflag:s30], $0x4000  }
0xaf: {  	[sflag:s30] =	ssyncset.done $0x0  }
0xb0: {  	s9 =	simm.s32 $0x14100;
	[sflag:s30] =	ssyncadd.s32 $0xFFFFC000  }
0xb1: {  	[tilespmem:s23], [sflag:$0x1] =	stream.indirect.gather [hbm4b:s4+s22], $0x80, s9, s22, $0xb8;
	[tilespmem:$0x1E800] =	vst v63  }
0xb2: {  	_ =	swait.ge [sflag:s31], $0x4000  }
0xb3: {  	[sflag:s31] =	ssyncset.done $0x0  }
0xb4: {  	s10 =	simm.s32 $0x15080;
	[sflag:s31] =	ssyncadd.s32 $0xFFFFC000  }
0xb5: {  	[spmem:s1] =	stream.indirect.scatter.add.f32 [tilespmem:s26], [sflag:$0x4], $0x80, s10, s22, $0xb8;
	[tilespmem:$0x1E800] =	vst v63  }
0xb6: {  	_ =	swait.ge [sflag:s0], $0x4000  }
0xb7: {  	[sflag:s0] =	ssyncset.done $0x0  }
0xb8: {  	s6 =	simm.s32 $0x400;
	s8 =	simm.s32 $0x14180;
	[sflag:s0] =	ssyncadd.s32 $0xFFFFC000  }
.LBB2_10:
0xb9: {  	[tilespmem:s26], [sflag:$0x2] =	stream.indirect.gather [hbm4b:s4+s22], $0x80, s8, s22, $0xb8;
	[tilespmem:$0x1E800] =	vst v63  }
0xba: {  	s8 =	smov.u32 s6  }
0xbb: {  	p1 =	sne.s32 s6, $0x3800;
	s6 =	sadd.s32 $0x400, s6;
	_ =	swait.ge [sflag:s29], $0x4000  }
0xbc: {  	s8 =	sshra.s32 s8, $0x2;
	[sflag:s29] =	ssyncset.done $0x0  }
0xbd: {  	s9 =	sadd.s32 $0x15000, s8;
	[sflag:s29] =	ssyncadd.s32 $0xFFFFC000  }
0xbe: {  	[spmem:s1] =	stream.indirect.scatter.add.f32 [tilespmem:s23], [sflag:$0x3], $0x80, s9, s22, $0xb8;
	[tilespmem:$0x1E800] =	vst v63  }
0xbf: {  	_ =	swait.ge [sflag:s30], $0x4000  }
0xc0: {  	[sflag:s30] =	ssyncset.done $0x0  }
0xc1: {  	s9 =	sadd.s32 $0x14100, s8;
	[sflag:s30] =	ssyncadd.s32 $0xFFFFC000  }
0xc2: {  	[tilespmem:s23], [sflag:$0x1] =	stream.indirect.gather [hbm4b:s4+s22], $0x80, s9, s22, $0xb8;
	[tilespmem:$0x1E800] =	vst v63  }
0xc3: {  	_ =	swait.ge [sflag:s31], $0x4000  }
0xc4: {  	[sflag:s31] =	ssyncset.done $0x0  }
.Ltmp4:
0xc5: {  	s9 =	sadd.s32 $0x15080, s8;
	[sflag:s31] =	ssyncadd.s32 $0xFFFFC000;
	(pc) =	sbr.rel @p1 .LBB2_10-.Ltmp4, $4  }
0xc6: {  	[spmem:s1] =	stream.indirect.scatter.add.f32 [tilespmem:s26], [sflag:$0x4], $0x80, s9, s22, $0xb8;
	[tilespmem:$0x1E800] =	vst v63  }
0xc7: {  	_ =	swait.ge [sflag:s0], $0x4000  }
0xc8: {  	[sflag:s0] =	ssyncset.done $0x0  }
0xc9: {  	s8 =	sadd.s32 $0x14180, s8;
	[sflag:s0] =	ssyncadd.s32 $0xFFFFC000  }
0xca: {  	[tilespmem:s26], [sflag:$0x2] =	stream.indirect.gather [hbm4b:s4+s22], $0x80, s8, s22, $0xb8;
	[tilespmem:$0x1E800] =	vst v63  }
0xcb: {  	_ =	swait.ge [sflag:s29], $0x4000  }
0xcc: {  	[sflag:s29] =	ssyncset.done $0x0  }
0xcd: {  	[sflag:s29] =	ssyncadd.s32 $0xFFFFC000  }
0xce: {  	[spmem:s1] =	stream.indirect.scatter.add.f32 [tilespmem:s23], [sflag:$0x3], $0x80, s2, s22, $0xb8;
	[tilespmem:$0x1E800] =	vst v63  }
0xcf: {  	_ =	swait.ge [sflag:s31], $0x4000  }
0xd0: {  	[sflag:s31] =	ssyncset.done $0x0  }
0xd1: {  	[sflag:s31] =	ssyncadd.s32 $0xFFFFC000  }
0xd2: {  	[spmem:s1] =	stream.indirect.scatter.add.f32 [tilespmem:s26], [sflag:$0x4], $0x80, s3, s22, $0xb8;
	[tilespmem:$0x1E800] =	vst v63  }
0xd3: {  	_ =	swait.ge [sflag:s30], $0x4000  }
0xd4: {  	[sflag:s30] =	ssyncset.done $0x0  }
0xd5: {  	[sflag:s30] =	ssyncadd.s32 $0xFFFFC000  }
0xd6: {  	_ =	swait.ge [sflag:s0], $0x4000  }
0xd7: {  	[sflag:s0] =	ssyncset.done $0x0  }
0xd8: {  	s6 =	simm.s32 $0x0;
	[sflag:s0] =	ssyncadd.s32 $0xFFFFC000  }
0xd9: {  	[tilespmem:s19], [sflag:$0x5] =	stream.linear.gather [hbm4b:s12+s6], $0x1000, $0x38;
	[tilespmem:$0x1E800] =	vst v63  }
0xda: {  	_ =	swait.ge [sflag:s20], $0x1000  }
0xdb: {  	[sflag:s20] =	ssyncset.done $0x0  }
0xdc: {  	[sflag:s20] =	ssyncadd.s32 $0xFFFFF000  }
0xdd: {  	[tilespmem:s21], [sflag:$0x5] =	stream.linear.gather [hbm4b:s13+s6], $0x1000, $0x38;
	[tilespmem:$0x1E800] =	vst v63  }
0xde: {  	_ =	swait.ge [sflag:s20], $0x1000  }
0xdf: {  	[sflag:s20] =	ssyncset.done $0x0  }
0xe0: {  	[sflag:s20] =	ssyncadd.s32 $0xFFFFF000  }
0xe1: {  	[tilespmem:s23], [sflag:$0x1] =	stream.indirect.gather [hbm4b:s4+s22], $0x80, s19, s22, $0xb8;
	[tilespmem:$0x1E800] =	vst v63  }
0xe2: {  	_ = 	snop  }
0xe3: {  	[tilespmem:s26], [sflag:$0x2] =	stream.indirect.gather [hbm4b:s4+s22], $0x80, s24, s22, $0xb8;
	[tilespmem:$0x1E800] =	vst v63  }
0xe4: {  	_ =	swait.ge [sflag:s29], $0x4000  }
0xe5: {  	[sflag:s29] =	ssyncset.done $0x0  }
0xe6: {  	s8 =	simm.s32 $0x15000;
	[sflag:s29] =	ssyncadd.s32 $0xFFFFC000  }
0xe7: {  	[spmem:s1] =	stream.indirect.scatter.add.f32 [tilespmem:s23], [sflag:$0x3], $0x80, s8, s22, $0xb8;
	[tilespmem:$0x1E800] =	vst v63  }
0xe8: {  	_ =	swait.ge [sflag:s30], $0x4000  }
0xe9: {  	[sflag:s30] =	ssyncset.done $0x0  }
0xea: {  	s9 =	simm.s32 $0x14100;
	[sflag:s30] =	ssyncadd.s32 $0xFFFFC000  }
0xeb: {  	[tilespmem:s23], [sflag:$0x1] =	stream.indirect.gather [hbm4b:s4+s22], $0x80, s9, s22, $0xb8;
	[tilespmem:$0x1E800] =	vst v63  }
0xec: {  	_ =	swait.ge [sflag:s31], $0x4000  }
0xed: {  	[sflag:s31] =	ssyncset.done $0x0  }
0xee: {  	s10 =	simm.s32 $0x15080;
	[sflag:s31] =	ssyncadd.s32 $0xFFFFC000  }
0xef: {  	[spmem:s1] =	stream.indirect.scatter.add.f32 [tilespmem:s26], [sflag:$0x4], $0x80, s10, s22, $0xb8;
	[tilespmem:$0x1E800] =	vst v63  }
0xf0: {  	_ =	swait.ge [sflag:s0], $0x4000  }
0xf1: {  	[sflag:s0] =	ssyncset.done $0x0  }
0xf2: {  	s6 =	simm.s32 $0x400;
	s8 =	simm.s32 $0x14180;
	[sflag:s0] =	ssyncadd.s32 $0xFFFFC000  }
.LBB2_12:
0xf3: {  	[tilespmem:s26], [sflag:$0x2] =	stream.indirect.gather [hbm4b:s4+s22], $0x80, s8, s22, $0xb8;
	[tilespmem:$0x1E800] =	vst v63  }
0xf4: {  	s8 =	smov.u32 s6  }
0xf5: {  	p1 =	sne.s32 s6, $0x3800;
	s6 =	sadd.s32 $0x400, s6;
	_ =	swait.ge [sflag:s29], $0x4000  }
0xf6: {  	s8 =	sshra.s32 s8, $0x2;
	[sflag:s29] =	ssyncset.done $0x0  }
0xf7: {  	s9 =	sadd.s32 $0x15000, s8;
	[sflag:s29] =	ssyncadd.s32 $0xFFFFC000  }
0xf8: {  	[spmem:s1] =	stream.indirect.scatter.add.f32 [tilespmem:s23], [sflag:$0x3], $0x80, s9, s22, $0xb8;
	[tilespmem:$0x1E800] =	vst v63  }
0xf9: {  	_ =	swait.ge [sflag:s30], $0x4000  }
0xfa: {  	[sflag:s30] =	ssyncset.done $0x0  }
0xfb: {  	s9 =	sadd.s32 $0x14100, s8;
	[sflag:s30] =	ssyncadd.s32 $0xFFFFC000  }
0xfc: {  	[tilespmem:s23], [sflag:$0x1] =	stream.indirect.gather [hbm4b:s4+s22], $0x80, s9, s22, $0xb8;
	[tilespmem:$0x1E800] =	vst v63  }
0xfd: {  	_ =	swait.ge [sflag:s31], $0x4000  }
0xfe: {  	[sflag:s31] =	ssyncset.done $0x0  }
.Ltmp5:
0xff: {  	s9 =	sadd.s32 $0x15080, s8;
	[sflag:s31] =	ssyncadd.s32 $0xFFFFC000;
	(pc) =	sbr.rel @p1 .LBB2_12-.Ltmp5, $4  }
0x100: {  	[spmem:s1] =	stream.indirect.scatter.add.f32 [tilespmem:s26], [sflag:$0x4], $0x80, s9, s22, $0xb8;
	[tilespmem:$0x1E800] =	vst v63  }
0x101: {  	_ =	swait.ge [sflag:s0], $0x4000  }
0x102: {  	[sflag:s0] =	ssyncset.done $0x0  }
0x103: {  	s8 =	sadd.s32 $0x14180, s8;
	[sflag:s0] =	ssyncadd.s32 $0xFFFFC000  }
0x104: {  	[tilespmem:s26], [sflag:$0x2] =	stream.indirect.gather [hbm4b:s4+s22], $0x80, s8, s22, $0xb8;
	[tilespmem:$0x1E800] =	vst v63  }
0x105: {  	_ =	swait.ge [sflag:s29], $0x4000  }
0x106: {  	[sflag:s29] =	ssyncset.done $0x0  }
0x107: {  	[sflag:s29] =	ssyncadd.s32 $0xFFFFC000  }
0x108: {  	[spmem:s1] =	stream.indirect.scatter.add.f32 [tilespmem:s23], [sflag:$0x3], $0x80, s2, s22, $0xb8;
	[tilespmem:$0x1E800] =	vst v63  }
0x109: {  	_ =	swait.ge [sflag:s31], $0x4000  }
0x10a: {  	[sflag:s31] =	ssyncset.done $0x0  }
0x10b: {  	[sflag:s31] =	ssyncadd.s32 $0xFFFFC000  }
0x10c: {  	[spmem:s1] =	stream.indirect.scatter.add.f32 [tilespmem:s26], [sflag:$0x4], $0x80, s3, s22, $0xb8;
	[tilespmem:$0x1E800] =	vst v63  }
0x10d: {  	_ =	swait.ge [sflag:s30], $0x4000  }
0x10e: {  	[sflag:s30] =	ssyncset.done $0x0  }
0x10f: {  	[sflag:s30] =	ssyncadd.s32 $0xFFFFC000  }
0x110: {  	_ =	swait.ge [sflag:s0], $0x4000  }
0x111: {  	[sflag:s0] =	ssyncset.done $0x0  }
0x112: {  	s6 =	simm.s32 $0x0;
	[sflag:s0] =	ssyncadd.s32 $0xFFFFC000  }
0x113: {  	[tilespmem:s19], [sflag:$0x5] =	stream.linear.gather [hbm4b:s14+s6], $0x1000, $0x38;
	[tilespmem:$0x1E800] =	vst v63  }
0x114: {  	_ =	swait.ge [sflag:s20], $0x1000  }
0x115: {  	[sflag:s20] =	ssyncset.done $0x0  }
0x116: {  	[sflag:s20] =	ssyncadd.s32 $0xFFFFF000  }
0x117: {  	[tilespmem:s21], [sflag:$0x5] =	stream.linear.gather [hbm4b:s15+s6], $0x1000, $0x38;
	[tilespmem:$0x1E800] =	vst v63  }
0x118: {  	_ =	swait.ge [sflag:s20], $0x1000  }
0x119: {  	[sflag:s20] =	ssyncset.done $0x0  }
0x11a: {  	[sflag:s20] =	ssyncadd.s32 $0xFFFFF000  }
0x11b: {  	[tilespmem:s23], [sflag:$0x1] =	stream.indirect.gather [hbm4b:s4+s22], $0x80, s19, s22, $0xb8;
	[tilespmem:$0x1E800] =	vst v63  }
0x11c: {  	_ = 	snop  }
0x11d: {  	[tilespmem:s26], [sflag:$0x2] =	stream.indirect.gather [hbm4b:s4+s22], $0x80, s24, s22, $0xb8;
	[tilespmem:$0x1E800] =	vst v63  }
0x11e: {  	_ =	swait.ge [sflag:s29], $0x4000  }
0x11f: {  	[sflag:s29] =	ssyncset.done $0x0  }
0x120: {  	s8 =	simm.s32 $0x15000;
	[sflag:s29] =	ssyncadd.s32 $0xFFFFC000  }
0x121: {  	[spmem:s1] =	stream.indirect.scatter.add.f32 [tilespmem:s23], [sflag:$0x3], $0x80, s8, s22, $0xb8;
	[tilespmem:$0x1E800] =	vst v63  }
0x122: {  	_ =	swait.ge [sflag:s30], $0x4000  }
0x123: {  	[sflag:s30] =	ssyncset.done $0x0  }
0x124: {  	s9 =	simm.s32 $0x14100;
	[sflag:s30] =	ssyncadd.s32 $0xFFFFC000  }
0x125: {  	[tilespmem:s23], [sflag:$0x1] =	stream.indirect.gather [hbm4b:s4+s22], $0x80, s9, s22, $0xb8;
	[tilespmem:$0x1E800] =	vst v63  }
0x126: {  	_ =	swait.ge [sflag:s31], $0x4000  }
0x127: {  	[sflag:s31] =	ssyncset.done $0x0  }
0x128: {  	s10 =	simm.s32 $0x15080;
	[sflag:s31] =	ssyncadd.s32 $0xFFFFC000  }
0x129: {  	[spmem:s1] =	stream.indirect.scatter.add.f32 [tilespmem:s26], [sflag:$0x4], $0x80, s10, s22, $0xb8;
	[tilespmem:$0x1E800] =	vst v63  }
0x12a: {  	_ =	swait.ge [sflag:s0], $0x4000  }
0x12b: {  	[sflag:s0] =	ssyncset.done $0x0  }
0x12c: {  	s6 =	simm.s32 $0x400;
	s8 =	simm.s32 $0x14180;
	[sflag:s0] =	ssyncadd.s32 $0xFFFFC000  }
.LBB2_14:
0x12d: {  	[tilespmem:s26], [sflag:$0x2] =	stream.indirect.gather [hbm4b:s4+s22], $0x80, s8, s22, $0xb8;
	[tilespmem:$0x1E800] =	vst v63  }
0x12e: {  	s8 =	smov.u32 s6  }
0x12f: {  	p1 =	sne.s32 s6, $0x3800;
	s6 =	sadd.s32 $0x400, s6;
	_ =	swait.ge [sflag:s29], $0x4000  }
0x130: {  	s8 =	sshra.s32 s8, $0x2;
	[sflag:s29] =	ssyncset.done $0x0  }
0x131: {  	s9 =	sadd.s32 $0x15000, s8;
	[sflag:s29] =	ssyncadd.s32 $0xFFFFC000  }
0x132: {  	[spmem:s1] =	stream.indirect.scatter.add.f32 [tilespmem:s23], [sflag:$0x3], $0x80, s9, s22, $0xb8;
	[tilespmem:$0x1E800] =	vst v63  }
0x133: {  	_ =	swait.ge [sflag:s30], $0x4000  }
0x134: {  	[sflag:s30] =	ssyncset.done $0x0  }
0x135: {  	s9 =	sadd.s32 $0x14100, s8;
	[sflag:s30] =	ssyncadd.s32 $0xFFFFC000  }
0x136: {  	[tilespmem:s23], [sflag:$0x1] =	stream.indirect.gather [hbm4b:s4+s22], $0x80, s9, s22, $0xb8;
	[tilespmem:$0x1E800] =	vst v63  }
0x137: {  	_ =	swait.ge [sflag:s31], $0x4000  }
0x138: {  	[sflag:s31] =	ssyncset.done $0x0  }
.Ltmp6:
0x139: {  	s9 =	sadd.s32 $0x15080, s8;
	[sflag:s31] =	ssyncadd.s32 $0xFFFFC000;
	(pc) =	sbr.rel @p1 .LBB2_14-.Ltmp6, $4  }
0x13a: {  	[spmem:s1] =	stream.indirect.scatter.add.f32 [tilespmem:s26], [sflag:$0x4], $0x80, s9, s22, $0xb8;
	[tilespmem:$0x1E800] =	vst v63  }
0x13b: {  	_ =	swait.ge [sflag:s0], $0x4000  }
0x13c: {  	[sflag:s0] =	ssyncset.done $0x0  }
0x13d: {  	s8 =	sadd.s32 $0x14180, s8;
	[sflag:s0] =	ssyncadd.s32 $0xFFFFC000  }
0x13e: {  	[tilespmem:s26], [sflag:$0x2] =	stream.indirect.gather [hbm4b:s4+s22], $0x80, s8, s22, $0xb8;
	[tilespmem:$0x1E800] =	vst v63  }
0x13f: {  	_ =	swait.ge [sflag:s29], $0x4000  }
0x140: {  	[sflag:s29] =	ssyncset.done $0x0  }
0x141: {  	[sflag:s29] =	ssyncadd.s32 $0xFFFFC000  }
0x142: {  	[spmem:s1] =	stream.indirect.scatter.add.f32 [tilespmem:s23], [sflag:$0x3], $0x80, s2, s22, $0xb8;
	[tilespmem:$0x1E800] =	vst v63  }
0x143: {  	_ =	swait.ge [sflag:s31], $0x4000  }
0x144: {  	[sflag:s31] =	ssyncset.done $0x0  }
0x145: {  	[sflag:s31] =	ssyncadd.s32 $0xFFFFC000  }
0x146: {  	[spmem:s1] =	stream.indirect.scatter.add.f32 [tilespmem:s26], [sflag:$0x4], $0x80, s3, s22, $0xb8;
	[tilespmem:$0x1E800] =	vst v63  }
0x147: {  	_ =	swait.ge [sflag:s30], $0x4000  }
0x148: {  	[sflag:s30] =	ssyncset.done $0x0  }
0x149: {  	[sflag:s30] =	ssyncadd.s32 $0xFFFFC000  }
0x14a: {  	_ =	swait.ge [sflag:s0], $0x4000  }
0x14b: {  	[sflag:s0] =	ssyncset.done $0x0  }
0x14c: {  	[sflag:s0] =	ssyncadd.s32 $0xFFFFC000  }
0x14d: {  	s6 =	simm.s32 @p0 $0x1FC5;
	[bflag:$0x0] =	sbarrier.arrive $0xFFFF  }
0x14e: {  	[hbm:s17], [sflag:s6] =	dma.local @p0 [spmem:s25], $0x1900  }
0x14f: {  	s6 =	simm.s32 @p0 $0x5  }
0x150: {  	s8 =	stileid.u32;
	s5 =	sadd.s32 $0x1, s5;
	_ =	swait.ge @p0 [sflag:s6], $0x1900  }
0x151: {  	s8 =	sshll.u32 @!p0 s8, $0x6;
	p1 =	sne.s32 s5, s18;
	[sflag:s6] =	ssyncset.done @p0 $0x0  }
0x152: {  	[sflag:s6] =	ssyncadd.s32 @p0 $0xFFFFE700;
	s6 =	sor.u32 @!p0 $0x1C05, s8;
	s8 =	sshrl.u32 @!p0 s7, $0x3  }
0x153: {  	[hbm:s16], [sflag:s6] =	dma.local @!p0 [spmem:s8], $0x2800  }
.Ltmp7:
0x154: {  	_ = 	snop;
	(pc) =	sbr.rel @p1 .LBB2_1-.Ltmp7, $4  }
0x155: {  	s6 =	simm.s32 @!p0 $0x5  }
0x156: {  	_ =	swait.ge @!p0 [sflag:s6], $0x2800  }
0x157: {  	[sflag:s6] =	ssyncset.done @!p0 $0x0  }
0x158: {  	[sflag:s6] =	ssyncadd.s32 @!p0 $0xFFFFD800  }
0x159: {  	_ =	sfence.sel $0x180000  }
0x15a: {  	[bflag:$0x0] =	sbarrier.arrive $0xFFFF  }
0x15b: {  	_ =	strace $0x90000047  }
0x15c: {  	s0 =	stileid.u32;
	[bflag:$0x2] =	sbarrier.arrive $0xFFFF  }
0x15d: {  	p0 =	sne.s32 s0, $0x0;
	s0 =	rddreg [dreg:$0x2]  }
0x15e: {  	s0 =	sadd.s32 @!p0 $0x100000, s0  }
0x15f: {  	[sflag:s0] =	ssyncadd.tile.s32 @!p0 $0x1;
	_ =	shalt  }
.Lfunc_end2:
_tile_overlayer_lowered:
.L_overlay_start_2:
0x160: {  	(tag) =	ssettag $0x2  }
0x161: {  	s0 =	rddreg [dreg:$0x0];
	s2 =	stileid.u32  }
0x162: {  	s1 =	rddreg [dreg:$0x1];
	p0 =	sne.s32 s2, $0x0  }
0x163: {  	s3 =	rddreg [dreg:$0x2];
	[bflag:$0x3] =	sbarrier.arrive $0xFFFF;
	s2 =	simm.s32 @!p0 $0x1C05  }
0x164: {  	[timem:s3], [sflag:s2] =	dma.local @!p0 [hbm:s0], s1  }
0x165: {  	s0 =	simm.s32 @!p0 $0x5  }
0x166: {  	_ =	swait.ge @!p0 [sflag:s0], s1  }
0x167: {  	s1 =	ssub.s32 @!p0 $0x0, s1;
	[sflag:s0] =	ssyncset.done @!p0 $0x0  }
0x168: {  	[sflag:s0] =	ssyncadd.s32 @!p0 s1  }
0x169: {  	[bflag:$0x3] =	sbarrier.arrive $0xFFFF  }
0x16a: {  	_ =	shalt  }

</sc_bundles>
